<compile_context>
chip_gen: v7x
topology: tpu7x:2x2x1
jax: 0.10.2.dev20260603
libtpu: 0.0.44.dev20260713+nightly
codegen_flags: <defaults>
</compile_context>

<pallas_src>
import dataclasses
import functools

import jax
import jax.numpy as jnp
from jax.experimental import pallas as pl
from jax.experimental.pallas import tpu as pltpu
from jax.experimental.pallas import tpu_sc as plsc

_N = 10000
_DEG = 16
_M = 1024
_CDEG = 64
_B = 4096
_F = 256

_GW = 128


def _sc_mesh():
    return plsc.VectorSubcoreMesh(core_axis_name="core", subcore_axis_name="subcore")


def _sc_params():
    cp = pltpu.CompilerParams()
    if "needs_layout_passes" in pltpu.CompilerParams.__dataclass_fields__:
        cp = dataclasses.replace(cp, needs_layout_passes=False)
    return cp


def _gather_pipeline(table_hbm, idx_hbm, out_hbm, n_idx, row_w):
    def body(i_vmem, o_vmem):
        pltpu.sync_copy(table_hbm.at[i_vmem.at[0]], o_vmem)

    pltpu.emit_pipeline(
        body,
        grid=(n_idx // _GW,),
        in_specs=[pl.BlockSpec((1, _GW), lambda i: (0, i))],
        out_specs=[pl.BlockSpec((_GW, row_w), lambda i: (i, 0))],
        core_axis_name=("core", "subcore"),
        dimension_semantics=(pltpu.PARALLEL,),
    )(idx_hbm, out_hbm)


def _sc_gather_feat_nbrs(feature, flow_adj, idx_a, idx_b):
    na = idx_a.shape[1]
    nb = idx_b.shape[1]

    @functools.partial(
        pl.kernel,
        mesh=_sc_mesh(),
        out_type=[
            jax.ShapeDtypeStruct((na, _F // 2), jnp.int32),
            jax.ShapeDtypeStruct((nb, _DEG), jnp.int32),
        ],
        compiler_params=dataclasses.replace(
            _sc_params(), use_tc_tiling_on_sc=False
        ),
    )
    def k(feat_hbm, fadj_hbm, ia_hbm, ib_hbm, r1_hbm, nb_hbm):
        _gather_pipeline(feat_hbm, ia_hbm, r1_hbm, na, _F // 2)
        _gather_pipeline(fadj_hbm, ib_hbm, nb_hbm, nb, _DEG)

    return k(feature, flow_adj, idx_a, idx_b)


def _sc_gather_rows_vals(table, e_vec, idx):
    n = idx.shape[1]
    w = table.shape[1]

    @functools.partial(
        pl.kernel,
        mesh=_sc_mesh(),
        out_type=[
            jax.ShapeDtypeStruct((n, w), table.dtype),
            jax.ShapeDtypeStruct((n // _GW, _GW), jnp.float32),
        ],
        scratch_types=[pltpu.VMEM((_N,), jnp.float32)],
        compiler_params=_sc_params(),
    )
    def k(tab_hbm, e_hbm, i_hbm, o_hbm, v_hbm, e_vmem):
        pltpu.sync_copy(e_hbm, e_vmem)

        def body(i_vmem, o_vmem, v_vmem):
            pltpu.sync_copy(tab_hbm.at[i_vmem.at[0]], o_vmem)
            for j in range(_GW // 16):
                idx16 = i_vmem[0, pl.ds(16 * j, 16)]
                v_vmem[0, pl.ds(16 * j, 16)] = plsc.load_gather(e_vmem, [idx16])

        pltpu.emit_pipeline(
            body,
            grid=(n // _GW,),
            in_specs=[pl.BlockSpec((1, _GW), lambda i: (0, i))],
            out_specs=[
                pl.BlockSpec((_GW, w), lambda i: (i, 0)),
                pl.BlockSpec((1, _GW), lambda i: (i, 0)),
            ],
            core_axis_name=("core", "subcore"),
            dimension_semantics=(pltpu.PARALLEL,),
        )(i_hbm, o_hbm, v_hbm)

    return k(table, e_vec, idx)


def _sc_gather_uv(u_tab, v_tab, idx_u, idx_v):
    nu = idx_u.shape[1]
    nv = idx_v.shape[1]

    @functools.partial(
        pl.kernel,
        mesh=_sc_mesh(),
        out_type=[
            jax.ShapeDtypeStruct((nu, _F), jnp.float32),
            jax.ShapeDtypeStruct((nv, _F), jnp.float32),
        ],
    )
    def k(u_hbm, v_hbm, iu_hbm, iv_hbm, uu_hbm, vv_hbm):
        _gather_pipeline(u_hbm, iu_hbm, uu_hbm, nu, _F)
        _gather_pipeline(v_hbm, iv_hbm, vv_hbm, nv, _F)

    return k(u_tab, v_tab, idx_u, idx_v)







_SSEG = 32


def _segsum_body(r_ref, a_ref, o_ref):
    x = pltpu.bitcast(r_ref[...], jnp.bfloat16)
    g = jnp.dot(a_ref[...], x, preferred_element_type=jnp.float32)
    o_ref[...] = g.reshape(_SSEG, 2, _F // 2)


def _tc_segsum(r1i, a_sel):
    rows = _SSEG * _CDEG
    return pl.pallas_call(
        _segsum_body,
        grid=(_M // _SSEG,),
        in_specs=[
            pl.BlockSpec((rows, _F // 2), lambda i: (i, 0)),
            pl.BlockSpec((2 * _SSEG, 2 * rows), lambda i: (0, 0)),
        ],
        out_specs=pl.BlockSpec((_SSEG, 2, _F // 2), lambda i: (i, 0, 0)),
        out_shape=jax.ShapeDtypeStruct((_M, 2, _F // 2), jnp.float32),
    )(r1i, a_sel)


def _weights_body(f_ref, w_ref, b_ref, wf_ref, a_ref,
                  fb_ref, e_ref, wtp_ref, wbp_ref, cf_ref):
    h = _F // 2
    f = f_ref[...]
    w = w_ref[...]
    b = b_ref[...]
    wft = wf_ref[:_F, :]
    wfb = wf_ref[_F:, :]
    fb = f.astype(jnp.bfloat16)
    x = jnp.stack([fb[:, :h], fb[:, h:]], axis=1)
    fb_ref[...] = pltpu.bitcast(x, jnp.int32).reshape(_N, h)
    wa = jnp.dot(w, a_ref[...], preferred_element_type=jnp.float32)
    e_ref[...] = jnp.dot(f, wa, preferred_element_type=jnp.float32)
    wtp_ref[...] = jnp.dot(w, wft, preferred_element_type=jnp.float32).astype(
        jnp.bfloat16
    )
    wbp_ref[...] = jnp.dot(w, wfb, preferred_element_type=jnp.float32).astype(
        jnp.bfloat16
    )
    cf_ref[...] = jnp.dot(b, wft + wfb, preferred_element_type=jnp.float32)


def _tc_weights(feature, w, b2, wf, a):
    shapes = [
        jax.ShapeDtypeStruct((_N, _F // 2), jnp.int32),
        jax.ShapeDtypeStruct((_N, 1), jnp.float32),
        jax.ShapeDtypeStruct((_F, _F), jnp.bfloat16),
        jax.ShapeDtypeStruct((_F, _F), jnp.bfloat16),
        jax.ShapeDtypeStruct((1, _F), jnp.float32),
    ]
    return pl.pallas_call(
        _weights_body,
        out_shape=shapes,
    )(feature, w, b2, wf, a)


def _prep_body(g_ref, w_ref, b_ref, wc_ref, u_ref, v_ref):
    b = b_ref[...]
    h = _F // 2
    c = (
        jnp.dot(g_ref[:, 0, :], w_ref[:h, :], preferred_element_type=jnp.float32)
        + jnp.dot(g_ref[:, 1, :], w_ref[h:, :], preferred_element_type=jnp.float32)
        + 64.0 * b
    )
    u_ref[...] = jnp.dot(c, wc_ref[:_F, :], preferred_element_type=jnp.float32)
    v_ref[...] = jnp.dot(c, wc_ref[_F:, :], preferred_element_type=jnp.float32)


def _tc_prep(g, w, b2, wc):
    shapes = [
        jax.ShapeDtypeStruct((_M, _F), jnp.float32),
        jax.ShapeDtypeStruct((_M, _F), jnp.float32),
    ]
    return pl.pallas_call(
        _prep_body,
        out_shape=shapes,
    )(g, w, b2, wc)


_BB = 256


def _flow_latent(r_i32, vals, fid_i32, wtpb, wbpb, cf):
    h = _F // 2
    r = pltpu.bitcast(r_i32, jnp.bfloat16)
    fid = pltpu.bitcast(fid_i32, jnp.bfloat16)
    m = jnp.max(vals, axis=1, keepdims=True)
    p = jnp.exp(vals - m)
    attn = (p / jnp.sum(p, axis=1, keepdims=True)).astype(jnp.bfloat16)
    xagg = jnp.sum(
        (r * attn[:, :, None, None]).astype(jnp.float32), axis=1
    ).astype(jnp.bfloat16)
    return jnp.tanh(
        jnp.dot(fid[:, 0, :], wtpb[:h, :], preferred_element_type=jnp.float32)
        + jnp.dot(fid[:, 1, :], wtpb[h:, :], preferred_element_type=jnp.float32)
        + jnp.dot(xagg[:, 0, :], wbpb[:h, :], preferred_element_type=jnp.float32)
        + jnp.dot(xagg[:, 1, :], wbpb[h:, :], preferred_element_type=jnp.float32)
        + cf
    )


def _flowdec_body(r2a_ref, r2n_ref, va_ref, vn_ref, fa_ref, fn_ref,
                  uua_ref, uun_ref, vva_ref, vvn_ref,
                  wtp_ref, wbp_ref, cf_ref, o_ref):
    wtp = wtp_ref[...]
    wbp = wbp_ref[...]
    cf = cf_ref[...]
    fla = _flow_latent(r2a_ref[...], va_ref[...], fa_ref[...], wtp, wbp, cf)
    fln = _flow_latent(r2n_ref[...], vn_ref[...], fn_ref[...], wtp, wbp, cf)
    uua = uua_ref[...]
    uun = uun_ref[...]
    vva = vva_ref[...]
    vvn = vvn_ref[...]

    def score(fl, u, v, k):
        cl = jax.nn.sigmoid(u + v)
        s = jnp.sum(fl * cl, axis=1, keepdims=True)
        o_ref[:, k : k + 1] = jax.nn.sigmoid(s)

    score(fla, uua, vva, 0)
    score(fla, uun, vva, 1)
    score(fln, uun, vvn, 2)
    score(fln, uua, vvn, 3)


def _tc_flowdec(r2, vals, r1, uu, vv, wtp, wbp, cf):
    off = (_CDEG * _M) // _BB
    half = _B // _BB
    return pl.pallas_call(
        _flowdec_body,
        grid=(half,),
        in_specs=[
            pl.BlockSpec((_BB, _DEG, 1, _F // 2), lambda i: (i, 0, 0, 0)),
            pl.BlockSpec((_BB, _DEG, 1, _F // 2), lambda i: (i + half, 0, 0, 0)),
            pl.BlockSpec((_BB, _DEG), lambda i: (i, 0)),
            pl.BlockSpec((_BB, _DEG), lambda i: (i + half, 0)),
            pl.BlockSpec((_BB, 1, _F // 2), lambda i: (i + off, 0, 0)),
            pl.BlockSpec((_BB, 1, _F // 2), lambda i: (i + off + half, 0, 0)),
            pl.BlockSpec((_BB, _F), lambda i: (i, 0)),
            pl.BlockSpec((_BB, _F), lambda i: (i + half, 0)),
            pl.BlockSpec((_BB, _F), lambda i: (i, 0)),
            pl.BlockSpec((_BB, _F), lambda i: (i + half, 0)),
            pl.BlockSpec((_F, _F), lambda i: (0, 0)),
            pl.BlockSpec((_F, _F), lambda i: (0, 0)),
            pl.BlockSpec((1, _F), lambda i: (0, 0)),
        ],
        out_specs=pl.BlockSpec((_BB, 4), lambda i: (i, 0)),
        out_shape=jax.ShapeDtypeStruct((_B, 4), jnp.float32),
    )(r2, r2, vals, vals, r1, r1, uu, uu, vv, vv, wtp, wbp, cf)


def kernel(feature, flow_adj, flow_char_adj, item_id, category, PA_level,
           weight_emb, bias_emb, weight_character, a_attn, weight_flow):
    feature = feature.astype(jnp.float32)
    ids = item_id.T.reshape(-1).astype(jnp.int32)
    idx_a = jnp.concatenate(
        [flow_char_adj.reshape(-1).astype(jnp.int32), ids]
    ).reshape(1, -1)
    idx_b = ids.reshape(1, -1)

    featb, e, wtp, wbp, cf = _tc_weights(
        feature, weight_emb, bias_emb.reshape(1, _F), weight_flow, a_attn
    )
    r1i, nb = _sc_gather_feat_nbrs(featb, flow_adj.astype(jnp.int32), idx_a, idx_b)
    r2i, vals = _sc_gather_rows_vals(featb, e.reshape(_N), nb.reshape(1, -1))

    rows = _SSEG * _CDEG
    rr = jnp.arange(2 * rows)
    tt = jnp.arange(2 * _SSEG)
    a_sel = (
        ((rr[None, :] // (2 * _CDEG)) == (tt[:, None] // 2))
        & ((rr[None, :] % 2) == (tt[:, None] % 2))
    ).astype(jnp.bfloat16)
    g = _tc_segsum(r1i, a_sel)
    u_tab, v_tab = _tc_prep(g, weight_emb, bias_emb.reshape(1, _F), weight_character)

    idx_u = jnp.concatenate(
        [category[:, 0], category[:, 1]]
    ).astype(jnp.int32).reshape(1, -1)
    idx_v = jnp.concatenate(
        [PA_level[:, 0], PA_level[:, 1]]
    ).astype(jnp.int32).reshape(1, -1)
    uu, vv = _sc_gather_uv(u_tab, v_tab, idx_u, idx_v)

    p = _tc_flowdec(
        r2i.reshape(2 * _B, _DEG, 1, _F // 2), vals.reshape(2 * _B, _DEG),
        r1i.reshape(-1, 1, _F // 2), uu, vv, wtp, wbp, cf
    )
    return (p[:, 0], p[:, 1], p[:, 2], p[:, 3])

# --- scband reference (transcript-rebuilt; emitter-appended) ---
"""Pipeline reference for scband-iead-37469294690435 (READ-ONLY COPY).

The authoritative reference and input builder live on the scoring server;
editing this copy changes nothing except your own understanding.
"""

import jax, jax.numpy as jnp
import numpy as np

N = 10000
DEG = 16
M = 1024
CDEG = 64
B = 4096
FEAT = 256
EMB = 256

def setup_inputs(seed: int = 0):
    key = jax.random.key(seed)
    ks = jax.random.split(key, 11)
    feature = jax.random.normal(ks[0], (N, FEAT), dtype=jnp.float32)
    flow_adj = jax.random.randint(ks[1], (N, DEG), 0, N)
    flow_char_adj = jax.random.randint(ks[2], (M, CDEG), 0, N)
    item_id = jax.random.randint(ks[3], (B, 2), 0, N)
    category = jax.random.randint(ks[4], (B, 2), 0, M)
    PA_level = jax.random.randint(ks[5], (B, 2), 0, M)
    stdv = 1.0 / np.sqrt(EMB)
    weight_emb = jax.random.uniform(ks[6], (FEAT, EMB), minval=-stdv, maxval=stdv, dtype=jnp.float32)
    bias_emb = jax.random.uniform(ks[7], (EMB,), minval=-stdv, maxval=stdv, dtype=jnp.float32)
    weight_character = jax.random.uniform(ks[8], (2 * EMB, EMB), minval=-stdv, maxval=stdv, dtype=jnp.float32)
    xg = 1.414 * np.sqrt(6.0 / (EMB + 1))
    a_attn = jax.random.uniform(ks[9], (EMB, 1), minval=-xg, maxval=xg, dtype=jnp.float32)
    weight_flow = jax.random.uniform(ks[10], (2 * EMB, EMB), minval=-stdv, maxval=stdv, dtype=jnp.float32)
    return {"feature": feature, "flow_adj": flow_adj, "flow_char_adj": flow_char_adj, "item_id": item_id, "category": category, "PA_level": PA_level, "weight_emb": weight_emb, "bias_emb": bias_emb, "weight_character": weight_character, "a_attn": a_attn, "weight_flow": weight_flow}

def reference(feature, flow_adj, flow_char_adj, item_id, category, PA_level, weight_emb, bias_emb, weight_character, a_attn, weight_flow):
    # embedding_encode
    flow_emb = feature @ weight_emb + bias_emb
    # character_GraphConvolution: spmm(flow_char_adj, flow_emb) with unit values, uniform degree CDEG
    character_emb = jnp.take(flow_emb, flow_char_adj, axis=0).sum(axis=1)
    # GraphAttentionLayer attention logits e = x @ a
    e = (flow_emb @ a_attn)[:, 0]

    def flow_modeling(ids):
        # flow_adj_tmp: row i -> neighbors of item ids[i]; sparse softmax over each row; spmm with x
        nbrs = jnp.take(flow_adj, ids, axis=0)            # [B, DEG]
        vals = jnp.take(e, nbrs)                          # [B, DEG]
        attn = jax.nn.softmax(vals, axis=1)               # sparse.softmax(dim=1)
        x_agg = jnp.einsum('bk,bkd->bd', attn, jnp.take(flow_emb, nbrs, axis=0))
        xcat = jnp.concatenate([jnp.take(flow_emb, ids, axis=0), x_agg], axis=1)
        return jnp.tanh(xcat @ weight_flow)               # dropout p=0.0 -> identity

    def character_modeling(cat, pa):
        ce = jnp.concatenate([jnp.take(character_emb, cat, axis=0), jnp.take(character_emb, pa, axis=0)], axis=1)
        return jax.nn.sigmoid(ce @ weight_character)

    def decode_score(fl, cl):
        return jax.nn.sigmoid(jnp.sum(fl * cl, axis=1))

    item_id_a = item_id[:, 0]; item_id_n = item_id[:, 1]
    category_a = category[:, 0]; category_n = category[:, 1]
    PA_a = PA_level[:, 0]; PA_n = PA_level[:, 1]
    flow_latent_a = flow_modeling(item_id_a)
    pred_a_p = decode_score(flow_latent_a, character_modeling(category_a, PA_a))
    pred_a_n = decode_score(flow_latent_a, character_modeling(category_n, PA_a))
    flow_latent_n = flow_modeling(item_id_n)
    pred_n_p = decode_score(flow_latent_n, character_modeling(category_n, PA_n))
    pred_n_n = decode_score(flow_latent_n, character_modeling(category_a, PA_n))
    return (pred_a_p, pred_a_n, pred_n_p, pred_n_n)

if __name__ == "__main__":
    import jax
    _d = setup_inputs()
    print(jax.jit(kernel)(*tuple(_d.values())))

</pallas_src>

<mosaic_0001>
#map = affine_map<(d0, d1) -> (0, 0)>
#map1 = affine_map<(d0, d1) -> (0)>
module attributes {stable_mosaic.version = 14 : i64} {
  func.func @k(%arg0: i32, %arg1: i32, %arg2: memref<10000x128xi32, #tpu.memory_space<hbm>>, %arg3: memref<10000xf32, #tpu.memory_space<hbm>>, %arg4: memref<1x131072xi32, #tpu.memory_space<hbm>>, %arg5: memref<131072x128xi32, #tpu.memory_space<hbm>>, %arg6: memref<1024x128xf32, #tpu.memory_space<hbm>>, %arg7: memref<10000xf32, #tpu.memory_space<vmem>>) attributes {dimension_semantics = [#tpu.dimension_semantics<core_parallel>, #tpu.dimension_semantics<subcore_parallel>], iteration_bounds = array<i64: 2, 16>, scalar_prefetch = 0 : i64, scratch_operands = 1 : i64, tpu.core_type = #tpu.core_type<sc_vector_subcore>, window_params = [{transform_indices = #map}, {transform_indices = #map1}, {transform_indices = #map}, {transform_indices = #map}, {transform_indices = #map}]} {
    "tpu.region"() ({
      %run_scoped3A = tpu.sem_alloc : memref<!tpu.dma_semaphore, #tpu.memory_space<semaphore_mem>>
      tpu.enqueue_dma source(%arg3 : memref<10000xf32, #tpu.memory_space<hbm>>) target(%arg7 : memref<10000xf32, #tpu.memory_space<vmem>>) target_semaphore(%run_scoped3A : memref<!tpu.dma_semaphore, #tpu.memory_space<semaphore_mem>>)
      tpu.wait_dma2 semaphore(%run_scoped3A : memref<!tpu.dma_semaphore, #tpu.memory_space<semaphore_mem>>) src(%arg3 : memref<10000xf32, #tpu.memory_space<hbm>>) dst(%arg7 : memref<10000xf32, #tpu.memory_space<vmem>>)
      tpu.yield
    }) : () -> ()
    %mul3A = arith.constant 1 : i32
    %mul3A_0 = arith.muli %arg1, %mul3A : i32
    %add3A = arith.constant 0 : i32
    %add3A_1 = arith.addi %add3A, %mul3A_0 : i32
    %mul3A_2 = arith.constant 16 : i32
    %mul3A_3 = arith.muli %arg0, %mul3A_2 : i32
    %add3A_4 = arith.addi %add3A_1, %mul3A_3 : i32
    %mul3A_5 = arith.constant 32 : i32
    %mul3A_6 = arith.muli %add3A_4, %mul3A_5 : i32
    "tpu.region"() ({
      %run_scoped3A = memref.alloca() : memref<2x1x128xi32, #tpu.memory_space<vmem>>
      %run_scoped3A_7 = tpu.sem_alloc : memref<2x!tpu.dma_semaphore, #tpu.memory_space<semaphore_mem>>
      %run_scoped3A_8 = memref.alloca() : memref<2x128x128xi32, #tpu.memory_space<vmem>>
      %run_scoped3A_9 = tpu.sem_alloc : memref<2x!tpu.dma_semaphore, #tpu.memory_space<semaphore_mem>>
      %run_scoped3A_10 = memref.alloca() : memref<2x1x128xf32, #tpu.memory_space<vmem>>
      %run_scoped3A_11 = tpu.sem_alloc : memref<2x!tpu.dma_semaphore, #tpu.memory_space<semaphore_mem>>
      %add3A_12 = arith.constant 0 : i32
      %add3A_13 = arith.addi %add3A_12, %mul3A_6 : i32
      %select_n3A = arith.constant true
      %select_n3A_14 = arith.constant 0 : i32
      %select_n3A_15 = arith.constant -1 : i32
      %select_n3A_16 = arith.select %select_n3A, %select_n3A_15, %select_n3A_14 : i32
      %eq3A = arith.constant -1 : i32
      %eq3A_17 = arith.cmpi eq, %select_n3A_16, %eq3A : i32
      %select_n3A_18 = arith.constant 31 : i32
      %select_n3A_19 = arith.select %eq3A_17, %select_n3A_18, %select_n3A_16 : i32
      %add3A_20 = arith.addi %select_n3A_19, %mul3A_6 : i32
      %select_n3A_21 = arith.constant true
      %select_n3A_22 = arith.constant 0 : i32
      %select_n3A_23 = arith.constant 1 : i32
      %select_n3A_24 = arith.select %select_n3A_21, %select_n3A_23, %select_n3A_22 : i32
      %eq3A_25 = arith.constant 32 : i32
      %eq3A_26 = arith.cmpi eq, %select_n3A_24, %eq3A_25 : i32
      %select_n3A_27 = arith.constant 0 : i32
      %select_n3A_28 = arith.select %eq3A_26, %select_n3A_27, %select_n3A_24 : i32
      %add3A_29 = arith.addi %select_n3A_28, %mul3A_6 : i32
      %add3A_30 = arith.constant 1 : i32
      %add3A_31 = arith.addi %select_n3A_28, %add3A_30 : i32
      %select_n3A_32 = arith.constant true
      %select_n3A_33 = arith.select %select_n3A_32, %add3A_31, %select_n3A_28 : i32
      %eq3A_34 = arith.constant 32 : i32
      %eq3A_35 = arith.cmpi eq, %select_n3A_33, %eq3A_34 : i32
      %select_n3A_36 = arith.constant 0 : i32
      %select_n3A_37 = arith.select %eq3A_35, %select_n3A_36, %select_n3A_33 : i32
      %add3A_38 = arith.addi %select_n3A_37, %mul3A_6 : i32
      "tpu.trace_start"() <{level = 10 : i32, message = "ep_initialize_0"}> : () -> ()
      %rem3A = arith.constant 0 : i32
      %rem3A_39 = arith.constant 2 : i32
      %rem3A_40 = arith.remui %rem3A, %rem3A_39 : i32
      %mul3A_41 = arith.constant 128 : i32
      %mul3A_42 = arith.muli %mul3A_41, %add3A_13 : i32
      %dma_start3A = arith.constant 0 : i32
      %dma_start3A_43 = arith.constant 0 : i32
      %dma_start3A_44 = tpu.memref_slice %run_scoped3A[%rem3A_40, %dma_start3A, %dma_start3A_43] : memref<2x1x128xi32, #tpu.memory_space<vmem>> -> memref<1x1x128xi32, #tpu.memory_space<vmem>>
      %dma_start3A_45 = tpu.memref_squeeze %dma_start3A_44 : memref<1x1x128xi32, #tpu.memory_space<vmem>> -> memref<1x128xi32, #tpu.memory_space<vmem>>
      %dma_start3A_46 = arith.constant 0 : i32
      %dma_start3A_47 = tpu.memref_slice %arg4[%dma_start3A_46, %mul3A_42] : memref<1x131072xi32, #tpu.memory_space<hbm>> -> memref<1x128xi32, #tpu.memory_space<hbm>>
      %dma_start3A_48 = tpu.memref_slice %run_scoped3A_7[%rem3A_40] : memref<2x!tpu.dma_semaphore, #tpu.memory_space<semaphore_mem>> -> memref<1x!tpu.dma_semaphore, #tpu.memory_space<semaphore_mem>>
      %dma_start3A_49 = tpu.memref_squeeze %dma_start3A_48 : memref<1x!tpu.dma_semaphore, #tpu.memory_space<semaphore_mem>> -> memref<!tpu.dma_semaphore, #tpu.memory_space<semaphore_mem>>
      %dma_start3A_50 = arith.constant 0 : i32
      %dma_start3A_51 = arith.constant 0 : i32
      %dma_start3A_52 = tpu.memref_slice %run_scoped3A[%rem3A_40, %dma_start3A_50, %dma_start3A_51] : memref<2x1x128xi32, #tpu.memory_space<vmem>> -> memref<1x1x128xi32, #tpu.memory_space<vmem>>
      %dma_start3A_53 = tpu.memref_squeeze %dma_start3A_52 : memref<1x1x128xi32, #tpu.memory_space<vmem>> -> memref<1x128xi32, #tpu.memory_space<vmem>>
      %dma_start3A_54 = arith.constant 0 : i32
      %dma_start3A_55 = tpu.memref_slice %arg4[%dma_start3A_54, %mul3A_42] : memref<1x131072xi32, #tpu.memory_space<hbm>> -> memref<1x128xi32, #tpu.memory_space<hbm>>
      tpu.enqueue_dma source(%dma_start3A_55 : memref<1x128xi32, #tpu.memory_space<hbm>>) target(%dma_start3A_53 : memref<1x128xi32, #tpu.memory_space<vmem>>) target_semaphore(%dma_start3A_49 : memref<!tpu.dma_semaphore, #tpu.memory_space<semaphore_mem>>)
      %add3A_56 = arith.constant 0 : i32
      %add3A_57 = arith.constant 1 : i32
      %add3A_58 = arith.addi %add3A_56, %add3A_57 : i32
      %select_n3A_59 = arith.constant true
      %select_n3A_60 = arith.constant 0 : i32
      %select_n3A_61 = arith.select %select_n3A_59, %add3A_58, %select_n3A_60 : i32
      "tpu.trace_stop"() : () -> ()
      %scan3A = arith.constant 0 : i32
      %scan3A_62 = arith.constant 0 : i32
      %scan3A_63 = arith.constant 0 : i32
      %scan3A_64 = arith.constant 0 : i32
      %scan3A_65 = arith.constant 0 : i32
      %scan3A_66 = arith.constant 0 : i32
      %scan3A_67 = arith.constant 0 : i32
      %scan3A_68 = arith.constant 32 : i32
      %scan3A_69 = arith.addi %scan3A_67, %scan3A_68 : i32
      %scan3A_70 = arith.constant 1 : i32
      %scan3A_71:7 = scf.for %scan3A_143 = %scan3A_67 to %scan3A_69 step %scan3A_70 iter_args(%scan3A_144 = %select_n3A_61, %scan3A_145 = %scan3A, %scan3A_146 = %scan3A_62, %scan3A_147 = %scan3A_63, %scan3A_148 = %scan3A_64, %scan3A_149 = %scan3A_65, %scan3A_150 = %scan3A_66) -> (i32, i32, i32, i32, i32, i32, i32)  : i32 {
        %eq3A_151 = arith.constant 0 : i32
        %eq3A_152 = arith.cmpi eq, %scan3A_143, %eq3A_151 : i32
        %eq3A_153 = arith.constant 31 : i32
        %eq3A_154 = arith.cmpi eq, %scan3A_143, %eq3A_153 : i32
        %add3A_155 = arith.addi %scan3A_150, %mul3A_6 : i32
        %sub3A_156 = arith.constant 1 : i32
        %sub3A_157 = arith.subi %scan3A_150, %sub3A_156 : i32
        %select_n3A_158 = arith.constant true
        %select_n3A_159 = arith.select %select_n3A_158, %sub3A_157, %scan3A_150 : i32
        %eq3A_160 = arith.constant -1 : i32
        %eq3A_161 = arith.cmpi eq, %select_n3A_159, %eq3A_160 : i32
        %select_n3A_162 = arith.constant 31 : i32
        %select_n3A_163 = arith.select %eq3A_161, %select_n3A_162, %select_n3A_159 : i32
        %add3A_164 = arith.addi %select_n3A_163, %mul3A_6 : i32
        %add3A_165 = arith.constant 1 : i32
        %add3A_166 = arith.addi %scan3A_150, %add3A_165 : i32
        %select_n3A_167 = arith.constant true
        %select_n3A_168 = arith.select %select_n3A_167, %add3A_166, %scan3A_150 : i32
        %eq3A_169 = arith.constant 32 : i32
        %eq3A_170 = arith.cmpi eq, %select_n3A_168, %eq3A_169 : i32
        %select_n3A_171 = arith.constant 0 : i32
        %select_n3A_172 = arith.select %eq3A_170, %select_n3A_171, %select_n3A_168 : i32
        %add3A_173 = arith.addi %select_n3A_172, %mul3A_6 : i32
        %add3A_174 = arith.constant 1 : i32
        %add3A_175 = arith.addi %select_n3A_172, %add3A_174 : i32
        %select_n3A_176 = arith.constant true
        %select_n3A_177 = arith.select %select_n3A_176, %add3A_175, %select_n3A_172 : i32
        %eq3A_178 = arith.constant 32 : i32
        %eq3A_179 = arith.cmpi eq, %select_n3A_177, %eq3A_178 : i32
        %select_n3A_180 = arith.constant 0 : i32
        %select_n3A_181 = arith.select %eq3A_179, %select_n3A_180, %select_n3A_177 : i32
        %add3A_182 = arith.addi %select_n3A_181, %mul3A_6 : i32
        %ne3A = arith.cmpi ne, %add3A_155, %add3A_173 : i32
        %or3A = arith.constant false
        %or3A_183 = arith.ori %or3A, %ne3A : i1
        %ge3A = arith.constant 31 : i32
        %ge3A_184 = arith.cmpi sge, %scan3A_143, %ge3A : i32
        %not3A = arith.constant true
        %not3A_185 = arith.xori %ge3A_184, %not3A : i1
        %and3A = arith.andi %or3A_183, %not3A_185 : i1
        %convert_element_type3A = arith.extui %and3A : i1 to i32
        %cond3A = arith.constant 0 : i32
        %cond3A_186 = arith.cmpi ne, %convert_element_type3A, %cond3A : i32
        scf.if %cond3A_186 {
          "tpu.trace_start"() <{level = 10 : i32, message = "ep_copy_in"}> : () -> ()
          %rem3A_472 = arith.constant 2 : i32
          %rem3A_473 = arith.remui %scan3A_144, %rem3A_472 : i32
          %mul3A_474 = arith.constant 128 : i32
          %mul3A_475 = arith.muli %mul3A_474, %add3A_173 : i32
          %dma_start3A_476 = arith.constant 0 : i32
          %dma_start3A_477 = arith.constant 0 : i32
          %dma_start3A_478 = tpu.memref_slice %run_scoped3A[%rem3A_473, %dma_start3A_476, %dma_start3A_477] : memref<2x1x128xi32, #tpu.memory_space<vmem>> -> memref<1x1x128xi32, #tpu.memory_space<vmem>>
          %dma_start3A_479 = tpu.memref_squeeze %dma_start3A_478 : memref<1x1x128xi32, #tpu.memory_space<vmem>> -> memref<1x128xi32, #tpu.memory_space<vmem>>
          %dma_start3A_480 = arith.constant 0 : i32
          %dma_start3A_481 = tpu.memref_slice %arg4[%dma_start3A_480, %mul3A_475] : memref<1x131072xi32, #tpu.memory_space<hbm>> -> memref<1x128xi32, #tpu.memory_space<hbm>>
          %dma_start3A_482 = tpu.memref_slice %run_scoped3A_7[%rem3A_473] : memref<2x!tpu.dma_semaphore, #tpu.memory_space<semaphore_mem>> -> memref<1x!tpu.dma_semaphore, #tpu.memory_space<semaphore_mem>>
          %dma_start3A_483 = tpu.memref_squeeze %dma_start3A_482 : memref<1x!tpu.dma_semaphore, #tpu.memory_space<semaphore_mem>> -> memref<!tpu.dma_semaphore, #tpu.memory_space<semaphore_mem>>
          %dma_start3A_484 = arith.constant 0 : i32
          %dma_start3A_485 = arith.constant 0 : i32
          %dma_start3A_486 = tpu.memref_slice %run_scoped3A[%rem3A_473, %dma_start3A_484, %dma_start3A_485] : memref<2x1x128xi32, #tpu.memory_space<vmem>> -> memref<1x1x128xi32, #tpu.memory_space<vmem>>
          %dma_start3A_487 = tpu.memref_squeeze %dma_start3A_486 : memref<1x1x128xi32, #tpu.memory_space<vmem>> -> memref<1x128xi32, #tpu.memory_space<vmem>>
          %dma_start3A_488 = arith.constant 0 : i32
          %dma_start3A_489 = tpu.memref_slice %arg4[%dma_start3A_488, %mul3A_475] : memref<1x131072xi32, #tpu.memory_space<hbm>> -> memref<1x128xi32, #tpu.memory_space<hbm>>
          tpu.enqueue_dma source(%dma_start3A_489 : memref<1x128xi32, #tpu.memory_space<hbm>>) target(%dma_start3A_487 : memref<1x128xi32, #tpu.memory_space<vmem>>) target_semaphore(%dma_start3A_483 : memref<!tpu.dma_semaphore, #tpu.memory_space<semaphore_mem>>)
          "tpu.trace_stop"() : () -> ()
        } else {
        }
        %and3A_187 = arith.constant true
        %and3A_188 = arith.andi %and3A, %and3A_187 : i1
        %add3A_189 = arith.constant 1 : i32
        %add3A_190 = arith.addi %scan3A_144, %add3A_189 : i32
        %select_n3A_191 = arith.select %and3A_188, %add3A_190, %scan3A_144 : i32
        %ne3A_192 = arith.cmpi ne, %add3A_155, %add3A_173 : i32
        %or3A_193 = arith.constant false
        %or3A_194 = arith.ori %or3A_193, %ne3A_192 : i1
        %or3A_195 = arith.constant false
        %or3A_196 = arith.ori %or3A_194, %or3A_195 : i1
        %ge3A_197 = arith.constant 31 : i32
        %ge3A_198 = arith.cmpi sge, %scan3A_143, %ge3A_197 : i32
        %not3A_199 = arith.constant true
        %not3A_200 = arith.xori %ge3A_198, %not3A_199 : i1
        %and3A_201 = arith.andi %or3A_196, %not3A_200 : i1
        %ne3A_202 = arith.cmpi ne, %add3A_155, %add3A_173 : i32
        %or3A_203 = arith.constant false
        %or3A_204 = arith.ori %or3A_203, %ne3A_202 : i1
        %or3A_205 = arith.constant false
        %or3A_206 = arith.ori %or3A_204, %or3A_205 : i1
        %ge3A_207 = arith.constant 31 : i32
        %ge3A_208 = arith.cmpi sge, %scan3A_143, %ge3A_207 : i32
        %not3A_209 = arith.constant true
        %not3A_210 = arith.xori %ge3A_208, %not3A_209 : i1
        %and3A_211 = arith.andi %or3A_206, %not3A_210 : i1
        %ne3A_212 = arith.cmpi ne, %add3A_155, %add3A_164 : i32
        %or3A_213 = arith.constant false
        %or3A_214 = arith.ori %or3A_213, %ne3A_212 : i1
        %or3A_215 = arith.ori %or3A_214, %eq3A_152 : i1
        %convert_element_type3A_216 = arith.extui %or3A_215 : i1 to i32
        %cond3A_217 = arith.constant 0 : i32
        %cond3A_218 = arith.cmpi ne, %convert_element_type3A_216, %cond3A_217 : i32
        scf.if %cond3A_218 {
          "tpu.trace_start"() <{level = 10 : i32, message = "ep_wait_in"}> : () -> ()
          %mul3A_472 = arith.constant 128 : i32
          %mul3A_473 = arith.muli %mul3A_472, %add3A_155 : i32
          %rem3A_474 = arith.constant 2 : i32
          %rem3A_475 = arith.remui %scan3A_145, %rem3A_474 : i32
          %dma_wait3A_476 = arith.constant 0 : i32
          %dma_wait3A_477 = arith.constant 0 : i32
          %dma_wait3A_478 = tpu.memref_slice %run_scoped3A[%rem3A_475, %dma_wait3A_476, %dma_wait3A_477] : memref<2x1x128xi32, #tpu.memory_space<vmem>> -> memref<1x1x128xi32, #tpu.memory_space<vmem>>
          %dma_wait3A_479 = tpu.memref_squeeze %dma_wait3A_478 : memref<1x1x128xi32, #tpu.memory_space<vmem>> -> memref<1x128xi32, #tpu.memory_space<vmem>>
          %dma_wait3A_480 = arith.constant 0 : i32
          %dma_wait3A_481 = tpu.memref_slice %arg4[%dma_wait3A_480, %mul3A_473] : memref<1x131072xi32, #tpu.memory_space<hbm>> -> memref<1x128xi32, #tpu.memory_space<hbm>>
          %dma_wait3A_482 = tpu.memref_slice %run_scoped3A_7[%rem3A_475] : memref<2x!tpu.dma_semaphore, #tpu.memory_space<semaphore_mem>> -> memref<1x!tpu.dma_semaphore, #tpu.memory_space<semaphore_mem>>
          %dma_wait3A_483 = tpu.memref_squeeze %dma_wait3A_482 : memref<1x!tpu.dma_semaphore, #tpu.memory_space<semaphore_mem>> -> memref<!tpu.dma_semaphore, #tpu.memory_space<semaphore_mem>>
          %dma_wait3A_484 = arith.constant 0 : i32
          %dma_wait3A_485 = arith.constant 0 : i32
          %dma_wait3A_486 = tpu.memref_slice %run_scoped3A[%rem3A_475, %dma_wait3A_484, %dma_wait3A_485] : memref<2x1x128xi32, #tpu.memory_space<vmem>> -> memref<1x1x128xi32, #tpu.memory_space<vmem>>
          %dma_wait3A_487 = tpu.memref_squeeze %dma_wait3A_486 : memref<1x1x128xi32, #tpu.memory_space<vmem>> -> memref<1x128xi32, #tpu.memory_space<vmem>>
          %dma_wait3A_488 = arith.constant 0 : i32
          %dma_wait3A_489 = tpu.memref_slice %arg4[%dma_wait3A_488, %mul3A_473] : memref<1x131072xi32, #tpu.memory_space<hbm>> -> memref<1x128xi32, #tpu.memory_space<hbm>>
          tpu.wait_dma2 semaphore(%dma_wait3A_483 : memref<!tpu.dma_semaphore, #tpu.memory_space<semaphore_mem>>) src(%dma_wait3A_489 : memref<1x128xi32, #tpu.memory_space<hbm>>) dst(%dma_wait3A_487 : memref<1x128xi32, #tpu.memory_space<vmem>>)
          "tpu.trace_stop"() : () -> ()
        } else {
        }
        %ne3A_219 = arith.cmpi ne, %add3A_155, %add3A_164 : i32
        %or3A_220 = arith.constant false
        %or3A_221 = arith.ori %or3A_220, %ne3A_219 : i1
        %or3A_222 = arith.constant false
        %or3A_223 = arith.ori %or3A_221, %or3A_222 : i1
        %or3A_224 = arith.ori %or3A_223, %eq3A_152 : i1
        %convert_element_type3A_225 = arith.extui %or3A_224 : i1 to i32
        %cond3A_226 = arith.constant 0 : i32
        %cond3A_227 = arith.cmpi ne, %convert_element_type3A_225, %cond3A_226 : i32
        scf.if %cond3A_227 {
        } else {
        }
        %ne3A_228 = arith.cmpi ne, %add3A_155, %add3A_164 : i32
        %or3A_229 = arith.constant false
        %or3A_230 = arith.ori %or3A_229, %ne3A_228 : i1
        %or3A_231 = arith.constant false
        %or3A_232 = arith.ori %or3A_230, %or3A_231 : i1
        %or3A_233 = arith.ori %or3A_232, %eq3A_152 : i1
        %convert_element_type3A_234 = arith.extui %or3A_233 : i1 to i32
        %cond3A_235 = arith.constant 0 : i32
        %cond3A_236 = arith.cmpi ne, %convert_element_type3A_234, %cond3A_235 : i32
        scf.if %cond3A_236 {
        } else {
        }
        %rem3A_237 = arith.constant 2 : i32
        %rem3A_238 = arith.remui %scan3A_145, %rem3A_237 : i32
        %rem3A_239 = arith.constant 2 : i32
        %rem3A_240 = arith.remui %scan3A_146, %rem3A_239 : i32
        %rem3A_241 = arith.constant 2 : i32
        %rem3A_242 = arith.remui %scan3A_148, %rem3A_241 : i32
        %run_scoped3A_243 = arith.constant 0 : i32
        "tpu.trace_start"() <{level = 10 : i32, message = "ep_run_kernel"}> : () -> ()
        "tpu.region"() ({
          %run_scoped3A_472 = tpu.sem_alloc : memref<!tpu.dma_semaphore, #tpu.memory_space<semaphore_mem>>
          %dma_start3A_473 = arith.constant 0 : i32
          %dma_start3A_474 = arith.constant 0 : i32
          %dma_start3A_475 = tpu.memref_slice %run_scoped3A_8[%rem3A_240, %dma_start3A_473, %dma_start3A_474] : memref<2x128x128xi32, #tpu.memory_space<vmem>> -> memref<1x128x128xi32, #tpu.memory_space<vmem>>
          %dma_start3A_476 = tpu.memref_squeeze %dma_start3A_475 : memref<1x128x128xi32, #tpu.memory_space<vmem>> -> memref<128x128xi32, #tpu.memory_space<vmem>>
          %dma_start3A_477 = arith.constant 0 : i32
          %dma_start3A_478 = arith.constant 0 : i32
          %dma_start3A_479 = tpu.memref_slice %run_scoped3A[%rem3A_238, %dma_start3A_477, %dma_start3A_478] : memref<2x1x128xi32, #tpu.memory_space<vmem>> -> memref<1x1x128xi32, #tpu.memory_space<vmem>>
          %dma_start3A_480 = tpu.memref_squeeze %dma_start3A_479 : memref<1x1x128xi32, #tpu.memory_space<vmem>> -> memref<1x128xi32, #tpu.memory_space<vmem>>
          %dma_start3A_481 = arith.constant 0 : i32
          %dma_start3A_482 = tpu.memref_slice %dma_start3A_480[%run_scoped3A_243, %dma_start3A_481] : memref<1x128xi32, #tpu.memory_space<vmem>> -> memref<1x128xi32, #tpu.memory_space<vmem>>
          %dma_start3A_483 = tpu.memref_squeeze %dma_start3A_482 : memref<1x128xi32, #tpu.memory_space<vmem>> -> memref<128xi32, #tpu.memory_space<vmem>>
          %dma_start3A_484 = arith.constant 0 : i32
          %dma_start3A_485 = arith.constant 0 : i32
          %dma_start3A_486 = tpu.memref_slice %arg2[%dma_start3A_484, %dma_start3A_485] : memref<10000x128xi32, #tpu.memory_space<hbm>> -> memref<10000x128xi32, #tpu.memory_space<hbm>>
          tpu.enqueue_indirect_dma source(%dma_start3A_486 : memref<10000x128xi32, #tpu.memory_space<hbm>>) target(%dma_start3A_476 : memref<128x128xi32, #tpu.memory_space<vmem>>) offsets(%dma_start3A_483 : memref<128xi32, #tpu.memory_space<vmem>>) semaphore(%run_scoped3A_472 : memref<!tpu.dma_semaphore, #tpu.memory_space<semaphore_mem>>)
          %dma_wait3A_487 = arith.constant 0 : i32
          %dma_wait3A_488 = arith.constant 0 : i32
          %dma_wait3A_489 = tpu.memref_slice %run_scoped3A_8[%rem3A_240, %dma_wait3A_487, %dma_wait3A_488] : memref<2x128x128xi32, #tpu.memory_space<vmem>> -> memref<1x128x128xi32, #tpu.memory_space<vmem>>
          %dma_wait3A_490 = tpu.memref_squeeze %dma_wait3A_489 : memref<1x128x128xi32, #tpu.memory_space<vmem>> -> memref<128x128xi32, #tpu.memory_space<vmem>>
          %dma_wait3A_491 = arith.constant 0 : i32
          %dma_wait3A_492 = arith.constant 0 : i32
          %dma_wait3A_493 = tpu.memref_slice %run_scoped3A[%rem3A_238, %dma_wait3A_491, %dma_wait3A_492] : memref<2x1x128xi32, #tpu.memory_space<vmem>> -> memref<1x1x128xi32, #tpu.memory_space<vmem>>
          %dma_wait3A_494 = tpu.memref_squeeze %dma_wait3A_493 : memref<1x1x128xi32, #tpu.memory_space<vmem>> -> memref<1x128xi32, #tpu.memory_space<vmem>>
          %dma_wait3A_495 = arith.constant 0 : i32
          %dma_wait3A_496 = tpu.memref_slice %dma_wait3A_494[%run_scoped3A_243, %dma_wait3A_495] : memref<1x128xi32, #tpu.memory_space<vmem>> -> memref<1x128xi32, #tpu.memory_space<vmem>>
          %dma_wait3A_497 = tpu.memref_squeeze %dma_wait3A_496 : memref<1x128xi32, #tpu.memory_space<vmem>> -> memref<128xi32, #tpu.memory_space<vmem>>
          %dma_wait3A_498 = arith.constant 0 : i32
          %dma_wait3A_499 = arith.constant 0 : i32
          %dma_wait3A_500 = tpu.memref_slice %arg2[%dma_wait3A_498, %dma_wait3A_499] : memref<10000x128xi32, #tpu.memory_space<hbm>> -> memref<10000x128xi32, #tpu.memory_space<hbm>>
          tpu.wait_indirect_dma semaphore(%run_scoped3A_472 : memref<!tpu.dma_semaphore, #tpu.memory_space<semaphore_mem>>) src(%dma_wait3A_500 : memref<10000x128xi32, #tpu.memory_space<hbm>>) dst(%dma_wait3A_490 : memref<128x128xi32, #tpu.memory_space<vmem>>)
          tpu.yield
        }) : () -> ()
        %get3A = arith.constant 0 : i32
        %get3A_244 = arith.constant 0 : i32
        %get3A_245 = arith.constant 0 : i32
        %get3A_246 = tpu.memref_slice %run_scoped3A[%rem3A_238, %get3A_244, %get3A_245] : memref<2x1x128xi32, #tpu.memory_space<vmem>> -> memref<1x1x128xi32, #tpu.memory_space<vmem>>
        %get3A_247 = tpu.memref_squeeze %get3A_246 : memref<1x1x128xi32, #tpu.memory_space<vmem>> -> memref<1x128xi32, #tpu.memory_space<vmem>>
        %get3A_248 = arith.index_cast %get3A : i32 to index
        %get3A_249 = arith.constant 0 : index
        %get3A_250 = tpu.vector_load %get3A_247[%get3A_248, %get3A_249] {strides = array<i32>} : memref<1x128xi32, #tpu.memory_space<vmem>>, vector<16xi32>,
        %gather3A = tpu.vector_load_idx %arg7[%get3A_250] : memref<10000xf32, #tpu.memory_space<vmem>>[vector<16xi32>], vector<16xf32>,
        %swap3A = arith.constant 0 : i32
        %swap3A_251 = arith.constant 0 : i32
        %swap3A_252 = arith.constant 0 : i32
        %swap3A_253 = tpu.memref_slice %run_scoped3A_10[%rem3A_242, %swap3A_251, %swap3A_252] : memref<2x1x128xf32, #tpu.memory_space<vmem>> -> memref<1x1x128xf32, #tpu.memory_space<vmem>>
        %swap3A_254 = tpu.memref_squeeze %swap3A_253 : memref<1x1x128xf32, #tpu.memory_space<vmem>> -> memref<1x128xf32, #tpu.memory_space<vmem>>
        %swap3A_255 = arith.index_cast %swap3A : i32 to index
        %swap3A_256 = arith.constant 0 : index
        %swap3A_257 = tpu.vector_load %swap3A_254[%swap3A_255, %swap3A_256] {strides = array<i32>} : memref<1x128xf32, #tpu.memory_space<vmem>>, vector<16xf32>,
        tpu.vector_store %swap3A_254[%swap3A_255, %swap3A_256], %gather3A {strides = array<i32>} : memref<1x128xf32, #tpu.memory_space<vmem>>, vector<16xf32>,
        %get3A_258 = arith.constant 0 : i32
        %get3A_259 = arith.constant 0 : i32
        %get3A_260 = arith.constant 0 : i32
        %get3A_261 = tpu.memref_slice %run_scoped3A[%rem3A_238, %get3A_259, %get3A_260] : memref<2x1x128xi32, #tpu.memory_space<vmem>> -> memref<1x1x128xi32, #tpu.memory_space<vmem>>
        %get3A_262 = tpu.memref_squeeze %get3A_261 : memref<1x1x128xi32, #tpu.memory_space<vmem>> -> memref<1x128xi32, #tpu.memory_space<vmem>>
        %get3A_263 = arith.index_cast %get3A_258 : i32 to index
        %get3A_264 = arith.constant 16 : index
        %get3A_265 = tpu.vector_load %get3A_262[%get3A_263, %get3A_264] {strides = array<i32>} : memref<1x128xi32, #tpu.memory_space<vmem>>, vector<16xi32>,
        %gather3A_266 = tpu.vector_load_idx %arg7[%get3A_265] : memref<10000xf32, #tpu.memory_space<vmem>>[vector<16xi32>], vector<16xf32>,
        %swap3A_267 = arith.constant 0 : i32
        %swap3A_268 = arith.constant 0 : i32
        %swap3A_269 = arith.constant 0 : i32
        %swap3A_270 = tpu.memref_slice %run_scoped3A_10[%rem3A_242, %swap3A_268, %swap3A_269] : memref<2x1x128xf32, #tpu.memory_space<vmem>> -> memref<1x1x128xf32, #tpu.memory_space<vmem>>
        %swap3A_271 = tpu.memref_squeeze %swap3A_270 : memref<1x1x128xf32, #tpu.memory_space<vmem>> -> memref<1x128xf32, #tpu.memory_space<vmem>>
        %swap3A_272 = arith.index_cast %swap3A_267 : i32 to index
        %swap3A_273 = arith.constant 16 : index
        %swap3A_274 = tpu.vector_load %swap3A_271[%swap3A_272, %swap3A_273] {strides = array<i32>} : memref<1x128xf32, #tpu.memory_space<vmem>>, vector<16xf32>,
        tpu.vector_store %swap3A_271[%swap3A_272, %swap3A_273], %gather3A_266 {strides = array<i32>} : memref<1x128xf32, #tpu.memory_space<vmem>>, vector<16xf32>,
        %get3A_275 = arith.constant 0 : i32
        %get3A_276 = arith.constant 0 : i32
        %get3A_277 = arith.constant 0 : i32
        %get3A_278 = tpu.memref_slice %run_scoped3A[%rem3A_238, %get3A_276, %get3A_277] : memref<2x1x128xi32, #tpu.memory_space<vmem>> -> memref<1x1x128xi32, #tpu.memory_space<vmem>>
        %get3A_279 = tpu.memref_squeeze %get3A_278 : memref<1x1x128xi32, #tpu.memory_space<vmem>> -> memref<1x128xi32, #tpu.memory_space<vmem>>
        %get3A_280 = arith.index_cast %get3A_275 : i32 to index
        %get3A_281 = arith.constant 32 : index
        %get3A_282 = tpu.vector_load %get3A_279[%get3A_280, %get3A_281] {strides = array<i32>} : memref<1x128xi32, #tpu.memory_space<vmem>>, vector<16xi32>,
        %gather3A_283 = tpu.vector_load_idx %arg7[%get3A_282] : memref<10000xf32, #tpu.memory_space<vmem>>[vector<16xi32>], vector<16xf32>,
        %swap3A_284 = arith.constant 0 : i32
        %swap3A_285 = arith.constant 0 : i32
        %swap3A_286 = arith.constant 0 : i32
        %swap3A_287 = tpu.memref_slice %run_scoped3A_10[%rem3A_242, %swap3A_285, %swap3A_286] : memref<2x1x128xf32, #tpu.memory_space<vmem>> -> memref<1x1x128xf32, #tpu.memory_space<vmem>>
        %swap3A_288 = tpu.memref_squeeze %swap3A_287 : memref<1x1x128xf32, #tpu.memory_space<vmem>> -> memref<1x128xf32, #tpu.memory_space<vmem>>
        %swap3A_289 = arith.index_cast %swap3A_284 : i32 to index
        %swap3A_290 = arith.constant 32 : index
        %swap3A_291 = tpu.vector_load %swap3A_288[%swap3A_289, %swap3A_290] {strides = array<i32>} : memref<1x128xf32, #tpu.memory_space<vmem>>, vector<16xf32>,
        tpu.vector_store %swap3A_288[%swap3A_289, %swap3A_290], %gather3A_283 {strides = array<i32>} : memref<1x128xf32, #tpu.memory_space<vmem>>, vector<16xf32>,
        %get3A_292 = arith.constant 0 : i32
        %get3A_293 = arith.constant 0 : i32
        %get3A_294 = arith.constant 0 : i32
        %get3A_295 = tpu.memref_slice %run_scoped3A[%rem3A_238, %get3A_293, %get3A_294] : memref<2x1x128xi32, #tpu.memory_space<vmem>> -> memref<1x1x128xi32, #tpu.memory_space<vmem>>
        %get3A_296 = tpu.memref_squeeze %get3A_295 : memref<1x1x128xi32, #tpu.memory_space<vmem>> -> memref<1x128xi32, #tpu.memory_space<vmem>>
        %get3A_297 = arith.index_cast %get3A_292 : i32 to index
        %get3A_298 = arith.constant 48 : index
        %get3A_299 = tpu.vector_load %get3A_296[%get3A_297, %get3A_298] {strides = array<i32>} : memref<1x128xi32, #tpu.memory_space<vmem>>, vector<16xi32>,
        %gather3A_300 = tpu.vector_load_idx %arg7[%get3A_299] : memref<10000xf32, #tpu.memory_space<vmem>>[vector<16xi32>], vector<16xf32>,
        %swap3A_301 = arith.constant 0 : i32
        %swap3A_302 = arith.constant 0 : i32
        %swap3A_303 = arith.constant 0 : i32
        %swap3A_304 = tpu.memref_slice %run_scoped3A_10[%rem3A_242, %swap3A_302, %swap3A_303] : memref<2x1x128xf32, #tpu.memory_space<vmem>> -> memref<1x1x128xf32, #tpu.memory_space<vmem>>
        %swap3A_305 = tpu.memref_squeeze %swap3A_304 : memref<1x1x128xf32, #tpu.memory_space<vmem>> -> memref<1x128xf32, #tpu.memory_space<vmem>>
        %swap3A_306 = arith.index_cast %swap3A_301 : i32 to index
        %swap3A_307 = arith.constant 48 : index
        %swap3A_308 = tpu.vector_load %swap3A_305[%swap3A_306, %swap3A_307] {strides = array<i32>} : memref<1x128xf32, #tpu.memory_space<vmem>>, vector<16xf32>,
        tpu.vector_store %swap3A_305[%swap3A_306, %swap3A_307], %gather3A_300 {strides = array<i32>} : memref<1x128xf32, #tpu.memory_space<vmem>>, vector<16xf32>,
        %get3A_309 = arith.constant 0 : i32
        %get3A_310 = arith.constant 0 : i32
        %get3A_311 = arith.constant 0 : i32
        %get3A_312 = tpu.memref_slice %run_scoped3A[%rem3A_238, %get3A_310, %get3A_311] : memref<2x1x128xi32, #tpu.memory_space<vmem>> -> memref<1x1x128xi32, #tpu.memory_space<vmem>>
        %get3A_313 = tpu.memref_squeeze %get3A_312 : memref<1x1x128xi32, #tpu.memory_space<vmem>> -> memref<1x128xi32, #tpu.memory_space<vmem>>
        %get3A_314 = arith.index_cast %get3A_309 : i32 to index
        %get3A_315 = arith.constant 64 : index
        %get3A_316 = tpu.vector_load %get3A_313[%get3A_314, %get3A_315] {strides = array<i32>} : memref<1x128xi32, #tpu.memory_space<vmem>>, vector<16xi32>,
        %gather3A_317 = tpu.vector_load_idx %arg7[%get3A_316] : memref<10000xf32, #tpu.memory_space<vmem>>[vector<16xi32>], vector<16xf32>,
        %swap3A_318 = arith.constant 0 : i32
        %swap3A_319 = arith.constant 0 : i32
        %swap3A_320 = arith.constant 0 : i32
        %swap3A_321 = tpu.memref_slice %run_scoped3A_10[%rem3A_242, %swap3A_319, %swap3A_320] : memref<2x1x128xf32, #tpu.memory_space<vmem>> -> memref<1x1x128xf32, #tpu.memory_space<vmem>>
        %swap3A_322 = tpu.memref_squeeze %swap3A_321 : memref<1x1x128xf32, #tpu.memory_space<vmem>> -> memref<1x128xf32, #tpu.memory_space<vmem>>
        %swap3A_323 = arith.index_cast %swap3A_318 : i32 to index
        %swap3A_324 = arith.constant 64 : index
        %swap3A_325 = tpu.vector_load %swap3A_322[%swap3A_323, %swap3A_324] {strides = array<i32>} : memref<1x128xf32, #tpu.memory_space<vmem>>, vector<16xf32>,
        tpu.vector_store %swap3A_322[%swap3A_323, %swap3A_324], %gather3A_317 {strides = array<i32>} : memref<1x128xf32, #tpu.memory_space<vmem>>, vector<16xf32>,
        %get3A_326 = arith.constant 0 : i32
        %get3A_327 = arith.constant 0 : i32
        %get3A_328 = arith.constant 0 : i32
        %get3A_329 = tpu.memref_slice %run_scoped3A[%rem3A_238, %get3A_327, %get3A_328] : memref<2x1x128xi32, #tpu.memory_space<vmem>> -> memref<1x1x128xi32, #tpu.memory_space<vmem>>
        %get3A_330 = tpu.memref_squeeze %get3A_329 : memref<1x1x128xi32, #tpu.memory_space<vmem>> -> memref<1x128xi32, #tpu.memory_space<vmem>>
        %get3A_331 = arith.index_cast %get3A_326 : i32 to index
        %get3A_332 = arith.constant 80 : index
        %get3A_333 = tpu.vector_load %get3A_330[%get3A_331, %get3A_332] {strides = array<i32>} : memref<1x128xi32, #tpu.memory_space<vmem>>, vector<16xi32>,
        %gather3A_334 = tpu.vector_load_idx %arg7[%get3A_333] : memref<10000xf32, #tpu.memory_space<vmem>>[vector<16xi32>], vector<16xf32>,
        %swap3A_335 = arith.constant 0 : i32
        %swap3A_336 = arith.constant 0 : i32
        %swap3A_337 = arith.constant 0 : i32
        %swap3A_338 = tpu.memref_slice %run_scoped3A_10[%rem3A_242, %swap3A_336, %swap3A_337] : memref<2x1x128xf32, #tpu.memory_space<vmem>> -> memref<1x1x128xf32, #tpu.memory_space<vmem>>
        %swap3A_339 = tpu.memref_squeeze %swap3A_338 : memref<1x1x128xf32, #tpu.memory_space<vmem>> -> memref<1x128xf32, #tpu.memory_space<vmem>>
        %swap3A_340 = arith.index_cast %swap3A_335 : i32 to index
        %swap3A_341 = arith.constant 80 : index
        %swap3A_342 = tpu.vector_load %swap3A_339[%swap3A_340, %swap3A_341] {strides = array<i32>} : memref<1x128xf32, #tpu.memory_space<vmem>>, vector<16xf32>,
        tpu.vector_store %swap3A_339[%swap3A_340, %swap3A_341], %gather3A_334 {strides = array<i32>} : memref<1x128xf32, #tpu.memory_space<vmem>>, vector<16xf32>,
        %get3A_343 = arith.constant 0 : i32
        %get3A_344 = arith.constant 0 : i32
        %get3A_345 = arith.constant 0 : i32
        %get3A_346 = tpu.memref_slice %run_scoped3A[%rem3A_238, %get3A_344, %get3A_345] : memref<2x1x128xi32, #tpu.memory_space<vmem>> -> memref<1x1x128xi32, #tpu.memory_space<vmem>>
        %get3A_347 = tpu.memref_squeeze %get3A_346 : memref<1x1x128xi32, #tpu.memory_space<vmem>> -> memref<1x128xi32, #tpu.memory_space<vmem>>
        %get3A_348 = arith.index_cast %get3A_343 : i32 to index
        %get3A_349 = arith.constant 96 : index
        %get3A_350 = tpu.vector_load %get3A_347[%get3A_348, %get3A_349] {strides = array<i32>} : memref<1x128xi32, #tpu.memory_space<vmem>>, vector<16xi32>,
        %gather3A_351 = tpu.vector_load_idx %arg7[%get3A_350] : memref<10000xf32, #tpu.memory_space<vmem>>[vector<16xi32>], vector<16xf32>,
        %swap3A_352 = arith.constant 0 : i32
        %swap3A_353 = arith.constant 0 : i32
        %swap3A_354 = arith.constant 0 : i32
        %swap3A_355 = tpu.memref_slice %run_scoped3A_10[%rem3A_242, %swap3A_353, %swap3A_354] : memref<2x1x128xf32, #tpu.memory_space<vmem>> -> memref<1x1x128xf32, #tpu.memory_space<vmem>>
        %swap3A_356 = tpu.memref_squeeze %swap3A_355 : memref<1x1x128xf32, #tpu.memory_space<vmem>> -> memref<1x128xf32, #tpu.memory_space<vmem>>
        %swap3A_357 = arith.index_cast %swap3A_352 : i32 to index
        %swap3A_358 = arith.constant 96 : index
        %swap3A_359 = tpu.vector_load %swap3A_356[%swap3A_357, %swap3A_358] {strides = array<i32>} : memref<1x128xf32, #tpu.memory_space<vmem>>, vector<16xf32>,
        tpu.vector_store %swap3A_356[%swap3A_357, %swap3A_358], %gather3A_351 {strides = array<i32>} : memref<1x128xf32, #tpu.memory_space<vmem>>, vector<16xf32>,
        %get3A_360 = arith.constant 0 : i32
        %get3A_361 = arith.constant 0 : i32
        %get3A_362 = arith.constant 0 : i32
        %get3A_363 = tpu.memref_slice %run_scoped3A[%rem3A_238, %get3A_361, %get3A_362] : memref<2x1x128xi32, #tpu.memory_space<vmem>> -> memref<1x1x128xi32, #tpu.memory_space<vmem>>
        %get3A_364 = tpu.memref_squeeze %get3A_363 : memref<1x1x128xi32, #tpu.memory_space<vmem>> -> memref<1x128xi32, #tpu.memory_space<vmem>>
        %get3A_365 = arith.index_cast %get3A_360 : i32 to index
        %get3A_366 = arith.constant 112 : index
        %get3A_367 = tpu.vector_load %get3A_364[%get3A_365, %get3A_366] {strides = array<i32>} : memref<1x128xi32, #tpu.memory_space<vmem>>, vector<16xi32>,
        %gather3A_368 = tpu.vector_load_idx %arg7[%get3A_367] : memref<10000xf32, #tpu.memory_space<vmem>>[vector<16xi32>], vector<16xf32>,
        %swap3A_369 = arith.constant 0 : i32
        %swap3A_370 = arith.constant 0 : i32
        %swap3A_371 = arith.constant 0 : i32
        %swap3A_372 = tpu.memref_slice %run_scoped3A_10[%rem3A_242, %swap3A_370, %swap3A_371] : memref<2x1x128xf32, #tpu.memory_space<vmem>> -> memref<1x1x128xf32, #tpu.memory_space<vmem>>
        %swap3A_373 = tpu.memref_squeeze %swap3A_372 : memref<1x1x128xf32, #tpu.memory_space<vmem>> -> memref<1x128xf32, #tpu.memory_space<vmem>>
        %swap3A_374 = arith.index_cast %swap3A_369 : i32 to index
        %swap3A_375 = arith.constant 112 : index
        %swap3A_376 = tpu.vector_load %swap3A_373[%swap3A_374, %swap3A_375] {strides = array<i32>} : memref<1x128xf32, #tpu.memory_space<vmem>>, vector<16xf32>,
        tpu.vector_store %swap3A_373[%swap3A_374, %swap3A_375], %gather3A_368 {strides = array<i32>} : memref<1x128xf32, #tpu.memory_space<vmem>>, vector<16xf32>,
        "tpu.trace_stop"() : () -> ()
        %ne3A_377 = arith.cmpi ne, %add3A_155, %add3A_173 : i32
        %or3A_378 = arith.constant false
        %or3A_379 = arith.ori %or3A_378, %ne3A_377 : i1
        %or3A_380 = arith.ori %or3A_379, %eq3A_154 : i1
        %convert_element_type3A_381 = arith.extui %or3A_380 : i1 to i32
        %cond3A_382 = arith.constant 0 : i32
        %cond3A_383 = arith.cmpi ne, %convert_element_type3A_381, %cond3A_382 : i32
        scf.if %cond3A_383 {
        } else {
        }
        %and3A_384 = arith.constant false
        %and3A_385 = arith.andi %or3A_380, %and3A_384 : i1
        %ne3A_386 = arith.cmpi ne, %add3A_155, %add3A_173 : i32
        %or3A_387 = arith.constant false
        %or3A_388 = arith.ori %or3A_387, %ne3A_386 : i1
        %or3A_389 = arith.constant false
        %or3A_390 = arith.ori %or3A_388, %or3A_389 : i1
        %or3A_391 = arith.ori %or3A_390, %eq3A_154 : i1
        %convert_element_type3A_392 = arith.extui %or3A_391 : i1 to i32
        %cond3A_393 = arith.constant 0 : i32
        %cond3A_394 = arith.cmpi ne, %convert_element_type3A_392, %cond3A_393 : i32
        scf.if %cond3A_394 {
          "tpu.trace_start"() <{level = 10 : i32, message = "ep_copy_out"}> : () -> ()
          %rem3A_472 = arith.constant 2 : i32
          %rem3A_473 = arith.remui %scan3A_146, %rem3A_472 : i32
          %mul3A_474 = arith.constant 128 : i32
          %mul3A_475 = arith.muli %mul3A_474, %add3A_155 : i32
          %dma_start3A_476 = arith.constant 0 : i32
          %dma_start3A_477 = arith.constant 0 : i32
          %dma_start3A_478 = tpu.memref_slice %run_scoped3A_8[%rem3A_473, %dma_start3A_476, %dma_start3A_477] : memref<2x128x128xi32, #tpu.memory_space<vmem>> -> memref<1x128x128xi32, #tpu.memory_space<vmem>>
          %dma_start3A_479 = tpu.memref_squeeze %dma_start3A_478 : memref<1x128x128xi32, #tpu.memory_space<vmem>> -> memref<128x128xi32, #tpu.memory_space<vmem>>
          %dma_start3A_480 = arith.constant 0 : i32
          %dma_start3A_481 = tpu.memref_slice %arg5[%mul3A_475, %dma_start3A_480] : memref<131072x128xi32, #tpu.memory_space<hbm>> -> memref<128x128xi32, #tpu.memory_space<hbm>>
          %dma_start3A_482 = tpu.memref_slice %run_scoped3A_9[%rem3A_473] : memref<2x!tpu.dma_semaphore, #tpu.memory_space<semaphore_mem>> -> memref<1x!tpu.dma_semaphore, #tpu.memory_space<semaphore_mem>>
          %dma_start3A_483 = tpu.memref_squeeze %dma_start3A_482 : memref<1x!tpu.dma_semaphore, #tpu.memory_space<semaphore_mem>> -> memref<!tpu.dma_semaphore, #tpu.memory_space<semaphore_mem>>
          %dma_start3A_484 = arith.constant 0 : i32
          %dma_start3A_485 = tpu.memref_slice %arg5[%mul3A_475, %dma_start3A_484] : memref<131072x128xi32, #tpu.memory_space<hbm>> -> memref<128x128xi32, #tpu.memory_space<hbm>>
          %dma_start3A_486 = arith.constant 0 : i32
          %dma_start3A_487 = arith.constant 0 : i32
          %dma_start3A_488 = tpu.memref_slice %run_scoped3A_8[%rem3A_473, %dma_start3A_486, %dma_start3A_487] : memref<2x128x128xi32, #tpu.memory_space<vmem>> -> memref<1x128x128xi32, #tpu.memory_space<vmem>>
          %dma_start3A_489 = tpu.memref_squeeze %dma_start3A_488 : memref<1x128x128xi32, #tpu.memory_space<vmem>> -> memref<128x128xi32, #tpu.memory_space<vmem>>
          tpu.enqueue_dma source(%dma_start3A_489 : memref<128x128xi32, #tpu.memory_space<vmem>>) target(%dma_start3A_485 : memref<128x128xi32, #tpu.memory_space<hbm>>) target_semaphore(%dma_start3A_483 : memref<!tpu.dma_semaphore, #tpu.memory_space<semaphore_mem>>)
          "tpu.trace_stop"() : () -> ()
        } else {
        }
        %and3A_395 = arith.constant true
        %and3A_396 = arith.andi %or3A_391, %and3A_395 : i1
        %add3A_397 = arith.constant 1 : i32
        %add3A_398 = arith.addi %scan3A_146, %add3A_397 : i32
        %select_n3A_399 = arith.select %and3A_396, %add3A_398, %scan3A_146 : i32
        %ne3A_400 = arith.cmpi ne, %add3A_155, %add3A_173 : i32
        %or3A_401 = arith.constant false
        %or3A_402 = arith.ori %or3A_401, %ne3A_400 : i1
        %or3A_403 = arith.constant false
        %or3A_404 = arith.ori %or3A_402, %or3A_403 : i1
        %or3A_405 = arith.ori %or3A_404, %eq3A_154 : i1
        %convert_element_type3A_406 = arith.extui %or3A_405 : i1 to i32
        %cond3A_407 = arith.constant 0 : i32
        %cond3A_408 = arith.cmpi ne, %convert_element_type3A_406, %cond3A_407 : i32
        scf.if %cond3A_408 {
          "tpu.trace_start"() <{level = 10 : i32, message = "ep_copy_out"}> : () -> ()
          %rem3A_472 = arith.constant 2 : i32
          %rem3A_473 = arith.remui %scan3A_148, %rem3A_472 : i32
          %mul3A_474 = arith.constant 1 : i32
          %mul3A_475 = arith.muli %mul3A_474, %add3A_155 : i32
          %dma_start3A_476 = arith.constant 0 : i32
          %dma_start3A_477 = arith.constant 0 : i32
          %dma_start3A_478 = tpu.memref_slice %run_scoped3A_10[%rem3A_473, %dma_start3A_476, %dma_start3A_477] : memref<2x1x128xf32, #tpu.memory_space<vmem>> -> memref<1x1x128xf32, #tpu.memory_space<vmem>>
          %dma_start3A_479 = tpu.memref_squeeze %dma_start3A_478 : memref<1x1x128xf32, #tpu.memory_space<vmem>> -> memref<1x128xf32, #tpu.memory_space<vmem>>
          %dma_start3A_480 = arith.constant 0 : i32
          %dma_start3A_481 = tpu.memref_slice %arg6[%mul3A_475, %dma_start3A_480] : memref<1024x128xf32, #tpu.memory_space<hbm>> -> memref<1x128xf32, #tpu.memory_space<hbm>>
          %dma_start3A_482 = tpu.memref_slice %run_scoped3A_11[%rem3A_473] : memref<2x!tpu.dma_semaphore, #tpu.memory_space<semaphore_mem>> -> memref<1x!tpu.dma_semaphore, #tpu.memory_space<semaphore_mem>>
          %dma_start3A_483 = tpu.memref_squeeze %dma_start3A_482 : memref<1x!tpu.dma_semaphore, #tpu.memory_space<semaphore_mem>> -> memref<!tpu.dma_semaphore, #tpu.memory_space<semaphore_mem>>
          %dma_start3A_484 = arith.constant 0 : i32
          %dma_start3A_485 = tpu.memref_slice %arg6[%mul3A_475, %dma_start3A_484] : memref<1024x128xf32, #tpu.memory_space<hbm>> -> memref<1x128xf32, #tpu.memory_space<hbm>>
          %dma_start3A_486 = arith.constant 0 : i32
          %dma_start3A_487 = arith.constant 0 : i32
          %dma_start3A_488 = tpu.memref_slice %run_scoped3A_10[%rem3A_473, %dma_start3A_486, %dma_start3A_487] : memref<2x1x128xf32, #tpu.memory_space<vmem>> -> memref<1x1x128xf32, #tpu.memory_space<vmem>>
          %dma_start3A_489 = tpu.memref_squeeze %dma_start3A_488 : memref<1x1x128xf32, #tpu.memory_space<vmem>> -> memref<1x128xf32, #tpu.memory_space<vmem>>
          tpu.enqueue_dma source(%dma_start3A_489 : memref<1x128xf32, #tpu.memory_space<vmem>>) target(%dma_start3A_485 : memref<1x128xf32, #tpu.memory_space<hbm>>) target_semaphore(%dma_start3A_483 : memref<!tpu.dma_semaphore, #tpu.memory_space<semaphore_mem>>)
          "tpu.trace_stop"() : () -> ()
        } else {
        }
        %and3A_409 = arith.constant true
        %and3A_410 = arith.andi %or3A_405, %and3A_409 : i1
        %add3A_411 = arith.constant 1 : i32
        %add3A_412 = arith.addi %scan3A_148, %add3A_411 : i32
        %select_n3A_413 = arith.select %and3A_410, %add3A_412, %scan3A_148 : i32
        %ne3A_414 = arith.cmpi ne, %add3A_155, %add3A_164 : i32
        %or3A_415 = arith.constant false
        %or3A_416 = arith.ori %or3A_415, %ne3A_414 : i1
        %not3A_417 = arith.constant true
        %not3A_418 = arith.xori %eq3A_152, %not3A_417 : i1
        %and3A_419 = arith.andi %or3A_416, %not3A_418 : i1
        %convert_element_type3A_420 = arith.extui %and3A_419 : i1 to i32
        %cond3A_421 = arith.constant 0 : i32
        %cond3A_422 = arith.cmpi ne, %convert_element_type3A_420, %cond3A_421 : i32
        scf.if %cond3A_422 {
        } else {
        }
        %and3A_423 = arith.constant false
        %and3A_424 = arith.andi %and3A_419, %and3A_423 : i1
        %ne3A_425 = arith.cmpi ne, %add3A_155, %add3A_164 : i32
        %or3A_426 = arith.constant false
        %or3A_427 = arith.ori %or3A_426, %ne3A_425 : i1
        %or3A_428 = arith.constant false
        %or3A_429 = arith.ori %or3A_427, %or3A_428 : i1
        %not3A_430 = arith.constant true
        %not3A_431 = arith.xori %eq3A_152, %not3A_430 : i1
        %and3A_432 = arith.andi %or3A_429, %not3A_431 : i1
        %convert_element_type3A_433 = arith.extui %and3A_432 : i1 to i32
        %cond3A_434 = arith.constant 0 : i32
        %cond3A_435 = arith.cmpi ne, %convert_element_type3A_433, %cond3A_434 : i32
        scf.if %cond3A_435 {
          "tpu.trace_start"() <{level = 10 : i32, message = "ep_wait_out"}> : () -> ()
          %rem3A_472 = arith.constant 2 : i32
          %rem3A_473 = arith.remui %scan3A_147, %rem3A_472 : i32
          %mul3A_474 = arith.constant 128 : i32
          %mul3A_475 = arith.muli %mul3A_474, %add3A_164 : i32
          %dma_wait3A_476 = arith.constant 0 : i32
          %dma_wait3A_477 = arith.constant 0 : i32
          %dma_wait3A_478 = tpu.memref_slice %run_scoped3A_8[%rem3A_473, %dma_wait3A_476, %dma_wait3A_477] : memref<2x128x128xi32, #tpu.memory_space<vmem>> -> memref<1x128x128xi32, #tpu.memory_space<vmem>>
          %dma_wait3A_479 = tpu.memref_squeeze %dma_wait3A_478 : memref<1x128x128xi32, #tpu.memory_space<vmem>> -> memref<128x128xi32, #tpu.memory_space<vmem>>
          %dma_wait3A_480 = arith.constant 0 : i32
          %dma_wait3A_481 = tpu.memref_slice %arg5[%mul3A_475, %dma_wait3A_480] : memref<131072x128xi32, #tpu.memory_space<hbm>> -> memref<128x128xi32, #tpu.memory_space<hbm>>
          %dma_wait3A_482 = tpu.memref_slice %run_scoped3A_9[%rem3A_473] : memref<2x!tpu.dma_semaphore, #tpu.memory_space<semaphore_mem>> -> memref<1x!tpu.dma_semaphore, #tpu.memory_space<semaphore_mem>>
          %dma_wait3A_483 = tpu.memref_squeeze %dma_wait3A_482 : memref<1x!tpu.dma_semaphore, #tpu.memory_space<semaphore_mem>> -> memref<!tpu.dma_semaphore, #tpu.memory_space<semaphore_mem>>
          %dma_wait3A_484 = arith.constant 0 : i32
          %dma_wait3A_485 = tpu.memref_slice %arg5[%mul3A_475, %dma_wait3A_484] : memref<131072x128xi32, #tpu.memory_space<hbm>> -> memref<128x128xi32, #tpu.memory_space<hbm>>
          %dma_wait3A_486 = arith.constant 0 : i32
          %dma_wait3A_487 = arith.constant 0 : i32
          %dma_wait3A_488 = tpu.memref_slice %run_scoped3A_8[%rem3A_473, %dma_wait3A_486, %dma_wait3A_487] : memref<2x128x128xi32, #tpu.memory_space<vmem>> -> memref<1x128x128xi32, #tpu.memory_space<vmem>>
          %dma_wait3A_489 = tpu.memref_squeeze %dma_wait3A_488 : memref<1x128x128xi32, #tpu.memory_space<vmem>> -> memref<128x128xi32, #tpu.memory_space<vmem>>
          tpu.wait_dma2 semaphore(%dma_wait3A_483 : memref<!tpu.dma_semaphore, #tpu.memory_space<semaphore_mem>>) src(%dma_wait3A_489 : memref<128x128xi32, #tpu.memory_space<vmem>>) dst(%dma_wait3A_485 : memref<128x128xi32, #tpu.memory_space<hbm>>)
          "tpu.trace_stop"() : () -> ()
        } else {
        }
        %and3A_436 = arith.constant true
        %and3A_437 = arith.andi %and3A_432, %and3A_436 : i1
        %add3A_438 = arith.constant 1 : i32
        %add3A_439 = arith.addi %scan3A_147, %add3A_438 : i32
        %select_n3A_440 = arith.select %and3A_437, %add3A_439, %scan3A_147 : i32
        %ne3A_441 = arith.cmpi ne, %add3A_155, %add3A_164 : i32
        %or3A_442 = arith.constant false
        %or3A_443 = arith.ori %or3A_442, %ne3A_441 : i1
        %or3A_444 = arith.constant false
        %or3A_445 = arith.ori %or3A_443, %or3A_444 : i1
        %not3A_446 = arith.constant true
        %not3A_447 = arith.xori %eq3A_152, %not3A_446 : i1
        %and3A_448 = arith.andi %or3A_445, %not3A_447 : i1
        %convert_element_type3A_449 = arith.extui %and3A_448 : i1 to i32
        %cond3A_450 = arith.constant 0 : i32
        %cond3A_451 = arith.cmpi ne, %convert_element_type3A_449, %cond3A_450 : i32
        scf.if %cond3A_451 {
          "tpu.trace_start"() <{level = 10 : i32, message = "ep_wait_out"}> : () -> ()
          %rem3A_472 = arith.constant 2 : i32
          %rem3A_473 = arith.remui %scan3A_149, %rem3A_472 : i32
          %mul3A_474 = arith.constant 1 : i32
          %mul3A_475 = arith.muli %mul3A_474, %add3A_164 : i32
          %dma_wait3A_476 = arith.constant 0 : i32
          %dma_wait3A_477 = arith.constant 0 : i32
          %dma_wait3A_478 = tpu.memref_slice %run_scoped3A_10[%rem3A_473, %dma_wait3A_476, %dma_wait3A_477] : memref<2x1x128xf32, #tpu.memory_space<vmem>> -> memref<1x1x128xf32, #tpu.memory_space<vmem>>
          %dma_wait3A_479 = tpu.memref_squeeze %dma_wait3A_478 : memref<1x1x128xf32, #tpu.memory_space<vmem>> -> memref<1x128xf32, #tpu.memory_space<vmem>>
          %dma_wait3A_480 = arith.constant 0 : i32
          %dma_wait3A_481 = tpu.memref_slice %arg6[%mul3A_475, %dma_wait3A_480] : memref<1024x128xf32, #tpu.memory_space<hbm>> -> memref<1x128xf32, #tpu.memory_space<hbm>>
          %dma_wait3A_482 = tpu.memref_slice %run_scoped3A_11[%rem3A_473] : memref<2x!tpu.dma_semaphore, #tpu.memory_space<semaphore_mem>> -> memref<1x!tpu.dma_semaphore, #tpu.memory_space<semaphore_mem>>
          %dma_wait3A_483 = tpu.memref_squeeze %dma_wait3A_482 : memref<1x!tpu.dma_semaphore, #tpu.memory_space<semaphore_mem>> -> memref<!tpu.dma_semaphore, #tpu.memory_space<semaphore_mem>>
          %dma_wait3A_484 = arith.constant 0 : i32
          %dma_wait3A_485 = tpu.memref_slice %arg6[%mul3A_475, %dma_wait3A_484] : memref<1024x128xf32, #tpu.memory_space<hbm>> -> memref<1x128xf32, #tpu.memory_space<hbm>>
          %dma_wait3A_486 = arith.constant 0 : i32
          %dma_wait3A_487 = arith.constant 0 : i32
          %dma_wait3A_488 = tpu.memref_slice %run_scoped3A_10[%rem3A_473, %dma_wait3A_486, %dma_wait3A_487] : memref<2x1x128xf32, #tpu.memory_space<vmem>> -> memref<1x1x128xf32, #tpu.memory_space<vmem>>
          %dma_wait3A_489 = tpu.memref_squeeze %dma_wait3A_488 : memref<1x1x128xf32, #tpu.memory_space<vmem>> -> memref<1x128xf32, #tpu.memory_space<vmem>>
          tpu.wait_dma2 semaphore(%dma_wait3A_483 : memref<!tpu.dma_semaphore, #tpu.memory_space<semaphore_mem>>) src(%dma_wait3A_489 : memref<1x128xf32, #tpu.memory_space<vmem>>) dst(%dma_wait3A_485 : memref<1x128xf32, #tpu.memory_space<hbm>>)
          "tpu.trace_stop"() : () -> ()
        } else {
        }
        %and3A_452 = arith.constant true
        %and3A_453 = arith.andi %and3A_448, %and3A_452 : i1
        %add3A_454 = arith.constant 1 : i32
        %add3A_455 = arith.addi %scan3A_149, %add3A_454 : i32
        %select_n3A_456 = arith.select %and3A_453, %add3A_455, %scan3A_149 : i32
        %ne3A_457 = arith.cmpi ne, %add3A_155, %add3A_173 : i32
        %or3A_458 = arith.constant false
        %or3A_459 = arith.ori %or3A_458, %ne3A_457 : i1
        %or3A_460 = arith.ori %or3A_459, %eq3A_154 : i1
        %add3A_461 = arith.constant 1 : i32
        %add3A_462 = arith.addi %scan3A_145, %add3A_461 : i32
        %select_n3A_463 = arith.select %or3A_460, %add3A_462, %scan3A_145 : i32
        %add3A_464 = arith.constant 1 : i32
        %add3A_465 = arith.addi %scan3A_150, %add3A_464 : i32
        %select_n3A_466 = arith.constant true
        %select_n3A_467 = arith.select %select_n3A_466, %add3A_465, %scan3A_150 : i32
        %eq3A_468 = arith.constant 32 : i32
        %eq3A_469 = arith.cmpi eq, %select_n3A_467, %eq3A_468 : i32
        %select_n3A_470 = arith.constant 0 : i32
        %select_n3A_471 = arith.select %eq3A_469, %select_n3A_470, %select_n3A_467 : i32
        scf.yield %select_n3A_191, %select_n3A_463, %select_n3A_399, %select_n3A_440, %select_n3A_413, %select_n3A_456, %select_n3A_471 : i32, i32, i32, i32, i32, i32, i32
      }
      %scan3A_72 = arith.constant 32 : i32
      %sub3A = arith.constant 1 : i32
      %sub3A_73 = arith.subi %scan3A_71#6, %sub3A : i32
      %select_n3A_74 = arith.constant true
      %select_n3A_75 = arith.select %select_n3A_74, %sub3A_73, %scan3A_71#6 : i32
      %eq3A_76 = arith.constant -1 : i32
      %eq3A_77 = arith.cmpi eq, %select_n3A_75, %eq3A_76 : i32
      %select_n3A_78 = arith.constant 31 : i32
      %select_n3A_79 = arith.select %eq3A_77, %select_n3A_78, %select_n3A_75 : i32
      %add3A_80 = arith.addi %select_n3A_79, %mul3A_6 : i32
      %sub3A_81 = arith.constant 1 : i32
      %sub3A_82 = arith.subi %select_n3A_79, %sub3A_81 : i32
      %select_n3A_83 = arith.constant true
      %select_n3A_84 = arith.select %select_n3A_83, %sub3A_82, %select_n3A_79 : i32
      %eq3A_85 = arith.constant -1 : i32
      %eq3A_86 = arith.cmpi eq, %select_n3A_84, %eq3A_85 : i32
      %select_n3A_87 = arith.constant 31 : i32
      %select_n3A_88 = arith.select %eq3A_86, %select_n3A_87, %select_n3A_84 : i32
      %add3A_89 = arith.addi %select_n3A_88, %mul3A_6 : i32
      %add3A_90 = arith.constant 1 : i32
      %add3A_91 = arith.addi %select_n3A_79, %add3A_90 : i32
      %select_n3A_92 = arith.constant true
      %select_n3A_93 = arith.select %select_n3A_92, %add3A_91, %select_n3A_79 : i32
      %eq3A_94 = arith.constant 32 : i32
      %eq3A_95 = arith.cmpi eq, %select_n3A_93, %eq3A_94 : i32
      %select_n3A_96 = arith.constant 0 : i32
      %select_n3A_97 = arith.select %eq3A_95, %select_n3A_96, %select_n3A_93 : i32
      %add3A_98 = arith.addi %select_n3A_97, %mul3A_6 : i32
      %add3A_99 = arith.constant 1 : i32
      %add3A_100 = arith.addi %select_n3A_97, %add3A_99 : i32
      %select_n3A_101 = arith.constant true
      %select_n3A_102 = arith.select %select_n3A_101, %add3A_100, %select_n3A_97 : i32
      %eq3A_103 = arith.constant 32 : i32
      %eq3A_104 = arith.cmpi eq, %select_n3A_102, %eq3A_103 : i32
      %select_n3A_105 = arith.constant 0 : i32
      %select_n3A_106 = arith.select %eq3A_104, %select_n3A_105, %select_n3A_102 : i32
      %add3A_107 = arith.addi %select_n3A_106, %mul3A_6 : i32
      "tpu.trace_start"() <{level = 10 : i32, message = "ep_finalize"}> : () -> ()
      %rem3A_108 = arith.constant 2 : i32
      %rem3A_109 = arith.remui %scan3A_71#3, %rem3A_108 : i32
      %mul3A_110 = arith.constant 128 : i32
      %mul3A_111 = arith.muli %mul3A_110, %add3A_80 : i32
      %dma_wait3A = arith.constant 0 : i32
      %dma_wait3A_112 = arith.constant 0 : i32
      %dma_wait3A_113 = tpu.memref_slice %run_scoped3A_8[%rem3A_109, %dma_wait3A, %dma_wait3A_112] : memref<2x128x128xi32, #tpu.memory_space<vmem>> -> memref<1x128x128xi32, #tpu.memory_space<vmem>>
      %dma_wait3A_114 = tpu.memref_squeeze %dma_wait3A_113 : memref<1x128x128xi32, #tpu.memory_space<vmem>> -> memref<128x128xi32, #tpu.memory_space<vmem>>
      %dma_wait3A_115 = arith.constant 0 : i32
      %dma_wait3A_116 = tpu.memref_slice %arg5[%mul3A_111, %dma_wait3A_115] : memref<131072x128xi32, #tpu.memory_space<hbm>> -> memref<128x128xi32, #tpu.memory_space<hbm>>
      %dma_wait3A_117 = tpu.memref_slice %run_scoped3A_9[%rem3A_109] : memref<2x!tpu.dma_semaphore, #tpu.memory_space<semaphore_mem>> -> memref<1x!tpu.dma_semaphore, #tpu.memory_space<semaphore_mem>>
      %dma_wait3A_118 = tpu.memref_squeeze %dma_wait3A_117 : memref<1x!tpu.dma_semaphore, #tpu.memory_space<semaphore_mem>> -> memref<!tpu.dma_semaphore, #tpu.memory_space<semaphore_mem>>
      %dma_wait3A_119 = arith.constant 0 : i32
      %dma_wait3A_120 = tpu.memref_slice %arg5[%mul3A_111, %dma_wait3A_119] : memref<131072x128xi32, #tpu.memory_space<hbm>> -> memref<128x128xi32, #tpu.memory_space<hbm>>
      %dma_wait3A_121 = arith.constant 0 : i32
      %dma_wait3A_122 = arith.constant 0 : i32
      %dma_wait3A_123 = tpu.memref_slice %run_scoped3A_8[%rem3A_109, %dma_wait3A_121, %dma_wait3A_122] : memref<2x128x128xi32, #tpu.memory_space<vmem>> -> memref<1x128x128xi32, #tpu.memory_space<vmem>>
      %dma_wait3A_124 = tpu.memref_squeeze %dma_wait3A_123 : memref<1x128x128xi32, #tpu.memory_space<vmem>> -> memref<128x128xi32, #tpu.memory_space<vmem>>
      tpu.wait_dma2 semaphore(%dma_wait3A_118 : memref<!tpu.dma_semaphore, #tpu.memory_space<semaphore_mem>>) src(%dma_wait3A_124 : memref<128x128xi32, #tpu.memory_space<vmem>>) dst(%dma_wait3A_120 : memref<128x128xi32, #tpu.memory_space<hbm>>)
      %rem3A_125 = arith.constant 2 : i32
      %rem3A_126 = arith.remui %scan3A_71#5, %rem3A_125 : i32
      %mul3A_127 = arith.constant 1 : i32
      %mul3A_128 = arith.muli %mul3A_127, %add3A_80 : i32
      %dma_wait3A_129 = arith.constant 0 : i32
      %dma_wait3A_130 = arith.constant 0 : i32
      %dma_wait3A_131 = tpu.memref_slice %run_scoped3A_10[%rem3A_126, %dma_wait3A_129, %dma_wait3A_130] : memref<2x1x128xf32, #tpu.memory_space<vmem>> -> memref<1x1x128xf32, #tpu.memory_space<vmem>>
      %dma_wait3A_132 = tpu.memref_squeeze %dma_wait3A_131 : memref<1x1x128xf32, #tpu.memory_space<vmem>> -> memref<1x128xf32, #tpu.memory_space<vmem>>
      %dma_wait3A_133 = arith.constant 0 : i32
      %dma_wait3A_134 = tpu.memref_slice %arg6[%mul3A_128, %dma_wait3A_133] : memref<1024x128xf32, #tpu.memory_space<hbm>> -> memref<1x128xf32, #tpu.memory_space<hbm>>
      %dma_wait3A_135 = tpu.memref_slice %run_scoped3A_11[%rem3A_126] : memref<2x!tpu.dma_semaphore, #tpu.memory_space<semaphore_mem>> -> memref<1x!tpu.dma_semaphore, #tpu.memory_space<semaphore_mem>>
      %dma_wait3A_136 = tpu.memref_squeeze %dma_wait3A_135 : memref<1x!tpu.dma_semaphore, #tpu.memory_space<semaphore_mem>> -> memref<!tpu.dma_semaphore, #tpu.memory_space<semaphore_mem>>
      %dma_wait3A_137 = arith.constant 0 : i32
      %dma_wait3A_138 = tpu.memref_slice %arg6[%mul3A_128, %dma_wait3A_137] : memref<1024x128xf32, #tpu.memory_space<hbm>> -> memref<1x128xf32, #tpu.memory_space<hbm>>
      %dma_wait3A_139 = arith.constant 0 : i32
      %dma_wait3A_140 = arith.constant 0 : i32
      %dma_wait3A_141 = tpu.memref_slice %run_scoped3A_10[%rem3A_126, %dma_wait3A_139, %dma_wait3A_140] : memref<2x1x128xf32, #tpu.memory_space<vmem>> -> memref<1x1x128xf32, #tpu.memory_space<vmem>>
      %dma_wait3A_142 = tpu.memref_squeeze %dma_wait3A_141 : memref<1x1x128xf32, #tpu.memory_space<vmem>> -> memref<1x128xf32, #tpu.memory_space<vmem>>
      tpu.wait_dma2 semaphore(%dma_wait3A_136 : memref<!tpu.dma_semaphore, #tpu.memory_space<semaphore_mem>>) src(%dma_wait3A_142 : memref<1x128xf32, #tpu.memory_space<vmem>>) dst(%dma_wait3A_138 : memref<1x128xf32, #tpu.memory_space<hbm>>)
      "tpu.trace_stop"() : () -> ()
      tpu.yield
    }) : () -> ()
    return
  }
}

#map = affine_map<(d0, d1) -> (0, 0)>
module attributes {stable_mosaic.version = 14 : i64} {
  func.func @k(%arg0: i32, %arg1: i32, %arg2: memref<10000x128xi32, #tpu.memory_space<hbm>>, %arg3: memref<10000x16xi32, #tpu.memory_space<hbm>>, %arg4: memref<1x73728xi32, #tpu.memory_space<hbm>>, %arg5: memref<1x8192xi32, #tpu.memory_space<hbm>>, %arg6: memref<73728x128xi32, #tpu.memory_space<hbm>>, %arg7: memref<8192x16xi32, #tpu.memory_space<hbm>>) attributes {dimension_semantics = [#tpu.dimension_semantics<core_parallel>, #tpu.dimension_semantics<subcore_parallel>], iteration_bounds = array<i64: 2, 16>, scalar_prefetch = 0 : i64, scratch_operands = 0 : i64, tpu.core_type = #tpu.core_type<sc_vector_subcore>, window_params = [{transform_indices = #map}, {transform_indices = #map}, {transform_indices = #map}, {transform_indices = #map}, {transform_indices = #map}, {transform_indices = #map}]} {
    %mul3A = arith.constant 1 : i32
    %mul3A_0 = arith.muli %arg1, %mul3A : i32
    %add3A = arith.constant 0 : i32
    %add3A_1 = arith.addi %add3A, %mul3A_0 : i32
    %mul3A_2 = arith.constant 16 : i32
    %mul3A_3 = arith.muli %arg0, %mul3A_2 : i32
    %add3A_4 = arith.addi %add3A_1, %mul3A_3 : i32
    %mul3A_5 = arith.constant 18 : i32
    %mul3A_6 = arith.muli %add3A_4, %mul3A_5 : i32
    "tpu.region"() ({
      %run_scoped3A = memref.alloca() : memref<2x1x128xi32, #tpu.memory_space<vmem>>
      %run_scoped3A_16 = tpu.sem_alloc : memref<2x!tpu.dma_semaphore, #tpu.memory_space<semaphore_mem>>
      %run_scoped3A_17 = memref.alloca() : memref<2x128x128xi32, #tpu.memory_space<vmem>>
      %run_scoped3A_18 = tpu.sem_alloc : memref<2x!tpu.dma_semaphore, #tpu.memory_space<semaphore_mem>>
      %add3A_19 = arith.constant 0 : i32
      %add3A_20 = arith.addi %add3A_19, %mul3A_6 : i32
      %select_n3A = arith.constant true
      %select_n3A_21 = arith.constant 0 : i32
      %select_n3A_22 = arith.constant -1 : i32
      %select_n3A_23 = arith.select %select_n3A, %select_n3A_22, %select_n3A_21 : i32
      %eq3A = arith.constant -1 : i32
      %eq3A_24 = arith.cmpi eq, %select_n3A_23, %eq3A : i32
      %select_n3A_25 = arith.constant 17 : i32
      %select_n3A_26 = arith.select %eq3A_24, %select_n3A_25, %select_n3A_23 : i32
      %add3A_27 = arith.addi %select_n3A_26, %mul3A_6 : i32
      %select_n3A_28 = arith.constant true
      %select_n3A_29 = arith.constant 0 : i32
      %select_n3A_30 = arith.constant 1 : i32
      %select_n3A_31 = arith.select %select_n3A_28, %select_n3A_30, %select_n3A_29 : i32
      %eq3A_32 = arith.constant 18 : i32
      %eq3A_33 = arith.cmpi eq, %select_n3A_31, %eq3A_32 : i32
      %select_n3A_34 = arith.constant 0 : i32
      %select_n3A_35 = arith.select %eq3A_33, %select_n3A_34, %select_n3A_31 : i32
      %add3A_36 = arith.addi %select_n3A_35, %mul3A_6 : i32
      %add3A_37 = arith.constant 1 : i32
      %add3A_38 = arith.addi %select_n3A_35, %add3A_37 : i32
      %select_n3A_39 = arith.constant true
      %select_n3A_40 = arith.select %select_n3A_39, %add3A_38, %select_n3A_35 : i32
      %eq3A_41 = arith.constant 18 : i32
      %eq3A_42 = arith.cmpi eq, %select_n3A_40, %eq3A_41 : i32
      %select_n3A_43 = arith.constant 0 : i32
      %select_n3A_44 = arith.select %eq3A_42, %select_n3A_43, %select_n3A_40 : i32
      %add3A_45 = arith.addi %select_n3A_44, %mul3A_6 : i32
      "tpu.trace_start"() <{level = 10 : i32, message = "ep_initialize_0"}> : () -> ()
      %rem3A = arith.constant 0 : i32
      %rem3A_46 = arith.constant 2 : i32
      %rem3A_47 = arith.remui %rem3A, %rem3A_46 : i32
      %mul3A_48 = arith.constant 128 : i32
      %mul3A_49 = arith.muli %mul3A_48, %add3A_20 : i32
      %dma_start3A = arith.constant 0 : i32
      %dma_start3A_50 = arith.constant 0 : i32
      %dma_start3A_51 = tpu.memref_slice %run_scoped3A[%rem3A_47, %dma_start3A, %dma_start3A_50] : memref<2x1x128xi32, #tpu.memory_space<vmem>> -> memref<1x1x128xi32, #tpu.memory_space<vmem>>
      %dma_start3A_52 = tpu.memref_squeeze %dma_start3A_51 : memref<1x1x128xi32, #tpu.memory_space<vmem>> -> memref<1x128xi32, #tpu.memory_space<vmem>>
      %dma_start3A_53 = arith.constant 0 : i32
      %dma_start3A_54 = tpu.memref_slice %arg4[%dma_start3A_53, %mul3A_49] : memref<1x73728xi32, #tpu.memory_space<hbm>> -> memref<1x128xi32, #tpu.memory_space<hbm>>
      %dma_start3A_55 = tpu.memref_slice %run_scoped3A_16[%rem3A_47] : memref<2x!tpu.dma_semaphore, #tpu.memory_space<semaphore_mem>> -> memref<1x!tpu.dma_semaphore, #tpu.memory_space<semaphore_mem>>
      %dma_start3A_56 = tpu.memref_squeeze %dma_start3A_55 : memref<1x!tpu.dma_semaphore, #tpu.memory_space<semaphore_mem>> -> memref<!tpu.dma_semaphore, #tpu.memory_space<semaphore_mem>>
      %dma_start3A_57 = arith.constant 0 : i32
      %dma_start3A_58 = arith.constant 0 : i32
      %dma_start3A_59 = tpu.memref_slice %run_scoped3A[%rem3A_47, %dma_start3A_57, %dma_start3A_58] : memref<2x1x128xi32, #tpu.memory_space<vmem>> -> memref<1x1x128xi32, #tpu.memory_space<vmem>>
      %dma_start3A_60 = tpu.memref_squeeze %dma_start3A_59 : memref<1x1x128xi32, #tpu.memory_space<vmem>> -> memref<1x128xi32, #tpu.memory_space<vmem>>
      %dma_start3A_61 = arith.constant 0 : i32
      %dma_start3A_62 = tpu.memref_slice %arg4[%dma_start3A_61, %mul3A_49] : memref<1x73728xi32, #tpu.memory_space<hbm>> -> memref<1x128xi32, #tpu.memory_space<hbm>>
      tpu.enqueue_dma source(%dma_start3A_62 : memref<1x128xi32, #tpu.memory_space<hbm>>) target(%dma_start3A_60 : memref<1x128xi32, #tpu.memory_space<vmem>>) target_semaphore(%dma_start3A_56 : memref<!tpu.dma_semaphore, #tpu.memory_space<semaphore_mem>>)
      %add3A_63 = arith.constant 0 : i32
      %add3A_64 = arith.constant 1 : i32
      %add3A_65 = arith.addi %add3A_63, %add3A_64 : i32
      %select_n3A_66 = arith.constant true
      %select_n3A_67 = arith.constant 0 : i32
      %select_n3A_68 = arith.select %select_n3A_66, %add3A_65, %select_n3A_67 : i32
      "tpu.trace_stop"() : () -> ()
      %scan3A = arith.constant 0 : i32
      %scan3A_69 = arith.constant 0 : i32
      %scan3A_70 = arith.constant 0 : i32
      %scan3A_71 = arith.constant 0 : i32
      %scan3A_72 = arith.constant 0 : i32
      %scan3A_73 = arith.constant 18 : i32
      %scan3A_74 = arith.addi %scan3A_72, %scan3A_73 : i32
      %scan3A_75 = arith.constant 1 : i32
      %scan3A_76:5 = scf.for %scan3A_130 = %scan3A_72 to %scan3A_74 step %scan3A_75 iter_args(%scan3A_131 = %select_n3A_68, %scan3A_132 = %scan3A, %scan3A_133 = %scan3A_69, %scan3A_134 = %scan3A_70, %scan3A_135 = %scan3A_71) -> (i32, i32, i32, i32, i32)  : i32 {
        %eq3A_136 = arith.constant 0 : i32
        %eq3A_137 = arith.cmpi eq, %scan3A_130, %eq3A_136 : i32
        %eq3A_138 = arith.constant 17 : i32
        %eq3A_139 = arith.cmpi eq, %scan3A_130, %eq3A_138 : i32
        %add3A_140 = arith.addi %scan3A_135, %mul3A_6 : i32
        %sub3A_141 = arith.constant 1 : i32
        %sub3A_142 = arith.subi %scan3A_135, %sub3A_141 : i32
        %select_n3A_143 = arith.constant true
        %select_n3A_144 = arith.select %select_n3A_143, %sub3A_142, %scan3A_135 : i32
        %eq3A_145 = arith.constant -1 : i32
        %eq3A_146 = arith.cmpi eq, %select_n3A_144, %eq3A_145 : i32
        %select_n3A_147 = arith.constant 17 : i32
        %select_n3A_148 = arith.select %eq3A_146, %select_n3A_147, %select_n3A_144 : i32
        %add3A_149 = arith.addi %select_n3A_148, %mul3A_6 : i32
        %add3A_150 = arith.constant 1 : i32
        %add3A_151 = arith.addi %scan3A_135, %add3A_150 : i32
        %select_n3A_152 = arith.constant true
        %select_n3A_153 = arith.select %select_n3A_152, %add3A_151, %scan3A_135 : i32
        %eq3A_154 = arith.constant 18 : i32
        %eq3A_155 = arith.cmpi eq, %select_n3A_153, %eq3A_154 : i32
        %select_n3A_156 = arith.constant 0 : i32
        %select_n3A_157 = arith.select %eq3A_155, %select_n3A_156, %select_n3A_153 : i32
        %add3A_158 = arith.addi %select_n3A_157, %mul3A_6 : i32
        %add3A_159 = arith.constant 1 : i32
        %add3A_160 = arith.addi %select_n3A_157, %add3A_159 : i32
        %select_n3A_161 = arith.constant true
        %select_n3A_162 = arith.select %select_n3A_161, %add3A_160, %select_n3A_157 : i32
        %eq3A_163 = arith.constant 18 : i32
        %eq3A_164 = arith.cmpi eq, %select_n3A_162, %eq3A_163 : i32
        %select_n3A_165 = arith.constant 0 : i32
        %select_n3A_166 = arith.select %eq3A_164, %select_n3A_165, %select_n3A_162 : i32
        %add3A_167 = arith.addi %select_n3A_166, %mul3A_6 : i32
        %ne3A = arith.cmpi ne, %add3A_140, %add3A_158 : i32
        %or3A = arith.constant false
        %or3A_168 = arith.ori %or3A, %ne3A : i1
        %ge3A = arith.constant 17 : i32
        %ge3A_169 = arith.cmpi sge, %scan3A_130, %ge3A : i32
        %not3A = arith.constant true
        %not3A_170 = arith.xori %ge3A_169, %not3A : i1
        %and3A = arith.andi %or3A_168, %not3A_170 : i1
        %convert_element_type3A = arith.extui %and3A : i1 to i32
        %cond3A = arith.constant 0 : i32
        %cond3A_171 = arith.cmpi ne, %convert_element_type3A, %cond3A : i32
        scf.if %cond3A_171 {
          "tpu.trace_start"() <{level = 10 : i32, message = "ep_copy_in"}> : () -> ()
          %rem3A_273 = arith.constant 2 : i32
          %rem3A_274 = arith.remui %scan3A_131, %rem3A_273 : i32
          %mul3A_275 = arith.constant 128 : i32
          %mul3A_276 = arith.muli %mul3A_275, %add3A_158 : i32
          %dma_start3A_277 = arith.constant 0 : i32
          %dma_start3A_278 = arith.constant 0 : i32
          %dma_start3A_279 = tpu.memref_slice %run_scoped3A[%rem3A_274, %dma_start3A_277, %dma_start3A_278] : memref<2x1x128xi32, #tpu.memory_space<vmem>> -> memref<1x1x128xi32, #tpu.memory_space<vmem>>
          %dma_start3A_280 = tpu.memref_squeeze %dma_start3A_279 : memref<1x1x128xi32, #tpu.memory_space<vmem>> -> memref<1x128xi32, #tpu.memory_space<vmem>>
          %dma_start3A_281 = arith.constant 0 : i32
          %dma_start3A_282 = tpu.memref_slice %arg4[%dma_start3A_281, %mul3A_276] : memref<1x73728xi32, #tpu.memory_space<hbm>> -> memref<1x128xi32, #tpu.memory_space<hbm>>
          %dma_start3A_283 = tpu.memref_slice %run_scoped3A_16[%rem3A_274] : memref<2x!tpu.dma_semaphore, #tpu.memory_space<semaphore_mem>> -> memref<1x!tpu.dma_semaphore, #tpu.memory_space<semaphore_mem>>
          %dma_start3A_284 = tpu.memref_squeeze %dma_start3A_283 : memref<1x!tpu.dma_semaphore, #tpu.memory_space<semaphore_mem>> -> memref<!tpu.dma_semaphore, #tpu.memory_space<semaphore_mem>>
          %dma_start3A_285 = arith.constant 0 : i32
          %dma_start3A_286 = arith.constant 0 : i32
          %dma_start3A_287 = tpu.memref_slice %run_scoped3A[%rem3A_274, %dma_start3A_285, %dma_start3A_286] : memref<2x1x128xi32, #tpu.memory_space<vmem>> -> memref<1x1x128xi32, #tpu.memory_space<vmem>>
          %dma_start3A_288 = tpu.memref_squeeze %dma_start3A_287 : memref<1x1x128xi32, #tpu.memory_space<vmem>> -> memref<1x128xi32, #tpu.memory_space<vmem>>
          %dma_start3A_289 = arith.constant 0 : i32
          %dma_start3A_290 = tpu.memref_slice %arg4[%dma_start3A_289, %mul3A_276] : memref<1x73728xi32, #tpu.memory_space<hbm>> -> memref<1x128xi32, #tpu.memory_space<hbm>>
          tpu.enqueue_dma source(%dma_start3A_290 : memref<1x128xi32, #tpu.memory_space<hbm>>) target(%dma_start3A_288 : memref<1x128xi32, #tpu.memory_space<vmem>>) target_semaphore(%dma_start3A_284 : memref<!tpu.dma_semaphore, #tpu.memory_space<semaphore_mem>>)
          "tpu.trace_stop"() : () -> ()
        } else {
        }
        %and3A_172 = arith.constant true
        %and3A_173 = arith.andi %and3A, %and3A_172 : i1
        %add3A_174 = arith.constant 1 : i32
        %add3A_175 = arith.addi %scan3A_131, %add3A_174 : i32
        %select_n3A_176 = arith.select %and3A_173, %add3A_175, %scan3A_131 : i32
        %ne3A_177 = arith.cmpi ne, %add3A_140, %add3A_158 : i32
        %or3A_178 = arith.constant false
        %or3A_179 = arith.ori %or3A_178, %ne3A_177 : i1
        %or3A_180 = arith.constant false
        %or3A_181 = arith.ori %or3A_179, %or3A_180 : i1
        %ge3A_182 = arith.constant 17 : i32
        %ge3A_183 = arith.cmpi sge, %scan3A_130, %ge3A_182 : i32
        %not3A_184 = arith.constant true
        %not3A_185 = arith.xori %ge3A_183, %not3A_184 : i1
        %and3A_186 = arith.andi %or3A_181, %not3A_185 : i1
        %ne3A_187 = arith.cmpi ne, %add3A_140, %add3A_149 : i32
        %or3A_188 = arith.constant false
        %or3A_189 = arith.ori %or3A_188, %ne3A_187 : i1
        %or3A_190 = arith.ori %or3A_189, %eq3A_137 : i1
        %convert_element_type3A_191 = arith.extui %or3A_190 : i1 to i32
        %cond3A_192 = arith.constant 0 : i32
        %cond3A_193 = arith.cmpi ne, %convert_element_type3A_191, %cond3A_192 : i32
        scf.if %cond3A_193 {
          "tpu.trace_start"() <{level = 10 : i32, message = "ep_wait_in"}> : () -> ()
          %mul3A_273 = arith.constant 128 : i32
          %mul3A_274 = arith.muli %mul3A_273, %add3A_140 : i32
          %rem3A_275 = arith.constant 2 : i32
          %rem3A_276 = arith.remui %scan3A_132, %rem3A_275 : i32
          %dma_wait3A_277 = arith.constant 0 : i32
          %dma_wait3A_278 = arith.constant 0 : i32
          %dma_wait3A_279 = tpu.memref_slice %run_scoped3A[%rem3A_276, %dma_wait3A_277, %dma_wait3A_278] : memref<2x1x128xi32, #tpu.memory_space<vmem>> -> memref<1x1x128xi32, #tpu.memory_space<vmem>>
          %dma_wait3A_280 = tpu.memref_squeeze %dma_wait3A_279 : memref<1x1x128xi32, #tpu.memory_space<vmem>> -> memref<1x128xi32, #tpu.memory_space<vmem>>
          %dma_wait3A_281 = arith.constant 0 : i32
          %dma_wait3A_282 = tpu.memref_slice %arg4[%dma_wait3A_281, %mul3A_274] : memref<1x73728xi32, #tpu.memory_space<hbm>> -> memref<1x128xi32, #tpu.memory_space<hbm>>
          %dma_wait3A_283 = tpu.memref_slice %run_scoped3A_16[%rem3A_276] : memref<2x!tpu.dma_semaphore, #tpu.memory_space<semaphore_mem>> -> memref<1x!tpu.dma_semaphore, #tpu.memory_space<semaphore_mem>>
          %dma_wait3A_284 = tpu.memref_squeeze %dma_wait3A_283 : memref<1x!tpu.dma_semaphore, #tpu.memory_space<semaphore_mem>> -> memref<!tpu.dma_semaphore, #tpu.memory_space<semaphore_mem>>
          %dma_wait3A_285 = arith.constant 0 : i32
          %dma_wait3A_286 = arith.constant 0 : i32
          %dma_wait3A_287 = tpu.memref_slice %run_scoped3A[%rem3A_276, %dma_wait3A_285, %dma_wait3A_286] : memref<2x1x128xi32, #tpu.memory_space<vmem>> -> memref<1x1x128xi32, #tpu.memory_space<vmem>>
          %dma_wait3A_288 = tpu.memref_squeeze %dma_wait3A_287 : memref<1x1x128xi32, #tpu.memory_space<vmem>> -> memref<1x128xi32, #tpu.memory_space<vmem>>
          %dma_wait3A_289 = arith.constant 0 : i32
          %dma_wait3A_290 = tpu.memref_slice %arg4[%dma_wait3A_289, %mul3A_274] : memref<1x73728xi32, #tpu.memory_space<hbm>> -> memref<1x128xi32, #tpu.memory_space<hbm>>
          tpu.wait_dma2 semaphore(%dma_wait3A_284 : memref<!tpu.dma_semaphore, #tpu.memory_space<semaphore_mem>>) src(%dma_wait3A_290 : memref<1x128xi32, #tpu.memory_space<hbm>>) dst(%dma_wait3A_288 : memref<1x128xi32, #tpu.memory_space<vmem>>)
          "tpu.trace_stop"() : () -> ()
        } else {
        }
        %ne3A_194 = arith.cmpi ne, %add3A_140, %add3A_149 : i32
        %or3A_195 = arith.constant false
        %or3A_196 = arith.ori %or3A_195, %ne3A_194 : i1
        %or3A_197 = arith.constant false
        %or3A_198 = arith.ori %or3A_196, %or3A_197 : i1
        %or3A_199 = arith.ori %or3A_198, %eq3A_137 : i1
        %convert_element_type3A_200 = arith.extui %or3A_199 : i1 to i32
        %cond3A_201 = arith.constant 0 : i32
        %cond3A_202 = arith.cmpi ne, %convert_element_type3A_200, %cond3A_201 : i32
        scf.if %cond3A_202 {
        } else {
        }
        %rem3A_203 = arith.constant 2 : i32
        %rem3A_204 = arith.remui %scan3A_132, %rem3A_203 : i32
        %rem3A_205 = arith.constant 2 : i32
        %rem3A_206 = arith.remui %scan3A_133, %rem3A_205 : i32
        %run_scoped3A_207 = arith.constant 0 : i32
        "tpu.trace_start"() <{level = 10 : i32, message = "ep_run_kernel"}> : () -> ()
        "tpu.region"() ({
          %run_scoped3A_273 = tpu.sem_alloc : memref<!tpu.dma_semaphore, #tpu.memory_space<semaphore_mem>>
          %dma_start3A_274 = arith.constant 0 : i32
          %dma_start3A_275 = arith.constant 0 : i32
          %dma_start3A_276 = tpu.memref_slice %run_scoped3A_17[%rem3A_206, %dma_start3A_274, %dma_start3A_275] : memref<2x128x128xi32, #tpu.memory_space<vmem>> -> memref<1x128x128xi32, #tpu.memory_space<vmem>>
          %dma_start3A_277 = tpu.memref_squeeze %dma_start3A_276 : memref<1x128x128xi32, #tpu.memory_space<vmem>> -> memref<128x128xi32, #tpu.memory_space<vmem>>
          %dma_start3A_278 = arith.constant 0 : i32
          %dma_start3A_279 = arith.constant 0 : i32
          %dma_start3A_280 = tpu.memref_slice %run_scoped3A[%rem3A_204, %dma_start3A_278, %dma_start3A_279] : memref<2x1x128xi32, #tpu.memory_space<vmem>> -> memref<1x1x128xi32, #tpu.memory_space<vmem>>
          %dma_start3A_281 = tpu.memref_squeeze %dma_start3A_280 : memref<1x1x128xi32, #tpu.memory_space<vmem>> -> memref<1x128xi32, #tpu.memory_space<vmem>>
          %dma_start3A_282 = arith.constant 0 : i32
          %dma_start3A_283 = tpu.memref_slice %dma_start3A_281[%run_scoped3A_207, %dma_start3A_282] : memref<1x128xi32, #tpu.memory_space<vmem>> -> memref<1x128xi32, #tpu.memory_space<vmem>>
          %dma_start3A_284 = tpu.memref_squeeze %dma_start3A_283 : memref<1x128xi32, #tpu.memory_space<vmem>> -> memref<128xi32, #tpu.memory_space<vmem>>
          %dma_start3A_285 = arith.constant 0 : i32
          %dma_start3A_286 = arith.constant 0 : i32
          %dma_start3A_287 = tpu.memref_slice %arg2[%dma_start3A_285, %dma_start3A_286] : memref<10000x128xi32, #tpu.memory_space<hbm>> -> memref<10000x128xi32, #tpu.memory_space<hbm>>
          tpu.enqueue_indirect_dma source(%dma_start3A_287 : memref<10000x128xi32, #tpu.memory_space<hbm>>) target(%dma_start3A_277 : memref<128x128xi32, #tpu.memory_space<vmem>>) offsets(%dma_start3A_284 : memref<128xi32, #tpu.memory_space<vmem>>) semaphore(%run_scoped3A_273 : memref<!tpu.dma_semaphore, #tpu.memory_space<semaphore_mem>>)
          %dma_wait3A_288 = arith.constant 0 : i32
          %dma_wait3A_289 = arith.constant 0 : i32
          %dma_wait3A_290 = tpu.memref_slice %run_scoped3A_17[%rem3A_206, %dma_wait3A_288, %dma_wait3A_289] : memref<2x128x128xi32, #tpu.memory_space<vmem>> -> memref<1x128x128xi32, #tpu.memory_space<vmem>>
          %dma_wait3A_291 = tpu.memref_squeeze %dma_wait3A_290 : memref<1x128x128xi32, #tpu.memory_space<vmem>> -> memref<128x128xi32, #tpu.memory_space<vmem>>
          %dma_wait3A_292 = arith.constant 0 : i32
          %dma_wait3A_293 = arith.constant 0 : i32
          %dma_wait3A_294 = tpu.memref_slice %run_scoped3A[%rem3A_204, %dma_wait3A_292, %dma_wait3A_293] : memref<2x1x128xi32, #tpu.memory_space<vmem>> -> memref<1x1x128xi32, #tpu.memory_space<vmem>>
          %dma_wait3A_295 = tpu.memref_squeeze %dma_wait3A_294 : memref<1x1x128xi32, #tpu.memory_space<vmem>> -> memref<1x128xi32, #tpu.memory_space<vmem>>
          %dma_wait3A_296 = arith.constant 0 : i32
          %dma_wait3A_297 = tpu.memref_slice %dma_wait3A_295[%run_scoped3A_207, %dma_wait3A_296] : memref<1x128xi32, #tpu.memory_space<vmem>> -> memref<1x128xi32, #tpu.memory_space<vmem>>
          %dma_wait3A_298 = tpu.memref_squeeze %dma_wait3A_297 : memref<1x128xi32, #tpu.memory_space<vmem>> -> memref<128xi32, #tpu.memory_space<vmem>>
          %dma_wait3A_299 = arith.constant 0 : i32
          %dma_wait3A_300 = arith.constant 0 : i32
          %dma_wait3A_301 = tpu.memref_slice %arg2[%dma_wait3A_299, %dma_wait3A_300] : memref<10000x128xi32, #tpu.memory_space<hbm>> -> memref<10000x128xi32, #tpu.memory_space<hbm>>
          tpu.wait_indirect_dma semaphore(%run_scoped3A_273 : memref<!tpu.dma_semaphore, #tpu.memory_space<semaphore_mem>>) src(%dma_wait3A_301 : memref<10000x128xi32, #tpu.memory_space<hbm>>) dst(%dma_wait3A_291 : memref<128x128xi32, #tpu.memory_space<vmem>>)
          tpu.yield
        }) : () -> ()
        "tpu.trace_stop"() : () -> ()
        %ne3A_208 = arith.cmpi ne, %add3A_140, %add3A_158 : i32
        %or3A_209 = arith.constant false
        %or3A_210 = arith.ori %or3A_209, %ne3A_208 : i1
        %or3A_211 = arith.ori %or3A_210, %eq3A_139 : i1
        %convert_element_type3A_212 = arith.extui %or3A_211 : i1 to i32
        %cond3A_213 = arith.constant 0 : i32
        %cond3A_214 = arith.cmpi ne, %convert_element_type3A_212, %cond3A_213 : i32
        scf.if %cond3A_214 {
        } else {
        }
        %and3A_215 = arith.constant false
        %and3A_216 = arith.andi %or3A_211, %and3A_215 : i1
        %ne3A_217 = arith.cmpi ne, %add3A_140, %add3A_158 : i32
        %or3A_218 = arith.constant false
        %or3A_219 = arith.ori %or3A_218, %ne3A_217 : i1
        %or3A_220 = arith.constant false
        %or3A_221 = arith.ori %or3A_219, %or3A_220 : i1
        %or3A_222 = arith.ori %or3A_221, %eq3A_139 : i1
        %convert_element_type3A_223 = arith.extui %or3A_222 : i1 to i32
        %cond3A_224 = arith.constant 0 : i32
        %cond3A_225 = arith.cmpi ne, %convert_element_type3A_223, %cond3A_224 : i32
        scf.if %cond3A_225 {
          "tpu.trace_start"() <{level = 10 : i32, message = "ep_copy_out"}> : () -> ()
          %rem3A_273 = arith.constant 2 : i32
          %rem3A_274 = arith.remui %scan3A_133, %rem3A_273 : i32
          %mul3A_275 = arith.constant 128 : i32
          %mul3A_276 = arith.muli %mul3A_275, %add3A_140 : i32
          %dma_start3A_277 = arith.constant 0 : i32
          %dma_start3A_278 = arith.constant 0 : i32
          %dma_start3A_279 = tpu.memref_slice %run_scoped3A_17[%rem3A_274, %dma_start3A_277, %dma_start3A_278] : memref<2x128x128xi32, #tpu.memory_space<vmem>> -> memref<1x128x128xi32, #tpu.memory_space<vmem>>
          %dma_start3A_280 = tpu.memref_squeeze %dma_start3A_279 : memref<1x128x128xi32, #tpu.memory_space<vmem>> -> memref<128x128xi32, #tpu.memory_space<vmem>>
          %dma_start3A_281 = arith.constant 0 : i32
          %dma_start3A_282 = tpu.memref_slice %arg6[%mul3A_276, %dma_start3A_281] : memref<73728x128xi32, #tpu.memory_space<hbm>> -> memref<128x128xi32, #tpu.memory_space<hbm>>
          %dma_start3A_283 = tpu.memref_slice %run_scoped3A_18[%rem3A_274] : memref<2x!tpu.dma_semaphore, #tpu.memory_space<semaphore_mem>> -> memref<1x!tpu.dma_semaphore, #tpu.memory_space<semaphore_mem>>
          %dma_start3A_284 = tpu.memref_squeeze %dma_start3A_283 : memref<1x!tpu.dma_semaphore, #tpu.memory_space<semaphore_mem>> -> memref<!tpu.dma_semaphore, #tpu.memory_space<semaphore_mem>>
          %dma_start3A_285 = arith.constant 0 : i32
          %dma_start3A_286 = tpu.memref_slice %arg6[%mul3A_276, %dma_start3A_285] : memref<73728x128xi32, #tpu.memory_space<hbm>> -> memref<128x128xi32, #tpu.memory_space<hbm>>
          %dma_start3A_287 = arith.constant 0 : i32
          %dma_start3A_288 = arith.constant 0 : i32
          %dma_start3A_289 = tpu.memref_slice %run_scoped3A_17[%rem3A_274, %dma_start3A_287, %dma_start3A_288] : memref<2x128x128xi32, #tpu.memory_space<vmem>> -> memref<1x128x128xi32, #tpu.memory_space<vmem>>
          %dma_start3A_290 = tpu.memref_squeeze %dma_start3A_289 : memref<1x128x128xi32, #tpu.memory_space<vmem>> -> memref<128x128xi32, #tpu.memory_space<vmem>>
          tpu.enqueue_dma source(%dma_start3A_290 : memref<128x128xi32, #tpu.memory_space<vmem>>) target(%dma_start3A_286 : memref<128x128xi32, #tpu.memory_space<hbm>>) target_semaphore(%dma_start3A_284 : memref<!tpu.dma_semaphore, #tpu.memory_space<semaphore_mem>>)
          "tpu.trace_stop"() : () -> ()
        } else {
        }
        %and3A_226 = arith.constant true
        %and3A_227 = arith.andi %or3A_222, %and3A_226 : i1
        %add3A_228 = arith.constant 1 : i32
        %add3A_229 = arith.addi %scan3A_133, %add3A_228 : i32
        %select_n3A_230 = arith.select %and3A_227, %add3A_229, %scan3A_133 : i32
        %ne3A_231 = arith.cmpi ne, %add3A_140, %add3A_149 : i32
        %or3A_232 = arith.constant false
        %or3A_233 = arith.ori %or3A_232, %ne3A_231 : i1
        %not3A_234 = arith.constant true
        %not3A_235 = arith.xori %eq3A_137, %not3A_234 : i1
        %and3A_236 = arith.andi %or3A_233, %not3A_235 : i1
        %convert_element_type3A_237 = arith.extui %and3A_236 : i1 to i32
        %cond3A_238 = arith.constant 0 : i32
        %cond3A_239 = arith.cmpi ne, %convert_element_type3A_237, %cond3A_238 : i32
        scf.if %cond3A_239 {
        } else {
        }
        %and3A_240 = arith.constant false
        %and3A_241 = arith.andi %and3A_236, %and3A_240 : i1
        %ne3A_242 = arith.cmpi ne, %add3A_140, %add3A_149 : i32
        %or3A_243 = arith.constant false
        %or3A_244 = arith.ori %or3A_243, %ne3A_242 : i1
        %or3A_245 = arith.constant false
        %or3A_246 = arith.ori %or3A_244, %or3A_245 : i1
        %not3A_247 = arith.constant true
        %not3A_248 = arith.xori %eq3A_137, %not3A_247 : i1
        %and3A_249 = arith.andi %or3A_246, %not3A_248 : i1
        %convert_element_type3A_250 = arith.extui %and3A_249 : i1 to i32
        %cond3A_251 = arith.constant 0 : i32
        %cond3A_252 = arith.cmpi ne, %convert_element_type3A_250, %cond3A_251 : i32
        scf.if %cond3A_252 {
          "tpu.trace_start"() <{level = 10 : i32, message = "ep_wait_out"}> : () -> ()
          %rem3A_273 = arith.constant 2 : i32
          %rem3A_274 = arith.remui %scan3A_134, %rem3A_273 : i32
          %mul3A_275 = arith.constant 128 : i32
          %mul3A_276 = arith.muli %mul3A_275, %add3A_149 : i32
          %dma_wait3A_277 = arith.constant 0 : i32
          %dma_wait3A_278 = arith.constant 0 : i32
          %dma_wait3A_279 = tpu.memref_slice %run_scoped3A_17[%rem3A_274, %dma_wait3A_277, %dma_wait3A_278] : memref<2x128x128xi32, #tpu.memory_space<vmem>> -> memref<1x128x128xi32, #tpu.memory_space<vmem>>
          %dma_wait3A_280 = tpu.memref_squeeze %dma_wait3A_279 : memref<1x128x128xi32, #tpu.memory_space<vmem>> -> memref<128x128xi32, #tpu.memory_space<vmem>>
          %dma_wait3A_281 = arith.constant 0 : i32
          %dma_wait3A_282 = tpu.memref_slice %arg6[%mul3A_276, %dma_wait3A_281] : memref<73728x128xi32, #tpu.memory_space<hbm>> -> memref<128x128xi32, #tpu.memory_space<hbm>>
          %dma_wait3A_283 = tpu.memref_slice %run_scoped3A_18[%rem3A_274] : memref<2x!tpu.dma_semaphore, #tpu.memory_space<semaphore_mem>> -> memref<1x!tpu.dma_semaphore, #tpu.memory_space<semaphore_mem>>
          %dma_wait3A_284 = tpu.memref_squeeze %dma_wait3A_283 : memref<1x!tpu.dma_semaphore, #tpu.memory_space<semaphore_mem>> -> memref<!tpu.dma_semaphore, #tpu.memory_space<semaphore_mem>>
          %dma_wait3A_285 = arith.constant 0 : i32
          %dma_wait3A_286 = tpu.memref_slice %arg6[%mul3A_276, %dma_wait3A_285] : memref<73728x128xi32, #tpu.memory_space<hbm>> -> memref<128x128xi32, #tpu.memory_space<hbm>>
          %dma_wait3A_287 = arith.constant 0 : i32
          %dma_wait3A_288 = arith.constant 0 : i32
          %dma_wait3A_289 = tpu.memref_slice %run_scoped3A_17[%rem3A_274, %dma_wait3A_287, %dma_wait3A_288] : memref<2x128x128xi32, #tpu.memory_space<vmem>> -> memref<1x128x128xi32, #tpu.memory_space<vmem>>
          %dma_wait3A_290 = tpu.memref_squeeze %dma_wait3A_289 : memref<1x128x128xi32, #tpu.memory_space<vmem>> -> memref<128x128xi32, #tpu.memory_space<vmem>>
          tpu.wait_dma2 semaphore(%dma_wait3A_284 : memref<!tpu.dma_semaphore, #tpu.memory_space<semaphore_mem>>) src(%dma_wait3A_290 : memref<128x128xi32, #tpu.memory_space<vmem>>) dst(%dma_wait3A_286 : memref<128x128xi32, #tpu.memory_space<hbm>>)
          "tpu.trace_stop"() : () -> ()
        } else {
        }
        %and3A_253 = arith.constant true
        %and3A_254 = arith.andi %and3A_249, %and3A_253 : i1
        %add3A_255 = arith.constant 1 : i32
        %add3A_256 = arith.addi %scan3A_134, %add3A_255 : i32
        %select_n3A_257 = arith.select %and3A_254, %add3A_256, %scan3A_134 : i32
        %ne3A_258 = arith.cmpi ne, %add3A_140, %add3A_158 : i32
        %or3A_259 = arith.constant false
        %or3A_260 = arith.ori %or3A_259, %ne3A_258 : i1
        %or3A_261 = arith.ori %or3A_260, %eq3A_139 : i1
        %add3A_262 = arith.constant 1 : i32
        %add3A_263 = arith.addi %scan3A_132, %add3A_262 : i32
        %select_n3A_264 = arith.select %or3A_261, %add3A_263, %scan3A_132 : i32
        %add3A_265 = arith.constant 1 : i32
        %add3A_266 = arith.addi %scan3A_135, %add3A_265 : i32
        %select_n3A_267 = arith.constant true
        %select_n3A_268 = arith.select %select_n3A_267, %add3A_266, %scan3A_135 : i32
        %eq3A_269 = arith.constant 18 : i32
        %eq3A_270 = arith.cmpi eq, %select_n3A_268, %eq3A_269 : i32
        %select_n3A_271 = arith.constant 0 : i32
        %select_n3A_272 = arith.select %eq3A_270, %select_n3A_271, %select_n3A_268 : i32
        scf.yield %select_n3A_176, %select_n3A_264, %select_n3A_230, %select_n3A_257, %select_n3A_272 : i32, i32, i32, i32, i32
      }
      %scan3A_77 = arith.constant 18 : i32
      %sub3A = arith.constant 1 : i32
      %sub3A_78 = arith.subi %scan3A_76#4, %sub3A : i32
      %select_n3A_79 = arith.constant true
      %select_n3A_80 = arith.select %select_n3A_79, %sub3A_78, %scan3A_76#4 : i32
      %eq3A_81 = arith.constant -1 : i32
      %eq3A_82 = arith.cmpi eq, %select_n3A_80, %eq3A_81 : i32
      %select_n3A_83 = arith.constant 17 : i32
      %select_n3A_84 = arith.select %eq3A_82, %select_n3A_83, %select_n3A_80 : i32
      %add3A_85 = arith.addi %select_n3A_84, %mul3A_6 : i32
      %sub3A_86 = arith.constant 1 : i32
      %sub3A_87 = arith.subi %select_n3A_84, %sub3A_86 : i32
      %select_n3A_88 = arith.constant true
      %select_n3A_89 = arith.select %select_n3A_88, %sub3A_87, %select_n3A_84 : i32
      %eq3A_90 = arith.constant -1 : i32
      %eq3A_91 = arith.cmpi eq, %select_n3A_89, %eq3A_90 : i32
      %select_n3A_92 = arith.constant 17 : i32
      %select_n3A_93 = arith.select %eq3A_91, %select_n3A_92, %select_n3A_89 : i32
      %add3A_94 = arith.addi %select_n3A_93, %mul3A_6 : i32
      %add3A_95 = arith.constant 1 : i32
      %add3A_96 = arith.addi %select_n3A_84, %add3A_95 : i32
      %select_n3A_97 = arith.constant true
      %select_n3A_98 = arith.select %select_n3A_97, %add3A_96, %select_n3A_84 : i32
      %eq3A_99 = arith.constant 18 : i32
      %eq3A_100 = arith.cmpi eq, %select_n3A_98, %eq3A_99 : i32
      %select_n3A_101 = arith.constant 0 : i32
      %select_n3A_102 = arith.select %eq3A_100, %select_n3A_101, %select_n3A_98 : i32
      %add3A_103 = arith.addi %select_n3A_102, %mul3A_6 : i32
      %add3A_104 = arith.constant 1 : i32
      %add3A_105 = arith.addi %select_n3A_102, %add3A_104 : i32
      %select_n3A_106 = arith.constant true
      %select_n3A_107 = arith.select %select_n3A_106, %add3A_105, %select_n3A_102 : i32
      %eq3A_108 = arith.constant 18 : i32
      %eq3A_109 = arith.cmpi eq, %select_n3A_107, %eq3A_108 : i32
      %select_n3A_110 = arith.constant 0 : i32
      %select_n3A_111 = arith.select %eq3A_109, %select_n3A_110, %select_n3A_107 : i32
      %add3A_112 = arith.addi %select_n3A_111, %mul3A_6 : i32
      "tpu.trace_start"() <{level = 10 : i32, message = "ep_finalize"}> : () -> ()
      %rem3A_113 = arith.constant 2 : i32
      %rem3A_114 = arith.remui %scan3A_76#3, %rem3A_113 : i32
      %mul3A_115 = arith.constant 128 : i32
      %mul3A_116 = arith.muli %mul3A_115, %add3A_85 : i32
      %dma_wait3A = arith.constant 0 : i32
      %dma_wait3A_117 = arith.constant 0 : i32
      %dma_wait3A_118 = tpu.memref_slice %run_scoped3A_17[%rem3A_114, %dma_wait3A, %dma_wait3A_117] : memref<2x128x128xi32, #tpu.memory_space<vmem>> -> memref<1x128x128xi32, #tpu.memory_space<vmem>>
      %dma_wait3A_119 = tpu.memref_squeeze %dma_wait3A_118 : memref<1x128x128xi32, #tpu.memory_space<vmem>> -> memref<128x128xi32, #tpu.memory_space<vmem>>
      %dma_wait3A_120 = arith.constant 0 : i32
      %dma_wait3A_121 = tpu.memref_slice %arg6[%mul3A_116, %dma_wait3A_120] : memref<73728x128xi32, #tpu.memory_space<hbm>> -> memref<128x128xi32, #tpu.memory_space<hbm>>
      %dma_wait3A_122 = tpu.memref_slice %run_scoped3A_18[%rem3A_114] : memref<2x!tpu.dma_semaphore, #tpu.memory_space<semaphore_mem>> -> memref<1x!tpu.dma_semaphore, #tpu.memory_space<semaphore_mem>>
      %dma_wait3A_123 = tpu.memref_squeeze %dma_wait3A_122 : memref<1x!tpu.dma_semaphore, #tpu.memory_space<semaphore_mem>> -> memref<!tpu.dma_semaphore, #tpu.memory_space<semaphore_mem>>
      %dma_wait3A_124 = arith.constant 0 : i32
      %dma_wait3A_125 = tpu.memref_slice %arg6[%mul3A_116, %dma_wait3A_124] : memref<73728x128xi32, #tpu.memory_space<hbm>> -> memref<128x128xi32, #tpu.memory_space<hbm>>
      %dma_wait3A_126 = arith.constant 0 : i32
      %dma_wait3A_127 = arith.constant 0 : i32
      %dma_wait3A_128 = tpu.memref_slice %run_scoped3A_17[%rem3A_114, %dma_wait3A_126, %dma_wait3A_127] : memref<2x128x128xi32, #tpu.memory_space<vmem>> -> memref<1x128x128xi32, #tpu.memory_space<vmem>>
      %dma_wait3A_129 = tpu.memref_squeeze %dma_wait3A_128 : memref<1x128x128xi32, #tpu.memory_space<vmem>> -> memref<128x128xi32, #tpu.memory_space<vmem>>
      tpu.wait_dma2 semaphore(%dma_wait3A_123 : memref<!tpu.dma_semaphore, #tpu.memory_space<semaphore_mem>>) src(%dma_wait3A_129 : memref<128x128xi32, #tpu.memory_space<vmem>>) dst(%dma_wait3A_125 : memref<128x128xi32, #tpu.memory_space<hbm>>)
      "tpu.trace_stop"() : () -> ()
      tpu.yield
    }) : () -> ()
    %mul3A_7 = arith.constant 1 : i32
    %mul3A_8 = arith.muli %arg1, %mul3A_7 : i32
    %add3A_9 = arith.constant 0 : i32
    %add3A_10 = arith.addi %add3A_9, %mul3A_8 : i32
    %mul3A_11 = arith.constant 16 : i32
    %mul3A_12 = arith.muli %arg0, %mul3A_11 : i32
    %add3A_13 = arith.addi %add3A_10, %mul3A_12 : i32
    %mul3A_14 = arith.constant 2 : i32
    %mul3A_15 = arith.muli %add3A_13, %mul3A_14 : i32
    "tpu.region"() ({
      %run_scoped3A = memref.alloca() : memref<2x1x128xi32, #tpu.memory_space<vmem>>
      %run_scoped3A_16 = tpu.sem_alloc : memref<2x!tpu.dma_semaphore, #tpu.memory_space<semaphore_mem>>
      %run_scoped3A_17 = memref.alloca() : memref<2x128x16xi32, #tpu.memory_space<vmem>>
      %run_scoped3A_18 = tpu.sem_alloc : memref<2x!tpu.dma_semaphore, #tpu.memory_space<semaphore_mem>>
      %add3A_19 = arith.constant 0 : i32
      %add3A_20 = arith.addi %add3A_19, %mul3A_15 : i32
      %select_n3A = arith.constant true
      %select_n3A_21 = arith.constant 0 : i32
      %select_n3A_22 = arith.constant -1 : i32
      %select_n3A_23 = arith.select %select_n3A, %select_n3A_22, %select_n3A_21 : i32
      %eq3A = arith.constant -1 : i32
      %eq3A_24 = arith.cmpi eq, %select_n3A_23, %eq3A : i32
      %select_n3A_25 = arith.constant 1 : i32
      %select_n3A_26 = arith.select %eq3A_24, %select_n3A_25, %select_n3A_23 : i32
      %add3A_27 = arith.addi %select_n3A_26, %mul3A_15 : i32
      %select_n3A_28 = arith.constant true
      %select_n3A_29 = arith.constant 0 : i32
      %select_n3A_30 = arith.constant 1 : i32
      %select_n3A_31 = arith.select %select_n3A_28, %select_n3A_30, %select_n3A_29 : i32
      %eq3A_32 = arith.constant 2 : i32
      %eq3A_33 = arith.cmpi eq, %select_n3A_31, %eq3A_32 : i32
      %select_n3A_34 = arith.constant 0 : i32
      %select_n3A_35 = arith.select %eq3A_33, %select_n3A_34, %select_n3A_31 : i32
      %add3A_36 = arith.addi %select_n3A_35, %mul3A_15 : i32
      %add3A_37 = arith.constant 1 : i32
      %add3A_38 = arith.addi %select_n3A_35, %add3A_37 : i32
      %select_n3A_39 = arith.constant true
      %select_n3A_40 = arith.select %select_n3A_39, %add3A_38, %select_n3A_35 : i32
      %eq3A_41 = arith.constant 2 : i32
      %eq3A_42 = arith.cmpi eq, %select_n3A_40, %eq3A_41 : i32
      %select_n3A_43 = arith.constant 0 : i32
      %select_n3A_44 = arith.select %eq3A_42, %select_n3A_43, %select_n3A_40 : i32
      %add3A_45 = arith.addi %select_n3A_44, %mul3A_15 : i32
      "tpu.trace_start"() <{level = 10 : i32, message = "ep_initialize_0"}> : () -> ()
      %rem3A = arith.constant 0 : i32
      %rem3A_46 = arith.constant 2 : i32
      %rem3A_47 = arith.remui %rem3A, %rem3A_46 : i32
      %mul3A_48 = arith.constant 128 : i32
      %mul3A_49 = arith.muli %mul3A_48, %add3A_20 : i32
      %dma_start3A = arith.constant 0 : i32
      %dma_start3A_50 = arith.constant 0 : i32
      %dma_start3A_51 = tpu.memref_slice %run_scoped3A[%rem3A_47, %dma_start3A, %dma_start3A_50] : memref<2x1x128xi32, #tpu.memory_space<vmem>> -> memref<1x1x128xi32, #tpu.memory_space<vmem>>
      %dma_start3A_52 = tpu.memref_squeeze %dma_start3A_51 : memref<1x1x128xi32, #tpu.memory_space<vmem>> -> memref<1x128xi32, #tpu.memory_space<vmem>>
      %dma_start3A_53 = arith.constant 0 : i32
      %dma_start3A_54 = tpu.memref_slice %arg5[%dma_start3A_53, %mul3A_49] : memref<1x8192xi32, #tpu.memory_space<hbm>> -> memref<1x128xi32, #tpu.memory_space<hbm>>
      %dma_start3A_55 = tpu.memref_slice %run_scoped3A_16[%rem3A_47] : memref<2x!tpu.dma_semaphore, #tpu.memory_space<semaphore_mem>> -> memref<1x!tpu.dma_semaphore, #tpu.memory_space<semaphore_mem>>
      %dma_start3A_56 = tpu.memref_squeeze %dma_start3A_55 : memref<1x!tpu.dma_semaphore, #tpu.memory_space<semaphore_mem>> -> memref<!tpu.dma_semaphore, #tpu.memory_space<semaphore_mem>>
      %dma_start3A_57 = arith.constant 0 : i32
      %dma_start3A_58 = arith.constant 0 : i32
      %dma_start3A_59 = tpu.memref_slice %run_scoped3A[%rem3A_47, %dma_start3A_57, %dma_start3A_58] : memref<2x1x128xi32, #tpu.memory_space<vmem>> -> memref<1x1x128xi32, #tpu.memory_space<vmem>>
      %dma_start3A_60 = tpu.memref_squeeze %dma_start3A_59 : memref<1x1x128xi32, #tpu.memory_space<vmem>> -> memref<1x128xi32, #tpu.memory_space<vmem>>
      %dma_start3A_61 = arith.constant 0 : i32
      %dma_start3A_62 = tpu.memref_slice %arg5[%dma_start3A_61, %mul3A_49] : memref<1x8192xi32, #tpu.memory_space<hbm>> -> memref<1x128xi32, #tpu.memory_space<hbm>>
      tpu.enqueue_dma source(%dma_start3A_62 : memref<1x128xi32, #tpu.memory_space<hbm>>) target(%dma_start3A_60 : memref<1x128xi32, #tpu.memory_space<vmem>>) target_semaphore(%dma_start3A_56 : memref<!tpu.dma_semaphore, #tpu.memory_space<semaphore_mem>>)
      %add3A_63 = arith.constant 0 : i32
      %add3A_64 = arith.constant 1 : i32
      %add3A_65 = arith.addi %add3A_63, %add3A_64 : i32
      %select_n3A_66 = arith.constant true
      %select_n3A_67 = arith.constant 0 : i32
      %select_n3A_68 = arith.select %select_n3A_66, %add3A_65, %select_n3A_67 : i32
      "tpu.trace_stop"() : () -> ()
      %scan3A = arith.constant 0 : i32
      %scan3A_69 = arith.constant 0 : i32
      %scan3A_70 = arith.constant 0 : i32
      %scan3A_71 = arith.constant 0 : i32
      %scan3A_72 = arith.constant 0 : i32
      %scan3A_73 = arith.constant 2 : i32
      %scan3A_74 = arith.addi %scan3A_72, %scan3A_73 : i32
      %scan3A_75 = arith.constant 1 : i32
      %scan3A_76:5 = scf.for %scan3A_130 = %scan3A_72 to %scan3A_74 step %scan3A_75 iter_args(%scan3A_131 = %select_n3A_68, %scan3A_132 = %scan3A, %scan3A_133 = %scan3A_69, %scan3A_134 = %scan3A_70, %scan3A_135 = %scan3A_71) -> (i32, i32, i32, i32, i32)  : i32 {
        %eq3A_136 = arith.constant 0 : i32
        %eq3A_137 = arith.cmpi eq, %scan3A_130, %eq3A_136 : i32
        %eq3A_138 = arith.constant 1 : i32
        %eq3A_139 = arith.cmpi eq, %scan3A_130, %eq3A_138 : i32
        %add3A_140 = arith.addi %scan3A_135, %mul3A_15 : i32
        %sub3A_141 = arith.constant 1 : i32
        %sub3A_142 = arith.subi %scan3A_135, %sub3A_141 : i32
        %select_n3A_143 = arith.constant true
        %select_n3A_144 = arith.select %select_n3A_143, %sub3A_142, %scan3A_135 : i32
        %eq3A_145 = arith.constant -1 : i32
        %eq3A_146 = arith.cmpi eq, %select_n3A_144, %eq3A_145 : i32
        %select_n3A_147 = arith.constant 1 : i32
        %select_n3A_148 = arith.select %eq3A_146, %select_n3A_147, %select_n3A_144 : i32
        %add3A_149 = arith.addi %select_n3A_148, %mul3A_15 : i32
        %add3A_150 = arith.constant 1 : i32
        %add3A_151 = arith.addi %scan3A_135, %add3A_150 : i32
        %select_n3A_152 = arith.constant true
        %select_n3A_153 = arith.select %select_n3A_152, %add3A_151, %scan3A_135 : i32
        %eq3A_154 = arith.constant 2 : i32
        %eq3A_155 = arith.cmpi eq, %select_n3A_153, %eq3A_154 : i32
        %select_n3A_156 = arith.constant 0 : i32
        %select_n3A_157 = arith.select %eq3A_155, %select_n3A_156, %select_n3A_153 : i32
        %add3A_158 = arith.addi %select_n3A_157, %mul3A_15 : i32
        %add3A_159 = arith.constant 1 : i32
        %add3A_160 = arith.addi %select_n3A_157, %add3A_159 : i32
        %select_n3A_161 = arith.constant true
        %select_n3A_162 = arith.select %select_n3A_161, %add3A_160, %select_n3A_157 : i32
        %eq3A_163 = arith.constant 2 : i32
        %eq3A_164 = arith.cmpi eq, %select_n3A_162, %eq3A_163 : i32
        %select_n3A_165 = arith.constant 0 : i32
        %select_n3A_166 = arith.select %eq3A_164, %select_n3A_165, %select_n3A_162 : i32
        %add3A_167 = arith.addi %select_n3A_166, %mul3A_15 : i32
        %ne3A = arith.cmpi ne, %add3A_140, %add3A_158 : i32
        %or3A = arith.constant false
        %or3A_168 = arith.ori %or3A, %ne3A : i1
        %ge3A = arith.constant 1 : i32
        %ge3A_169 = arith.cmpi sge, %scan3A_130, %ge3A : i32
        %not3A = arith.constant true
        %not3A_170 = arith.xori %ge3A_169, %not3A : i1
        %and3A = arith.andi %or3A_168, %not3A_170 : i1
        %convert_element_type3A = arith.extui %and3A : i1 to i32
        %cond3A = arith.constant 0 : i32
        %cond3A_171 = arith.cmpi ne, %convert_element_type3A, %cond3A : i32
        scf.if %cond3A_171 {
          "tpu.trace_start"() <{level = 10 : i32, message = "ep_copy_in"}> : () -> ()
          %rem3A_273 = arith.constant 2 : i32
          %rem3A_274 = arith.remui %scan3A_131, %rem3A_273 : i32
          %mul3A_275 = arith.constant 128 : i32
          %mul3A_276 = arith.muli %mul3A_275, %add3A_158 : i32
          %dma_start3A_277 = arith.constant 0 : i32
          %dma_start3A_278 = arith.constant 0 : i32
          %dma_start3A_279 = tpu.memref_slice %run_scoped3A[%rem3A_274, %dma_start3A_277, %dma_start3A_278] : memref<2x1x128xi32, #tpu.memory_space<vmem>> -> memref<1x1x128xi32, #tpu.memory_space<vmem>>
          %dma_start3A_280 = tpu.memref_squeeze %dma_start3A_279 : memref<1x1x128xi32, #tpu.memory_space<vmem>> -> memref<1x128xi32, #tpu.memory_space<vmem>>
          %dma_start3A_281 = arith.constant 0 : i32
          %dma_start3A_282 = tpu.memref_slice %arg5[%dma_start3A_281, %mul3A_276] : memref<1x8192xi32, #tpu.memory_space<hbm>> -> memref<1x128xi32, #tpu.memory_space<hbm>>
          %dma_start3A_283 = tpu.memref_slice %run_scoped3A_16[%rem3A_274] : memref<2x!tpu.dma_semaphore, #tpu.memory_space<semaphore_mem>> -> memref<1x!tpu.dma_semaphore, #tpu.memory_space<semaphore_mem>>
          %dma_start3A_284 = tpu.memref_squeeze %dma_start3A_283 : memref<1x!tpu.dma_semaphore, #tpu.memory_space<semaphore_mem>> -> memref<!tpu.dma_semaphore, #tpu.memory_space<semaphore_mem>>
          %dma_start3A_285 = arith.constant 0 : i32
          %dma_start3A_286 = arith.constant 0 : i32
          %dma_start3A_287 = tpu.memref_slice %run_scoped3A[%rem3A_274, %dma_start3A_285, %dma_start3A_286] : memref<2x1x128xi32, #tpu.memory_space<vmem>> -> memref<1x1x128xi32, #tpu.memory_space<vmem>>
          %dma_start3A_288 = tpu.memref_squeeze %dma_start3A_287 : memref<1x1x128xi32, #tpu.memory_space<vmem>> -> memref<1x128xi32, #tpu.memory_space<vmem>>
          %dma_start3A_289 = arith.constant 0 : i32
          %dma_start3A_290 = tpu.memref_slice %arg5[%dma_start3A_289, %mul3A_276] : memref<1x8192xi32, #tpu.memory_space<hbm>> -> memref<1x128xi32, #tpu.memory_space<hbm>>
          tpu.enqueue_dma source(%dma_start3A_290 : memref<1x128xi32, #tpu.memory_space<hbm>>) target(%dma_start3A_288 : memref<1x128xi32, #tpu.memory_space<vmem>>) target_semaphore(%dma_start3A_284 : memref<!tpu.dma_semaphore, #tpu.memory_space<semaphore_mem>>)
          "tpu.trace_stop"() : () -> ()
        } else {
        }
        %and3A_172 = arith.constant true
        %and3A_173 = arith.andi %and3A, %and3A_172 : i1
        %add3A_174 = arith.constant 1 : i32
        %add3A_175 = arith.addi %scan3A_131, %add3A_174 : i32
        %select_n3A_176 = arith.select %and3A_173, %add3A_175, %scan3A_131 : i32
        %ne3A_177 = arith.cmpi ne, %add3A_140, %add3A_158 : i32
        %or3A_178 = arith.constant false
        %or3A_179 = arith.ori %or3A_178, %ne3A_177 : i1
        %or3A_180 = arith.constant false
        %or3A_181 = arith.ori %or3A_179, %or3A_180 : i1
        %ge3A_182 = arith.constant 1 : i32
        %ge3A_183 = arith.cmpi sge, %scan3A_130, %ge3A_182 : i32
        %not3A_184 = arith.constant true
        %not3A_185 = arith.xori %ge3A_183, %not3A_184 : i1
        %and3A_186 = arith.andi %or3A_181, %not3A_185 : i1
        %ne3A_187 = arith.cmpi ne, %add3A_140, %add3A_149 : i32
        %or3A_188 = arith.constant false
        %or3A_189 = arith.ori %or3A_188, %ne3A_187 : i1
        %or3A_190 = arith.ori %or3A_189, %eq3A_137 : i1
        %convert_element_type3A_191 = arith.extui %or3A_190 : i1 to i32
        %cond3A_192 = arith.constant 0 : i32
        %cond3A_193 = arith.cmpi ne, %convert_element_type3A_191, %cond3A_192 : i32
        scf.if %cond3A_193 {
          "tpu.trace_start"() <{level = 10 : i32, message = "ep_wait_in"}> : () -> ()
          %mul3A_273 = arith.constant 128 : i32
          %mul3A_274 = arith.muli %mul3A_273, %add3A_140 : i32
          %rem3A_275 = arith.constant 2 : i32
          %rem3A_276 = arith.remui %scan3A_132, %rem3A_275 : i32
          %dma_wait3A_277 = arith.constant 0 : i32
          %dma_wait3A_278 = arith.constant 0 : i32
          %dma_wait3A_279 = tpu.memref_slice %run_scoped3A[%rem3A_276, %dma_wait3A_277, %dma_wait3A_278] : memref<2x1x128xi32, #tpu.memory_space<vmem>> -> memref<1x1x128xi32, #tpu.memory_space<vmem>>
          %dma_wait3A_280 = tpu.memref_squeeze %dma_wait3A_279 : memref<1x1x128xi32, #tpu.memory_space<vmem>> -> memref<1x128xi32, #tpu.memory_space<vmem>>
          %dma_wait3A_281 = arith.constant 0 : i32
          %dma_wait3A_282 = tpu.memref_slice %arg5[%dma_wait3A_281, %mul3A_274] : memref<1x8192xi32, #tpu.memory_space<hbm>> -> memref<1x128xi32, #tpu.memory_space<hbm>>
          %dma_wait3A_283 = tpu.memref_slice %run_scoped3A_16[%rem3A_276] : memref<2x!tpu.dma_semaphore, #tpu.memory_space<semaphore_mem>> -> memref<1x!tpu.dma_semaphore, #tpu.memory_space<semaphore_mem>>
          %dma_wait3A_284 = tpu.memref_squeeze %dma_wait3A_283 : memref<1x!tpu.dma_semaphore, #tpu.memory_space<semaphore_mem>> -> memref<!tpu.dma_semaphore, #tpu.memory_space<semaphore_mem>>
          %dma_wait3A_285 = arith.constant 0 : i32
          %dma_wait3A_286 = arith.constant 0 : i32
          %dma_wait3A_287 = tpu.memref_slice %run_scoped3A[%rem3A_276, %dma_wait3A_285, %dma_wait3A_286] : memref<2x1x128xi32, #tpu.memory_space<vmem>> -> memref<1x1x128xi32, #tpu.memory_space<vmem>>
          %dma_wait3A_288 = tpu.memref_squeeze %dma_wait3A_287 : memref<1x1x128xi32, #tpu.memory_space<vmem>> -> memref<1x128xi32, #tpu.memory_space<vmem>>
          %dma_wait3A_289 = arith.constant 0 : i32
          %dma_wait3A_290 = tpu.memref_slice %arg5[%dma_wait3A_289, %mul3A_274] : memref<1x8192xi32, #tpu.memory_space<hbm>> -> memref<1x128xi32, #tpu.memory_space<hbm>>
          tpu.wait_dma2 semaphore(%dma_wait3A_284 : memref<!tpu.dma_semaphore, #tpu.memory_space<semaphore_mem>>) src(%dma_wait3A_290 : memref<1x128xi32, #tpu.memory_space<hbm>>) dst(%dma_wait3A_288 : memref<1x128xi32, #tpu.memory_space<vmem>>)
          "tpu.trace_stop"() : () -> ()
        } else {
        }
        %ne3A_194 = arith.cmpi ne, %add3A_140, %add3A_149 : i32
        %or3A_195 = arith.constant false
        %or3A_196 = arith.ori %or3A_195, %ne3A_194 : i1
        %or3A_197 = arith.constant false
        %or3A_198 = arith.ori %or3A_196, %or3A_197 : i1
        %or3A_199 = arith.ori %or3A_198, %eq3A_137 : i1
        %convert_element_type3A_200 = arith.extui %or3A_199 : i1 to i32
        %cond3A_201 = arith.constant 0 : i32
        %cond3A_202 = arith.cmpi ne, %convert_element_type3A_200, %cond3A_201 : i32
        scf.if %cond3A_202 {
        } else {
        }
        %rem3A_203 = arith.constant 2 : i32
        %rem3A_204 = arith.remui %scan3A_132, %rem3A_203 : i32
        %rem3A_205 = arith.constant 2 : i32
        %rem3A_206 = arith.remui %scan3A_133, %rem3A_205 : i32
        %run_scoped3A_207 = arith.constant 0 : i32
        "tpu.trace_start"() <{level = 10 : i32, message = "ep_run_kernel"}> : () -> ()
        "tpu.region"() ({
          %run_scoped3A_273 = tpu.sem_alloc : memref<!tpu.dma_semaphore, #tpu.memory_space<semaphore_mem>>
          %dma_start3A_274 = arith.constant 0 : i32
          %dma_start3A_275 = arith.constant 0 : i32
          %dma_start3A_276 = tpu.memref_slice %run_scoped3A_17[%rem3A_206, %dma_start3A_274, %dma_start3A_275] : memref<2x128x16xi32, #tpu.memory_space<vmem>> -> memref<1x128x16xi32, #tpu.memory_space<vmem>>
          %dma_start3A_277 = tpu.memref_squeeze %dma_start3A_276 : memref<1x128x16xi32, #tpu.memory_space<vmem>> -> memref<128x16xi32, #tpu.memory_space<vmem>>
          %dma_start3A_278 = arith.constant 0 : i32
          %dma_start3A_279 = arith.constant 0 : i32
          %dma_start3A_280 = tpu.memref_slice %run_scoped3A[%rem3A_204, %dma_start3A_278, %dma_start3A_279] : memref<2x1x128xi32, #tpu.memory_space<vmem>> -> memref<1x1x128xi32, #tpu.memory_space<vmem>>
          %dma_start3A_281 = tpu.memref_squeeze %dma_start3A_280 : memref<1x1x128xi32, #tpu.memory_space<vmem>> -> memref<1x128xi32, #tpu.memory_space<vmem>>
          %dma_start3A_282 = arith.constant 0 : i32
          %dma_start3A_283 = tpu.memref_slice %dma_start3A_281[%run_scoped3A_207, %dma_start3A_282] : memref<1x128xi32, #tpu.memory_space<vmem>> -> memref<1x128xi32, #tpu.memory_space<vmem>>
          %dma_start3A_284 = tpu.memref_squeeze %dma_start3A_283 : memref<1x128xi32, #tpu.memory_space<vmem>> -> memref<128xi32, #tpu.memory_space<vmem>>
          %dma_start3A_285 = arith.constant 0 : i32
          %dma_start3A_286 = arith.constant 0 : i32
          %dma_start3A_287 = tpu.memref_slice %arg3[%dma_start3A_285, %dma_start3A_286] : memref<10000x16xi32, #tpu.memory_space<hbm>> -> memref<10000x16xi32, #tpu.memory_space<hbm>>
          tpu.enqueue_indirect_dma source(%dma_start3A_287 : memref<10000x16xi32, #tpu.memory_space<hbm>>) target(%dma_start3A_277 : memref<128x16xi32, #tpu.memory_space<vmem>>) offsets(%dma_start3A_284 : memref<128xi32, #tpu.memory_space<vmem>>) semaphore(%run_scoped3A_273 : memref<!tpu.dma_semaphore, #tpu.memory_space<semaphore_mem>>)
          %dma_wait3A_288 = arith.constant 0 : i32
          %dma_wait3A_289 = arith.constant 0 : i32
          %dma_wait3A_290 = tpu.memref_slice %run_scoped3A_17[%rem3A_206, %dma_wait3A_288, %dma_wait3A_289] : memref<2x128x16xi32, #tpu.memory_space<vmem>> -> memref<1x128x16xi32, #tpu.memory_space<vmem>>
          %dma_wait3A_291 = tpu.memref_squeeze %dma_wait3A_290 : memref<1x128x16xi32, #tpu.memory_space<vmem>> -> memref<128x16xi32, #tpu.memory_space<vmem>>
          %dma_wait3A_292 = arith.constant 0 : i32
          %dma_wait3A_293 = arith.constant 0 : i32
          %dma_wait3A_294 = tpu.memref_slice %run_scoped3A[%rem3A_204, %dma_wait3A_292, %dma_wait3A_293] : memref<2x1x128xi32, #tpu.memory_space<vmem>> -> memref<1x1x128xi32, #tpu.memory_space<vmem>>
          %dma_wait3A_295 = tpu.memref_squeeze %dma_wait3A_294 : memref<1x1x128xi32, #tpu.memory_space<vmem>> -> memref<1x128xi32, #tpu.memory_space<vmem>>
          %dma_wait3A_296 = arith.constant 0 : i32
          %dma_wait3A_297 = tpu.memref_slice %dma_wait3A_295[%run_scoped3A_207, %dma_wait3A_296] : memref<1x128xi32, #tpu.memory_space<vmem>> -> memref<1x128xi32, #tpu.memory_space<vmem>>
          %dma_wait3A_298 = tpu.memref_squeeze %dma_wait3A_297 : memref<1x128xi32, #tpu.memory_space<vmem>> -> memref<128xi32, #tpu.memory_space<vmem>>
          %dma_wait3A_299 = arith.constant 0 : i32
          %dma_wait3A_300 = arith.constant 0 : i32
          %dma_wait3A_301 = tpu.memref_slice %arg3[%dma_wait3A_299, %dma_wait3A_300] : memref<10000x16xi32, #tpu.memory_space<hbm>> -> memref<10000x16xi32, #tpu.memory_space<hbm>>
          tpu.wait_indirect_dma semaphore(%run_scoped3A_273 : memref<!tpu.dma_semaphore, #tpu.memory_space<semaphore_mem>>) src(%dma_wait3A_301 : memref<10000x16xi32, #tpu.memory_space<hbm>>) dst(%dma_wait3A_291 : memref<128x16xi32, #tpu.memory_space<vmem>>)
          tpu.yield
        }) : () -> ()
        "tpu.trace_stop"() : () -> ()
        %ne3A_208 = arith.cmpi ne, %add3A_140, %add3A_158 : i32
        %or3A_209 = arith.constant false
        %or3A_210 = arith.ori %or3A_209, %ne3A_208 : i1
        %or3A_211 = arith.ori %or3A_210, %eq3A_139 : i1
        %convert_element_type3A_212 = arith.extui %or3A_211 : i1 to i32
        %cond3A_213 = arith.constant 0 : i32
        %cond3A_214 = arith.cmpi ne, %convert_element_type3A_212, %cond3A_213 : i32
        scf.if %cond3A_214 {
        } else {
        }
        %and3A_215 = arith.constant false
        %and3A_216 = arith.andi %or3A_211, %and3A_215 : i1
        %ne3A_217 = arith.cmpi ne, %add3A_140, %add3A_158 : i32
        %or3A_218 = arith.constant false
        %or3A_219 = arith.ori %or3A_218, %ne3A_217 : i1
        %or3A_220 = arith.constant false
        %or3A_221 = arith.ori %or3A_219, %or3A_220 : i1
        %or3A_222 = arith.ori %or3A_221, %eq3A_139 : i1
        %convert_element_type3A_223 = arith.extui %or3A_222 : i1 to i32
        %cond3A_224 = arith.constant 0 : i32
        %cond3A_225 = arith.cmpi ne, %convert_element_type3A_223, %cond3A_224 : i32
        scf.if %cond3A_225 {
          "tpu.trace_start"() <{level = 10 : i32, message = "ep_copy_out"}> : () -> ()
          %rem3A_273 = arith.constant 2 : i32
          %rem3A_274 = arith.remui %scan3A_133, %rem3A_273 : i32
          %mul3A_275 = arith.constant 128 : i32
          %mul3A_276 = arith.muli %mul3A_275, %add3A_140 : i32
          %dma_start3A_277 = arith.constant 0 : i32
          %dma_start3A_278 = arith.constant 0 : i32
          %dma_start3A_279 = tpu.memref_slice %run_scoped3A_17[%rem3A_274, %dma_start3A_277, %dma_start3A_278] : memref<2x128x16xi32, #tpu.memory_space<vmem>> -> memref<1x128x16xi32, #tpu.memory_space<vmem>>
          %dma_start3A_280 = tpu.memref_squeeze %dma_start3A_279 : memref<1x128x16xi32, #tpu.memory_space<vmem>> -> memref<128x16xi32, #tpu.memory_space<vmem>>
          %dma_start3A_281 = arith.constant 0 : i32
          %dma_start3A_282 = tpu.memref_slice %arg7[%mul3A_276, %dma_start3A_281] : memref<8192x16xi32, #tpu.memory_space<hbm>> -> memref<128x16xi32, #tpu.memory_space<hbm>>
          %dma_start3A_283 = tpu.memref_slice %run_scoped3A_18[%rem3A_274] : memref<2x!tpu.dma_semaphore, #tpu.memory_space<semaphore_mem>> -> memref<1x!tpu.dma_semaphore, #tpu.memory_space<semaphore_mem>>
          %dma_start3A_284 = tpu.memref_squeeze %dma_start3A_283 : memref<1x!tpu.dma_semaphore, #tpu.memory_space<semaphore_mem>> -> memref<!tpu.dma_semaphore, #tpu.memory_space<semaphore_mem>>
          %dma_start3A_285 = arith.constant 0 : i32
          %dma_start3A_286 = tpu.memref_slice %arg7[%mul3A_276, %dma_start3A_285] : memref<8192x16xi32, #tpu.memory_space<hbm>> -> memref<128x16xi32, #tpu.memory_space<hbm>>
          %dma_start3A_287 = arith.constant 0 : i32
          %dma_start3A_288 = arith.constant 0 : i32
          %dma_start3A_289 = tpu.memref_slice %run_scoped3A_17[%rem3A_274, %dma_start3A_287, %dma_start3A_288] : memref<2x128x16xi32, #tpu.memory_space<vmem>> -> memref<1x128x16xi32, #tpu.memory_space<vmem>>
          %dma_start3A_290 = tpu.memref_squeeze %dma_start3A_289 : memref<1x128x16xi32, #tpu.memory_space<vmem>> -> memref<128x16xi32, #tpu.memory_space<vmem>>
          tpu.enqueue_dma source(%dma_start3A_290 : memref<128x16xi32, #tpu.memory_space<vmem>>) target(%dma_start3A_286 : memref<128x16xi32, #tpu.memory_space<hbm>>) target_semaphore(%dma_start3A_284 : memref<!tpu.dma_semaphore, #tpu.memory_space<semaphore_mem>>)
          "tpu.trace_stop"() : () -> ()
        } else {
        }
        %and3A_226 = arith.constant true
        %and3A_227 = arith.andi %or3A_222, %and3A_226 : i1
        %add3A_228 = arith.constant 1 : i32
        %add3A_229 = arith.addi %scan3A_133, %add3A_228 : i32
        %select_n3A_230 = arith.select %and3A_227, %add3A_229, %scan3A_133 : i32
        %ne3A_231 = arith.cmpi ne, %add3A_140, %add3A_149 : i32
        %or3A_232 = arith.constant false
        %or3A_233 = arith.ori %or3A_232, %ne3A_231 : i1
        %not3A_234 = arith.constant true
        %not3A_235 = arith.xori %eq3A_137, %not3A_234 : i1
        %and3A_236 = arith.andi %or3A_233, %not3A_235 : i1
        %convert_element_type3A_237 = arith.extui %and3A_236 : i1 to i32
        %cond3A_238 = arith.constant 0 : i32
        %cond3A_239 = arith.cmpi ne, %convert_element_type3A_237, %cond3A_238 : i32
        scf.if %cond3A_239 {
        } else {
        }
        %and3A_240 = arith.constant false
        %and3A_241 = arith.andi %and3A_236, %and3A_240 : i1
        %ne3A_242 = arith.cmpi ne, %add3A_140, %add3A_149 : i32
        %or3A_243 = arith.constant false
        %or3A_244 = arith.ori %or3A_243, %ne3A_242 : i1
        %or3A_245 = arith.constant false
        %or3A_246 = arith.ori %or3A_244, %or3A_245 : i1
        %not3A_247 = arith.constant true
        %not3A_248 = arith.xori %eq3A_137, %not3A_247 : i1
        %and3A_249 = arith.andi %or3A_246, %not3A_248 : i1
        %convert_element_type3A_250 = arith.extui %and3A_249 : i1 to i32
        %cond3A_251 = arith.constant 0 : i32
        %cond3A_252 = arith.cmpi ne, %convert_element_type3A_250, %cond3A_251 : i32
        scf.if %cond3A_252 {
          "tpu.trace_start"() <{level = 10 : i32, message = "ep_wait_out"}> : () -> ()
          %rem3A_273 = arith.constant 2 : i32
          %rem3A_274 = arith.remui %scan3A_134, %rem3A_273 : i32
          %mul3A_275 = arith.constant 128 : i32
          %mul3A_276 = arith.muli %mul3A_275, %add3A_149 : i32
          %dma_wait3A_277 = arith.constant 0 : i32
          %dma_wait3A_278 = arith.constant 0 : i32
          %dma_wait3A_279 = tpu.memref_slice %run_scoped3A_17[%rem3A_274, %dma_wait3A_277, %dma_wait3A_278] : memref<2x128x16xi32, #tpu.memory_space<vmem>> -> memref<1x128x16xi32, #tpu.memory_space<vmem>>
          %dma_wait3A_280 = tpu.memref_squeeze %dma_wait3A_279 : memref<1x128x16xi32, #tpu.memory_space<vmem>> -> memref<128x16xi32, #tpu.memory_space<vmem>>
          %dma_wait3A_281 = arith.constant 0 : i32
          %dma_wait3A_282 = tpu.memref_slice %arg7[%mul3A_276, %dma_wait3A_281] : memref<8192x16xi32, #tpu.memory_space<hbm>> -> memref<128x16xi32, #tpu.memory_space<hbm>>
          %dma_wait3A_283 = tpu.memref_slice %run_scoped3A_18[%rem3A_274] : memref<2x!tpu.dma_semaphore, #tpu.memory_space<semaphore_mem>> -> memref<1x!tpu.dma_semaphore, #tpu.memory_space<semaphore_mem>>
          %dma_wait3A_284 = tpu.memref_squeeze %dma_wait3A_283 : memref<1x!tpu.dma_semaphore, #tpu.memory_space<semaphore_mem>> -> memref<!tpu.dma_semaphore, #tpu.memory_space<semaphore_mem>>
          %dma_wait3A_285 = arith.constant 0 : i32
          %dma_wait3A_286 = tpu.memref_slice %arg7[%mul3A_276, %dma_wait3A_285] : memref<8192x16xi32, #tpu.memory_space<hbm>> -> memref<128x16xi32, #tpu.memory_space<hbm>>
          %dma_wait3A_287 = arith.constant 0 : i32
          %dma_wait3A_288 = arith.constant 0 : i32
          %dma_wait3A_289 = tpu.memref_slice %run_scoped3A_17[%rem3A_274, %dma_wait3A_287, %dma_wait3A_288] : memref<2x128x16xi32, #tpu.memory_space<vmem>> -> memref<1x128x16xi32, #tpu.memory_space<vmem>>
          %dma_wait3A_290 = tpu.memref_squeeze %dma_wait3A_289 : memref<1x128x16xi32, #tpu.memory_space<vmem>> -> memref<128x16xi32, #tpu.memory_space<vmem>>
          tpu.wait_dma2 semaphore(%dma_wait3A_284 : memref<!tpu.dma_semaphore, #tpu.memory_space<semaphore_mem>>) src(%dma_wait3A_290 : memref<128x16xi32, #tpu.memory_space<vmem>>) dst(%dma_wait3A_286 : memref<128x16xi32, #tpu.memory_space<hbm>>)
          "tpu.trace_stop"() : () -> ()
        } else {
        }
        %and3A_253 = arith.constant true
        %and3A_254 = arith.andi %and3A_249, %and3A_253 : i1
        %add3A_255 = arith.constant 1 : i32
        %add3A_256 = arith.addi %scan3A_134, %add3A_255 : i32
        %select_n3A_257 = arith.select %and3A_254, %add3A_256, %scan3A_134 : i32
        %ne3A_258 = arith.cmpi ne, %add3A_140, %add3A_158 : i32
        %or3A_259 = arith.constant false
        %or3A_260 = arith.ori %or3A_259, %ne3A_258 : i1
        %or3A_261 = arith.ori %or3A_260, %eq3A_139 : i1
        %add3A_262 = arith.constant 1 : i32
        %add3A_263 = arith.addi %scan3A_132, %add3A_262 : i32
        %select_n3A_264 = arith.select %or3A_261, %add3A_263, %scan3A_132 : i32
        %add3A_265 = arith.constant 1 : i32
        %add3A_266 = arith.addi %scan3A_135, %add3A_265 : i32
        %select_n3A_267 = arith.constant true
        %select_n3A_268 = arith.select %select_n3A_267, %add3A_266, %scan3A_135 : i32
        %eq3A_269 = arith.constant 2 : i32
        %eq3A_270 = arith.cmpi eq, %select_n3A_268, %eq3A_269 : i32
        %select_n3A_271 = arith.constant 0 : i32
        %select_n3A_272 = arith.select %eq3A_270, %select_n3A_271, %select_n3A_268 : i32
        scf.yield %select_n3A_176, %select_n3A_264, %select_n3A_230, %select_n3A_257, %select_n3A_272 : i32, i32, i32, i32, i32
      }
      %scan3A_77 = arith.constant 2 : i32
      %sub3A = arith.constant 1 : i32
      %sub3A_78 = arith.subi %scan3A_76#4, %sub3A : i32
      %select_n3A_79 = arith.constant true
      %select_n3A_80 = arith.select %select_n3A_79, %sub3A_78, %scan3A_76#4 : i32
      %eq3A_81 = arith.constant -1 : i32
      %eq3A_82 = arith.cmpi eq, %select_n3A_80, %eq3A_81 : i32
      %select_n3A_83 = arith.constant 1 : i32
      %select_n3A_84 = arith.select %eq3A_82, %select_n3A_83, %select_n3A_80 : i32
      %add3A_85 = arith.addi %select_n3A_84, %mul3A_15 : i32
      %sub3A_86 = arith.constant 1 : i32
      %sub3A_87 = arith.subi %select_n3A_84, %sub3A_86 : i32
      %select_n3A_88 = arith.constant true
      %select_n3A_89 = arith.select %select_n3A_88, %sub3A_87, %select_n3A_84 : i32
      %eq3A_90 = arith.constant -1 : i32
      %eq3A_91 = arith.cmpi eq, %select_n3A_89, %eq3A_90 : i32
      %select_n3A_92 = arith.constant 1 : i32
      %select_n3A_93 = arith.select %eq3A_91, %select_n3A_92, %select_n3A_89 : i32
      %add3A_94 = arith.addi %select_n3A_93, %mul3A_15 : i32
      %add3A_95 = arith.constant 1 : i32
      %add3A_96 = arith.addi %select_n3A_84, %add3A_95 : i32
      %select_n3A_97 = arith.constant true
      %select_n3A_98 = arith.select %select_n3A_97, %add3A_96, %select_n3A_84 : i32
      %eq3A_99 = arith.constant 2 : i32
      %eq3A_100 = arith.cmpi eq, %select_n3A_98, %eq3A_99 : i32
      %select_n3A_101 = arith.constant 0 : i32
      %select_n3A_102 = arith.select %eq3A_100, %select_n3A_101, %select_n3A_98 : i32
      %add3A_103 = arith.addi %select_n3A_102, %mul3A_15 : i32
      %add3A_104 = arith.constant 1 : i32
      %add3A_105 = arith.addi %select_n3A_102, %add3A_104 : i32
      %select_n3A_106 = arith.constant true
      %select_n3A_107 = arith.select %select_n3A_106, %add3A_105, %select_n3A_102 : i32
      %eq3A_108 = arith.constant 2 : i32
      %eq3A_109 = arith.cmpi eq, %select_n3A_107, %eq3A_108 : i32
      %select_n3A_110 = arith.constant 0 : i32
      %select_n3A_111 = arith.select %eq3A_109, %select_n3A_110, %select_n3A_107 : i32
      %add3A_112 = arith.addi %select_n3A_111, %mul3A_15 : i32
      "tpu.trace_start"() <{level = 10 : i32, message = "ep_finalize"}> : () -> ()
      %rem3A_113 = arith.constant 2 : i32
      %rem3A_114 = arith.remui %scan3A_76#3, %rem3A_113 : i32
      %mul3A_115 = arith.constant 128 : i32
      %mul3A_116 = arith.muli %mul3A_115, %add3A_85 : i32
      %dma_wait3A = arith.constant 0 : i32
      %dma_wait3A_117 = arith.constant 0 : i32
      %dma_wait3A_118 = tpu.memref_slice %run_scoped3A_17[%rem3A_114, %dma_wait3A, %dma_wait3A_117] : memref<2x128x16xi32, #tpu.memory_space<vmem>> -> memref<1x128x16xi32, #tpu.memory_space<vmem>>
      %dma_wait3A_119 = tpu.memref_squeeze %dma_wait3A_118 : memref<1x128x16xi32, #tpu.memory_space<vmem>> -> memref<128x16xi32, #tpu.memory_space<vmem>>
      %dma_wait3A_120 = arith.constant 0 : i32
      %dma_wait3A_121 = tpu.memref_slice %arg7[%mul3A_116, %dma_wait3A_120] : memref<8192x16xi32, #tpu.memory_space<hbm>> -> memref<128x16xi32, #tpu.memory_space<hbm>>
      %dma_wait3A_122 = tpu.memref_slice %run_scoped3A_18[%rem3A_114] : memref<2x!tpu.dma_semaphore, #tpu.memory_space<semaphore_mem>> -> memref<1x!tpu.dma_semaphore, #tpu.memory_space<semaphore_mem>>
      %dma_wait3A_123 = tpu.memref_squeeze %dma_wait3A_122 : memref<1x!tpu.dma_semaphore, #tpu.memory_space<semaphore_mem>> -> memref<!tpu.dma_semaphore, #tpu.memory_space<semaphore_mem>>
      %dma_wait3A_124 = arith.constant 0 : i32
      %dma_wait3A_125 = tpu.memref_slice %arg7[%mul3A_116, %dma_wait3A_124] : memref<8192x16xi32, #tpu.memory_space<hbm>> -> memref<128x16xi32, #tpu.memory_space<hbm>>
      %dma_wait3A_126 = arith.constant 0 : i32
      %dma_wait3A_127 = arith.constant 0 : i32
      %dma_wait3A_128 = tpu.memref_slice %run_scoped3A_17[%rem3A_114, %dma_wait3A_126, %dma_wait3A_127] : memref<2x128x16xi32, #tpu.memory_space<vmem>> -> memref<1x128x16xi32, #tpu.memory_space<vmem>>
      %dma_wait3A_129 = tpu.memref_squeeze %dma_wait3A_128 : memref<1x128x16xi32, #tpu.memory_space<vmem>> -> memref<128x16xi32, #tpu.memory_space<vmem>>
      tpu.wait_dma2 semaphore(%dma_wait3A_123 : memref<!tpu.dma_semaphore, #tpu.memory_space<semaphore_mem>>) src(%dma_wait3A_129 : memref<128x16xi32, #tpu.memory_space<vmem>>) dst(%dma_wait3A_125 : memref<128x16xi32, #tpu.memory_space<hbm>>)
      "tpu.trace_stop"() : () -> ()
      tpu.yield
    }) : () -> ()
    return
  }
}

#map = affine_map<(d0, d1) -> (0, 0)>
module attributes {stable_mosaic.version = 14 : i64} {
  func.func @k(%arg0: i32, %arg1: i32, %arg2: memref<1024x256xf32, #tpu.memory_space<hbm>>, %arg3: memref<1024x256xf32, #tpu.memory_space<hbm>>, %arg4: memref<1x8192xi32, #tpu.memory_space<hbm>>, %arg5: memref<1x8192xi32, #tpu.memory_space<hbm>>, %arg6: memref<8192x256xf32, #tpu.memory_space<hbm>>, %arg7: memref<8192x256xf32, #tpu.memory_space<hbm>>) attributes {dimension_semantics = [#tpu.dimension_semantics<core_parallel>, #tpu.dimension_semantics<subcore_parallel>], iteration_bounds = array<i64: 2, 16>, scalar_prefetch = 0 : i64, scratch_operands = 0 : i64, tpu.core_type = #tpu.core_type<sc_vector_subcore>, window_params = [{transform_indices = #map}, {transform_indices = #map}, {transform_indices = #map}, {transform_indices = #map}, {transform_indices = #map}, {transform_indices = #map}]} {
    %mul3A = arith.constant 1 : i32
    %mul3A_0 = arith.muli %arg1, %mul3A : i32
    %add3A = arith.constant 0 : i32
    %add3A_1 = arith.addi %add3A, %mul3A_0 : i32
    %mul3A_2 = arith.constant 16 : i32
    %mul3A_3 = arith.muli %arg0, %mul3A_2 : i32
    %add3A_4 = arith.addi %add3A_1, %mul3A_3 : i32
    %mul3A_5 = arith.constant 2 : i32
    %mul3A_6 = arith.muli %add3A_4, %mul3A_5 : i32
    "tpu.region"() ({
      %run_scoped3A = memref.alloca() : memref<2x1x128xi32, #tpu.memory_space<vmem>>
      %run_scoped3A_16 = tpu.sem_alloc : memref<2x!tpu.dma_semaphore, #tpu.memory_space<semaphore_mem>>
      %run_scoped3A_17 = memref.alloca() : memref<2x128x256xf32, #tpu.memory_space<vmem>>
      %run_scoped3A_18 = tpu.sem_alloc : memref<2x!tpu.dma_semaphore, #tpu.memory_space<semaphore_mem>>
      %add3A_19 = arith.constant 0 : i32
      %add3A_20 = arith.addi %add3A_19, %mul3A_6 : i32
      %select_n3A = arith.constant true
      %select_n3A_21 = arith.constant 0 : i32
      %select_n3A_22 = arith.constant -1 : i32
      %select_n3A_23 = arith.select %select_n3A, %select_n3A_22, %select_n3A_21 : i32
      %eq3A = arith.constant -1 : i32
      %eq3A_24 = arith.cmpi eq, %select_n3A_23, %eq3A : i32
      %select_n3A_25 = arith.constant 1 : i32
      %select_n3A_26 = arith.select %eq3A_24, %select_n3A_25, %select_n3A_23 : i32
      %add3A_27 = arith.addi %select_n3A_26, %mul3A_6 : i32
      %select_n3A_28 = arith.constant true
      %select_n3A_29 = arith.constant 0 : i32
      %select_n3A_30 = arith.constant 1 : i32
      %select_n3A_31 = arith.select %select_n3A_28, %select_n3A_30, %select_n3A_29 : i32
      %eq3A_32 = arith.constant 2 : i32
      %eq3A_33 = arith.cmpi eq, %select_n3A_31, %eq3A_32 : i32
      %select_n3A_34 = arith.constant 0 : i32
      %select_n3A_35 = arith.select %eq3A_33, %select_n3A_34, %select_n3A_31 : i32
      %add3A_36 = arith.addi %select_n3A_35, %mul3A_6 : i32
      %add3A_37 = arith.constant 1 : i32
      %add3A_38 = arith.addi %select_n3A_35, %add3A_37 : i32
      %select_n3A_39 = arith.constant true
      %select_n3A_40 = arith.select %select_n3A_39, %add3A_38, %select_n3A_35 : i32
      %eq3A_41 = arith.constant 2 : i32
      %eq3A_42 = arith.cmpi eq, %select_n3A_40, %eq3A_41 : i32
      %select_n3A_43 = arith.constant 0 : i32
      %select_n3A_44 = arith.select %eq3A_42, %select_n3A_43, %select_n3A_40 : i32
      %add3A_45 = arith.addi %select_n3A_44, %mul3A_6 : i32
      "tpu.trace_start"() <{level = 10 : i32, message = "ep_initialize_0"}> : () -> ()
      %rem3A = arith.constant 0 : i32
      %rem3A_46 = arith.constant 2 : i32
      %rem3A_47 = arith.remui %rem3A, %rem3A_46 : i32
      %mul3A_48 = arith.constant 128 : i32
      %mul3A_49 = arith.muli %mul3A_48, %add3A_20 : i32
      %dma_start3A = arith.constant 0 : i32
      %dma_start3A_50 = arith.constant 0 : i32
      %dma_start3A_51 = tpu.memref_slice %run_scoped3A[%rem3A_47, %dma_start3A, %dma_start3A_50] : memref<2x1x128xi32, #tpu.memory_space<vmem>> -> memref<1x1x128xi32, #tpu.memory_space<vmem>>
      %dma_start3A_52 = tpu.memref_squeeze %dma_start3A_51 : memref<1x1x128xi32, #tpu.memory_space<vmem>> -> memref<1x128xi32, #tpu.memory_space<vmem>>
      %dma_start3A_53 = arith.constant 0 : i32
      %dma_start3A_54 = tpu.memref_slice %arg4[%dma_start3A_53, %mul3A_49] : memref<1x8192xi32, #tpu.memory_space<hbm>> -> memref<1x128xi32, #tpu.memory_space<hbm>>
      %dma_start3A_55 = tpu.memref_slice %run_scoped3A_16[%rem3A_47] : memref<2x!tpu.dma_semaphore, #tpu.memory_space<semaphore_mem>> -> memref<1x!tpu.dma_semaphore, #tpu.memory_space<semaphore_mem>>
      %dma_start3A_56 = tpu.memref_squeeze %dma_start3A_55 : memref<1x!tpu.dma_semaphore, #tpu.memory_space<semaphore_mem>> -> memref<!tpu.dma_semaphore, #tpu.memory_space<semaphore_mem>>
      %dma_start3A_57 = arith.constant 0 : i32
      %dma_start3A_58 = arith.constant 0 : i32
      %dma_start3A_59 = tpu.memref_slice %run_scoped3A[%rem3A_47, %dma_start3A_57, %dma_start3A_58] : memref<2x1x128xi32, #tpu.memory_space<vmem>> -> memref<1x1x128xi32, #tpu.memory_space<vmem>>
      %dma_start3A_60 = tpu.memref_squeeze %dma_start3A_59 : memref<1x1x128xi32, #tpu.memory_space<vmem>> -> memref<1x128xi32, #tpu.memory_space<vmem>>
      %dma_start3A_61 = arith.constant 0 : i32
      %dma_start3A_62 = tpu.memref_slice %arg4[%dma_start3A_61, %mul3A_49] : memref<1x8192xi32, #tpu.memory_space<hbm>> -> memref<1x128xi32, #tpu.memory_space<hbm>>
      tpu.enqueue_dma source(%dma_start3A_62 : memref<1x128xi32, #tpu.memory_space<hbm>>) target(%dma_start3A_60 : memref<1x128xi32, #tpu.memory_space<vmem>>) target_semaphore(%dma_start3A_56 : memref<!tpu.dma_semaphore, #tpu.memory_space<semaphore_mem>>)
      %add3A_63 = arith.constant 0 : i32
      %add3A_64 = arith.constant 1 : i32
      %add3A_65 = arith.addi %add3A_63, %add3A_64 : i32
      %select_n3A_66 = arith.constant true
      %select_n3A_67 = arith.constant 0 : i32
      %select_n3A_68 = arith.select %select_n3A_66, %add3A_65, %select_n3A_67 : i32
      "tpu.trace_stop"() : () -> ()
      %scan3A = arith.constant 0 : i32
      %scan3A_69 = arith.constant 0 : i32
      %scan3A_70 = arith.constant 0 : i32
      %scan3A_71 = arith.constant 0 : i32
      %scan3A_72 = arith.constant 0 : i32
      %scan3A_73 = arith.constant 2 : i32
      %scan3A_74 = arith.addi %scan3A_72, %scan3A_73 : i32
      %scan3A_75 = arith.constant 1 : i32
      %scan3A_76:5 = scf.for %scan3A_130 = %scan3A_72 to %scan3A_74 step %scan3A_75 iter_args(%scan3A_131 = %select_n3A_68, %scan3A_132 = %scan3A, %scan3A_133 = %scan3A_69, %scan3A_134 = %scan3A_70, %scan3A_135 = %scan3A_71) -> (i32, i32, i32, i32, i32)  : i32 {
        %eq3A_136 = arith.constant 0 : i32
        %eq3A_137 = arith.cmpi eq, %scan3A_130, %eq3A_136 : i32
        %eq3A_138 = arith.constant 1 : i32
        %eq3A_139 = arith.cmpi eq, %scan3A_130, %eq3A_138 : i32
        %add3A_140 = arith.addi %scan3A_135, %mul3A_6 : i32
        %sub3A_141 = arith.constant 1 : i32
        %sub3A_142 = arith.subi %scan3A_135, %sub3A_141 : i32
        %select_n3A_143 = arith.constant true
        %select_n3A_144 = arith.select %select_n3A_143, %sub3A_142, %scan3A_135 : i32
        %eq3A_145 = arith.constant -1 : i32
        %eq3A_146 = arith.cmpi eq, %select_n3A_144, %eq3A_145 : i32
        %select_n3A_147 = arith.constant 1 : i32
        %select_n3A_148 = arith.select %eq3A_146, %select_n3A_147, %select_n3A_144 : i32
        %add3A_149 = arith.addi %select_n3A_148, %mul3A_6 : i32
        %add3A_150 = arith.constant 1 : i32
        %add3A_151 = arith.addi %scan3A_135, %add3A_150 : i32
        %select_n3A_152 = arith.constant true
        %select_n3A_153 = arith.select %select_n3A_152, %add3A_151, %scan3A_135 : i32
        %eq3A_154 = arith.constant 2 : i32
        %eq3A_155 = arith.cmpi eq, %select_n3A_153, %eq3A_154 : i32
        %select_n3A_156 = arith.constant 0 : i32
        %select_n3A_157 = arith.select %eq3A_155, %select_n3A_156, %select_n3A_153 : i32
        %add3A_158 = arith.addi %select_n3A_157, %mul3A_6 : i32
        %add3A_159 = arith.constant 1 : i32
        %add3A_160 = arith.addi %select_n3A_157, %add3A_159 : i32
        %select_n3A_161 = arith.constant true
        %select_n3A_162 = arith.select %select_n3A_161, %add3A_160, %select_n3A_157 : i32
        %eq3A_163 = arith.constant 2 : i32
        %eq3A_164 = arith.cmpi eq, %select_n3A_162, %eq3A_163 : i32
        %select_n3A_165 = arith.constant 0 : i32
        %select_n3A_166 = arith.select %eq3A_164, %select_n3A_165, %select_n3A_162 : i32
        %add3A_167 = arith.addi %select_n3A_166, %mul3A_6 : i32
        %ne3A = arith.cmpi ne, %add3A_140, %add3A_158 : i32
        %or3A = arith.constant false
        %or3A_168 = arith.ori %or3A, %ne3A : i1
        %ge3A = arith.constant 1 : i32
        %ge3A_169 = arith.cmpi sge, %scan3A_130, %ge3A : i32
        %not3A = arith.constant true
        %not3A_170 = arith.xori %ge3A_169, %not3A : i1
        %and3A = arith.andi %or3A_168, %not3A_170 : i1
        %convert_element_type3A = arith.extui %and3A : i1 to i32
        %cond3A = arith.constant 0 : i32
        %cond3A_171 = arith.cmpi ne, %convert_element_type3A, %cond3A : i32
        scf.if %cond3A_171 {
          "tpu.trace_start"() <{level = 10 : i32, message = "ep_copy_in"}> : () -> ()
          %rem3A_273 = arith.constant 2 : i32
          %rem3A_274 = arith.remui %scan3A_131, %rem3A_273 : i32
          %mul3A_275 = arith.constant 128 : i32
          %mul3A_276 = arith.muli %mul3A_275, %add3A_158 : i32
          %dma_start3A_277 = arith.constant 0 : i32
          %dma_start3A_278 = arith.constant 0 : i32
          %dma_start3A_279 = tpu.memref_slice %run_scoped3A[%rem3A_274, %dma_start3A_277, %dma_start3A_278] : memref<2x1x128xi32, #tpu.memory_space<vmem>> -> memref<1x1x128xi32, #tpu.memory_space<vmem>>
          %dma_start3A_280 = tpu.memref_squeeze %dma_start3A_279 : memref<1x1x128xi32, #tpu.memory_space<vmem>> -> memref<1x128xi32, #tpu.memory_space<vmem>>
          %dma_start3A_281 = arith.constant 0 : i32
          %dma_start3A_282 = tpu.memref_slice %arg4[%dma_start3A_281, %mul3A_276] : memref<1x8192xi32, #tpu.memory_space<hbm>> -> memref<1x128xi32, #tpu.memory_space<hbm>>
          %dma_start3A_283 = tpu.memref_slice %run_scoped3A_16[%rem3A_274] : memref<2x!tpu.dma_semaphore, #tpu.memory_space<semaphore_mem>> -> memref<1x!tpu.dma_semaphore, #tpu.memory_space<semaphore_mem>>
          %dma_start3A_284 = tpu.memref_squeeze %dma_start3A_283 : memref<1x!tpu.dma_semaphore, #tpu.memory_space<semaphore_mem>> -> memref<!tpu.dma_semaphore, #tpu.memory_space<semaphore_mem>>
          %dma_start3A_285 = arith.constant 0 : i32
          %dma_start3A_286 = arith.constant 0 : i32
          %dma_start3A_287 = tpu.memref_slice %run_scoped3A[%rem3A_274, %dma_start3A_285, %dma_start3A_286] : memref<2x1x128xi32, #tpu.memory_space<vmem>> -> memref<1x1x128xi32, #tpu.memory_space<vmem>>
          %dma_start3A_288 = tpu.memref_squeeze %dma_start3A_287 : memref<1x1x128xi32, #tpu.memory_space<vmem>> -> memref<1x128xi32, #tpu.memory_space<vmem>>
          %dma_start3A_289 = arith.constant 0 : i32
          %dma_start3A_290 = tpu.memref_slice %arg4[%dma_start3A_289, %mul3A_276] : memref<1x8192xi32, #tpu.memory_space<hbm>> -> memref<1x128xi32, #tpu.memory_space<hbm>>
          tpu.enqueue_dma source(%dma_start3A_290 : memref<1x128xi32, #tpu.memory_space<hbm>>) target(%dma_start3A_288 : memref<1x128xi32, #tpu.memory_space<vmem>>) target_semaphore(%dma_start3A_284 : memref<!tpu.dma_semaphore, #tpu.memory_space<semaphore_mem>>)
          "tpu.trace_stop"() : () -> ()
        } else {
        }
        %and3A_172 = arith.constant true
        %and3A_173 = arith.andi %and3A, %and3A_172 : i1
        %add3A_174 = arith.constant 1 : i32
        %add3A_175 = arith.addi %scan3A_131, %add3A_174 : i32
        %select_n3A_176 = arith.select %and3A_173, %add3A_175, %scan3A_131 : i32
        %ne3A_177 = arith.cmpi ne, %add3A_140, %add3A_158 : i32
        %or3A_178 = arith.constant false
        %or3A_179 = arith.ori %or3A_178, %ne3A_177 : i1
        %or3A_180 = arith.constant false
        %or3A_181 = arith.ori %or3A_179, %or3A_180 : i1
        %ge3A_182 = arith.constant 1 : i32
        %ge3A_183 = arith.cmpi sge, %scan3A_130, %ge3A_182 : i32
        %not3A_184 = arith.constant true
        %not3A_185 = arith.xori %ge3A_183, %not3A_184 : i1
        %and3A_186 = arith.andi %or3A_181, %not3A_185 : i1
        %ne3A_187 = arith.cmpi ne, %add3A_140, %add3A_149 : i32
        %or3A_188 = arith.constant false
        %or3A_189 = arith.ori %or3A_188, %ne3A_187 : i1
        %or3A_190 = arith.ori %or3A_189, %eq3A_137 : i1
        %convert_element_type3A_191 = arith.extui %or3A_190 : i1 to i32
        %cond3A_192 = arith.constant 0 : i32
        %cond3A_193 = arith.cmpi ne, %convert_element_type3A_191, %cond3A_192 : i32
        scf.if %cond3A_193 {
          "tpu.trace_start"() <{level = 10 : i32, message = "ep_wait_in"}> : () -> ()
          %mul3A_273 = arith.constant 128 : i32
          %mul3A_274 = arith.muli %mul3A_273, %add3A_140 : i32
          %rem3A_275 = arith.constant 2 : i32
          %rem3A_276 = arith.remui %scan3A_132, %rem3A_275 : i32
          %dma_wait3A_277 = arith.constant 0 : i32
          %dma_wait3A_278 = arith.constant 0 : i32
          %dma_wait3A_279 = tpu.memref_slice %run_scoped3A[%rem3A_276, %dma_wait3A_277, %dma_wait3A_278] : memref<2x1x128xi32, #tpu.memory_space<vmem>> -> memref<1x1x128xi32, #tpu.memory_space<vmem>>
          %dma_wait3A_280 = tpu.memref_squeeze %dma_wait3A_279 : memref<1x1x128xi32, #tpu.memory_space<vmem>> -> memref<1x128xi32, #tpu.memory_space<vmem>>
          %dma_wait3A_281 = arith.constant 0 : i32
          %dma_wait3A_282 = tpu.memref_slice %arg4[%dma_wait3A_281, %mul3A_274] : memref<1x8192xi32, #tpu.memory_space<hbm>> -> memref<1x128xi32, #tpu.memory_space<hbm>>
          %dma_wait3A_283 = tpu.memref_slice %run_scoped3A_16[%rem3A_276] : memref<2x!tpu.dma_semaphore, #tpu.memory_space<semaphore_mem>> -> memref<1x!tpu.dma_semaphore, #tpu.memory_space<semaphore_mem>>
          %dma_wait3A_284 = tpu.memref_squeeze %dma_wait3A_283 : memref<1x!tpu.dma_semaphore, #tpu.memory_space<semaphore_mem>> -> memref<!tpu.dma_semaphore, #tpu.memory_space<semaphore_mem>>
          %dma_wait3A_285 = arith.constant 0 : i32
          %dma_wait3A_286 = arith.constant 0 : i32
          %dma_wait3A_287 = tpu.memref_slice %run_scoped3A[%rem3A_276, %dma_wait3A_285, %dma_wait3A_286] : memref<2x1x128xi32, #tpu.memory_space<vmem>> -> memref<1x1x128xi32, #tpu.memory_space<vmem>>
          %dma_wait3A_288 = tpu.memref_squeeze %dma_wait3A_287 : memref<1x1x128xi32, #tpu.memory_space<vmem>> -> memref<1x128xi32, #tpu.memory_space<vmem>>
          %dma_wait3A_289 = arith.constant 0 : i32
          %dma_wait3A_290 = tpu.memref_slice %arg4[%dma_wait3A_289, %mul3A_274] : memref<1x8192xi32, #tpu.memory_space<hbm>> -> memref<1x128xi32, #tpu.memory_space<hbm>>
          tpu.wait_dma2 semaphore(%dma_wait3A_284 : memref<!tpu.dma_semaphore, #tpu.memory_space<semaphore_mem>>) src(%dma_wait3A_290 : memref<1x128xi32, #tpu.memory_space<hbm>>) dst(%dma_wait3A_288 : memref<1x128xi32, #tpu.memory_space<vmem>>)
          "tpu.trace_stop"() : () -> ()
        } else {
        }
        %ne3A_194 = arith.cmpi ne, %add3A_140, %add3A_149 : i32
        %or3A_195 = arith.constant false
        %or3A_196 = arith.ori %or3A_195, %ne3A_194 : i1
        %or3A_197 = arith.constant false
        %or3A_198 = arith.ori %or3A_196, %or3A_197 : i1
        %or3A_199 = arith.ori %or3A_198, %eq3A_137 : i1
        %convert_element_type3A_200 = arith.extui %or3A_199 : i1 to i32
        %cond3A_201 = arith.constant 0 : i32
        %cond3A_202 = arith.cmpi ne, %convert_element_type3A_200, %cond3A_201 : i32
        scf.if %cond3A_202 {
        } else {
        }
        %rem3A_203 = arith.constant 2 : i32
        %rem3A_204 = arith.remui %scan3A_132, %rem3A_203 : i32
        %rem3A_205 = arith.constant 2 : i32
        %rem3A_206 = arith.remui %scan3A_133, %rem3A_205 : i32
        %run_scoped3A_207 = arith.constant 0 : i32
        "tpu.trace_start"() <{level = 10 : i32, message = "ep_run_kernel"}> : () -> ()
        "tpu.region"() ({
          %run_scoped3A_273 = tpu.sem_alloc : memref<!tpu.dma_semaphore, #tpu.memory_space<semaphore_mem>>
          %dma_start3A_274 = arith.constant 0 : i32
          %dma_start3A_275 = arith.constant 0 : i32
          %dma_start3A_276 = tpu.memref_slice %run_scoped3A_17[%rem3A_206, %dma_start3A_274, %dma_start3A_275] : memref<2x128x256xf32, #tpu.memory_space<vmem>> -> memref<1x128x256xf32, #tpu.memory_space<vmem>>
          %dma_start3A_277 = tpu.memref_squeeze %dma_start3A_276 : memref<1x128x256xf32, #tpu.memory_space<vmem>> -> memref<128x256xf32, #tpu.memory_space<vmem>>
          %dma_start3A_278 = arith.constant 0 : i32
          %dma_start3A_279 = arith.constant 0 : i32
          %dma_start3A_280 = tpu.memref_slice %run_scoped3A[%rem3A_204, %dma_start3A_278, %dma_start3A_279] : memref<2x1x128xi32, #tpu.memory_space<vmem>> -> memref<1x1x128xi32, #tpu.memory_space<vmem>>
          %dma_start3A_281 = tpu.memref_squeeze %dma_start3A_280 : memref<1x1x128xi32, #tpu.memory_space<vmem>> -> memref<1x128xi32, #tpu.memory_space<vmem>>
          %dma_start3A_282 = arith.constant 0 : i32
          %dma_start3A_283 = tpu.memref_slice %dma_start3A_281[%run_scoped3A_207, %dma_start3A_282] : memref<1x128xi32, #tpu.memory_space<vmem>> -> memref<1x128xi32, #tpu.memory_space<vmem>>
          %dma_start3A_284 = tpu.memref_squeeze %dma_start3A_283 : memref<1x128xi32, #tpu.memory_space<vmem>> -> memref<128xi32, #tpu.memory_space<vmem>>
          %dma_start3A_285 = arith.constant 0 : i32
          %dma_start3A_286 = arith.constant 0 : i32
          %dma_start3A_287 = tpu.memref_slice %arg2[%dma_start3A_285, %dma_start3A_286] : memref<1024x256xf32, #tpu.memory_space<hbm>> -> memref<1024x256xf32, #tpu.memory_space<hbm>>
          tpu.enqueue_indirect_dma source(%dma_start3A_287 : memref<1024x256xf32, #tpu.memory_space<hbm>>) target(%dma_start3A_277 : memref<128x256xf32, #tpu.memory_space<vmem>>) offsets(%dma_start3A_284 : memref<128xi32, #tpu.memory_space<vmem>>) semaphore(%run_scoped3A_273 : memref<!tpu.dma_semaphore, #tpu.memory_space<semaphore_mem>>)
          %dma_wait3A_288 = arith.constant 0 : i32
          %dma_wait3A_289 = arith.constant 0 : i32
          %dma_wait3A_290 = tpu.memref_slice %run_scoped3A_17[%rem3A_206, %dma_wait3A_288, %dma_wait3A_289] : memref<2x128x256xf32, #tpu.memory_space<vmem>> -> memref<1x128x256xf32, #tpu.memory_space<vmem>>
          %dma_wait3A_291 = tpu.memref_squeeze %dma_wait3A_290 : memref<1x128x256xf32, #tpu.memory_space<vmem>> -> memref<128x256xf32, #tpu.memory_space<vmem>>
          %dma_wait3A_292 = arith.constant 0 : i32
          %dma_wait3A_293 = arith.constant 0 : i32
          %dma_wait3A_294 = tpu.memref_slice %run_scoped3A[%rem3A_204, %dma_wait3A_292, %dma_wait3A_293] : memref<2x1x128xi32, #tpu.memory_space<vmem>> -> memref<1x1x128xi32, #tpu.memory_space<vmem>>
          %dma_wait3A_295 = tpu.memref_squeeze %dma_wait3A_294 : memref<1x1x128xi32, #tpu.memory_space<vmem>> -> memref<1x128xi32, #tpu.memory_space<vmem>>
          %dma_wait3A_296 = arith.constant 0 : i32
          %dma_wait3A_297 = tpu.memref_slice %dma_wait3A_295[%run_scoped3A_207, %dma_wait3A_296] : memref<1x128xi32, #tpu.memory_space<vmem>> -> memref<1x128xi32, #tpu.memory_space<vmem>>
          %dma_wait3A_298 = tpu.memref_squeeze %dma_wait3A_297 : memref<1x128xi32, #tpu.memory_space<vmem>> -> memref<128xi32, #tpu.memory_space<vmem>>
          %dma_wait3A_299 = arith.constant 0 : i32
          %dma_wait3A_300 = arith.constant 0 : i32
          %dma_wait3A_301 = tpu.memref_slice %arg2[%dma_wait3A_299, %dma_wait3A_300] : memref<1024x256xf32, #tpu.memory_space<hbm>> -> memref<1024x256xf32, #tpu.memory_space<hbm>>
          tpu.wait_indirect_dma semaphore(%run_scoped3A_273 : memref<!tpu.dma_semaphore, #tpu.memory_space<semaphore_mem>>) src(%dma_wait3A_301 : memref<1024x256xf32, #tpu.memory_space<hbm>>) dst(%dma_wait3A_291 : memref<128x256xf32, #tpu.memory_space<vmem>>)
          tpu.yield
        }) : () -> ()
        "tpu.trace_stop"() : () -> ()
        %ne3A_208 = arith.cmpi ne, %add3A_140, %add3A_158 : i32
        %or3A_209 = arith.constant false
        %or3A_210 = arith.ori %or3A_209, %ne3A_208 : i1
        %or3A_211 = arith.ori %or3A_210, %eq3A_139 : i1
        %convert_element_type3A_212 = arith.extui %or3A_211 : i1 to i32
        %cond3A_213 = arith.constant 0 : i32
        %cond3A_214 = arith.cmpi ne, %convert_element_type3A_212, %cond3A_213 : i32
        scf.if %cond3A_214 {
        } else {
        }
        %and3A_215 = arith.constant false
        %and3A_216 = arith.andi %or3A_211, %and3A_215 : i1
        %ne3A_217 = arith.cmpi ne, %add3A_140, %add3A_158 : i32
        %or3A_218 = arith.constant false
        %or3A_219 = arith.ori %or3A_218, %ne3A_217 : i1
        %or3A_220 = arith.constant false
        %or3A_221 = arith.ori %or3A_219, %or3A_220 : i1
        %or3A_222 = arith.ori %or3A_221, %eq3A_139 : i1
        %convert_element_type3A_223 = arith.extui %or3A_222 : i1 to i32
        %cond3A_224 = arith.constant 0 : i32
        %cond3A_225 = arith.cmpi ne, %convert_element_type3A_223, %cond3A_224 : i32
        scf.if %cond3A_225 {
          "tpu.trace_start"() <{level = 10 : i32, message = "ep_copy_out"}> : () -> ()
          %rem3A_273 = arith.constant 2 : i32
          %rem3A_274 = arith.remui %scan3A_133, %rem3A_273 : i32
          %mul3A_275 = arith.constant 128 : i32
          %mul3A_276 = arith.muli %mul3A_275, %add3A_140 : i32
          %dma_start3A_277 = arith.constant 0 : i32
          %dma_start3A_278 = arith.constant 0 : i32
          %dma_start3A_279 = tpu.memref_slice %run_scoped3A_17[%rem3A_274, %dma_start3A_277, %dma_start3A_278] : memref<2x128x256xf32, #tpu.memory_space<vmem>> -> memref<1x128x256xf32, #tpu.memory_space<vmem>>
          %dma_start3A_280 = tpu.memref_squeeze %dma_start3A_279 : memref<1x128x256xf32, #tpu.memory_space<vmem>> -> memref<128x256xf32, #tpu.memory_space<vmem>>
          %dma_start3A_281 = arith.constant 0 : i32
          %dma_start3A_282 = tpu.memref_slice %arg6[%mul3A_276, %dma_start3A_281] : memref<8192x256xf32, #tpu.memory_space<hbm>> -> memref<128x256xf32, #tpu.memory_space<hbm>>
          %dma_start3A_283 = tpu.memref_slice %run_scoped3A_18[%rem3A_274] : memref<2x!tpu.dma_semaphore, #tpu.memory_space<semaphore_mem>> -> memref<1x!tpu.dma_semaphore, #tpu.memory_space<semaphore_mem>>
          %dma_start3A_284 = tpu.memref_squeeze %dma_start3A_283 : memref<1x!tpu.dma_semaphore, #tpu.memory_space<semaphore_mem>> -> memref<!tpu.dma_semaphore, #tpu.memory_space<semaphore_mem>>
          %dma_start3A_285 = arith.constant 0 : i32
          %dma_start3A_286 = tpu.memref_slice %arg6[%mul3A_276, %dma_start3A_285] : memref<8192x256xf32, #tpu.memory_space<hbm>> -> memref<128x256xf32, #tpu.memory_space<hbm>>
          %dma_start3A_287 = arith.constant 0 : i32
          %dma_start3A_288 = arith.constant 0 : i32
          %dma_start3A_289 = tpu.memref_slice %run_scoped3A_17[%rem3A_274, %dma_start3A_287, %dma_start3A_288] : memref<2x128x256xf32, #tpu.memory_space<vmem>> -> memref<1x128x256xf32, #tpu.memory_space<vmem>>
          %dma_start3A_290 = tpu.memref_squeeze %dma_start3A_289 : memref<1x128x256xf32, #tpu.memory_space<vmem>> -> memref<128x256xf32, #tpu.memory_space<vmem>>
          tpu.enqueue_dma source(%dma_start3A_290 : memref<128x256xf32, #tpu.memory_space<vmem>>) target(%dma_start3A_286 : memref<128x256xf32, #tpu.memory_space<hbm>>) target_semaphore(%dma_start3A_284 : memref<!tpu.dma_semaphore, #tpu.memory_space<semaphore_mem>>)
          "tpu.trace_stop"() : () -> ()
        } else {
        }
        %and3A_226 = arith.constant true
        %and3A_227 = arith.andi %or3A_222, %and3A_226 : i1
        %add3A_228 = arith.constant 1 : i32
        %add3A_229 = arith.addi %scan3A_133, %add3A_228 : i32
        %select_n3A_230 = arith.select %and3A_227, %add3A_229, %scan3A_133 : i32
        %ne3A_231 = arith.cmpi ne, %add3A_140, %add3A_149 : i32
        %or3A_232 = arith.constant false
        %or3A_233 = arith.ori %or3A_232, %ne3A_231 : i1
        %not3A_234 = arith.constant true
        %not3A_235 = arith.xori %eq3A_137, %not3A_234 : i1
        %and3A_236 = arith.andi %or3A_233, %not3A_235 : i1
        %convert_element_type3A_237 = arith.extui %and3A_236 : i1 to i32
        %cond3A_238 = arith.constant 0 : i32
        %cond3A_239 = arith.cmpi ne, %convert_element_type3A_237, %cond3A_238 : i32
        scf.if %cond3A_239 {
        } else {
        }
        %and3A_240 = arith.constant false
        %and3A_241 = arith.andi %and3A_236, %and3A_240 : i1
        %ne3A_242 = arith.cmpi ne, %add3A_140, %add3A_149 : i32
        %or3A_243 = arith.constant false
        %or3A_244 = arith.ori %or3A_243, %ne3A_242 : i1
        %or3A_245 = arith.constant false
        %or3A_246 = arith.ori %or3A_244, %or3A_245 : i1
        %not3A_247 = arith.constant true
        %not3A_248 = arith.xori %eq3A_137, %not3A_247 : i1
        %and3A_249 = arith.andi %or3A_246, %not3A_248 : i1
        %convert_element_type3A_250 = arith.extui %and3A_249 : i1 to i32
        %cond3A_251 = arith.constant 0 : i32
        %cond3A_252 = arith.cmpi ne, %convert_element_type3A_250, %cond3A_251 : i32
        scf.if %cond3A_252 {
          "tpu.trace_start"() <{level = 10 : i32, message = "ep_wait_out"}> : () -> ()
          %rem3A_273 = arith.constant 2 : i32
          %rem3A_274 = arith.remui %scan3A_134, %rem3A_273 : i32
          %mul3A_275 = arith.constant 128 : i32
          %mul3A_276 = arith.muli %mul3A_275, %add3A_149 : i32
          %dma_wait3A_277 = arith.constant 0 : i32
          %dma_wait3A_278 = arith.constant 0 : i32
          %dma_wait3A_279 = tpu.memref_slice %run_scoped3A_17[%rem3A_274, %dma_wait3A_277, %dma_wait3A_278] : memref<2x128x256xf32, #tpu.memory_space<vmem>> -> memref<1x128x256xf32, #tpu.memory_space<vmem>>
          %dma_wait3A_280 = tpu.memref_squeeze %dma_wait3A_279 : memref<1x128x256xf32, #tpu.memory_space<vmem>> -> memref<128x256xf32, #tpu.memory_space<vmem>>
          %dma_wait3A_281 = arith.constant 0 : i32
          %dma_wait3A_282 = tpu.memref_slice %arg6[%mul3A_276, %dma_wait3A_281] : memref<8192x256xf32, #tpu.memory_space<hbm>> -> memref<128x256xf32, #tpu.memory_space<hbm>>
          %dma_wait3A_283 = tpu.memref_slice %run_scoped3A_18[%rem3A_274] : memref<2x!tpu.dma_semaphore, #tpu.memory_space<semaphore_mem>> -> memref<1x!tpu.dma_semaphore, #tpu.memory_space<semaphore_mem>>
          %dma_wait3A_284 = tpu.memref_squeeze %dma_wait3A_283 : memref<1x!tpu.dma_semaphore, #tpu.memory_space<semaphore_mem>> -> memref<!tpu.dma_semaphore, #tpu.memory_space<semaphore_mem>>
          %dma_wait3A_285 = arith.constant 0 : i32
          %dma_wait3A_286 = tpu.memref_slice %arg6[%mul3A_276, %dma_wait3A_285] : memref<8192x256xf32, #tpu.memory_space<hbm>> -> memref<128x256xf32, #tpu.memory_space<hbm>>
          %dma_wait3A_287 = arith.constant 0 : i32
          %dma_wait3A_288 = arith.constant 0 : i32
          %dma_wait3A_289 = tpu.memref_slice %run_scoped3A_17[%rem3A_274, %dma_wait3A_287, %dma_wait3A_288] : memref<2x128x256xf32, #tpu.memory_space<vmem>> -> memref<1x128x256xf32, #tpu.memory_space<vmem>>
          %dma_wait3A_290 = tpu.memref_squeeze %dma_wait3A_289 : memref<1x128x256xf32, #tpu.memory_space<vmem>> -> memref<128x256xf32, #tpu.memory_space<vmem>>
          tpu.wait_dma2 semaphore(%dma_wait3A_284 : memref<!tpu.dma_semaphore, #tpu.memory_space<semaphore_mem>>) src(%dma_wait3A_290 : memref<128x256xf32, #tpu.memory_space<vmem>>) dst(%dma_wait3A_286 : memref<128x256xf32, #tpu.memory_space<hbm>>)
          "tpu.trace_stop"() : () -> ()
        } else {
        }
        %and3A_253 = arith.constant true
        %and3A_254 = arith.andi %and3A_249, %and3A_253 : i1
        %add3A_255 = arith.constant 1 : i32
        %add3A_256 = arith.addi %scan3A_134, %add3A_255 : i32
        %select_n3A_257 = arith.select %and3A_254, %add3A_256, %scan3A_134 : i32
        %ne3A_258 = arith.cmpi ne, %add3A_140, %add3A_158 : i32
        %or3A_259 = arith.constant false
        %or3A_260 = arith.ori %or3A_259, %ne3A_258 : i1
        %or3A_261 = arith.ori %or3A_260, %eq3A_139 : i1
        %add3A_262 = arith.constant 1 : i32
        %add3A_263 = arith.addi %scan3A_132, %add3A_262 : i32
        %select_n3A_264 = arith.select %or3A_261, %add3A_263, %scan3A_132 : i32
        %add3A_265 = arith.constant 1 : i32
        %add3A_266 = arith.addi %scan3A_135, %add3A_265 : i32
        %select_n3A_267 = arith.constant true
        %select_n3A_268 = arith.select %select_n3A_267, %add3A_266, %scan3A_135 : i32
        %eq3A_269 = arith.constant 2 : i32
        %eq3A_270 = arith.cmpi eq, %select_n3A_268, %eq3A_269 : i32
        %select_n3A_271 = arith.constant 0 : i32
        %select_n3A_272 = arith.select %eq3A_270, %select_n3A_271, %select_n3A_268 : i32
        scf.yield %select_n3A_176, %select_n3A_264, %select_n3A_230, %select_n3A_257, %select_n3A_272 : i32, i32, i32, i32, i32
      }
      %scan3A_77 = arith.constant 2 : i32
      %sub3A = arith.constant 1 : i32
      %sub3A_78 = arith.subi %scan3A_76#4, %sub3A : i32
      %select_n3A_79 = arith.constant true
      %select_n3A_80 = arith.select %select_n3A_79, %sub3A_78, %scan3A_76#4 : i32
      %eq3A_81 = arith.constant -1 : i32
      %eq3A_82 = arith.cmpi eq, %select_n3A_80, %eq3A_81 : i32
      %select_n3A_83 = arith.constant 1 : i32
      %select_n3A_84 = arith.select %eq3A_82, %select_n3A_83, %select_n3A_80 : i32
      %add3A_85 = arith.addi %select_n3A_84, %mul3A_6 : i32
      %sub3A_86 = arith.constant 1 : i32
      %sub3A_87 = arith.subi %select_n3A_84, %sub3A_86 : i32
      %select_n3A_88 = arith.constant true
      %select_n3A_89 = arith.select %select_n3A_88, %sub3A_87, %select_n3A_84 : i32
      %eq3A_90 = arith.constant -1 : i32
      %eq3A_91 = arith.cmpi eq, %select_n3A_89, %eq3A_90 : i32
      %select_n3A_92 = arith.constant 1 : i32
      %select_n3A_93 = arith.select %eq3A_91, %select_n3A_92, %select_n3A_89 : i32
      %add3A_94 = arith.addi %select_n3A_93, %mul3A_6 : i32
      %add3A_95 = arith.constant 1 : i32
      %add3A_96 = arith.addi %select_n3A_84, %add3A_95 : i32
      %select_n3A_97 = arith.constant true
      %select_n3A_98 = arith.select %select_n3A_97, %add3A_96, %select_n3A_84 : i32
      %eq3A_99 = arith.constant 2 : i32
      %eq3A_100 = arith.cmpi eq, %select_n3A_98, %eq3A_99 : i32
      %select_n3A_101 = arith.constant 0 : i32
      %select_n3A_102 = arith.select %eq3A_100, %select_n3A_101, %select_n3A_98 : i32
      %add3A_103 = arith.addi %select_n3A_102, %mul3A_6 : i32
      %add3A_104 = arith.constant 1 : i32
      %add3A_105 = arith.addi %select_n3A_102, %add3A_104 : i32
      %select_n3A_106 = arith.constant true
      %select_n3A_107 = arith.select %select_n3A_106, %add3A_105, %select_n3A_102 : i32
      %eq3A_108 = arith.constant 2 : i32
      %eq3A_109 = arith.cmpi eq, %select_n3A_107, %eq3A_108 : i32
      %select_n3A_110 = arith.constant 0 : i32
      %select_n3A_111 = arith.select %eq3A_109, %select_n3A_110, %select_n3A_107 : i32
      %add3A_112 = arith.addi %select_n3A_111, %mul3A_6 : i32
      "tpu.trace_start"() <{level = 10 : i32, message = "ep_finalize"}> : () -> ()
      %rem3A_113 = arith.constant 2 : i32
      %rem3A_114 = arith.remui %scan3A_76#3, %rem3A_113 : i32
      %mul3A_115 = arith.constant 128 : i32
      %mul3A_116 = arith.muli %mul3A_115, %add3A_85 : i32
      %dma_wait3A = arith.constant 0 : i32
      %dma_wait3A_117 = arith.constant 0 : i32
      %dma_wait3A_118 = tpu.memref_slice %run_scoped3A_17[%rem3A_114, %dma_wait3A, %dma_wait3A_117] : memref<2x128x256xf32, #tpu.memory_space<vmem>> -> memref<1x128x256xf32, #tpu.memory_space<vmem>>
      %dma_wait3A_119 = tpu.memref_squeeze %dma_wait3A_118 : memref<1x128x256xf32, #tpu.memory_space<vmem>> -> memref<128x256xf32, #tpu.memory_space<vmem>>
      %dma_wait3A_120 = arith.constant 0 : i32
      %dma_wait3A_121 = tpu.memref_slice %arg6[%mul3A_116, %dma_wait3A_120] : memref<8192x256xf32, #tpu.memory_space<hbm>> -> memref<128x256xf32, #tpu.memory_space<hbm>>
      %dma_wait3A_122 = tpu.memref_slice %run_scoped3A_18[%rem3A_114] : memref<2x!tpu.dma_semaphore, #tpu.memory_space<semaphore_mem>> -> memref<1x!tpu.dma_semaphore, #tpu.memory_space<semaphore_mem>>
      %dma_wait3A_123 = tpu.memref_squeeze %dma_wait3A_122 : memref<1x!tpu.dma_semaphore, #tpu.memory_space<semaphore_mem>> -> memref<!tpu.dma_semaphore, #tpu.memory_space<semaphore_mem>>
      %dma_wait3A_124 = arith.constant 0 : i32
      %dma_wait3A_125 = tpu.memref_slice %arg6[%mul3A_116, %dma_wait3A_124] : memref<8192x256xf32, #tpu.memory_space<hbm>> -> memref<128x256xf32, #tpu.memory_space<hbm>>
      %dma_wait3A_126 = arith.constant 0 : i32
      %dma_wait3A_127 = arith.constant 0 : i32
      %dma_wait3A_128 = tpu.memref_slice %run_scoped3A_17[%rem3A_114, %dma_wait3A_126, %dma_wait3A_127] : memref<2x128x256xf32, #tpu.memory_space<vmem>> -> memref<1x128x256xf32, #tpu.memory_space<vmem>>
      %dma_wait3A_129 = tpu.memref_squeeze %dma_wait3A_128 : memref<1x128x256xf32, #tpu.memory_space<vmem>> -> memref<128x256xf32, #tpu.memory_space<vmem>>
      tpu.wait_dma2 semaphore(%dma_wait3A_123 : memref<!tpu.dma_semaphore, #tpu.memory_space<semaphore_mem>>) src(%dma_wait3A_129 : memref<128x256xf32, #tpu.memory_space<vmem>>) dst(%dma_wait3A_125 : memref<128x256xf32, #tpu.memory_space<hbm>>)
      "tpu.trace_stop"() : () -> ()
      tpu.yield
    }) : () -> ()
    %mul3A_7 = arith.constant 1 : i32
    %mul3A_8 = arith.muli %arg1, %mul3A_7 : i32
    %add3A_9 = arith.constant 0 : i32
    %add3A_10 = arith.addi %add3A_9, %mul3A_8 : i32
    %mul3A_11 = arith.constant 16 : i32
    %mul3A_12 = arith.muli %arg0, %mul3A_11 : i32
    %add3A_13 = arith.addi %add3A_10, %mul3A_12 : i32
    %mul3A_14 = arith.constant 2 : i32
    %mul3A_15 = arith.muli %add3A_13, %mul3A_14 : i32
    "tpu.region"() ({
      %run_scoped3A = memref.alloca() : memref<2x1x128xi32, #tpu.memory_space<vmem>>
      %run_scoped3A_16 = tpu.sem_alloc : memref<2x!tpu.dma_semaphore, #tpu.memory_space<semaphore_mem>>
      %run_scoped3A_17 = memref.alloca() : memref<2x128x256xf32, #tpu.memory_space<vmem>>
      %run_scoped3A_18 = tpu.sem_alloc : memref<2x!tpu.dma_semaphore, #tpu.memory_space<semaphore_mem>>
      %add3A_19 = arith.constant 0 : i32
      %add3A_20 = arith.addi %add3A_19, %mul3A_15 : i32
      %select_n3A = arith.constant true
      %select_n3A_21 = arith.constant 0 : i32
      %select_n3A_22 = arith.constant -1 : i32
      %select_n3A_23 = arith.select %select_n3A, %select_n3A_22, %select_n3A_21 : i32
      %eq3A = arith.constant -1 : i32
      %eq3A_24 = arith.cmpi eq, %select_n3A_23, %eq3A : i32
      %select_n3A_25 = arith.constant 1 : i32
      %select_n3A_26 = arith.select %eq3A_24, %select_n3A_25, %select_n3A_23 : i32
      %add3A_27 = arith.addi %select_n3A_26, %mul3A_15 : i32
      %select_n3A_28 = arith.constant true
      %select_n3A_29 = arith.constant 0 : i32
      %select_n3A_30 = arith.constant 1 : i32
      %select_n3A_31 = arith.select %select_n3A_28, %select_n3A_30, %select_n3A_29 : i32
      %eq3A_32 = arith.constant 2 : i32
      %eq3A_33 = arith.cmpi eq, %select_n3A_31, %eq3A_32 : i32
      %select_n3A_34 = arith.constant 0 : i32
      %select_n3A_35 = arith.select %eq3A_33, %select_n3A_34, %select_n3A_31 : i32
      %add3A_36 = arith.addi %select_n3A_35, %mul3A_15 : i32
      %add3A_37 = arith.constant 1 : i32
      %add3A_38 = arith.addi %select_n3A_35, %add3A_37 : i32
      %select_n3A_39 = arith.constant true
      %select_n3A_40 = arith.select %select_n3A_39, %add3A_38, %select_n3A_35 : i32
      %eq3A_41 = arith.constant 2 : i32
      %eq3A_42 = arith.cmpi eq, %select_n3A_40, %eq3A_41 : i32
      %select_n3A_43 = arith.constant 0 : i32
      %select_n3A_44 = arith.select %eq3A_42, %select_n3A_43, %select_n3A_40 : i32
      %add3A_45 = arith.addi %select_n3A_44, %mul3A_15 : i32
      "tpu.trace_start"() <{level = 10 : i32, message = "ep_initialize_0"}> : () -> ()
      %rem3A = arith.constant 0 : i32
      %rem3A_46 = arith.constant 2 : i32
      %rem3A_47 = arith.remui %rem3A, %rem3A_46 : i32
      %mul3A_48 = arith.constant 128 : i32
      %mul3A_49 = arith.muli %mul3A_48, %add3A_20 : i32
      %dma_start3A = arith.constant 0 : i32
      %dma_start3A_50 = arith.constant 0 : i32
      %dma_start3A_51 = tpu.memref_slice %run_scoped3A[%rem3A_47, %dma_start3A, %dma_start3A_50] : memref<2x1x128xi32, #tpu.memory_space<vmem>> -> memref<1x1x128xi32, #tpu.memory_space<vmem>>
      %dma_start3A_52 = tpu.memref_squeeze %dma_start3A_51 : memref<1x1x128xi32, #tpu.memory_space<vmem>> -> memref<1x128xi32, #tpu.memory_space<vmem>>
      %dma_start3A_53 = arith.constant 0 : i32
      %dma_start3A_54 = tpu.memref_slice %arg5[%dma_start3A_53, %mul3A_49] : memref<1x8192xi32, #tpu.memory_space<hbm>> -> memref<1x128xi32, #tpu.memory_space<hbm>>
      %dma_start3A_55 = tpu.memref_slice %run_scoped3A_16[%rem3A_47] : memref<2x!tpu.dma_semaphore, #tpu.memory_space<semaphore_mem>> -> memref<1x!tpu.dma_semaphore, #tpu.memory_space<semaphore_mem>>
      %dma_start3A_56 = tpu.memref_squeeze %dma_start3A_55 : memref<1x!tpu.dma_semaphore, #tpu.memory_space<semaphore_mem>> -> memref<!tpu.dma_semaphore, #tpu.memory_space<semaphore_mem>>
      %dma_start3A_57 = arith.constant 0 : i32
      %dma_start3A_58 = arith.constant 0 : i32
      %dma_start3A_59 = tpu.memref_slice %run_scoped3A[%rem3A_47, %dma_start3A_57, %dma_start3A_58] : memref<2x1x128xi32, #tpu.memory_space<vmem>> -> memref<1x1x128xi32, #tpu.memory_space<vmem>>
      %dma_start3A_60 = tpu.memref_squeeze %dma_start3A_59 : memref<1x1x128xi32, #tpu.memory_space<vmem>> -> memref<1x128xi32, #tpu.memory_space<vmem>>
      %dma_start3A_61 = arith.constant 0 : i32
      %dma_start3A_62 = tpu.memref_slice %arg5[%dma_start3A_61, %mul3A_49] : memref<1x8192xi32, #tpu.memory_space<hbm>> -> memref<1x128xi32, #tpu.memory_space<hbm>>
      tpu.enqueue_dma source(%dma_start3A_62 : memref<1x128xi32, #tpu.memory_space<hbm>>) target(%dma_start3A_60 : memref<1x128xi32, #tpu.memory_space<vmem>>) target_semaphore(%dma_start3A_56 : memref<!tpu.dma_semaphore, #tpu.memory_space<semaphore_mem>>)
      %add3A_63 = arith.constant 0 : i32
      %add3A_64 = arith.constant 1 : i32
      %add3A_65 = arith.addi %add3A_63, %add3A_64 : i32
      %select_n3A_66 = arith.constant true
      %select_n3A_67 = arith.constant 0 : i32
      %select_n3A_68 = arith.select %select_n3A_66, %add3A_65, %select_n3A_67 : i32
      "tpu.trace_stop"() : () -> ()
      %scan3A = arith.constant 0 : i32
      %scan3A_69 = arith.constant 0 : i32
      %scan3A_70 = arith.constant 0 : i32
      %scan3A_71 = arith.constant 0 : i32
      %scan3A_72 = arith.constant 0 : i32
      %scan3A_73 = arith.constant 2 : i32
      %scan3A_74 = arith.addi %scan3A_72, %scan3A_73 : i32
      %scan3A_75 = arith.constant 1 : i32
      %scan3A_76:5 = scf.for %scan3A_130 = %scan3A_72 to %scan3A_74 step %scan3A_75 iter_args(%scan3A_131 = %select_n3A_68, %scan3A_132 = %scan3A, %scan3A_133 = %scan3A_69, %scan3A_134 = %scan3A_70, %scan3A_135 = %scan3A_71) -> (i32, i32, i32, i32, i32)  : i32 {
        %eq3A_136 = arith.constant 0 : i32
        %eq3A_137 = arith.cmpi eq, %scan3A_130, %eq3A_136 : i32
        %eq3A_138 = arith.constant 1 : i32
        %eq3A_139 = arith.cmpi eq, %scan3A_130, %eq3A_138 : i32
        %add3A_140 = arith.addi %scan3A_135, %mul3A_15 : i32
        %sub3A_141 = arith.constant 1 : i32
        %sub3A_142 = arith.subi %scan3A_135, %sub3A_141 : i32
        %select_n3A_143 = arith.constant true
        %select_n3A_144 = arith.select %select_n3A_143, %sub3A_142, %scan3A_135 : i32
        %eq3A_145 = arith.constant -1 : i32
        %eq3A_146 = arith.cmpi eq, %select_n3A_144, %eq3A_145 : i32
        %select_n3A_147 = arith.constant 1 : i32
        %select_n3A_148 = arith.select %eq3A_146, %select_n3A_147, %select_n3A_144 : i32
        %add3A_149 = arith.addi %select_n3A_148, %mul3A_15 : i32
        %add3A_150 = arith.constant 1 : i32
        %add3A_151 = arith.addi %scan3A_135, %add3A_150 : i32
        %select_n3A_152 = arith.constant true
        %select_n3A_153 = arith.select %select_n3A_152, %add3A_151, %scan3A_135 : i32
        %eq3A_154 = arith.constant 2 : i32
        %eq3A_155 = arith.cmpi eq, %select_n3A_153, %eq3A_154 : i32
        %select_n3A_156 = arith.constant 0 : i32
        %select_n3A_157 = arith.select %eq3A_155, %select_n3A_156, %select_n3A_153 : i32
        %add3A_158 = arith.addi %select_n3A_157, %mul3A_15 : i32
        %add3A_159 = arith.constant 1 : i32
        %add3A_160 = arith.addi %select_n3A_157, %add3A_159 : i32
        %select_n3A_161 = arith.constant true
        %select_n3A_162 = arith.select %select_n3A_161, %add3A_160, %select_n3A_157 : i32
        %eq3A_163 = arith.constant 2 : i32
        %eq3A_164 = arith.cmpi eq, %select_n3A_162, %eq3A_163 : i32
        %select_n3A_165 = arith.constant 0 : i32
        %select_n3A_166 = arith.select %eq3A_164, %select_n3A_165, %select_n3A_162 : i32
        %add3A_167 = arith.addi %select_n3A_166, %mul3A_15 : i32
        %ne3A = arith.cmpi ne, %add3A_140, %add3A_158 : i32
        %or3A = arith.constant false
        %or3A_168 = arith.ori %or3A, %ne3A : i1
        %ge3A = arith.constant 1 : i32
        %ge3A_169 = arith.cmpi sge, %scan3A_130, %ge3A : i32
        %not3A = arith.constant true
        %not3A_170 = arith.xori %ge3A_169, %not3A : i1
        %and3A = arith.andi %or3A_168, %not3A_170 : i1
        %convert_element_type3A = arith.extui %and3A : i1 to i32
        %cond3A = arith.constant 0 : i32
        %cond3A_171 = arith.cmpi ne, %convert_element_type3A, %cond3A : i32
        scf.if %cond3A_171 {
          "tpu.trace_start"() <{level = 10 : i32, message = "ep_copy_in"}> : () -> ()
          %rem3A_273 = arith.constant 2 : i32
          %rem3A_274 = arith.remui %scan3A_131, %rem3A_273 : i32
          %mul3A_275 = arith.constant 128 : i32
          %mul3A_276 = arith.muli %mul3A_275, %add3A_158 : i32
          %dma_start3A_277 = arith.constant 0 : i32
          %dma_start3A_278 = arith.constant 0 : i32
          %dma_start3A_279 = tpu.memref_slice %run_scoped3A[%rem3A_274, %dma_start3A_277, %dma_start3A_278] : memref<2x1x128xi32, #tpu.memory_space<vmem>> -> memref<1x1x128xi32, #tpu.memory_space<vmem>>
          %dma_start3A_280 = tpu.memref_squeeze %dma_start3A_279 : memref<1x1x128xi32, #tpu.memory_space<vmem>> -> memref<1x128xi32, #tpu.memory_space<vmem>>
          %dma_start3A_281 = arith.constant 0 : i32
          %dma_start3A_282 = tpu.memref_slice %arg5[%dma_start3A_281, %mul3A_276] : memref<1x8192xi32, #tpu.memory_space<hbm>> -> memref<1x128xi32, #tpu.memory_space<hbm>>
          %dma_start3A_283 = tpu.memref_slice %run_scoped3A_16[%rem3A_274] : memref<2x!tpu.dma_semaphore, #tpu.memory_space<semaphore_mem>> -> memref<1x!tpu.dma_semaphore, #tpu.memory_space<semaphore_mem>>
          %dma_start3A_284 = tpu.memref_squeeze %dma_start3A_283 : memref<1x!tpu.dma_semaphore, #tpu.memory_space<semaphore_mem>> -> memref<!tpu.dma_semaphore, #tpu.memory_space<semaphore_mem>>
          %dma_start3A_285 = arith.constant 0 : i32
          %dma_start3A_286 = arith.constant 0 : i32
          %dma_start3A_287 = tpu.memref_slice %run_scoped3A[%rem3A_274, %dma_start3A_285, %dma_start3A_286] : memref<2x1x128xi32, #tpu.memory_space<vmem>> -> memref<1x1x128xi32, #tpu.memory_space<vmem>>
          %dma_start3A_288 = tpu.memref_squeeze %dma_start3A_287 : memref<1x1x128xi32, #tpu.memory_space<vmem>> -> memref<1x128xi32, #tpu.memory_space<vmem>>
          %dma_start3A_289 = arith.constant 0 : i32
          %dma_start3A_290 = tpu.memref_slice %arg5[%dma_start3A_289, %mul3A_276] : memref<1x8192xi32, #tpu.memory_space<hbm>> -> memref<1x128xi32, #tpu.memory_space<hbm>>
          tpu.enqueue_dma source(%dma_start3A_290 : memref<1x128xi32, #tpu.memory_space<hbm>>) target(%dma_start3A_288 : memref<1x128xi32, #tpu.memory_space<vmem>>) target_semaphore(%dma_start3A_284 : memref<!tpu.dma_semaphore, #tpu.memory_space<semaphore_mem>>)
          "tpu.trace_stop"() : () -> ()
        } else {
        }
        %and3A_172 = arith.constant true
        %and3A_173 = arith.andi %and3A, %and3A_172 : i1
        %add3A_174 = arith.constant 1 : i32
        %add3A_175 = arith.addi %scan3A_131, %add3A_174 : i32
        %select_n3A_176 = arith.select %and3A_173, %add3A_175, %scan3A_131 : i32
        %ne3A_177 = arith.cmpi ne, %add3A_140, %add3A_158 : i32
        %or3A_178 = arith.constant false
        %or3A_179 = arith.ori %or3A_178, %ne3A_177 : i1
        %or3A_180 = arith.constant false
        %or3A_181 = arith.ori %or3A_179, %or3A_180 : i1
        %ge3A_182 = arith.constant 1 : i32
        %ge3A_183 = arith.cmpi sge, %scan3A_130, %ge3A_182 : i32
        %not3A_184 = arith.constant true
        %not3A_185 = arith.xori %ge3A_183, %not3A_184 : i1
        %and3A_186 = arith.andi %or3A_181, %not3A_185 : i1
        %ne3A_187 = arith.cmpi ne, %add3A_140, %add3A_149 : i32
        %or3A_188 = arith.constant false
        %or3A_189 = arith.ori %or3A_188, %ne3A_187 : i1
        %or3A_190 = arith.ori %or3A_189, %eq3A_137 : i1
        %convert_element_type3A_191 = arith.extui %or3A_190 : i1 to i32
        %cond3A_192 = arith.constant 0 : i32
        %cond3A_193 = arith.cmpi ne, %convert_element_type3A_191, %cond3A_192 : i32
        scf.if %cond3A_193 {
          "tpu.trace_start"() <{level = 10 : i32, message = "ep_wait_in"}> : () -> ()
          %mul3A_273 = arith.constant 128 : i32
          %mul3A_274 = arith.muli %mul3A_273, %add3A_140 : i32
          %rem3A_275 = arith.constant 2 : i32
          %rem3A_276 = arith.remui %scan3A_132, %rem3A_275 : i32
          %dma_wait3A_277 = arith.constant 0 : i32
          %dma_wait3A_278 = arith.constant 0 : i32
          %dma_wait3A_279 = tpu.memref_slice %run_scoped3A[%rem3A_276, %dma_wait3A_277, %dma_wait3A_278] : memref<2x1x128xi32, #tpu.memory_space<vmem>> -> memref<1x1x128xi32, #tpu.memory_space<vmem>>
          %dma_wait3A_280 = tpu.memref_squeeze %dma_wait3A_279 : memref<1x1x128xi32, #tpu.memory_space<vmem>> -> memref<1x128xi32, #tpu.memory_space<vmem>>
          %dma_wait3A_281 = arith.constant 0 : i32
          %dma_wait3A_282 = tpu.memref_slice %arg5[%dma_wait3A_281, %mul3A_274] : memref<1x8192xi32, #tpu.memory_space<hbm>> -> memref<1x128xi32, #tpu.memory_space<hbm>>
          %dma_wait3A_283 = tpu.memref_slice %run_scoped3A_16[%rem3A_276] : memref<2x!tpu.dma_semaphore, #tpu.memory_space<semaphore_mem>> -> memref<1x!tpu.dma_semaphore, #tpu.memory_space<semaphore_mem>>
          %dma_wait3A_284 = tpu.memref_squeeze %dma_wait3A_283 : memref<1x!tpu.dma_semaphore, #tpu.memory_space<semaphore_mem>> -> memref<!tpu.dma_semaphore, #tpu.memory_space<semaphore_mem>>
          %dma_wait3A_285 = arith.constant 0 : i32
          %dma_wait3A_286 = arith.constant 0 : i32
          %dma_wait3A_287 = tpu.memref_slice %run_scoped3A[%rem3A_276, %dma_wait3A_285, %dma_wait3A_286] : memref<2x1x128xi32, #tpu.memory_space<vmem>> -> memref<1x1x128xi32, #tpu.memory_space<vmem>>
          %dma_wait3A_288 = tpu.memref_squeeze %dma_wait3A_287 : memref<1x1x128xi32, #tpu.memory_space<vmem>> -> memref<1x128xi32, #tpu.memory_space<vmem>>
          %dma_wait3A_289 = arith.constant 0 : i32
          %dma_wait3A_290 = tpu.memref_slice %arg5[%dma_wait3A_289, %mul3A_274] : memref<1x8192xi32, #tpu.memory_space<hbm>> -> memref<1x128xi32, #tpu.memory_space<hbm>>
          tpu.wait_dma2 semaphore(%dma_wait3A_284 : memref<!tpu.dma_semaphore, #tpu.memory_space<semaphore_mem>>) src(%dma_wait3A_290 : memref<1x128xi32, #tpu.memory_space<hbm>>) dst(%dma_wait3A_288 : memref<1x128xi32, #tpu.memory_space<vmem>>)
          "tpu.trace_stop"() : () -> ()
        } else {
        }
        %ne3A_194 = arith.cmpi ne, %add3A_140, %add3A_149 : i32
        %or3A_195 = arith.constant false
        %or3A_196 = arith.ori %or3A_195, %ne3A_194 : i1
        %or3A_197 = arith.constant false
        %or3A_198 = arith.ori %or3A_196, %or3A_197 : i1
        %or3A_199 = arith.ori %or3A_198, %eq3A_137 : i1
        %convert_element_type3A_200 = arith.extui %or3A_199 : i1 to i32
        %cond3A_201 = arith.constant 0 : i32
        %cond3A_202 = arith.cmpi ne, %convert_element_type3A_200, %cond3A_201 : i32
        scf.if %cond3A_202 {
        } else {
        }
        %rem3A_203 = arith.constant 2 : i32
        %rem3A_204 = arith.remui %scan3A_132, %rem3A_203 : i32
        %rem3A_205 = arith.constant 2 : i32
        %rem3A_206 = arith.remui %scan3A_133, %rem3A_205 : i32
        %run_scoped3A_207 = arith.constant 0 : i32
        "tpu.trace_start"() <{level = 10 : i32, message = "ep_run_kernel"}> : () -> ()
        "tpu.region"() ({
          %run_scoped3A_273 = tpu.sem_alloc : memref<!tpu.dma_semaphore, #tpu.memory_space<semaphore_mem>>
          %dma_start3A_274 = arith.constant 0 : i32
          %dma_start3A_275 = arith.constant 0 : i32
          %dma_start3A_276 = tpu.memref_slice %run_scoped3A_17[%rem3A_206, %dma_start3A_274, %dma_start3A_275] : memref<2x128x256xf32, #tpu.memory_space<vmem>> -> memref<1x128x256xf32, #tpu.memory_space<vmem>>
          %dma_start3A_277 = tpu.memref_squeeze %dma_start3A_276 : memref<1x128x256xf32, #tpu.memory_space<vmem>> -> memref<128x256xf32, #tpu.memory_space<vmem>>
          %dma_start3A_278 = arith.constant 0 : i32
          %dma_start3A_279 = arith.constant 0 : i32
          %dma_start3A_280 = tpu.memref_slice %run_scoped3A[%rem3A_204, %dma_start3A_278, %dma_start3A_279] : memref<2x1x128xi32, #tpu.memory_space<vmem>> -> memref<1x1x128xi32, #tpu.memory_space<vmem>>
          %dma_start3A_281 = tpu.memref_squeeze %dma_start3A_280 : memref<1x1x128xi32, #tpu.memory_space<vmem>> -> memref<1x128xi32, #tpu.memory_space<vmem>>
          %dma_start3A_282 = arith.constant 0 : i32
          %dma_start3A_283 = tpu.memref_slice %dma_start3A_281[%run_scoped3A_207, %dma_start3A_282] : memref<1x128xi32, #tpu.memory_space<vmem>> -> memref<1x128xi32, #tpu.memory_space<vmem>>
          %dma_start3A_284 = tpu.memref_squeeze %dma_start3A_283 : memref<1x128xi32, #tpu.memory_space<vmem>> -> memref<128xi32, #tpu.memory_space<vmem>>
          %dma_start3A_285 = arith.constant 0 : i32
          %dma_start3A_286 = arith.constant 0 : i32
          %dma_start3A_287 = tpu.memref_slice %arg3[%dma_start3A_285, %dma_start3A_286] : memref<1024x256xf32, #tpu.memory_space<hbm>> -> memref<1024x256xf32, #tpu.memory_space<hbm>>
          tpu.enqueue_indirect_dma source(%dma_start3A_287 : memref<1024x256xf32, #tpu.memory_space<hbm>>) target(%dma_start3A_277 : memref<128x256xf32, #tpu.memory_space<vmem>>) offsets(%dma_start3A_284 : memref<128xi32, #tpu.memory_space<vmem>>) semaphore(%run_scoped3A_273 : memref<!tpu.dma_semaphore, #tpu.memory_space<semaphore_mem>>)
          %dma_wait3A_288 = arith.constant 0 : i32
          %dma_wait3A_289 = arith.constant 0 : i32
          %dma_wait3A_290 = tpu.memref_slice %run_scoped3A_17[%rem3A_206, %dma_wait3A_288, %dma_wait3A_289] : memref<2x128x256xf32, #tpu.memory_space<vmem>> -> memref<1x128x256xf32, #tpu.memory_space<vmem>>
          %dma_wait3A_291 = tpu.memref_squeeze %dma_wait3A_290 : memref<1x128x256xf32, #tpu.memory_space<vmem>> -> memref<128x256xf32, #tpu.memory_space<vmem>>
          %dma_wait3A_292 = arith.constant 0 : i32
          %dma_wait3A_293 = arith.constant 0 : i32
          %dma_wait3A_294 = tpu.memref_slice %run_scoped3A[%rem3A_204, %dma_wait3A_292, %dma_wait3A_293] : memref<2x1x128xi32, #tpu.memory_space<vmem>> -> memref<1x1x128xi32, #tpu.memory_space<vmem>>
          %dma_wait3A_295 = tpu.memref_squeeze %dma_wait3A_294 : memref<1x1x128xi32, #tpu.memory_space<vmem>> -> memref<1x128xi32, #tpu.memory_space<vmem>>
          %dma_wait3A_296 = arith.constant 0 : i32
          %dma_wait3A_297 = tpu.memref_slice %dma_wait3A_295[%run_scoped3A_207, %dma_wait3A_296] : memref<1x128xi32, #tpu.memory_space<vmem>> -> memref<1x128xi32, #tpu.memory_space<vmem>>
          %dma_wait3A_298 = tpu.memref_squeeze %dma_wait3A_297 : memref<1x128xi32, #tpu.memory_space<vmem>> -> memref<128xi32, #tpu.memory_space<vmem>>
          %dma_wait3A_299 = arith.constant 0 : i32
          %dma_wait3A_300 = arith.constant 0 : i32
          %dma_wait3A_301 = tpu.memref_slice %arg3[%dma_wait3A_299, %dma_wait3A_300] : memref<1024x256xf32, #tpu.memory_space<hbm>> -> memref<1024x256xf32, #tpu.memory_space<hbm>>
          tpu.wait_indirect_dma semaphore(%run_scoped3A_273 : memref<!tpu.dma_semaphore, #tpu.memory_space<semaphore_mem>>) src(%dma_wait3A_301 : memref<1024x256xf32, #tpu.memory_space<hbm>>) dst(%dma_wait3A_291 : memref<128x256xf32, #tpu.memory_space<vmem>>)
          tpu.yield
        }) : () -> ()
        "tpu.trace_stop"() : () -> ()
        %ne3A_208 = arith.cmpi ne, %add3A_140, %add3A_158 : i32
        %or3A_209 = arith.constant false
        %or3A_210 = arith.ori %or3A_209, %ne3A_208 : i1
        %or3A_211 = arith.ori %or3A_210, %eq3A_139 : i1
        %convert_element_type3A_212 = arith.extui %or3A_211 : i1 to i32
        %cond3A_213 = arith.constant 0 : i32
        %cond3A_214 = arith.cmpi ne, %convert_element_type3A_212, %cond3A_213 : i32
        scf.if %cond3A_214 {
        } else {
        }
        %and3A_215 = arith.constant false
        %and3A_216 = arith.andi %or3A_211, %and3A_215 : i1
        %ne3A_217 = arith.cmpi ne, %add3A_140, %add3A_158 : i32
        %or3A_218 = arith.constant false
        %or3A_219 = arith.ori %or3A_218, %ne3A_217 : i1
        %or3A_220 = arith.constant false
        %or3A_221 = arith.ori %or3A_219, %or3A_220 : i1
        %or3A_222 = arith.ori %or3A_221, %eq3A_139 : i1
        %convert_element_type3A_223 = arith.extui %or3A_222 : i1 to i32
        %cond3A_224 = arith.constant 0 : i32
        %cond3A_225 = arith.cmpi ne, %convert_element_type3A_223, %cond3A_224 : i32
        scf.if %cond3A_225 {
          "tpu.trace_start"() <{level = 10 : i32, message = "ep_copy_out"}> : () -> ()
          %rem3A_273 = arith.constant 2 : i32
          %rem3A_274 = arith.remui %scan3A_133, %rem3A_273 : i32
          %mul3A_275 = arith.constant 128 : i32
          %mul3A_276 = arith.muli %mul3A_275, %add3A_140 : i32
          %dma_start3A_277 = arith.constant 0 : i32
          %dma_start3A_278 = arith.constant 0 : i32
          %dma_start3A_279 = tpu.memref_slice %run_scoped3A_17[%rem3A_274, %dma_start3A_277, %dma_start3A_278] : memref<2x128x256xf32, #tpu.memory_space<vmem>> -> memref<1x128x256xf32, #tpu.memory_space<vmem>>
          %dma_start3A_280 = tpu.memref_squeeze %dma_start3A_279 : memref<1x128x256xf32, #tpu.memory_space<vmem>> -> memref<128x256xf32, #tpu.memory_space<vmem>>
          %dma_start3A_281 = arith.constant 0 : i32
          %dma_start3A_282 = tpu.memref_slice %arg7[%mul3A_276, %dma_start3A_281] : memref<8192x256xf32, #tpu.memory_space<hbm>> -> memref<128x256xf32, #tpu.memory_space<hbm>>
          %dma_start3A_283 = tpu.memref_slice %run_scoped3A_18[%rem3A_274] : memref<2x!tpu.dma_semaphore, #tpu.memory_space<semaphore_mem>> -> memref<1x!tpu.dma_semaphore, #tpu.memory_space<semaphore_mem>>
          %dma_start3A_284 = tpu.memref_squeeze %dma_start3A_283 : memref<1x!tpu.dma_semaphore, #tpu.memory_space<semaphore_mem>> -> memref<!tpu.dma_semaphore, #tpu.memory_space<semaphore_mem>>
          %dma_start3A_285 = arith.constant 0 : i32
          %dma_start3A_286 = tpu.memref_slice %arg7[%mul3A_276, %dma_start3A_285] : memref<8192x256xf32, #tpu.memory_space<hbm>> -> memref<128x256xf32, #tpu.memory_space<hbm>>
          %dma_start3A_287 = arith.constant 0 : i32
          %dma_start3A_288 = arith.constant 0 : i32
          %dma_start3A_289 = tpu.memref_slice %run_scoped3A_17[%rem3A_274, %dma_start3A_287, %dma_start3A_288] : memref<2x128x256xf32, #tpu.memory_space<vmem>> -> memref<1x128x256xf32, #tpu.memory_space<vmem>>
          %dma_start3A_290 = tpu.memref_squeeze %dma_start3A_289 : memref<1x128x256xf32, #tpu.memory_space<vmem>> -> memref<128x256xf32, #tpu.memory_space<vmem>>
          tpu.enqueue_dma source(%dma_start3A_290 : memref<128x256xf32, #tpu.memory_space<vmem>>) target(%dma_start3A_286 : memref<128x256xf32, #tpu.memory_space<hbm>>) target_semaphore(%dma_start3A_284 : memref<!tpu.dma_semaphore, #tpu.memory_space<semaphore_mem>>)
          "tpu.trace_stop"() : () -> ()
        } else {
        }
        %and3A_226 = arith.constant true
        %and3A_227 = arith.andi %or3A_222, %and3A_226 : i1
        %add3A_228 = arith.constant 1 : i32
        %add3A_229 = arith.addi %scan3A_133, %add3A_228 : i32
        %select_n3A_230 = arith.select %and3A_227, %add3A_229, %scan3A_133 : i32
        %ne3A_231 = arith.cmpi ne, %add3A_140, %add3A_149 : i32
        %or3A_232 = arith.constant false
        %or3A_233 = arith.ori %or3A_232, %ne3A_231 : i1
        %not3A_234 = arith.constant true
        %not3A_235 = arith.xori %eq3A_137, %not3A_234 : i1
        %and3A_236 = arith.andi %or3A_233, %not3A_235 : i1
        %convert_element_type3A_237 = arith.extui %and3A_236 : i1 to i32
        %cond3A_238 = arith.constant 0 : i32
        %cond3A_239 = arith.cmpi ne, %convert_element_type3A_237, %cond3A_238 : i32
        scf.if %cond3A_239 {
        } else {
        }
        %and3A_240 = arith.constant false
        %and3A_241 = arith.andi %and3A_236, %and3A_240 : i1
        %ne3A_242 = arith.cmpi ne, %add3A_140, %add3A_149 : i32
        %or3A_243 = arith.constant false
        %or3A_244 = arith.ori %or3A_243, %ne3A_242 : i1
        %or3A_245 = arith.constant false
        %or3A_246 = arith.ori %or3A_244, %or3A_245 : i1
        %not3A_247 = arith.constant true
        %not3A_248 = arith.xori %eq3A_137, %not3A_247 : i1
        %and3A_249 = arith.andi %or3A_246, %not3A_248 : i1
        %convert_element_type3A_250 = arith.extui %and3A_249 : i1 to i32
        %cond3A_251 = arith.constant 0 : i32
        %cond3A_252 = arith.cmpi ne, %convert_element_type3A_250, %cond3A_251 : i32
        scf.if %cond3A_252 {
          "tpu.trace_start"() <{level = 10 : i32, message = "ep_wait_out"}> : () -> ()
          %rem3A_273 = arith.constant 2 : i32
          %rem3A_274 = arith.remui %scan3A_134, %rem3A_273 : i32
          %mul3A_275 = arith.constant 128 : i32
          %mul3A_276 = arith.muli %mul3A_275, %add3A_149 : i32
          %dma_wait3A_277 = arith.constant 0 : i32
          %dma_wait3A_278 = arith.constant 0 : i32
          %dma_wait3A_279 = tpu.memref_slice %run_scoped3A_17[%rem3A_274, %dma_wait3A_277, %dma_wait3A_278] : memref<2x128x256xf32, #tpu.memory_space<vmem>> -> memref<1x128x256xf32, #tpu.memory_space<vmem>>
          %dma_wait3A_280 = tpu.memref_squeeze %dma_wait3A_279 : memref<1x128x256xf32, #tpu.memory_space<vmem>> -> memref<128x256xf32, #tpu.memory_space<vmem>>
          %dma_wait3A_281 = arith.constant 0 : i32
          %dma_wait3A_282 = tpu.memref_slice %arg7[%mul3A_276, %dma_wait3A_281] : memref<8192x256xf32, #tpu.memory_space<hbm>> -> memref<128x256xf32, #tpu.memory_space<hbm>>
          %dma_wait3A_283 = tpu.memref_slice %run_scoped3A_18[%rem3A_274] : memref<2x!tpu.dma_semaphore, #tpu.memory_space<semaphore_mem>> -> memref<1x!tpu.dma_semaphore, #tpu.memory_space<semaphore_mem>>
          %dma_wait3A_284 = tpu.memref_squeeze %dma_wait3A_283 : memref<1x!tpu.dma_semaphore, #tpu.memory_space<semaphore_mem>> -> memref<!tpu.dma_semaphore, #tpu.memory_space<semaphore_mem>>
          %dma_wait3A_285 = arith.constant 0 : i32
          %dma_wait3A_286 = tpu.memref_slice %arg7[%mul3A_276, %dma_wait3A_285] : memref<8192x256xf32, #tpu.memory_space<hbm>> -> memref<128x256xf32, #tpu.memory_space<hbm>>
          %dma_wait3A_287 = arith.constant 0 : i32
          %dma_wait3A_288 = arith.constant 0 : i32
          %dma_wait3A_289 = tpu.memref_slice %run_scoped3A_17[%rem3A_274, %dma_wait3A_287, %dma_wait3A_288] : memref<2x128x256xf32, #tpu.memory_space<vmem>> -> memref<1x128x256xf32, #tpu.memory_space<vmem>>
          %dma_wait3A_290 = tpu.memref_squeeze %dma_wait3A_289 : memref<1x128x256xf32, #tpu.memory_space<vmem>> -> memref<128x256xf32, #tpu.memory_space<vmem>>
          tpu.wait_dma2 semaphore(%dma_wait3A_284 : memref<!tpu.dma_semaphore, #tpu.memory_space<semaphore_mem>>) src(%dma_wait3A_290 : memref<128x256xf32, #tpu.memory_space<vmem>>) dst(%dma_wait3A_286 : memref<128x256xf32, #tpu.memory_space<hbm>>)
          "tpu.trace_stop"() : () -> ()
        } else {
        }
        %and3A_253 = arith.constant true
        %and3A_254 = arith.andi %and3A_249, %and3A_253 : i1
        %add3A_255 = arith.constant 1 : i32
        %add3A_256 = arith.addi %scan3A_134, %add3A_255 : i32
        %select_n3A_257 = arith.select %and3A_254, %add3A_256, %scan3A_134 : i32
        %ne3A_258 = arith.cmpi ne, %add3A_140, %add3A_158 : i32
        %or3A_259 = arith.constant false
        %or3A_260 = arith.ori %or3A_259, %ne3A_258 : i1
        %or3A_261 = arith.ori %or3A_260, %eq3A_139 : i1
        %add3A_262 = arith.constant 1 : i32
        %add3A_263 = arith.addi %scan3A_132, %add3A_262 : i32
        %select_n3A_264 = arith.select %or3A_261, %add3A_263, %scan3A_132 : i32
        %add3A_265 = arith.constant 1 : i32
        %add3A_266 = arith.addi %scan3A_135, %add3A_265 : i32
        %select_n3A_267 = arith.constant true
        %select_n3A_268 = arith.select %select_n3A_267, %add3A_266, %scan3A_135 : i32
        %eq3A_269 = arith.constant 2 : i32
        %eq3A_270 = arith.cmpi eq, %select_n3A_268, %eq3A_269 : i32
        %select_n3A_271 = arith.constant 0 : i32
        %select_n3A_272 = arith.select %eq3A_270, %select_n3A_271, %select_n3A_268 : i32
        scf.yield %select_n3A_176, %select_n3A_264, %select_n3A_230, %select_n3A_257, %select_n3A_272 : i32, i32, i32, i32, i32
      }
      %scan3A_77 = arith.constant 2 : i32
      %sub3A = arith.constant 1 : i32
      %sub3A_78 = arith.subi %scan3A_76#4, %sub3A : i32
      %select_n3A_79 = arith.constant true
      %select_n3A_80 = arith.select %select_n3A_79, %sub3A_78, %scan3A_76#4 : i32
      %eq3A_81 = arith.constant -1 : i32
      %eq3A_82 = arith.cmpi eq, %select_n3A_80, %eq3A_81 : i32
      %select_n3A_83 = arith.constant 1 : i32
      %select_n3A_84 = arith.select %eq3A_82, %select_n3A_83, %select_n3A_80 : i32
      %add3A_85 = arith.addi %select_n3A_84, %mul3A_15 : i32
      %sub3A_86 = arith.constant 1 : i32
      %sub3A_87 = arith.subi %select_n3A_84, %sub3A_86 : i32
      %select_n3A_88 = arith.constant true
      %select_n3A_89 = arith.select %select_n3A_88, %sub3A_87, %select_n3A_84 : i32
      %eq3A_90 = arith.constant -1 : i32
      %eq3A_91 = arith.cmpi eq, %select_n3A_89, %eq3A_90 : i32
      %select_n3A_92 = arith.constant 1 : i32
      %select_n3A_93 = arith.select %eq3A_91, %select_n3A_92, %select_n3A_89 : i32
      %add3A_94 = arith.addi %select_n3A_93, %mul3A_15 : i32
      %add3A_95 = arith.constant 1 : i32
      %add3A_96 = arith.addi %select_n3A_84, %add3A_95 : i32
      %select_n3A_97 = arith.constant true
      %select_n3A_98 = arith.select %select_n3A_97, %add3A_96, %select_n3A_84 : i32
      %eq3A_99 = arith.constant 2 : i32
      %eq3A_100 = arith.cmpi eq, %select_n3A_98, %eq3A_99 : i32
      %select_n3A_101 = arith.constant 0 : i32
      %select_n3A_102 = arith.select %eq3A_100, %select_n3A_101, %select_n3A_98 : i32
      %add3A_103 = arith.addi %select_n3A_102, %mul3A_15 : i32
      %add3A_104 = arith.constant 1 : i32
      %add3A_105 = arith.addi %select_n3A_102, %add3A_104 : i32
      %select_n3A_106 = arith.constant true
      %select_n3A_107 = arith.select %select_n3A_106, %add3A_105, %select_n3A_102 : i32
      %eq3A_108 = arith.constant 2 : i32
      %eq3A_109 = arith.cmpi eq, %select_n3A_107, %eq3A_108 : i32
      %select_n3A_110 = arith.constant 0 : i32
      %select_n3A_111 = arith.select %eq3A_109, %select_n3A_110, %select_n3A_107 : i32
      %add3A_112 = arith.addi %select_n3A_111, %mul3A_15 : i32
      "tpu.trace_start"() <{level = 10 : i32, message = "ep_finalize"}> : () -> ()
      %rem3A_113 = arith.constant 2 : i32
      %rem3A_114 = arith.remui %scan3A_76#3, %rem3A_113 : i32
      %mul3A_115 = arith.constant 128 : i32
      %mul3A_116 = arith.muli %mul3A_115, %add3A_85 : i32
      %dma_wait3A = arith.constant 0 : i32
      %dma_wait3A_117 = arith.constant 0 : i32
      %dma_wait3A_118 = tpu.memref_slice %run_scoped3A_17[%rem3A_114, %dma_wait3A, %dma_wait3A_117] : memref<2x128x256xf32, #tpu.memory_space<vmem>> -> memref<1x128x256xf32, #tpu.memory_space<vmem>>
      %dma_wait3A_119 = tpu.memref_squeeze %dma_wait3A_118 : memref<1x128x256xf32, #tpu.memory_space<vmem>> -> memref<128x256xf32, #tpu.memory_space<vmem>>
      %dma_wait3A_120 = arith.constant 0 : i32
      %dma_wait3A_121 = tpu.memref_slice %arg7[%mul3A_116, %dma_wait3A_120] : memref<8192x256xf32, #tpu.memory_space<hbm>> -> memref<128x256xf32, #tpu.memory_space<hbm>>
      %dma_wait3A_122 = tpu.memref_slice %run_scoped3A_18[%rem3A_114] : memref<2x!tpu.dma_semaphore, #tpu.memory_space<semaphore_mem>> -> memref<1x!tpu.dma_semaphore, #tpu.memory_space<semaphore_mem>>
      %dma_wait3A_123 = tpu.memref_squeeze %dma_wait3A_122 : memref<1x!tpu.dma_semaphore, #tpu.memory_space<semaphore_mem>> -> memref<!tpu.dma_semaphore, #tpu.memory_space<semaphore_mem>>
      %dma_wait3A_124 = arith.constant 0 : i32
      %dma_wait3A_125 = tpu.memref_slice %arg7[%mul3A_116, %dma_wait3A_124] : memref<8192x256xf32, #tpu.memory_space<hbm>> -> memref<128x256xf32, #tpu.memory_space<hbm>>
      %dma_wait3A_126 = arith.constant 0 : i32
      %dma_wait3A_127 = arith.constant 0 : i32
      %dma_wait3A_128 = tpu.memref_slice %run_scoped3A_17[%rem3A_114, %dma_wait3A_126, %dma_wait3A_127] : memref<2x128x256xf32, #tpu.memory_space<vmem>> -> memref<1x128x256xf32, #tpu.memory_space<vmem>>
      %dma_wait3A_129 = tpu.memref_squeeze %dma_wait3A_128 : memref<1x128x256xf32, #tpu.memory_space<vmem>> -> memref<128x256xf32, #tpu.memory_space<vmem>>
      tpu.wait_dma2 semaphore(%dma_wait3A_123 : memref<!tpu.dma_semaphore, #tpu.memory_space<semaphore_mem>>) src(%dma_wait3A_129 : memref<128x256xf32, #tpu.memory_space<vmem>>) dst(%dma_wait3A_125 : memref<128x256xf32, #tpu.memory_space<hbm>>)
      "tpu.trace_stop"() : () -> ()
      tpu.yield
    }) : () -> ()
    return
  }
}

module attributes {stable_mosaic.version = 14 : i64} {
  func.func @_weights_body(%arg0: memref<10000x256xf32, #tpu.memory_space<vmem>>, %arg1: memref<256x256xf32, #tpu.memory_space<vmem>>, %arg2: memref<1x256xf32, #tpu.memory_space<vmem>>, %arg3: memref<512x256xf32, #tpu.memory_space<vmem>>, %arg4: memref<256x1xf32, #tpu.memory_space<vmem>>, %arg5: memref<10000x128xi32, #tpu.memory_space<vmem>>, %arg6: memref<10000x1xf32, #tpu.memory_space<vmem>>, %arg7: memref<256x256xbf16, #tpu.memory_space<vmem>>, %arg8: memref<256x256xbf16, #tpu.memory_space<vmem>>, %arg9: memref<1x256xf32, #tpu.memory_space<vmem>>) attributes {dimension_semantics = [], scalar_prefetch = 0 : i64, scratch_operands = 0 : i64, tpu.core_type = #tpu.core_type<tc>} {
    %get3A = arith.constant 0 : index
    %get3A_0 = arith.constant 0 : index
    %get3A_1 = vector.load %arg0[%get3A, %get3A_0] : memref<10000x256xf32, #tpu.memory_space<vmem>>, vector<10000x256xf32>
    %get3A_2 = arith.constant 0 : index
    %get3A_3 = arith.constant 0 : index
    %get3A_4 = vector.load %arg1[%get3A_2, %get3A_3] : memref<256x256xf32, #tpu.memory_space<vmem>>, vector<256x256xf32>
    %get3A_5 = arith.constant 0 : index
    %get3A_6 = arith.constant 0 : index
    %get3A_7 = vector.load %arg2[%get3A_5, %get3A_6] : memref<1x256xf32, #tpu.memory_space<vmem>>, vector<1x256xf32>
    %get3A_8 = arith.constant 0 : index
    %get3A_9 = arith.constant 0 : index
    %get3A_10 = vector.load %arg3[%get3A_8, %get3A_9] : memref<512x256xf32, #tpu.memory_space<vmem>>, vector<256x256xf32>
    %get3A_11 = arith.constant 256 : index
    %get3A_12 = arith.constant 0 : index
    %get3A_13 = vector.load %arg3[%get3A_11, %get3A_12] : memref<512x256xf32, #tpu.memory_space<vmem>>, vector<256x256xf32>
    %convert_element_type3A = arith.truncf %get3A_1 : vector<10000x256xf32> to vector<10000x256xbf16>
    %slice3A = vector.extract_strided_slice %convert_element_type3A {offsets = [0, 0], sizes = [10000, 128], strides = [1, 1]} : vector<10000x256xbf16> to vector<10000x128xbf16>
    %slice3A_14 = vector.extract_strided_slice %convert_element_type3A {offsets = [0, 128], sizes = [10000, 128], strides = [1, 1]} : vector<10000x256xbf16> to vector<10000x128xbf16>
    %stack3A = vector.shape_cast %slice3A : vector<10000x128xbf16> to vector<10000x1x128xbf16>
    %stack3A_15 = vector.shape_cast %slice3A_14 : vector<10000x128xbf16> to vector<10000x1x128xbf16>
    %stack3A_16 = tpu.concatenate %stack3A, %stack3A_15 in 1 : vector<10000x1x128xbf16>, vector<10000x1x128xbf16> -> vector<10000x2x128xbf16>
    %bitcast3A = tpu.bitcast %stack3A_16 : vector<10000x2x128xbf16> -> vector<10000x1x128xi32>
    %reshape3A = vector.shape_cast %bitcast3A : vector<10000x1x128xi32> to vector<10000x128xi32>
    %swap3A = arith.constant 0 : index
    %swap3A_17 = arith.constant 0 : index
    %swap3A_18 = vector.load %arg5[%swap3A, %swap3A_17] : memref<10000x128xi32, #tpu.memory_space<vmem>>, vector<10000x128xi32>
    tpu.vector_store %arg5[%swap3A, %swap3A_17], %reshape3A {strides = array<i32>} : memref<10000x128xi32, #tpu.memory_space<vmem>>, vector<10000x128xi32>,
    %get3A_19 = arith.constant 0 : index
    %get3A_20 = arith.constant 0 : index
    %get3A_21 = vector.load %arg4[%get3A_19, %get3A_20] : memref<256x1xf32, #tpu.memory_space<vmem>>, vector<256x1xf32>
    %dot_general3A = arith.constant dense<0.000000e+00> : vector<256x1xf32>
    %dot_general3A_22 = tpu.matmul %get3A_4, %get3A_21, %dot_general3A {dimension_numbers = #tpu.dot_dimension_numbers<[1], [0], [0], [1], [0, 0, 1, 1], [], []>, transpose_lhs_hint = false} : vector<256x256xf32>, vector<256x1xf32>, vector<256x1xf32> -> vector<256x1xf32>
    %dot_general3A_23 = arith.constant dense<0.000000e+00> : vector<10000x1xf32>
    %dot_general3A_24 = tpu.matmul %get3A_1, %dot_general3A_22, %dot_general3A_23 {dimension_numbers = #tpu.dot_dimension_numbers<[1], [0], [0], [1], [0, 0, 1, 1], [], []>, transpose_lhs_hint = false} : vector<10000x256xf32>, vector<256x1xf32>, vector<10000x1xf32> -> vector<10000x1xf32>
    %swap3A_25 = arith.constant 0 : index
    %swap3A_26 = arith.constant 0 : index
    %swap3A_27 = vector.load %arg6[%swap3A_25, %swap3A_26] : memref<10000x1xf32, #tpu.memory_space<vmem>>, vector<10000x1xf32>
    tpu.vector_store %arg6[%swap3A_25, %swap3A_26], %dot_general3A_24 {strides = array<i32>} : memref<10000x1xf32, #tpu.memory_space<vmem>>, vector<10000x1xf32>,
    %dot_general3A_28 = arith.constant dense<0.000000e+00> : vector<256x256xf32>
    %dot_general3A_29 = tpu.matmul %get3A_4, %get3A_10, %dot_general3A_28 {dimension_numbers = #tpu.dot_dimension_numbers<[1], [0], [0], [1], [0, 0, 1, 1], [], []>, transpose_lhs_hint = false} : vector<256x256xf32>, vector<256x256xf32>, vector<256x256xf32> -> vector<256x256xf32>
    %convert_element_type3A_30 = arith.truncf %dot_general3A_29 : vector<256x256xf32> to vector<256x256xbf16>
    %swap3A_31 = arith.constant 0 : index
    %swap3A_32 = arith.constant 0 : index
    %swap3A_33 = vector.load %arg7[%swap3A_31, %swap3A_32] : memref<256x256xbf16, #tpu.memory_space<vmem>>, vector<256x256xbf16>
    tpu.vector_store %arg7[%swap3A_31, %swap3A_32], %convert_element_type3A_30 {strides = array<i32>} : memref<256x256xbf16, #tpu.memory_space<vmem>>, vector<256x256xbf16>,
    %dot_general3A_34 = arith.constant dense<0.000000e+00> : vector<256x256xf32>
    %dot_general3A_35 = tpu.matmul %get3A_4, %get3A_13, %dot_general3A_34 {dimension_numbers = #tpu.dot_dimension_numbers<[1], [0], [0], [1], [0, 0, 1, 1], [], []>, transpose_lhs_hint = false} : vector<256x256xf32>, vector<256x256xf32>, vector<256x256xf32> -> vector<256x256xf32>
    %convert_element_type3A_36 = arith.truncf %dot_general3A_35 : vector<256x256xf32> to vector<256x256xbf16>
    %swap3A_37 = arith.constant 0 : index
    %swap3A_38 = arith.constant 0 : index
    %swap3A_39 = vector.load %arg8[%swap3A_37, %swap3A_38] : memref<256x256xbf16, #tpu.memory_space<vmem>>, vector<256x256xbf16>
    tpu.vector_store %arg8[%swap3A_37, %swap3A_38], %convert_element_type3A_36 {strides = array<i32>} : memref<256x256xbf16, #tpu.memory_space<vmem>>, vector<256x256xbf16>,
    %add3A = arith.addf %get3A_10, %get3A_13 : vector<256x256xf32>
    %dot_general3A_40 = arith.constant dense<0.000000e+00> : vector<1x256xf32>
    %dot_general3A_41 = tpu.matmul %get3A_7, %add3A, %dot_general3A_40 {dimension_numbers = #tpu.dot_dimension_numbers<[1], [0], [0], [1], [0, 0, 1, 1], [], []>, transpose_lhs_hint = false} : vector<1x256xf32>, vector<256x256xf32>, vector<1x256xf32> -> vector<1x256xf32>
    %swap3A_42 = arith.constant 0 : index
    %swap3A_43 = arith.constant 0 : index
    %swap3A_44 = vector.load %arg9[%swap3A_42, %swap3A_43] : memref<1x256xf32, #tpu.memory_space<vmem>>, vector<1x256xf32>
    tpu.vector_store %arg9[%swap3A_42, %swap3A_43], %dot_general3A_41 {strides = array<i32>} : memref<1x256xf32, #tpu.memory_space<vmem>>, vector<1x256xf32>,
    return
  }
}

module attributes {stable_mosaic.version = 14 : i64} {
  func.func @_segsum_body(%arg0: i32, %arg1: memref<2048x128xi32, #tpu.memory_space<vmem>>, %arg2: memref<64x4096xbf16, #tpu.memory_space<vmem>>, %arg3: memref<32x2x128xf32, #tpu.memory_space<vmem>>) attributes {dimension_semantics = [#tpu.dimension_semantics<arbitrary>], iteration_bounds = array<i64: 32>, scalar_prefetch = 0 : i64, scratch_operands = 0 : i64, tpu.core_type = #tpu.core_type<tc>, window_params = [{transform_indices = @transform_0, window_bounds = array<i64: 2048, 128>}, {pipeline_mode = #tpu.pipeline_mode<synchronous>, transform_indices = @transform_1, window_bounds = array<i64: 64, 4096>}, {transform_indices = @transform_2, window_bounds = array<i64: 32, 2, 128>}]} {
    %get3A = arith.constant 0 : index
    %get3A_0 = arith.constant 0 : index
    %get3A_1 = vector.load %arg1[%get3A, %get3A_0] : memref<2048x128xi32, #tpu.memory_space<vmem>>, vector<2048x128xi32>
    %bitcast3A = tpu.bitcast %get3A_1 : vector<2048x128xi32> -> vector<4096x128xbf16>
    %get3A_2 = arith.constant 0 : index
    %get3A_3 = arith.constant 0 : index
    %get3A_4 = vector.load %arg2[%get3A_2, %get3A_3] : memref<64x4096xbf16, #tpu.memory_space<vmem>>, vector<64x4096xbf16>
    %dot_general3A = arith.constant dense<0.000000e+00> : vector<64x128xf32>
    %dot_general3A_5 = tpu.matmul %get3A_4, %bitcast3A, %dot_general3A {dimension_numbers = #tpu.dot_dimension_numbers<[1], [0], [0], [1], [0, 0, 1, 1], [], []>, transpose_lhs_hint = false} : vector<64x4096xbf16>, vector<4096x128xbf16>, vector<64x128xf32> -> vector<64x128xf32>
    %reshape3A = vector.shape_cast %dot_general3A_5 : vector<64x128xf32> to vector<32x2x128xf32>
    %swap3A = arith.constant 0 : index
    %swap3A_6 = arith.constant 0 : index
    %swap3A_7 = arith.constant 0 : index
    %swap3A_8 = vector.load %arg3[%swap3A, %swap3A_6, %swap3A_7] : memref<32x2x128xf32, #tpu.memory_space<vmem>>, vector<32x2x128xf32>
    tpu.vector_store %arg3[%swap3A, %swap3A_6, %swap3A_7], %reshape3A {strides = array<i32>} : memref<32x2x128xf32, #tpu.memory_space<vmem>>, vector<32x2x128xf32>,
    return
  }
  func.func @transform_0(%arg0: i32) -> (i32, i32) {
    %c0_i32 = arith.constant 0 : i32
    %c0_i32_0 = arith.constant 0 : i32
    return %arg0, %c0_i32 : i32, i32
  }
  func.func @transform_1(%arg0: i32) -> (i32, i32) {
    %c0_i32 = arith.constant 0 : i32
    %c0_i32_0 = arith.constant 0 : i32
    %c0_i32_1 = arith.constant 0 : i32
    return %c0_i32, %c0_i32_0 : i32, i32
  }
  func.func @transform_2(%arg0: i32) -> (i32, i32, i32) {
    %c0_i32 = arith.constant 0 : i32
    %c0_i32_0 = arith.constant 0 : i32
    %c0_i32_1 = arith.constant 0 : i32
    return %arg0, %c0_i32, %c0_i32_0 : i32, i32, i32
  }
}

module attributes {stable_mosaic.version = 14 : i64} {
  func.func @_prep_body(%arg0: memref<1024x2x128xf32, #tpu.memory_space<vmem>>, %arg1: memref<256x256xf32, #tpu.memory_space<vmem>>, %arg2: memref<1x256xf32, #tpu.memory_space<vmem>>, %arg3: memref<512x256xf32, #tpu.memory_space<vmem>>, %arg4: memref<1024x256xf32, #tpu.memory_space<vmem>>, %arg5: memref<1024x256xf32, #tpu.memory_space<vmem>>) attributes {dimension_semantics = [], scalar_prefetch = 0 : i64, scratch_operands = 0 : i64, tpu.core_type = #tpu.core_type<tc>} {
    %get3A = arith.constant 0 : index
    %get3A_0 = arith.constant 0 : index
    %get3A_1 = vector.load %arg2[%get3A, %get3A_0] : memref<1x256xf32, #tpu.memory_space<vmem>>, vector<1x256xf32>
    %get3A_2 = arith.constant 0 : index
    %get3A_3 = arith.constant 0 : index
    %get3A_4 = arith.constant 0 : index
    %get3A_5 = vector.load %arg0[%get3A_2, %get3A_3, %get3A_4] : memref<1024x2x128xf32, #tpu.memory_space<vmem>>, vector<1024x1x128xf32>
    %get3A_6 = vector.shape_cast %get3A_5 : vector<1024x1x128xf32> to vector<1024x128xf32>
    %get3A_7 = arith.constant 0 : index
    %get3A_8 = arith.constant 0 : index
    %get3A_9 = vector.load %arg1[%get3A_7, %get3A_8] : memref<256x256xf32, #tpu.memory_space<vmem>>, vector<128x256xf32>
    %dot_general3A = arith.constant dense<0.000000e+00> : vector<1024x256xf32>
    %dot_general3A_10 = tpu.matmul %get3A_6, %get3A_9, %dot_general3A {dimension_numbers = #tpu.dot_dimension_numbers<[1], [0], [0], [1], [0, 0, 1, 1], [], []>, transpose_lhs_hint = false} : vector<1024x128xf32>, vector<128x256xf32>, vector<1024x256xf32> -> vector<1024x256xf32>
    %get3A_11 = arith.constant 0 : index
    %get3A_12 = arith.constant 1 : index
    %get3A_13 = arith.constant 0 : index
    %get3A_14 = vector.load %arg0[%get3A_11, %get3A_12, %get3A_13] : memref<1024x2x128xf32, #tpu.memory_space<vmem>>, vector<1024x1x128xf32>
    %get3A_15 = vector.shape_cast %get3A_14 : vector<1024x1x128xf32> to vector<1024x128xf32>
    %get3A_16 = arith.constant 128 : index
    %get3A_17 = arith.constant 0 : index
    %get3A_18 = vector.load %arg1[%get3A_16, %get3A_17] : memref<256x256xf32, #tpu.memory_space<vmem>>, vector<128x256xf32>
    %dot_general3A_19 = arith.constant dense<0.000000e+00> : vector<1024x256xf32>
    %dot_general3A_20 = tpu.matmul %get3A_15, %get3A_18, %dot_general3A_19 {dimension_numbers = #tpu.dot_dimension_numbers<[1], [0], [0], [1], [0, 0, 1, 1], [], []>, transpose_lhs_hint = false} : vector<1024x128xf32>, vector<128x256xf32>, vector<1024x256xf32> -> vector<1024x256xf32>
    %add3A = arith.addf %dot_general3A_10, %dot_general3A_20 : vector<1024x256xf32>
    %mul3A = arith.constant 6.400000e+01 : f32
    %mul3A_21 = vector.broadcast %mul3A : f32 to vector<1x256xf32>
    %mul3A_22 = arith.mulf %mul3A_21, %get3A_1 : vector<1x256xf32>
    %add3A_23 = vector.broadcast %mul3A_22 : vector<1x256xf32> to vector<1024x256xf32>
    %add3A_24 = arith.addf %add3A, %add3A_23 : vector<1024x256xf32>
    %get3A_25 = arith.constant 0 : index
    %get3A_26 = arith.constant 0 : index
    %get3A_27 = vector.load %arg3[%get3A_25, %get3A_26] : memref<512x256xf32, #tpu.memory_space<vmem>>, vector<256x256xf32>
    %dot_general3A_28 = arith.constant dense<0.000000e+00> : vector<1024x256xf32>
    %dot_general3A_29 = tpu.matmul %add3A_24, %get3A_27, %dot_general3A_28 {dimension_numbers = #tpu.dot_dimension_numbers<[1], [0], [0], [1], [0, 0, 1, 1], [], []>, transpose_lhs_hint = false} : vector<1024x256xf32>, vector<256x256xf32>, vector<1024x256xf32> -> vector<1024x256xf32>
    %swap3A = arith.constant 0 : index
    %swap3A_30 = arith.constant 0 : index
    %swap3A_31 = vector.load %arg4[%swap3A, %swap3A_30] : memref<1024x256xf32, #tpu.memory_space<vmem>>, vector<1024x256xf32>
    tpu.vector_store %arg4[%swap3A, %swap3A_30], %dot_general3A_29 {strides = array<i32>} : memref<1024x256xf32, #tpu.memory_space<vmem>>, vector<1024x256xf32>,
    %get3A_32 = arith.constant 256 : index
    %get3A_33 = arith.constant 0 : index
    %get3A_34 = vector.load %arg3[%get3A_32, %get3A_33] : memref<512x256xf32, #tpu.memory_space<vmem>>, vector<256x256xf32>
    %dot_general3A_35 = arith.constant dense<0.000000e+00> : vector<1024x256xf32>
    %dot_general3A_36 = tpu.matmul %add3A_24, %get3A_34, %dot_general3A_35 {dimension_numbers = #tpu.dot_dimension_numbers<[1], [0], [0], [1], [0, 0, 1, 1], [], []>, transpose_lhs_hint = false} : vector<1024x256xf32>, vector<256x256xf32>, vector<1024x256xf32> -> vector<1024x256xf32>
    %swap3A_37 = arith.constant 0 : index
    %swap3A_38 = arith.constant 0 : index
    %swap3A_39 = vector.load %arg5[%swap3A_37, %swap3A_38] : memref<1024x256xf32, #tpu.memory_space<vmem>>, vector<1024x256xf32>
    tpu.vector_store %arg5[%swap3A_37, %swap3A_38], %dot_general3A_36 {strides = array<i32>} : memref<1024x256xf32, #tpu.memory_space<vmem>>, vector<1024x256xf32>,
    return
  }
}

module attributes {stable_mosaic.version = 14 : i64} {
  func.func @_flowdec_body(%arg0: i32, %arg1: memref<256x16x1x128xi32, #tpu.memory_space<vmem>>, %arg2: memref<256x16x1x128xi32, #tpu.memory_space<vmem>>, %arg3: memref<256x16xf32, #tpu.memory_space<vmem>>, %arg4: memref<256x16xf32, #tpu.memory_space<vmem>>, %arg5: memref<256x1x128xi32, #tpu.memory_space<vmem>>, %arg6: memref<256x1x128xi32, #tpu.memory_space<vmem>>, %arg7: memref<256x256xf32, #tpu.memory_space<vmem>>, %arg8: memref<256x256xf32, #tpu.memory_space<vmem>>, %arg9: memref<256x256xf32, #tpu.memory_space<vmem>>, %arg10: memref<256x256xf32, #tpu.memory_space<vmem>>, %arg11: memref<256x256xbf16, #tpu.memory_space<vmem>>, %arg12: memref<256x256xbf16, #tpu.memory_space<vmem>>, %arg13: memref<1x256xf32, #tpu.memory_space<vmem>>, %arg14: memref<256x4xf32, #tpu.memory_space<vmem>>) attributes {dimension_semantics = [#tpu.dimension_semantics<arbitrary>], iteration_bounds = array<i64: 16>, scalar_prefetch = 0 : i64, scratch_operands = 0 : i64, tpu.core_type = #tpu.core_type<tc>, window_params = [{transform_indices = @transform_0, window_bounds = array<i64: 256, 16, 1, 128>}, {transform_indices = @transform_1, window_bounds = array<i64: 256, 16, 1, 128>}, {transform_indices = @transform_2, window_bounds = array<i64: 256, 16>}, {transform_indices = @transform_3, window_bounds = array<i64: 256, 16>}, {transform_indices = @transform_4, window_bounds = array<i64: 256, 1, 128>}, {transform_indices = @transform_5, window_bounds = array<i64: 256, 1, 128>}, {transform_indices = @transform_6, window_bounds = array<i64: 256, 256>}, {transform_indices = @transform_7, window_bounds = array<i64: 256, 256>}, {transform_indices = @transform_8, window_bounds = array<i64: 256, 256>}, {transform_indices = @transform_9, window_bounds = array<i64: 256, 256>}, {pipeline_mode = #tpu.pipeline_mode<synchronous>, transform_indices = @transform_10, window_bounds = array<i64: 256, 256>}, {pipeline_mode = #tpu.pipeline_mode<synchronous>, transform_indices = @transform_11, window_bounds = array<i64: 256, 256>}, {pipeline_mode = #tpu.pipeline_mode<synchronous>, transform_indices = @transform_12, window_bounds = array<i64: 1, 256>}, {transform_indices = @transform_13, window_bounds = array<i64: 256, 4>}]} {
    %get3A = arith.constant 0 : index
    %get3A_0 = arith.constant 0 : index
    %get3A_1 = vector.load %arg11[%get3A, %get3A_0] : memref<256x256xbf16, #tpu.memory_space<vmem>>, vector<256x256xbf16>
    %get3A_2 = arith.constant 0 : index
    %get3A_3 = arith.constant 0 : index
    %get3A_4 = vector.load %arg12[%get3A_2, %get3A_3] : memref<256x256xbf16, #tpu.memory_space<vmem>>, vector<256x256xbf16>
    %get3A_5 = arith.constant 0 : index
    %get3A_6 = arith.constant 0 : index
    %get3A_7 = vector.load %arg13[%get3A_5, %get3A_6] : memref<1x256xf32, #tpu.memory_space<vmem>>, vector<1x256xf32>
    %get3A_8 = arith.constant 0 : index
    %get3A_9 = arith.constant 0 : index
    %get3A_10 = arith.constant 0 : index
    %get3A_11 = arith.constant 0 : index
    %get3A_12 = vector.load %arg1[%get3A_8, %get3A_9, %get3A_10, %get3A_11] : memref<256x16x1x128xi32, #tpu.memory_space<vmem>>, vector<256x16x1x128xi32>
    %get3A_13 = arith.constant 0 : index
    %get3A_14 = arith.constant 0 : index
    %get3A_15 = vector.load %arg3[%get3A_13, %get3A_14] : memref<256x16xf32, #tpu.memory_space<vmem>>, vector<256x16xf32>
    %get3A_16 = arith.constant 0 : index
    %get3A_17 = arith.constant 0 : index
    %get3A_18 = arith.constant 0 : index
    %get3A_19 = vector.load %arg5[%get3A_16, %get3A_17, %get3A_18] : memref<256x1x128xi32, #tpu.memory_space<vmem>>, vector<256x1x128xi32>
    %bitcast3A = tpu.bitcast %get3A_12 : vector<256x16x1x128xi32> -> vector<256x16x2x128xbf16>
    %bitcast3A_20 = tpu.bitcast %get3A_19 : vector<256x1x128xi32> -> vector<256x2x128xbf16>
    %reduce_max3A = arith.constant dense<0xFF800000> : vector<256xf32>
    %reduce_max3A_21 = vector.multi_reduction <maximumf>, %get3A_15, %reduce_max3A [1] : vector<256x16xf32> to vector<256xf32>
    %broadcast_in_dim3A = vector.shape_cast %reduce_max3A_21 : vector<256xf32> to vector<256x1xf32>
    %sub3A = vector.broadcast %broadcast_in_dim3A : vector<256x1xf32> to vector<256x16xf32>
    %sub3A_22 = arith.subf %get3A_15, %sub3A : vector<256x16xf32>
    %exp3A = math.exp %sub3A_22 : vector<256x16xf32>
    %reduce_sum3A = arith.constant dense<0.000000e+00> : vector<256xf32>
    %reduce_sum3A_23 = vector.multi_reduction <add>, %exp3A, %reduce_sum3A [1] : vector<256x16xf32> to vector<256xf32>
    %broadcast_in_dim3A_24 = vector.shape_cast %reduce_sum3A_23 : vector<256xf32> to vector<256x1xf32>
    %div3A = vector.broadcast %broadcast_in_dim3A_24 : vector<256x1xf32> to vector<256x16xf32>
    %div3A_25 = arith.divf %exp3A, %div3A : vector<256x16xf32>
    %convert_element_type3A = arith.truncf %div3A_25 : vector<256x16xf32> to vector<256x16xbf16>
    %broadcast_in_dim3A_26 = vector.shape_cast %convert_element_type3A : vector<256x16xbf16> to vector<256x16x1x1xbf16>
    %mul3A = vector.broadcast %broadcast_in_dim3A_26 : vector<256x16x1x1xbf16> to vector<256x16x2x128xbf16>
    %mul3A_27 = arith.mulf %bitcast3A, %mul3A : vector<256x16x2x128xbf16>
    %convert_element_type3A_28 = arith.extf %mul3A_27 : vector<256x16x2x128xbf16> to vector<256x16x2x128xf32>
    %reduce_sum3A_29 = arith.constant dense<0.000000e+00> : vector<256x2x128xf32>
    %reduce_sum3A_30 = vector.multi_reduction <add>, %convert_element_type3A_28, %reduce_sum3A_29 [1] : vector<256x16x2x128xf32> to vector<256x2x128xf32>
    %convert_element_type3A_31 = arith.truncf %reduce_sum3A_30 : vector<256x2x128xf32> to vector<256x2x128xbf16>
    %slice3A = vector.extract_strided_slice %bitcast3A_20 {offsets = [0, 0, 0], sizes = [256, 1, 128], strides = [1, 1, 1]} : vector<256x2x128xbf16> to vector<256x1x128xbf16>
    %squeeze3A = vector.shape_cast %slice3A : vector<256x1x128xbf16> to vector<256x128xbf16>
    %slice3A_32 = vector.extract_strided_slice %get3A_1 {offsets = [0, 0], sizes = [128, 256], strides = [1, 1]} : vector<256x256xbf16> to vector<128x256xbf16>
    %dot_general3A = arith.constant dense<0.000000e+00> : vector<256x256xf32>
    %dot_general3A_33 = tpu.matmul %squeeze3A, %slice3A_32, %dot_general3A {dimension_numbers = #tpu.dot_dimension_numbers<[1], [0], [0], [1], [0, 0, 1, 1], [], []>, transpose_lhs_hint = false} : vector<256x128xbf16>, vector<128x256xbf16>, vector<256x256xf32> -> vector<256x256xf32>
    %slice3A_34 = vector.extract_strided_slice %bitcast3A_20 {offsets = [0, 1, 0], sizes = [256, 1, 128], strides = [1, 1, 1]} : vector<256x2x128xbf16> to vector<256x1x128xbf16>
    %squeeze3A_35 = vector.shape_cast %slice3A_34 : vector<256x1x128xbf16> to vector<256x128xbf16>
    %slice3A_36 = vector.extract_strided_slice %get3A_1 {offsets = [128, 0], sizes = [128, 256], strides = [1, 1]} : vector<256x256xbf16> to vector<128x256xbf16>
    %dot_general3A_37 = arith.constant dense<0.000000e+00> : vector<256x256xf32>
    %dot_general3A_38 = tpu.matmul %squeeze3A_35, %slice3A_36, %dot_general3A_37 {dimension_numbers = #tpu.dot_dimension_numbers<[1], [0], [0], [1], [0, 0, 1, 1], [], []>, transpose_lhs_hint = false} : vector<256x128xbf16>, vector<128x256xbf16>, vector<256x256xf32> -> vector<256x256xf32>
    %add3A = arith.addf %dot_general3A_33, %dot_general3A_38 : vector<256x256xf32>
    %slice3A_39 = vector.extract_strided_slice %convert_element_type3A_31 {offsets = [0, 0, 0], sizes = [256, 1, 128], strides = [1, 1, 1]} : vector<256x2x128xbf16> to vector<256x1x128xbf16>
    %squeeze3A_40 = vector.shape_cast %slice3A_39 : vector<256x1x128xbf16> to vector<256x128xbf16>
    %slice3A_41 = vector.extract_strided_slice %get3A_4 {offsets = [0, 0], sizes = [128, 256], strides = [1, 1]} : vector<256x256xbf16> to vector<128x256xbf16>
    %dot_general3A_42 = arith.constant dense<0.000000e+00> : vector<256x256xf32>
    %dot_general3A_43 = tpu.matmul %squeeze3A_40, %slice3A_41, %dot_general3A_42 {dimension_numbers = #tpu.dot_dimension_numbers<[1], [0], [0], [1], [0, 0, 1, 1], [], []>, transpose_lhs_hint = false} : vector<256x128xbf16>, vector<128x256xbf16>, vector<256x256xf32> -> vector<256x256xf32>
    %add3A_44 = arith.addf %add3A, %dot_general3A_43 : vector<256x256xf32>
    %slice3A_45 = vector.extract_strided_slice %convert_element_type3A_31 {offsets = [0, 1, 0], sizes = [256, 1, 128], strides = [1, 1, 1]} : vector<256x2x128xbf16> to vector<256x1x128xbf16>
    %squeeze3A_46 = vector.shape_cast %slice3A_45 : vector<256x1x128xbf16> to vector<256x128xbf16>
    %slice3A_47 = vector.extract_strided_slice %get3A_4 {offsets = [128, 0], sizes = [128, 256], strides = [1, 1]} : vector<256x256xbf16> to vector<128x256xbf16>
    %dot_general3A_48 = arith.constant dense<0.000000e+00> : vector<256x256xf32>
    %dot_general3A_49 = tpu.matmul %squeeze3A_46, %slice3A_47, %dot_general3A_48 {dimension_numbers = #tpu.dot_dimension_numbers<[1], [0], [0], [1], [0, 0, 1, 1], [], []>, transpose_lhs_hint = false} : vector<256x128xbf16>, vector<128x256xbf16>, vector<256x256xf32> -> vector<256x256xf32>
    %add3A_50 = arith.addf %add3A_44, %dot_general3A_49 : vector<256x256xf32>
    %add3A_51 = vector.broadcast %get3A_7 : vector<1x256xf32> to vector<256x256xf32>
    %add3A_52 = arith.addf %add3A_50, %add3A_51 : vector<256x256xf32>
    %tanh3A = math.tanh %add3A_52 : vector<256x256xf32>
    %get3A_53 = arith.constant 0 : index
    %get3A_54 = arith.constant 0 : index
    %get3A_55 = arith.constant 0 : index
    %get3A_56 = arith.constant 0 : index
    %get3A_57 = vector.load %arg2[%get3A_53, %get3A_54, %get3A_55, %get3A_56] : memref<256x16x1x128xi32, #tpu.memory_space<vmem>>, vector<256x16x1x128xi32>
    %get3A_58 = arith.constant 0 : index
    %get3A_59 = arith.constant 0 : index
    %get3A_60 = vector.load %arg4[%get3A_58, %get3A_59] : memref<256x16xf32, #tpu.memory_space<vmem>>, vector<256x16xf32>
    %get3A_61 = arith.constant 0 : index
    %get3A_62 = arith.constant 0 : index
    %get3A_63 = arith.constant 0 : index
    %get3A_64 = vector.load %arg6[%get3A_61, %get3A_62, %get3A_63] : memref<256x1x128xi32, #tpu.memory_space<vmem>>, vector<256x1x128xi32>
    %bitcast3A_65 = tpu.bitcast %get3A_57 : vector<256x16x1x128xi32> -> vector<256x16x2x128xbf16>
    %bitcast3A_66 = tpu.bitcast %get3A_64 : vector<256x1x128xi32> -> vector<256x2x128xbf16>
    %reduce_max3A_67 = arith.constant dense<0xFF800000> : vector<256xf32>
    %reduce_max3A_68 = vector.multi_reduction <maximumf>, %get3A_60, %reduce_max3A_67 [1] : vector<256x16xf32> to vector<256xf32>
    %broadcast_in_dim3A_69 = vector.shape_cast %reduce_max3A_68 : vector<256xf32> to vector<256x1xf32>
    %sub3A_70 = vector.broadcast %broadcast_in_dim3A_69 : vector<256x1xf32> to vector<256x16xf32>
    %sub3A_71 = arith.subf %get3A_60, %sub3A_70 : vector<256x16xf32>
    %exp3A_72 = math.exp %sub3A_71 : vector<256x16xf32>
    %reduce_sum3A_73 = arith.constant dense<0.000000e+00> : vector<256xf32>
    %reduce_sum3A_74 = vector.multi_reduction <add>, %exp3A_72, %reduce_sum3A_73 [1] : vector<256x16xf32> to vector<256xf32>
    %broadcast_in_dim3A_75 = vector.shape_cast %reduce_sum3A_74 : vector<256xf32> to vector<256x1xf32>
    %div3A_76 = vector.broadcast %broadcast_in_dim3A_75 : vector<256x1xf32> to vector<256x16xf32>
    %div3A_77 = arith.divf %exp3A_72, %div3A_76 : vector<256x16xf32>
    %convert_element_type3A_78 = arith.truncf %div3A_77 : vector<256x16xf32> to vector<256x16xbf16>
    %broadcast_in_dim3A_79 = vector.shape_cast %convert_element_type3A_78 : vector<256x16xbf16> to vector<256x16x1x1xbf16>
    %mul3A_80 = vector.broadcast %broadcast_in_dim3A_79 : vector<256x16x1x1xbf16> to vector<256x16x2x128xbf16>
    %mul3A_81 = arith.mulf %bitcast3A_65, %mul3A_80 : vector<256x16x2x128xbf16>
    %convert_element_type3A_82 = arith.extf %mul3A_81 : vector<256x16x2x128xbf16> to vector<256x16x2x128xf32>
    %reduce_sum3A_83 = arith.constant dense<0.000000e+00> : vector<256x2x128xf32>
    %reduce_sum3A_84 = vector.multi_reduction <add>, %convert_element_type3A_82, %reduce_sum3A_83 [1] : vector<256x16x2x128xf32> to vector<256x2x128xf32>
    %convert_element_type3A_85 = arith.truncf %reduce_sum3A_84 : vector<256x2x128xf32> to vector<256x2x128xbf16>
    %slice3A_86 = vector.extract_strided_slice %bitcast3A_66 {offsets = [0, 0, 0], sizes = [256, 1, 128], strides = [1, 1, 1]} : vector<256x2x128xbf16> to vector<256x1x128xbf16>
    %squeeze3A_87 = vector.shape_cast %slice3A_86 : vector<256x1x128xbf16> to vector<256x128xbf16>
    %slice3A_88 = vector.extract_strided_slice %get3A_1 {offsets = [0, 0], sizes = [128, 256], strides = [1, 1]} : vector<256x256xbf16> to vector<128x256xbf16>
    %dot_general3A_89 = arith.constant dense<0.000000e+00> : vector<256x256xf32>
    %dot_general3A_90 = tpu.matmul %squeeze3A_87, %slice3A_88, %dot_general3A_89 {dimension_numbers = #tpu.dot_dimension_numbers<[1], [0], [0], [1], [0, 0, 1, 1], [], []>, transpose_lhs_hint = false} : vector<256x128xbf16>, vector<128x256xbf16>, vector<256x256xf32> -> vector<256x256xf32>
    %slice3A_91 = vector.extract_strided_slice %bitcast3A_66 {offsets = [0, 1, 0], sizes = [256, 1, 128], strides = [1, 1, 1]} : vector<256x2x128xbf16> to vector<256x1x128xbf16>
    %squeeze3A_92 = vector.shape_cast %slice3A_91 : vector<256x1x128xbf16> to vector<256x128xbf16>
    %slice3A_93 = vector.extract_strided_slice %get3A_1 {offsets = [128, 0], sizes = [128, 256], strides = [1, 1]} : vector<256x256xbf16> to vector<128x256xbf16>
    %dot_general3A_94 = arith.constant dense<0.000000e+00> : vector<256x256xf32>
    %dot_general3A_95 = tpu.matmul %squeeze3A_92, %slice3A_93, %dot_general3A_94 {dimension_numbers = #tpu.dot_dimension_numbers<[1], [0], [0], [1], [0, 0, 1, 1], [], []>, transpose_lhs_hint = false} : vector<256x128xbf16>, vector<128x256xbf16>, vector<256x256xf32> -> vector<256x256xf32>
    %add3A_96 = arith.addf %dot_general3A_90, %dot_general3A_95 : vector<256x256xf32>
    %slice3A_97 = vector.extract_strided_slice %convert_element_type3A_85 {offsets = [0, 0, 0], sizes = [256, 1, 128], strides = [1, 1, 1]} : vector<256x2x128xbf16> to vector<256x1x128xbf16>
    %squeeze3A_98 = vector.shape_cast %slice3A_97 : vector<256x1x128xbf16> to vector<256x128xbf16>
    %slice3A_99 = vector.extract_strided_slice %get3A_4 {offsets = [0, 0], sizes = [128, 256], strides = [1, 1]} : vector<256x256xbf16> to vector<128x256xbf16>
    %dot_general3A_100 = arith.constant dense<0.000000e+00> : vector<256x256xf32>
    %dot_general3A_101 = tpu.matmul %squeeze3A_98, %slice3A_99, %dot_general3A_100 {dimension_numbers = #tpu.dot_dimension_numbers<[1], [0], [0], [1], [0, 0, 1, 1], [], []>, transpose_lhs_hint = false} : vector<256x128xbf16>, vector<128x256xbf16>, vector<256x256xf32> -> vector<256x256xf32>
    %add3A_102 = arith.addf %add3A_96, %dot_general3A_101 : vector<256x256xf32>
    %slice3A_103 = vector.extract_strided_slice %convert_element_type3A_85 {offsets = [0, 1, 0], sizes = [256, 1, 128], strides = [1, 1, 1]} : vector<256x2x128xbf16> to vector<256x1x128xbf16>
    %squeeze3A_104 = vector.shape_cast %slice3A_103 : vector<256x1x128xbf16> to vector<256x128xbf16>
    %slice3A_105 = vector.extract_strided_slice %get3A_4 {offsets = [128, 0], sizes = [128, 256], strides = [1, 1]} : vector<256x256xbf16> to vector<128x256xbf16>
    %dot_general3A_106 = arith.constant dense<0.000000e+00> : vector<256x256xf32>
    %dot_general3A_107 = tpu.matmul %squeeze3A_104, %slice3A_105, %dot_general3A_106 {dimension_numbers = #tpu.dot_dimension_numbers<[1], [0], [0], [1], [0, 0, 1, 1], [], []>, transpose_lhs_hint = false} : vector<256x128xbf16>, vector<128x256xbf16>, vector<256x256xf32> -> vector<256x256xf32>
    %add3A_108 = arith.addf %add3A_102, %dot_general3A_107 : vector<256x256xf32>
    %add3A_109 = vector.broadcast %get3A_7 : vector<1x256xf32> to vector<256x256xf32>
    %add3A_110 = arith.addf %add3A_108, %add3A_109 : vector<256x256xf32>
    %tanh3A_111 = math.tanh %add3A_110 : vector<256x256xf32>
    %get3A_112 = arith.constant 0 : index
    %get3A_113 = arith.constant 0 : index
    %get3A_114 = vector.load %arg7[%get3A_112, %get3A_113] : memref<256x256xf32, #tpu.memory_space<vmem>>, vector<256x256xf32>
    %get3A_115 = arith.constant 0 : index
    %get3A_116 = arith.constant 0 : index
    %get3A_117 = vector.load %arg8[%get3A_115, %get3A_116] : memref<256x256xf32, #tpu.memory_space<vmem>>, vector<256x256xf32>
    %get3A_118 = arith.constant 0 : index
    %get3A_119 = arith.constant 0 : index
    %get3A_120 = vector.load %arg9[%get3A_118, %get3A_119] : memref<256x256xf32, #tpu.memory_space<vmem>>, vector<256x256xf32>
    %get3A_121 = arith.constant 0 : index
    %get3A_122 = arith.constant 0 : index
    %get3A_123 = vector.load %arg10[%get3A_121, %get3A_122] : memref<256x256xf32, #tpu.memory_space<vmem>>, vector<256x256xf32>
    %add3A_124 = arith.addf %get3A_114, %get3A_120 : vector<256x256xf32>
    %logistic3A = arith.negf %add3A_124 : vector<256x256xf32>
    %logistic3A_125 = math.exp %logistic3A : vector<256x256xf32>
    %logistic3A_126 = arith.constant 1.000000e+00 : f32
    %logistic3A_127 = vector.broadcast %logistic3A_126 : f32 to vector<256x256xf32>
    %logistic3A_128 = arith.addf %logistic3A_127, %logistic3A_125 : vector<256x256xf32>
    %logistic3A_129 = arith.divf %logistic3A_127, %logistic3A_128 : vector<256x256xf32>
    %mul3A_130 = arith.mulf %tanh3A, %logistic3A_129 : vector<256x256xf32>
    %reduce_sum3A_131 = arith.constant dense<0.000000e+00> : vector<256xf32>
    %reduce_sum3A_132 = vector.multi_reduction <add>, %mul3A_130, %reduce_sum3A_131 [1] : vector<256x256xf32> to vector<256xf32>
    %broadcast_in_dim3A_133 = vector.shape_cast %reduce_sum3A_132 : vector<256xf32> to vector<256x1xf32>
    %logistic3A_134 = arith.negf %broadcast_in_dim3A_133 : vector<256x1xf32>
    %logistic3A_135 = math.exp %logistic3A_134 : vector<256x1xf32>
    %logistic3A_136 = arith.constant 1.000000e+00 : f32
    %logistic3A_137 = vector.broadcast %logistic3A_136 : f32 to vector<256x1xf32>
    %logistic3A_138 = arith.addf %logistic3A_137, %logistic3A_135 : vector<256x1xf32>
    %logistic3A_139 = arith.divf %logistic3A_137, %logistic3A_138 : vector<256x1xf32>
    %swap3A = arith.constant 0 : index
    %swap3A_140 = arith.constant 0 : index
    %swap3A_141 = vector.load %arg14[%swap3A, %swap3A_140] : memref<256x4xf32, #tpu.memory_space<vmem>>, vector<256x1xf32>
    tpu.vector_store %arg14[%swap3A, %swap3A_140], %logistic3A_139 {strides = array<i32>} : memref<256x4xf32, #tpu.memory_space<vmem>>, vector<256x1xf32>,
    %add3A_142 = arith.addf %get3A_117, %get3A_120 : vector<256x256xf32>
    %logistic3A_143 = arith.negf %add3A_142 : vector<256x256xf32>
    %logistic3A_144 = math.exp %logistic3A_143 : vector<256x256xf32>
    %logistic3A_145 = arith.constant 1.000000e+00 : f32
    %logistic3A_146 = vector.broadcast %logistic3A_145 : f32 to vector<256x256xf32>
    %logistic3A_147 = arith.addf %logistic3A_146, %logistic3A_144 : vector<256x256xf32>
    %logistic3A_148 = arith.divf %logistic3A_146, %logistic3A_147 : vector<256x256xf32>
    %mul3A_149 = arith.mulf %tanh3A, %logistic3A_148 : vector<256x256xf32>
    %reduce_sum3A_150 = arith.constant dense<0.000000e+00> : vector<256xf32>
    %reduce_sum3A_151 = vector.multi_reduction <add>, %mul3A_149, %reduce_sum3A_150 [1] : vector<256x256xf32> to vector<256xf32>
    %broadcast_in_dim3A_152 = vector.shape_cast %reduce_sum3A_151 : vector<256xf32> to vector<256x1xf32>
    %logistic3A_153 = arith.negf %broadcast_in_dim3A_152 : vector<256x1xf32>
    %logistic3A_154 = math.exp %logistic3A_153 : vector<256x1xf32>
    %logistic3A_155 = arith.constant 1.000000e+00 : f32
    %logistic3A_156 = vector.broadcast %logistic3A_155 : f32 to vector<256x1xf32>
    %logistic3A_157 = arith.addf %logistic3A_156, %logistic3A_154 : vector<256x1xf32>
    %logistic3A_158 = arith.divf %logistic3A_156, %logistic3A_157 : vector<256x1xf32>
    %swap3A_159 = arith.constant 0 : index
    %swap3A_160 = arith.constant 1 : index
    %swap3A_161 = vector.load %arg14[%swap3A_159, %swap3A_160] : memref<256x4xf32, #tpu.memory_space<vmem>>, vector<256x1xf32>
    tpu.vector_store %arg14[%swap3A_159, %swap3A_160], %logistic3A_158 {strides = array<i32>} : memref<256x4xf32, #tpu.memory_space<vmem>>, vector<256x1xf32>,
    %add3A_162 = arith.addf %get3A_117, %get3A_123 : vector<256x256xf32>
    %logistic3A_163 = arith.negf %add3A_162 : vector<256x256xf32>
    %logistic3A_164 = math.exp %logistic3A_163 : vector<256x256xf32>
    %logistic3A_165 = arith.constant 1.000000e+00 : f32
    %logistic3A_166 = vector.broadcast %logistic3A_165 : f32 to vector<256x256xf32>
    %logistic3A_167 = arith.addf %logistic3A_166, %logistic3A_164 : vector<256x256xf32>
    %logistic3A_168 = arith.divf %logistic3A_166, %logistic3A_167 : vector<256x256xf32>
    %mul3A_169 = arith.mulf %tanh3A_111, %logistic3A_168 : vector<256x256xf32>
    %reduce_sum3A_170 = arith.constant dense<0.000000e+00> : vector<256xf32>
    %reduce_sum3A_171 = vector.multi_reduction <add>, %mul3A_169, %reduce_sum3A_170 [1] : vector<256x256xf32> to vector<256xf32>
    %broadcast_in_dim3A_172 = vector.shape_cast %reduce_sum3A_171 : vector<256xf32> to vector<256x1xf32>
    %logistic3A_173 = arith.negf %broadcast_in_dim3A_172 : vector<256x1xf32>
    %logistic3A_174 = math.exp %logistic3A_173 : vector<256x1xf32>
    %logistic3A_175 = arith.constant 1.000000e+00 : f32
    %logistic3A_176 = vector.broadcast %logistic3A_175 : f32 to vector<256x1xf32>
    %logistic3A_177 = arith.addf %logistic3A_176, %logistic3A_174 : vector<256x1xf32>
    %logistic3A_178 = arith.divf %logistic3A_176, %logistic3A_177 : vector<256x1xf32>
    %swap3A_179 = arith.constant 0 : index
    %swap3A_180 = arith.constant 2 : index
    %swap3A_181 = vector.load %arg14[%swap3A_179, %swap3A_180] : memref<256x4xf32, #tpu.memory_space<vmem>>, vector<256x1xf32>
    tpu.vector_store %arg14[%swap3A_179, %swap3A_180], %logistic3A_178 {strides = array<i32>} : memref<256x4xf32, #tpu.memory_space<vmem>>, vector<256x1xf32>,
    %add3A_182 = arith.addf %get3A_114, %get3A_123 : vector<256x256xf32>
    %logistic3A_183 = arith.negf %add3A_182 : vector<256x256xf32>
    %logistic3A_184 = math.exp %logistic3A_183 : vector<256x256xf32>
    %logistic3A_185 = arith.constant 1.000000e+00 : f32
    %logistic3A_186 = vector.broadcast %logistic3A_185 : f32 to vector<256x256xf32>
    %logistic3A_187 = arith.addf %logistic3A_186, %logistic3A_184 : vector<256x256xf32>
    %logistic3A_188 = arith.divf %logistic3A_186, %logistic3A_187 : vector<256x256xf32>
    %mul3A_189 = arith.mulf %tanh3A_111, %logistic3A_188 : vector<256x256xf32>
    %reduce_sum3A_190 = arith.constant dense<0.000000e+00> : vector<256xf32>
    %reduce_sum3A_191 = vector.multi_reduction <add>, %mul3A_189, %reduce_sum3A_190 [1] : vector<256x256xf32> to vector<256xf32>
    %broadcast_in_dim3A_192 = vector.shape_cast %reduce_sum3A_191 : vector<256xf32> to vector<256x1xf32>
    %logistic3A_193 = arith.negf %broadcast_in_dim3A_192 : vector<256x1xf32>
    %logistic3A_194 = math.exp %logistic3A_193 : vector<256x1xf32>
    %logistic3A_195 = arith.constant 1.000000e+00 : f32
    %logistic3A_196 = vector.broadcast %logistic3A_195 : f32 to vector<256x1xf32>
    %logistic3A_197 = arith.addf %logistic3A_196, %logistic3A_194 : vector<256x1xf32>
    %logistic3A_198 = arith.divf %logistic3A_196, %logistic3A_197 : vector<256x1xf32>
    %swap3A_199 = arith.constant 0 : index
    %swap3A_200 = arith.constant 3 : index
    %swap3A_201 = vector.load %arg14[%swap3A_199, %swap3A_200] : memref<256x4xf32, #tpu.memory_space<vmem>>, vector<256x1xf32>
    tpu.vector_store %arg14[%swap3A_199, %swap3A_200], %logistic3A_198 {strides = array<i32>} : memref<256x4xf32, #tpu.memory_space<vmem>>, vector<256x1xf32>,
    return
  }
  func.func @transform_0(%arg0: i32) -> (i32, i32, i32, i32) {
    %c0_i32 = arith.constant 0 : i32
    %c0_i32_0 = arith.constant 0 : i32
    %c0_i32_1 = arith.constant 0 : i32
    %c0_i32_2 = arith.constant 0 : i32
    return %arg0, %c0_i32, %c0_i32_0, %c0_i32_1 : i32, i32, i32, i32
  }
  func.func @transform_1(%arg0: i32) -> (i32, i32, i32, i32) {
    %add3A = arith.constant 16 : i32
    %add3A_0 = arith.addi %arg0, %add3A : i32
    %c0_i32 = arith.constant 0 : i32
    %c0_i32_1 = arith.constant 0 : i32
    %c0_i32_2 = arith.constant 0 : i32
    %c0_i32_3 = arith.constant 0 : i32
    return %add3A_0, %c0_i32, %c0_i32_1, %c0_i32_2 : i32, i32, i32, i32
  }
  func.func @transform_2(%arg0: i32) -> (i32, i32) {
    %c0_i32 = arith.constant 0 : i32
    %c0_i32_0 = arith.constant 0 : i32
    return %arg0, %c0_i32 : i32, i32
  }
  func.func @transform_3(%arg0: i32) -> (i32, i32) {
    %add3A = arith.constant 16 : i32
    %add3A_0 = arith.addi %arg0, %add3A : i32
    %c0_i32 = arith.constant 0 : i32
    %c0_i32_1 = arith.constant 0 : i32
    return %add3A_0, %c0_i32 : i32, i32
  }
  func.func @transform_4(%arg0: i32) -> (i32, i32, i32) {
    %add3A = arith.constant 256 : i32
    %add3A_0 = arith.addi %arg0, %add3A : i32
    %c0_i32 = arith.constant 0 : i32
    %c0_i32_1 = arith.constant 0 : i32
    %c0_i32_2 = arith.constant 0 : i32
    return %add3A_0, %c0_i32, %c0_i32_1 : i32, i32, i32
  }
  func.func @transform_5(%arg0: i32) -> (i32, i32, i32) {
    %add3A = arith.constant 256 : i32
    %add3A_0 = arith.addi %arg0, %add3A : i32
    %add3A_1 = arith.constant 16 : i32
    %add3A_2 = arith.addi %add3A_0, %add3A_1 : i32
    %c0_i32 = arith.constant 0 : i32
    %c0_i32_3 = arith.constant 0 : i32
    %c0_i32_4 = arith.constant 0 : i32
    return %add3A_2, %c0_i32, %c0_i32_3 : i32, i32, i32
  }
  func.func @transform_6(%arg0: i32) -> (i32, i32) {
    %c0_i32 = arith.constant 0 : i32
    %c0_i32_0 = arith.constant 0 : i32
    return %arg0, %c0_i32 : i32, i32
  }
  func.func @transform_7(%arg0: i32) -> (i32, i32) {
    %add3A = arith.constant 16 : i32
    %add3A_0 = arith.addi %arg0, %add3A : i32
    %c0_i32 = arith.constant 0 : i32
    %c0_i32_1 = arith.constant 0 : i32
    return %add3A_0, %c0_i32 : i32, i32
  }
  func.func @transform_8(%arg0: i32) -> (i32, i32) {
    %c0_i32 = arith.constant 0 : i32
    %c0_i32_0 = arith.constant 0 : i32
    return %arg0, %c0_i32 : i32, i32
  }
  func.func @transform_9(%arg0: i32) -> (i32, i32) {
    %add3A = arith.constant 16 : i32
    %add3A_0 = arith.addi %arg0, %add3A : i32
    %c0_i32 = arith.constant 0 : i32
    %c0_i32_1 = arith.constant 0 : i32
    return %add3A_0, %c0_i32 : i32, i32
  }
  func.func @transform_10(%arg0: i32) -> (i32, i32) {
    %c0_i32 = arith.constant 0 : i32
    %c0_i32_0 = arith.constant 0 : i32
    %c0_i32_1 = arith.constant 0 : i32
    return %c0_i32, %c0_i32_0 : i32, i32
  }
  func.func @transform_11(%arg0: i32) -> (i32, i32) {
    %c0_i32 = arith.constant 0 : i32
    %c0_i32_0 = arith.constant 0 : i32
    %c0_i32_1 = arith.constant 0 : i32
    return %c0_i32, %c0_i32_0 : i32, i32
  }
  func.func @transform_12(%arg0: i32) -> (i32, i32) {
    %c0_i32 = arith.constant 0 : i32
    %c0_i32_0 = arith.constant 0 : i32
    %c0_i32_1 = arith.constant 0 : i32
    return %c0_i32, %c0_i32_0 : i32, i32
  }
  func.func @transform_13(%arg0: i32) -> (i32, i32) {
    %c0_i32 = arith.constant 0 : i32
    %c0_i32_0 = arith.constant 0 : i32
    return %arg0, %c0_i32 : i32, i32
  }
}

</mosaic_0001>

<sc_bundles>
// kernel: kernel.12.cloned.1.call-start
scs
__scs_entry_jumppad:
0x0: {  	(pc) =	sbr.rel $0x88, $3  }
0x1: {  	(tag) =	ssettag $0x0;
	lr =	simm.s32 $0x1  }
0x2: {  	[smem:$0x3F96] =	sst lr;
	_ =	strace $0xD0000000  }
0x3: {  	_ = 	snop  }
0x4: {  	_ = 	snop  }
0x5: {  	_ = 	snop  }
0x6: {  	_ = 	snop  }
0x7: {  	_ = 	snop  }
__scs_overlays_trampoline_lowered:
0x8: {  	[smem:$0x3FA5] =	sst s0  }
0x9: {  	[smem:$0x3FA6] =	sst s1  }
0xa: {  	[smem:$0x3FA7] =	sst s2  }
0xb: {  	[smem:$0x3FA8] =	sst s3  }
0xc: {  	[smem:$0x3FA9] =	sst s4  }
0xd: {  	[smem:$0x3FAA] =	sst s5  }
0xe: {  	[smem:$0x3FAB] =	sst s6  }
0xf: {  	[smem:$0x3FAC] =	sst s7  }
0x10: {  	[smem:$0x3FAD] =	sst s8  }
0x11: {  	[smem:$0x3FAE] =	sst s9;
	s0 =	simm.s32 @!p0 $0x0  }
0x12: {  	s1 =	sld [smem:$0x3F94];
	s0 =	simm.s32 @p0 $0x1  }
0x13: {  	[smem:$0x3FAF] =	sst s0;
	s0 =	simm.s32 @!p1 $0x0  }
0x14: {  	s2 =	sld [smem:$0x3F93];
	s0 =	simm.s32 @p1 $0x1  }
0x15: {  	[smem:$0x3FB0] =	sst s0;
	s0 =	simm.s32 @!p2 $0x0  }
0x16: {  	s3 =	sld [smem:$0x3FDB];
	s0 =	simm.s32 @p2 $0x1  }
0x17: {  	s4 =	simm.s32 $0x1BF5;
	[smem:$0x3FB2] =	sst s0  }
0x18: {  	s0 =	sld [smem:$0x3F95];
	_ =	swait.ge [sflag:s4], $0x0  }
0x19: {  	s7 =	sld [smem:$0x3F96]  }
0x1a: {  	s8 =	sadd.s32 $0xFFFFE003, lr  }
0x1b: {  	s9 =	sadd.s32 $0xFFFFFEF7, lr;
	s5 =	simm.s32 $0xFFFFFFFF;
	p2 =	slt.u32 s8, $0xFFFFF086  }
0x1c: {  	p1 =	slt.u32 s9, $0xF7A;
	s5 =	simm.s32 @!p2 $0x0  }
0x1d: {  	s5 =	simm.s32 @p1 $0x1;
	p0 =	seq.s32 s7, s2  }
0x1e: {  	s7 =	smul.u32 @!p0 $0xF7A, s2;
	p2 =	seq.s32 @!p0 s5, $0x0  }
0x1f: {  	s9 =	smul.u32 $0xF7A, s1;
	s8 =	simm.s32 @!p0 $0x1BF5;
	p2 =	por !p2, p0  }
0x20: {  	[sflag:s8] =	ssyncset.s32 @!p0 $0xFFFFF086;
	s6 =	sadd.s32 @!p0 s3, s7;
	s7 =	simm.s32 @!p0 $0x108  }
0x21: {  	s3 =	sadd.s32 s3, s9;
	s6 =	sadd.s32 @!p0 $0x88, s6;
	s7 =	simm.s32 @p2 $0x1082  }
0x22: {  	[simem:s7], [sflag:s8] =	dma.local @!p0 [hbm:s6], $0xF7A  }
0x23: {  	s9 =	sor.u32 $0xD0000000, s2;
	s6 =	simm.s32 $0x108;
	_ =	swait.ge @!p0 [sflag:s8], $0x0  }
0x24: {  	s3 =	sadd.s32 $0x88, s3;
	s6 =	simm.s32 @!p1 $0x1082;
	[sflag:s4] =	ssyncset.s32 $0xFFFFF086  }
0x25: {  	[simem:s6], [sflag:s4] =	dma.local [hbm:s3], $0xF7A  }
0x26: {  	[smem:$0x3F96] =	sst s1;
	(tag) =	ssettag s2;
	_ =	strace s9  }
0x27: {  	s1 =	sld [smem:$0x3FA6]  }
0x28: {  	s2 =	sld [smem:$0x3FA7]  }
0x29: {  	s4 =	sld [smem:$0x3FA9]  }
0x2a: {  	p0 =	seq.s32 s5, $0x0;
	s5 =	sld [smem:$0x3FAA]  }
0x2b: {  	s6 =	sld [smem:$0x3FAB]  }
0x2c: {  	s7 =	sld [smem:$0x3FAC]  }
0x2d: {  	s3 =	simm.s32 $0x108;
	s8 =	sld [smem:$0x3FAD]  }
0x2e: {  	s3 =	simm.s32 @!p0 $0x1082;
	s9 =	sld [smem:$0x3FAE]  }
0x2f: {  	lr =	sadd.s32 s0, s3;
	s0 =	sld [smem:$0x3FA5]  }
0x30: {  	s3 =	sld [smem:$0x3FA8]  }
0x31: {  	[smem:$0x3FB1] =	sst s10  }
0x32: {  	s10 =	sld [smem:$0x3FAF];
	_ =	sdelay $0x3  }
0x33: {  	p0 =	seq.s32 s10, $0x1;
	s10 =	sld [smem:$0x3FB1];
	_ =	sdelay $0x3  }
0x34: {  	[smem:$0x3FB1] =	sst s10  }
0x35: {  	s10 =	sld [smem:$0x3FB0];
	_ =	sdelay $0x3  }
0x36: {  	p1 =	seq.s32 s10, $0x1;
	s10 =	sld [smem:$0x3FB1];
	_ =	sdelay $0x3  }
0x37: {  	[smem:$0x3FB1] =	sst s10  }
0x38: {  	s10 =	sld [smem:$0x3FB2]  }
0x39: {  	_ = 	snop;
	(pc) =	sbr.ind lr, $3  }
0x3a: {  	_ = 	snop  }
0x3b: {  	_ = 	snop  }
0x3c: {  	p2 =	seq.s32 s10, $0x1;
	s10 =	sld [smem:$0x3FB1]  }
0x3d: {  	_ =	shalt  }
0x3e: {  	_ =	shalt  }
0x3f: {  	_ =	shalt  }
0x40: {  	_ =	shalt  }
0x41: {  	_ =	shalt  }
0x42: {  	_ =	shalt  }
0x43: {  	_ =	shalt  }
0x44: {  	_ =	shalt  }
0x45: {  	_ =	shalt  }
0x46: {  	_ =	shalt  }
0x47: {  	_ =	shalt  }
0x48: {  	_ =	shalt  }
0x49: {  	_ =	shalt  }
0x4a: {  	_ =	shalt  }
0x4b: {  	_ =	shalt  }
0x4c: {  	_ =	shalt  }
0x4d: {  	_ =	shalt  }
0x4e: {  	_ =	shalt  }
0x4f: {  	_ =	shalt  }
0x50: {  	_ =	shalt  }
0x51: {  	_ =	shalt  }
0x52: {  	_ =	shalt  }
0x53: {  	_ =	shalt  }
0x54: {  	_ =	shalt  }
0x55: {  	_ =	shalt  }
0x56: {  	_ =	shalt  }
0x57: {  	_ =	shalt  }
0x58: {  	_ =	shalt  }
0x59: {  	_ =	shalt  }
0x5a: {  	_ =	shalt  }
0x5b: {  	_ =	shalt  }
0x5c: {  	_ =	shalt  }
0x5d: {  	_ =	shalt  }
0x5e: {  	_ =	shalt  }
0x5f: {  	_ =	shalt  }
0x60: {  	_ =	shalt  }
0x61: {  	_ =	shalt  }
0x62: {  	_ =	shalt  }
0x63: {  	_ =	shalt  }
0x64: {  	_ =	shalt  }
0x65: {  	_ =	shalt  }
0x66: {  	_ =	shalt  }
0x67: {  	_ =	shalt  }
0x68: {  	_ =	shalt  }
0x69: {  	_ =	shalt  }
0x6a: {  	_ =	shalt  }
0x6b: {  	_ =	shalt  }
0x6c: {  	_ =	shalt  }
0x6d: {  	_ =	shalt  }
0x6e: {  	_ =	shalt  }
0x6f: {  	_ =	shalt  }
0x70: {  	_ =	shalt  }
0x71: {  	_ =	shalt  }
0x72: {  	_ =	shalt  }
0x73: {  	_ =	shalt  }
0x74: {  	_ =	shalt  }
0x75: {  	_ =	shalt  }
0x76: {  	_ =	shalt  }
0x77: {  	_ =	shalt  }
0x78: {  	_ =	shalt  }
0x79: {  	_ =	shalt  }
0x7a: {  	_ =	shalt  }
0x7b: {  	_ =	shalt  }
0x7c: {  	_ =	shalt  }
0x7d: {  	_ =	shalt  }
0x7e: {  	_ =	shalt  }
0x7f: {  	_ =	shalt  }
0x80: {  	_ =	shalt  }
0x81: {  	_ =	shalt  }
0x82: {  	_ =	shalt  }
0x83: {  	_ =	shalt  }
0x84: {  	_ =	shalt  }
0x85: {  	_ =	shalt  }
0x86: {  	_ =	shalt  }
0x87: {  	_ =	shalt  }
.Lfunc_end0:
.L_simem_size_0:
called_computation.1_lowered:
.L_overlay_start_0:
0x88: {  	s2 =	sld [smem:$0x3FD9]  }
0x89: {  	s3 =	sld [smem:$0x3FFE];
	_ =	sdelay $0x1  }
0x8a: {  	s1 =	srdreg.scid  }
0x8b: {  	s0 =	sand.u32 $0x1, s1  }
0x8c: {  	s16 =	sshll.u32 s0, $0xA;
	s2 =	sadd.s32 s3, s2  }
0x8d: {  	s2 =	sadd.s32 s2, s16  }
0x8e: {  	[smem:$0x3FBD] =	sst s2  }
0x8f: {  	_ = 	snop  }
0x90: {  	(tm) =	ssettm $0x1  }
0x91: {  	s17 =	sld [smem:$0x3FFB];
	_ =	sdelay $0x3  }
0x92: {  	_ =	strace s17  }
0x93: {  	s2 =	sld [smem:$0x3FFC];
	_ =	sdelay $0x3  }
0x94: {  	_ =	strace s2  }
0x95: {  	s2 =	sld [smem:$0x3FFD];
	_ =	sdelay $0x3  }
0x96: {  	_ =	strace s2  }
0x97: {  	_ =	strace $0x8FFFFFFF  }
0x98: {  	s18 =	sld [smem:$0x3FDB];
	_ =	sdelay $0x1  }
0x99: {  	s19 =	simm.s32 $_scs_section_size  }
0x9a: {  	s4 =	simm.s32 $_size__tile_overlayer_lowered;
	s5 =	simm.s32 $_tile_overlayer_lowered  }
0x9b: {  	s22 =	simm.s32 $0x1BFF;
	s21 =	sshll.u32 s5, $0x1;
	s2 =	sadd.s32 s19, s18  }
0x9c: {  	s6 =	simm.s32 $0x0;
	s20 =	sshll.u32 s4, $0x1;
	s4 =	sadd.s32 s21, s2  }
0x9d: {  	[timem:s6], [sflag:s22] =	dma.local [hbm:s4], s20  }
0x9e: {  	_ =	swait.ge [sflag:s22], s20  }
0x9f: {  	s3 =	ssub.s32 $0x0, s20;
	[sflag:s22] =	ssyncset.done $0x0  }
0xa0: {  	[sflag:s22] =	ssyncadd.s32 s3;
	_ =	sdelay $0x1  }
0xa1: {  	s23 =	simm.s32 $0x1B8B  }
0xa2: {  	_ =	swait.ge [sflag:s23], $0x1  }
0xa3: {  	[sflag:s23] =	ssyncset.done $0x0  }
0xa4: {  	s25 =	simm.s32 $0x1B8E;
	s24 =	sld [smem:$0x3FFE];
	[sflag:s23] =	ssyncadd.s32 $0xFFFFFFFF  }
0xa5: {  	s26 =	simm.s32 $execute0_lowered;
	[smem:$0x3FD2] =	sst s25  }
0xa6: {  	s4 =	sshll.u32 s26, $0x1;
	_ =	strace $0x80000057;
	[dreg:$0x1] =	wrdreg $0xFFFFFFFF  }
0xa7: {  	s28 =	simm.s32 $_size_execute0_lowered;
	s2 =	sadd.s32 s2, s4;
	[dreg:$0x0] =	wrdreg $0x0  }
0xa8: {  	s4 =	sshll.u32 s28, $0x1;
	[dreg:$0x2] =	wrdreg s2  }
0xa9: {  	[dreg:$0x3] =	wrdreg s4  }
0xaa: {  	[dreg:$0x4] =	wrdreg $0xC0  }
0xab: {  	_ =	task [dreg:s6], $0x5FFFF  }
0xac: {  	[dreg:$0x1] =	wrdreg $0xFFFFFFFF  }
0xad: {  	[dreg:$0x0] =	wrdreg $0x60  }
0xae: {  	[dreg:$0x2] =	wrdreg s24  }
0xaf: {  	[dreg:$0x3] =	wrdreg $0x9  }
0xb0: {  	_ =	task.clear_ibuf [dreg:s6], $0x4FFFF;
	_ =	strace $0x90000057  }
0xb1: {  	s29 =	simm.s32 $0x9;
	_ =	strace $0x80000062  }
0xb2: {  	_ =	swait.ge [sflag:s29], $0x1  }
0xb3: {  	[sflag:s29] =	ssyncadd.s32 $0xFFFFFFFF  }
0xb4: {  	_ =	strace $0x90000062  }
0xb5: {  	_ =	sfence  }
0xb6: {  	s30 =	sld [smem:$0x0];
	_ =	sdelay $0x2  }
0xb7: {  	s31 =	sshll.u32 s1, $0xD;
	s1 =	sshrl.u32 s1, $0x2  }
0xb8: {  	s3 =	sand.u32 $0x4000, s31;
	s1 =	sadd.s32 s1, s30  }
0xb9: {  	s0 =	sor.u32 s3, s0;
	s1 =	sshll.u32 s1, $0x11  }
0xba: {  	s0 =	sor.u32 s1, s0  }
0xbb: {  	s0 =	sadd.s32 $0x8F2B, s0  }
0xbc: {  	[sflag:s0] =	ssyncadd.remote.s32 $0x1  }
0xbd: {  	_ =	sfence.sel $0xFFFF  }
0xbe: {  	[dreg:$0x0] =	wrdreg $0xFFFFFFFF;
	(pc) =	sbr.abs _section_cstart, $3  }
0xbf: {  	[dreg:$0x1] =	wrdreg $0xFFFFFFFF  }
0xc0: {  	_ =	task.clear_ibuf [dreg:s6], $0x2FFFF;
	_ =	strace $0x9FFFFFFF  }
0xc1: {  	(tm) =	ssettm $0x7FFFFFFF  }
tec
execute0_lowered:
.L_overlay_start_1:
0x0: {  	(tag) =	ssettag $0x1  }
0x1: {  	s7 =	rddreg [dreg:$0x0]  }
0x2: {  	s0 =	rddreg [dreg:$0x1];
	s1 =	simm.s32 $0x0  }
0x3: {  	s2 =	srdreg.scid;
	s12 =	simm.s32 $0x1;
	s13 =	simm.s32 $0x80  }
0x4: {  	s14 =	simm.s32 $0x7;
	s15 =	simm.s32 $0x0;
	[smem:$0x7FF] =	sst s1  }
0x5: {  	s3 =	sadd.s32 $0x9A00, s7;
	s4 =	sadd.s32 $0x154C00, s7;
	s8 =	sand.u32 $0x1, s2  }
0x6: {  	s5 =	sadd.s32 $0x30C00, s7;
	s2 =	stileid.u32;
	s6 =	sadd.s32 $0x155200, s7  }
0x7: {  	s7 =	sadd.s32 $0x2200, s7;
	s9 =	sshll.u32 s8, $0x4;
	s8 =	ssub.s32 $0x2, s8  }
0x8: {  	_ =	strace $0x80000058;
	s9 =	sor.u32 s2, s9;
	s10 =	sshrl.u32 s8, $0x1  }
0x9: {  	s11 =	sshll.u32 s9, $0x9;
	s10 =	ssub.s32 s8, s10;
	s8 =	sshll.u32 s9, $0x5  }
0xa: {  	s9 =	sadd.s32 s5, s11;
	s10 =	smax.u32 s10, $0x1;
	s11 =	simm.s32 $0x2780  }
.LBB2_1:
0xb: {  	[tilespmem:s1], [sflag:$0x1] =	stream.linear.gather [hbm4b:s4+s1], $0x2780, $0x38;
	[tilespmem:$0xA980] =	vst v63  }
0xc: {  	_ =	swait.ge [sflag:s12], $0x2780  }
0xd: {  	s17 =	simm.s32 $0x20;
	s24 =	simm.s32 $0x0;
	[sflag:s12] =	ssyncset.done $0x0  }
0xe: {  	s16 =	simm.s32 $0x0;
	s18 =	simm.s32 $0x0;
	[sflag:s12] =	ssyncadd.s32 $0xFFFFD880  }
0xf: {  	s22 =	simm.s32 $0x0;
	s19 =	simm.s32 $0x0;
	_ =	strace $0x80000059  }
0x10: {  	[tilespmem:s11], [sflag:$0x1] =	stream.linear.gather [hbm4b:s9+s1], $0x80, $0x200038;
	[tilespmem:$0xA980] =	vst v63  }
0x11: {  	s20 =	simm.s32 $0x0;
	s21 =	simm.s32 $0x1;
	_ =	strace $0x90000059  }
.LBB2_2:
0x12: {  	s23 =	sadd.s32 $0x1, s24  }
0x13: {  	p0 =	seq.s32 s23, $0x20  }
0x14: {  	s23 =	simm.s32 @p0 $0x0  }
0x15: {  	p1 =	sne.s32 s17, $0x1;
	p0 =	sne.s32 s24, s23  }
0x16: {  	p0 =	por !p1, !p0  }
0x17: {  	p0 =	por !p0, !p0  }
0x18: {  	s26 =	sadd.s32 @p0 s8, s23  }
0x19: {  	s25 =	sand.u32 @p0 $0x1, s21;
	_ =	strace @p0 $0x8000005A;
	s26 =	sshll.u32 @p0 s26, $0x4  }
0x1a: {  	s29 =	simm.s32 @p0 $0x0;
	s28 =	sshll.u32 @p0 s25, $0x7;
	s26 =	sand.u32 @p0 $0x1FFFFFF0, s26  }
0x1b: {  	s25 =	sadd.s32 @p0 $0x1, s25;
	s28 =	sadd.s32 @p0 $0x2780, s28;
	s26 =	sadd.s32 @p0 s5, s26  }
0x1c: {  	[tilespmem:s28], [sflag:s25] =	stream.linear.gather @p0 [hbm4b:s26+s29], $0x80, $0x200038;
	[tilespmem:$0xA980] =	vst v63  }
0x1d: {  	s28 =	sand.u32 $0x1, s20;
	_ =	strace @p0 $0x9000005A  }
0x1e: {  	s25 =	sadd.s32 $0x1, s28;
	_ =	strace $0x8000005B  }
0x1f: {  	_ =	swait.ge [sflag:s25], $0x80  }
0x20: {  	[sflag:s25] =	ssyncset.done $0x0  }
0x21: {  	s26 =	sand.u32 $0x1, s19;
	s29 =	sshll.u32 s20, $0x7;
	[sflag:s25] =	ssyncadd.s32 $0xFFFFFF80  }
0x22: {  	s30 =	sshll.u32 s26, $0xE;
	s31 =	sand.u32 $0x80, s29;
	_ =	strace $0x9000005B  }
0x23: {  	s29 =	sor.u32 $0x2880, s30;
	s25 =	sadd.s32 $0x2780, s31;
	_ =	strace $0x8000005C  }
0x24: {  	[tilespmem:s29], [sflag:$0x7] =	stream.indirect.gather [hbm4b:s3+s13], $0x80, s25, s13, $0x2000b8;
	[tilespmem:$0xA980] =	vst v63  }
0x25: {  	_ =	swait.ge [sflag:s14], $0x4000  }
0x26: {  	[sflag:s14] =	ssyncset.done $0x0  }
0x27: {  	[sflag:s14] =	ssyncadd.s32 $0xFFFFC000  }
0x28: {  	v0 =	vld [tilespmem:s31+$0x2780];
	_ =	sdelay $0x6  }
0x29: {  	s25 =	simm.s32 $0x0  }
0x2a: {  	v0 =	vld.idx.msk [tilespmem:v0+s25+$0x0], $0xffff;
	_ =	sdelay $0x2  }
0x2b: {  	s28 =	sand.u32 $0x1, s18  }
0x2c: {  	s30 =	sshll.u32 s28, $0x7  }
0x2d: {  	[tilespmem:s30+$0xA880] =	vst v0  }
0x2e: {  	v0 =	vld [tilespmem:s31+$0x2790];
	_ =	sdelay $0x7  }
0x2f: {  	v0 =	vld.idx.msk [tilespmem:v0+s25+$0x0], $0xffff;
	_ =	sdelay $0x4  }
0x30: {  	[tilespmem:s30+$0xA890] =	vst v0  }
0x31: {  	v0 =	vld [tilespmem:s31+$0x27A0];
	_ =	sdelay $0x7  }
0x32: {  	v0 =	vld.idx.msk [tilespmem:v0+s25+$0x0], $0xffff;
	_ =	sdelay $0x4  }
0x33: {  	[tilespmem:s30+$0xA8A0] =	vst v0  }
0x34: {  	v0 =	vld [tilespmem:s31+$0x27B0];
	_ =	sdelay $0x7  }
0x35: {  	v0 =	vld.idx.msk [tilespmem:v0+s25+$0x0], $0xffff;
	_ =	sdelay $0x4  }
0x36: {  	[tilespmem:s30+$0xA8B0] =	vst v0  }
0x37: {  	v0 =	vld [tilespmem:s31+$0x27C0];
	_ =	sdelay $0x7  }
0x38: {  	v0 =	vld.idx.msk [tilespmem:v0+s25+$0x0], $0xffff;
	_ =	sdelay $0x4  }
0x39: {  	[tilespmem:s30+$0xA8C0] =	vst v0  }
0x3a: {  	v0 =	vld [tilespmem:s31+$0x27D0];
	_ =	sdelay $0x7  }
0x3b: {  	v0 =	vld.idx.msk [tilespmem:v0+s25+$0x0], $0xffff;
	_ =	sdelay $0x4  }
0x3c: {  	[tilespmem:s30+$0xA8D0] =	vst v0  }
0x3d: {  	v0 =	vld [tilespmem:s31+$0x27E0];
	_ =	sdelay $0x7  }
0x3e: {  	v0 =	vld.idx.msk [tilespmem:v0+s25+$0x0], $0xffff;
	_ =	sdelay $0x4  }
0x3f: {  	[tilespmem:s30+$0xA8E0] =	vst v0  }
0x40: {  	v0 =	vld [tilespmem:s31+$0x27F0];
	_ =	sdelay $0x7  }
0x41: {  	p1 =	seq.s32 s17, $0x1;
	v0 =	vld.idx.msk [tilespmem:v0+s25+$0x0], $0xffff  }
0x42: {  	p2 =	seq.s32 @!p1 s24, s23  }
0x43: {  	p1 =	por p1, !p2  }
0x44: {  	s25 =	sadd.s32 @p1 s8, s24  }
0x45: {  	s19 =	sadd.s32 @p1 $0x1, s19;
	s26 =	sadd.s32 @p1 $0x3, s26;
	s31 =	sshll.u32 @p1 s25, $0xB  }
0x46: {  	s24 =	sshll.u32 @p1 s24, $0x7;
	s25 =	sshll.u32 @p1 s25, $0x7;
	s31 =	sand.u32 @p1 $0x1FFFF800, s31;
	[tilespmem:s30+$0xA8F0] =	vst v0  }
0x47: {  	s24 =	sand.u32 @p1 $0x380, s24;
	s25 =	sand.u32 @p1 $0xFFFFFC00, s25;
	_ =	strace $0x9000005C  }
0x48: {  	s31 =	sadd.s32 @p1 s6, s31;
	s24 =	sor.u32 @p1 s24, s25;
	_ =	strace @p1 $0x8000005D  }
0x49: {  	[hbm4b:s31+s1] =	stream.linear.scatter @p1 [tilespmem:s29], [sflag:s26], $0x4000, $0x200038;
	[tilespmem:$0xA980] =	vst v63  }
0x4a: {  	s25 =	sadd.s32 @p1 $0xA880, s30;
	s24 =	sshrl.u32 @p1 s24, $0x3;
	_ =	strace @p1 $0x9000005D  }
0x4b: {  	s24 =	sadd.s32 @p1 s7, s24;
	s26 =	sadd.s32 @p1 $0x5, s28;
	_ =	strace @p1 $0x8000005E  }
0x4c: {  	[hbm4b:s24+s1] =	stream.linear.scatter @p1 [tilespmem:s25], [sflag:s26], $0x80, $0x200038;
	[tilespmem:$0xA980] =	vst v63  }
0x4d: {  	s25 =	simm.s32 @p1 $0x1;
	_ =	strace @p1 $0x9000005E;
	p1 =	seq.s32 s17, $0x20  }
0x4e: {  	s24 =	sand.u32 @!p1 $0x1, s22  }
0x4f: {  	_ =	strace @!p1 $0x8000005F;
	s24 =	sadd.s32 @!p1 $0x3, s24  }
0x50: {  	_ =	swait.ge @!p1 [sflag:s24], $0x4000  }
0x51: {  	s26 =	simm.s32 $0x1;
	[sflag:s24] =	ssyncset.done @!p1 $0x0  }
0x52: {  	s26 =	simm.s32 @!p0 $0x0;
	[sflag:s24] =	ssyncadd.s32 @!p1 $0xFFFFC000  }
0x53: {  	s17 =	sadd.s32 $0xFFFFFFFF, s17;
	s24 =	sand.u32 @!p1 $0x1, s16;
	_ =	strace @!p1 $0x9000005F  }
0x54: {  	p0 =	sne.s32 s17, $0x0;
	s24 =	sadd.s32 @!p1 $0x5, s24;
	_ =	strace @!p1 $0x80000060  }
.Ltmp0:
0x55: {  	s18 =	sadd.s32 s18, s25;
	_ =	swait.ge @!p1 [sflag:s24], $0x80;
	(pc) =	sbr.rel @p0 .LBB2_2-.Ltmp0, $4  }
0x56: {  	s21 =	sadd.s32 s26, s21;
	s26 =	sadd.s32 @!p1 $0x1, s22;
	[sflag:s24] =	ssyncset.done @!p1 $0x0  }
0x57: {  	s26 =	smov.u32 @p1 s22;
	[sflag:s24] =	ssyncadd.s32 @!p1 $0xFFFFFF80;
	s24 =	simm.s32 @!p1 $0x1  }
0x58: {  	s20 =	sadd.s32 s20, s25;
	s22 =	smov.u32 s26;
	s24 =	simm.s32 @p1 $0x0  }
0x59: {  	_ =	strace @!p1 $0x90000060;
	s16 =	sadd.s32 s16, s24;
	s24 =	smov.u32 s23  }
0x5a: {  	s17 =	sand.u32 $0x1, s26  }
0x5b: {  	_ =	strace $0x80000061;
	s17 =	sadd.s32 $0x3, s17  }
0x5c: {  	s15 =	sadd.s32 $0x1, s15;
	_ =	swait.ge [sflag:s17], $0x4000  }
0x5d: {  	s16 =	sand.u32 $0x1, s16;
	p0 =	sne.s32 s15, s10;
	[sflag:s17] =	ssyncset.done $0x0  }
.Ltmp1:
0x5e: {  	s16 =	sadd.s32 $0x5, s16;
	[sflag:s17] =	ssyncadd.s32 $0xFFFFC000;
	(pc) =	sbr.rel @p0 .LBB2_1-.Ltmp1, $4  }
0x5f: {  	_ =	swait.ge [sflag:s16], $0x80  }
0x60: {  	[sflag:s16] =	ssyncset.done $0x0  }
0x61: {  	[sflag:s16] =	ssyncadd.s32 $0xFFFFFF80  }
0x62: {  	_ =	strace $0x90000061  }
0x63: {  	_ =	sfence.sel $0x180000  }
0x64: {  	[bflag:$0x0] =	sbarrier.arrive $0xFFFF  }
0x65: {  	p0 =	sne.s32 s2, $0x0;
	_ =	strace $0x90000058  }
0x66: {  	s0 =	sadd.s32 @!p0 $0x100000, s0;
	[bflag:$0x2] =	sbarrier.arrive $0xFFFF  }
0x67: {  	[sflag:s0] =	ssyncadd.tile.s32 @!p0 $0x1;
	_ =	shalt  }
.Lfunc_end2:
_tile_overlayer_lowered:
.L_overlay_start_2:
0x68: {  	(tag) =	ssettag $0x2  }
0x69: {  	s0 =	rddreg [dreg:$0x0];
	s2 =	stileid.u32  }
0x6a: {  	s1 =	rddreg [dreg:$0x1];
	p0 =	sne.s32 s2, $0x0  }
0x6b: {  	s3 =	rddreg [dreg:$0x2];
	[bflag:$0x3] =	sbarrier.arrive $0xFFFF;
	s2 =	simm.s32 @!p0 $0x1C01  }
0x6c: {  	[timem:s3], [sflag:s2] =	dma.local @!p0 [hbm:s0], s1  }
0x6d: {  	s0 =	simm.s32 @!p0 $0x1  }
0x6e: {  	_ =	swait.ge @!p0 [sflag:s0], s1  }
0x6f: {  	s1 =	ssub.s32 @!p0 $0x0, s1;
	[sflag:s0] =	ssyncset.done @!p0 $0x0  }
0x70: {  	[sflag:s0] =	ssyncadd.s32 @!p0 s1  }
0x71: {  	[bflag:$0x3] =	sbarrier.arrive $0xFFFF  }
0x72: {  	_ =	shalt  }

// kernel: kernel.15.cloned.1.call-start
scs
__scs_entry_jumppad:
0x0: {  	(pc) =	sbr.rel $0x88, $3  }
0x1: {  	(tag) =	ssettag $0x0;
	lr =	simm.s32 $0x1  }
0x2: {  	[smem:$0x3F96] =	sst lr;
	_ =	strace $0xD0000000  }
0x3: {  	_ = 	snop  }
0x4: {  	_ = 	snop  }
0x5: {  	_ = 	snop  }
0x6: {  	_ = 	snop  }
0x7: {  	_ = 	snop  }
__scs_overlays_trampoline_lowered:
0x8: {  	[smem:$0x3FA5] =	sst s0  }
0x9: {  	[smem:$0x3FA6] =	sst s1  }
0xa: {  	[smem:$0x3FA7] =	sst s2  }
0xb: {  	[smem:$0x3FA8] =	sst s3  }
0xc: {  	[smem:$0x3FA9] =	sst s4  }
0xd: {  	[smem:$0x3FAA] =	sst s5  }
0xe: {  	[smem:$0x3FAB] =	sst s6  }
0xf: {  	[smem:$0x3FAC] =	sst s7  }
0x10: {  	[smem:$0x3FAD] =	sst s8  }
0x11: {  	[smem:$0x3FAE] =	sst s9;
	s0 =	simm.s32 @!p0 $0x0  }
0x12: {  	s1 =	sld [smem:$0x3F94];
	s0 =	simm.s32 @p0 $0x1  }
0x13: {  	[smem:$0x3FAF] =	sst s0;
	s0 =	simm.s32 @!p1 $0x0  }
0x14: {  	s2 =	sld [smem:$0x3F93];
	s0 =	simm.s32 @p1 $0x1  }
0x15: {  	[smem:$0x3FB0] =	sst s0;
	s0 =	simm.s32 @!p2 $0x0  }
0x16: {  	s3 =	sld [smem:$0x3FDB];
	s0 =	simm.s32 @p2 $0x1  }
0x17: {  	s4 =	simm.s32 $0x1BF5;
	[smem:$0x3FB2] =	sst s0  }
0x18: {  	s0 =	sld [smem:$0x3F95];
	_ =	swait.ge [sflag:s4], $0x0  }
0x19: {  	s7 =	sld [smem:$0x3F96]  }
0x1a: {  	s8 =	sadd.s32 $0xFFFFE003, lr  }
0x1b: {  	s9 =	sadd.s32 $0xFFFFFEF7, lr;
	s5 =	simm.s32 $0xFFFFFFFF;
	p2 =	slt.u32 s8, $0xFFFFF086  }
0x1c: {  	p1 =	slt.u32 s9, $0xF7A;
	s5 =	simm.s32 @!p2 $0x0  }
0x1d: {  	s5 =	simm.s32 @p1 $0x1;
	p0 =	seq.s32 s7, s2  }
0x1e: {  	s7 =	smul.u32 @!p0 $0xF7A, s2;
	p2 =	seq.s32 @!p0 s5, $0x0  }
0x1f: {  	s9 =	smul.u32 $0xF7A, s1;
	s8 =	simm.s32 @!p0 $0x1BF5;
	p2 =	por !p2, p0  }
0x20: {  	[sflag:s8] =	ssyncset.s32 @!p0 $0xFFFFF086;
	s6 =	sadd.s32 @!p0 s3, s7;
	s7 =	simm.s32 @!p0 $0x108  }
0x21: {  	s3 =	sadd.s32 s3, s9;
	s6 =	sadd.s32 @!p0 $0x88, s6;
	s7 =	simm.s32 @p2 $0x1082  }
0x22: {  	[simem:s7], [sflag:s8] =	dma.local @!p0 [hbm:s6], $0xF7A  }
0x23: {  	s9 =	sor.u32 $0xD0000000, s2;
	s6 =	simm.s32 $0x108;
	_ =	swait.ge @!p0 [sflag:s8], $0x0  }
0x24: {  	s3 =	sadd.s32 $0x88, s3;
	s6 =	simm.s32 @!p1 $0x1082;
	[sflag:s4] =	ssyncset.s32 $0xFFFFF086  }
0x25: {  	[simem:s6], [sflag:s4] =	dma.local [hbm:s3], $0xF7A  }
0x26: {  	[smem:$0x3F96] =	sst s1;
	(tag) =	ssettag s2;
	_ =	strace s9  }
0x27: {  	s1 =	sld [smem:$0x3FA6]  }
0x28: {  	s2 =	sld [smem:$0x3FA7]  }
0x29: {  	s4 =	sld [smem:$0x3FA9]  }
0x2a: {  	p0 =	seq.s32 s5, $0x0;
	s5 =	sld [smem:$0x3FAA]  }
0x2b: {  	s6 =	sld [smem:$0x3FAB]  }
0x2c: {  	s7 =	sld [smem:$0x3FAC]  }
0x2d: {  	s3 =	simm.s32 $0x108;
	s8 =	sld [smem:$0x3FAD]  }
0x2e: {  	s3 =	simm.s32 @!p0 $0x1082;
	s9 =	sld [smem:$0x3FAE]  }
0x2f: {  	lr =	sadd.s32 s0, s3;
	s0 =	sld [smem:$0x3FA5]  }
0x30: {  	s3 =	sld [smem:$0x3FA8]  }
0x31: {  	[smem:$0x3FB1] =	sst s10  }
0x32: {  	s10 =	sld [smem:$0x3FAF];
	_ =	sdelay $0x3  }
0x33: {  	p0 =	seq.s32 s10, $0x1;
	s10 =	sld [smem:$0x3FB1];
	_ =	sdelay $0x3  }
0x34: {  	[smem:$0x3FB1] =	sst s10  }
0x35: {  	s10 =	sld [smem:$0x3FB0];
	_ =	sdelay $0x3  }
0x36: {  	p1 =	seq.s32 s10, $0x1;
	s10 =	sld [smem:$0x3FB1];
	_ =	sdelay $0x3  }
0x37: {  	[smem:$0x3FB1] =	sst s10  }
0x38: {  	s10 =	sld [smem:$0x3FB2]  }
0x39: {  	_ = 	snop;
	(pc) =	sbr.ind lr, $3  }
0x3a: {  	_ = 	snop  }
0x3b: {  	_ = 	snop  }
0x3c: {  	p2 =	seq.s32 s10, $0x1;
	s10 =	sld [smem:$0x3FB1]  }
0x3d: {  	_ =	shalt  }
0x3e: {  	_ =	shalt  }
0x3f: {  	_ =	shalt  }
0x40: {  	_ =	shalt  }
0x41: {  	_ =	shalt  }
0x42: {  	_ =	shalt  }
0x43: {  	_ =	shalt  }
0x44: {  	_ =	shalt  }
0x45: {  	_ =	shalt  }
0x46: {  	_ =	shalt  }
0x47: {  	_ =	shalt  }
0x48: {  	_ =	shalt  }
0x49: {  	_ =	shalt  }
0x4a: {  	_ =	shalt  }
0x4b: {  	_ =	shalt  }
0x4c: {  	_ =	shalt  }
0x4d: {  	_ =	shalt  }
0x4e: {  	_ =	shalt  }
0x4f: {  	_ =	shalt  }
0x50: {  	_ =	shalt  }
0x51: {  	_ =	shalt  }
0x52: {  	_ =	shalt  }
0x53: {  	_ =	shalt  }
0x54: {  	_ =	shalt  }
0x55: {  	_ =	shalt  }
0x56: {  	_ =	shalt  }
0x57: {  	_ =	shalt  }
0x58: {  	_ =	shalt  }
0x59: {  	_ =	shalt  }
0x5a: {  	_ =	shalt  }
0x5b: {  	_ =	shalt  }
0x5c: {  	_ =	shalt  }
0x5d: {  	_ =	shalt  }
0x5e: {  	_ =	shalt  }
0x5f: {  	_ =	shalt  }
0x60: {  	_ =	shalt  }
0x61: {  	_ =	shalt  }
0x62: {  	_ =	shalt  }
0x63: {  	_ =	shalt  }
0x64: {  	_ =	shalt  }
0x65: {  	_ =	shalt  }
0x66: {  	_ =	shalt  }
0x67: {  	_ =	shalt  }
0x68: {  	_ =	shalt  }
0x69: {  	_ =	shalt  }
0x6a: {  	_ =	shalt  }
0x6b: {  	_ =	shalt  }
0x6c: {  	_ =	shalt  }
0x6d: {  	_ =	shalt  }
0x6e: {  	_ =	shalt  }
0x6f: {  	_ =	shalt  }
0x70: {  	_ =	shalt  }
0x71: {  	_ =	shalt  }
0x72: {  	_ =	shalt  }
0x73: {  	_ =	shalt  }
0x74: {  	_ =	shalt  }
0x75: {  	_ =	shalt  }
0x76: {  	_ =	shalt  }
0x77: {  	_ =	shalt  }
0x78: {  	_ =	shalt  }
0x79: {  	_ =	shalt  }
0x7a: {  	_ =	shalt  }
0x7b: {  	_ =	shalt  }
0x7c: {  	_ =	shalt  }
0x7d: {  	_ =	shalt  }
0x7e: {  	_ =	shalt  }
0x7f: {  	_ =	shalt  }
0x80: {  	_ =	shalt  }
0x81: {  	_ =	shalt  }
0x82: {  	_ =	shalt  }
0x83: {  	_ =	shalt  }
0x84: {  	_ =	shalt  }
0x85: {  	_ =	shalt  }
0x86: {  	_ =	shalt  }
0x87: {  	_ =	shalt  }
.Lfunc_end0:
.L_simem_size_0:
called_computation.2_lowered:
.L_overlay_start_0:
0x88: {  	s2 =	sld [smem:$0x3FD9]  }
0x89: {  	s3 =	sld [smem:$0x3FFE];
	_ =	sdelay $0x1  }
0x8a: {  	s1 =	srdreg.scid  }
0x8b: {  	s0 =	sand.u32 $0x1, s1  }
0x8c: {  	s17 =	sshll.u32 s0, $0xA;
	s2 =	sadd.s32 s3, s2  }
0x8d: {  	s2 =	sadd.s32 s2, s17  }
0x8e: {  	[smem:$0x3FBD] =	sst s2  }
0x8f: {  	_ = 	snop  }
0x90: {  	(tm) =	ssettm $0x1  }
0x91: {  	s18 =	sld [smem:$0x3FFB];
	_ =	sdelay $0x3  }
0x92: {  	_ =	strace s18  }
0x93: {  	s2 =	sld [smem:$0x3FFC];
	_ =	sdelay $0x3  }
0x94: {  	_ =	strace s2  }
0x95: {  	s2 =	sld [smem:$0x3FFD];
	_ =	sdelay $0x3  }
0x96: {  	_ =	strace s2  }
0x97: {  	_ =	strace $0x8FFFFFFF  }
0x98: {  	s19 =	sld [smem:$0x3FDB];
	_ =	sdelay $0x1  }
0x99: {  	s20 =	simm.s32 $_scs_section_size  }
0x9a: {  	s4 =	simm.s32 $_size__tile_overlayer_lowered;
	s5 =	simm.s32 $_tile_overlayer_lowered  }
0x9b: {  	s6 =	simm.s32 $0x1BFF;
	s21 =	sshll.u32 s5, $0x1;
	s3 =	sadd.s32 s20, s19  }
0x9c: {  	s22 =	simm.s32 $0x0;
	s4 =	sshll.u32 s4, $0x1;
	s5 =	sadd.s32 s21, s3  }
0x9d: {  	[timem:s22], [sflag:s6] =	dma.local [hbm:s5], s4  }
0x9e: {  	_ =	swait.ge [sflag:s6], s4  }
0x9f: {  	s4 =	ssub.s32 $0x0, s4;
	[sflag:s6] =	ssyncset.done $0x0  }
0xa0: {  	[sflag:s6] =	ssyncadd.s32 s4;
	_ =	sdelay $0x1  }
0xa1: {  	s23 =	simm.s32 $0x1B8B  }
0xa2: {  	_ =	swait.ge [sflag:s23], $0x1  }
0xa3: {  	[sflag:s23] =	ssyncset.done $0x0  }
0xa4: {  	[sflag:s23] =	ssyncadd.s32 $0xFFFFFFFF  }
0xa5: {  	s4 =	sld [smem:$0x0]  }
0xa6: {  	s5 =	sand.u32 $0xFFFFFFFE, s1  }
0xa7: {  	p0 =	sne.s32 s1, s5  }
0xa8: {  	s5 =	sshll.u32 @p0 s5, $0xE  }
0xa9: {  	s5 =	sadd.s32 @p0 $0x11B8D, s5;
	s6 =	sshll.u32 @p0 s4, $0x11  }
0xaa: {  	s5 =	sor.u32 @p0 s6, s5  }
0xab: {  	[sflag:s5] =	ssyncadd.remote.s32 @p0 $0x1;
	_ =	sdelay $0x1  }
0xac: {  	s5 =	simm.s32 @p0 $0x1B8D  }
0xad: {  	_ =	swait.eq @p0 [sflag:s5], $0x1  }
0xae: {  	[sflag:s5] =	ssyncadd.s32 @p0 $0xFFFFFFFF  }
0xaf: {  	s6 =	sshll.u32 @!p0 s1, $0xE  }
0xb0: {  	s6 =	sor.u32 @!p0 $0x4000, s6;
	s5 =	simm.s32 @!p0 $0x1B8D  }
0xb1: {  	s4 =	sshll.u32 @!p0 s4, $0x11;
	s6 =	sadd.s32 @!p0 $0x11B8D, s6;
	_ =	swait.eq @!p0 [sflag:s5], $0x1  }
0xb2: {  	s4 =	sor.u32 @!p0 s4, s6;
	[sflag:s5] =	ssyncadd.s32 @!p0 $0xFFFFFFFF  }
0xb3: {  	s25 =	simm.s32 $0x1B8E;
	s24 =	sld [smem:$0x3FFE];
	[sflag:s4] =	ssyncadd.remote.s32 @!p0 $0x1  }
0xb4: {  	s26 =	simm.s32 $execute0_lowered;
	[smem:$0x3FD2] =	sst s25  }
0xb5: {  	s5 =	sshll.u32 s26, $0x1;
	_ =	strace $0x80000063;
	[dreg:$0x1] =	wrdreg $0xFFFFFFFF  }
0xb6: {  	s28 =	simm.s32 $_size_execute0_lowered;
	s3 =	sadd.s32 s3, s5;
	[dreg:$0x0] =	wrdreg $0x0  }
0xb7: {  	s5 =	sshll.u32 s28, $0x1;
	[dreg:$0x2] =	wrdreg s3  }
0xb8: {  	[dreg:$0x3] =	wrdreg s5  }
0xb9: {  	[dreg:$0x4] =	wrdreg $0xC0  }
0xba: {  	_ =	task [dreg:s22], $0x5FFFF  }
0xbb: {  	[dreg:$0x1] =	wrdreg $0xFFFFFFFF  }
0xbc: {  	[dreg:$0x0] =	wrdreg $0x60  }
0xbd: {  	[dreg:$0x2] =	wrdreg s24  }
0xbe: {  	[dreg:$0x3] =	wrdreg $0xA  }
0xbf: {  	_ =	task.clear_ibuf [dreg:s22], $0x4FFFF;
	_ =	strace $0x90000063  }
0xc0: {  	s29 =	simm.s32 $0xA;
	_ =	strace $0x80000073  }
0xc1: {  	_ =	swait.ge [sflag:s29], $0x1  }
0xc2: {  	[sflag:s29] =	ssyncadd.s32 $0xFFFFFFFF  }
0xc3: {  	_ =	strace $0x90000073  }
0xc4: {  	_ =	sfence  }
0xc5: {  	s30 =	sld [smem:$0x0];
	_ =	sdelay $0x2  }
0xc6: {  	s31 =	sshll.u32 s1, $0xD;
	s1 =	sshrl.u32 s1, $0x2  }
0xc7: {  	s4 =	sand.u32 $0x4000, s31;
	s1 =	sadd.s32 s1, s30  }
0xc8: {  	s0 =	sor.u32 s4, s0;
	s1 =	sshll.u32 s1, $0x11  }
0xc9: {  	s0 =	sor.u32 s1, s0  }
0xca: {  	s0 =	sadd.s32 $0x8F2B, s0  }
0xcb: {  	[sflag:s0] =	ssyncadd.remote.s32 $0x1  }
0xcc: {  	_ =	sfence.sel $0xFFFF  }
0xcd: {  	[dreg:$0x0] =	wrdreg $0xFFFFFFFF;
	(pc) =	sbr.abs _section_cstart, $3  }
0xce: {  	[dreg:$0x1] =	wrdreg $0xFFFFFFFF  }
0xcf: {  	_ =	task.clear_ibuf [dreg:s22], $0x2FFFF;
	_ =	strace $0x9FFFFFFF  }
0xd0: {  	(tm) =	ssettm $0x7FFFFFFF  }
0xd1: {  	_ =	shalt  }
tec
execute0_lowered:
.L_overlay_start_1:
0x0: {  	(tag) =	ssettag $0x1  }
0x1: {  	s8 =	rddreg [dreg:$0x0]  }
0x2: {  	s0 =	rddreg [dreg:$0x1];
	s1 =	simm.s32 $0x0;
	s5 =	srdreg.scid  }
0x3: {  	s14 =	simm.s32 $0x4;
	s15 =	simm.s32 $0x0;
	s2 =	sadd.s32 $0x355200, s8  }
0x4: {  	[smem:$0x7FF] =	sst s1;
	s3 =	sadd.s32 $0x35D200, s8;
	s4 =	sadd.s32 $0x6200, s8  }
0x5: {  	s6 =	sadd.s32 $0x6600, s8;
	s9 =	sand.u32 $0x1, s5;
	s5 =	stileid.u32  }
.Ltmp0:
0x6: {  	s10 =	ssub.s32 $0x2, s9;
	s9 =	sshll.u32 s9, $0x4;
	(pc) =	sbr.rel .LBB2_1-.Ltmp0, $4  }
0x7: {  	s7 =	sadd.s32 $0x365200, s8;
	s8 =	sadd.s32 $0x3A5200, s8;
	s12 =	sor.u32 s5, s9  }
0x8: {  	v2 =	vlaneseq.u32;
	_ =	strace $0x80000064;
	s11 =	sshrl.u32 s10, $0x1;
	s31 =	sshll.u32 s12, $0x5  }
0x9: {  	vm0 =	vmmov $0xffff;
	v1 =	vshrl.u32 v2, $0x3;
	s13 =	ssub.s32 s10, s11;
	s9 =	sshll.u32 s12, $0x1;
	s10 =	sadd.s32 s4, s31  }
0xa: {  	v0 =	vand.u32 $0x7, v2;
	v2 =	vor.u32 $0x8, v2;
	v1 =	vmul.u32 $0x8, v1;
	s11 =	sadd.s32 s6, s31;
	s12 =	smax.u32 s13, $0x1;
	s13 =	simm.s32 $0x5  }
.LBB2_7:
0xb: {  	s16 =	sand.u32 $0x1, s17  }
0xc: {  	_ =	strace $0x80000071;
	s16 =	sadd.s32 $0x3, s16  }
0xd: {  	_ =	swait.ge [sflag:s16], $0x8000  }
0xe: {  	[sflag:s16] =	ssyncset.done $0x0  }
0xf: {  	s15 =	sadd.s32 $0x1, s15;
	[sflag:s16] =	ssyncadd.s32 $0xFFFF8000  }
0x10: {  	p0 =	sne.s32 s15, s12;
	_ =	strace $0x90000071  }
.Ltmp1:
0x11: {  	_ =	strace $0x80000072;
	(pc) =	sbr.rel @!p0 .LBB2_8-.Ltmp1, $4  }
0x12: {  	_ =	swait.ge [sflag:s14], $0x8000  }
0x13: {  	[sflag:s14] =	ssyncset.done $0x0  }
0x14: {  	[sflag:s14] =	ssyncadd.s32 $0xFFFF8000  }
0x15: {  	_ =	strace $0x90000072  }
.LBB2_1:
0x16: {  	_ =	strace $0x80000065  }
0x17: {  	p0 =	por $0x1, $0x1;
	p2 =	por $0x0, $0x0;
	s17 =	simm.s32 $0x0  }
0x18: {  	s16 =	simm.s32 $0x0;
	s21 =	simm.s32 $0x0;
	s18 =	simm.s32 $0x0  }
0x19: {  	[tilespmem:s1], [sflag:$0x1] =	stream.linear.gather [hbm4b:s10+s1], $0x80, $0x200038;
	[tilespmem:$0x10100] =	vst v63  }
0x1a: {  	s19 =	simm.s32 $0x1;
	s20 =	simm.s32 $0x0;
	_ =	strace $0x90000065  }
.LBB2_2:
0x1b: {  	s22 =	smov.u32 s17;
	s17 =	sadd.s32 $0x1, s17  }
0x1c: {  	p1 =	seq.s32 s17, $0x2  }
0x1d: {  	s17 =	simm.s32 @p1 $0x0  }
0x1e: {  	p1 =	sne.s32 s22, s17  }
0x1f: {  	p1 =	por !p0, !p1  }
0x20: {  	p1 =	por !p1, !p1  }
0x21: {  	s23 =	sadd.s32 @p1 s9, s17  }
0x22: {  	s24 =	sand.u32 @p1 $0x1, s19;
	s23 =	sshll.u32 @p1 s23, $0x4  }
0x23: {  	_ =	strace @p1 $0x80000066;
	s26 =	simm.s32 @p1 $0x0;
	s23 =	sand.u32 @p1 $0x1FFFFFF0, s23  }
0x24: {  	s25 =	sshll.u32 @p1 s24, $0x7;
	s24 =	sadd.s32 @p1 $0x1, s24;
	s23 =	sadd.s32 @p1 s4, s23  }
0x25: {  	[tilespmem:s25], [sflag:s24] =	stream.linear.gather @p1 [hbm4b:s23+s26], $0x80, $0x200038;
	[tilespmem:$0x10100] =	vst v63  }
0x26: {  	s29 =	sand.u32 $0x1, s18;
	_ =	strace @p1 $0x90000066  }
0x27: {  	s23 =	sadd.s32 $0x1, s29;
	_ =	strace $0x80000067  }
0x28: {  	_ =	swait.ge [sflag:s23], $0x80  }
0x29: {  	[sflag:s23] =	ssyncset.done $0x0  }
0x2a: {  	[sflag:s23] =	ssyncadd.s32 $0xFFFFFF80  }
0x2b: {  	s30 =	sshll.u32 s18, $0x7;
	_ =	strace $0x90000067  }
0x2c: {  	s26 =	sand.u32 $0x80, s30;
	_ =	strace $0x80000068  }
0x2d: {  	v3 =	vld [tilespmem:s26+$0x0];
	_ =	sdelay $0x4  }
0x2e: {  	v4 =	vshll.u32 v3, $0x1  }
0x2f: {  	v3 =	vand.u32 $0x7, v3;
	v4 =	vand.u32 $0xFFFFFFF0, v4  }
0x30: {  	v3 =	vor.u32 v3, v4  }
0x31: {  	v4 =	vperm.xlane v3, v0;
	_ =	sdelay $0x1  }
0x32: {  	v3 =	vperm.xlane v3, v2;
	v4 =	vadd.s32 v1, v4;
	_ =	sdelay $0x1  }
0x33: {  	s23 =	sand.u32 $0x1, s21;
	v3 =	vadd.s32 v1, v3  }
0x34: {  	s25 =	sshll.u32 s23, $0xF  }
0x35: {  	s24 =	sor.u32 $0x100, s25  }
0x36: {  	[tilespmem:s24], [sflag:$0x5] =	stream.indirect_vreg.gather [hbm4b:s2+s1], $0x80, v4, vm0, $0x2000b8;
	[tilespmem:$0x10100] =	vst v63  }
0x37: {  	s28 =	sor.u32 $0x900, s25  }
0x38: {  	[tilespmem:s28], [sflag:$0x5] =	stream.indirect_vreg.gather [hbm4b:s2+s1], $0x80, v3, vm0, $0x2000b8;
	[tilespmem:$0x10100] =	vst v63  }
0x39: {  	v3 =	vld [tilespmem:s26+$0x10];
	_ =	sdelay $0x4  }
0x3a: {  	v57 =	vshll.u32 v3, $0x1  }
0x3b: {  	v3 =	vand.u32 $0x7, v3;
	v4 =	vand.u32 $0xFFFFFFF0, v57  }
0x3c: {  	v3 =	vor.u32 v3, v4  }
0x3d: {  	v4 =	vperm.xlane v3, v0;
	_ =	sdelay $0x1  }
0x3e: {  	v3 =	vperm.xlane v3, v2;
	v4 =	vadd.s32 v1, v4;
	_ =	sdelay $0x1  }
0x3f: {  	v3 =	vadd.s32 v1, v3;
	_ =	sdelay $0x1  }
0x40: {  	s31 =	sor.u32 $0x1100, s25  }
0x41: {  	[tilespmem:s31], [sflag:$0x5] =	stream.indirect_vreg.gather [hbm4b:s2+s1], $0x80, v4, vm0, $0x2000b8;
	[tilespmem:$0x10100] =	vst v63  }
0x42: {  	s29 =	sor.u32 $0x1900, s25  }
0x43: {  	[tilespmem:s29], [sflag:$0x5] =	stream.indirect_vreg.gather [hbm4b:s2+s1], $0x80, v3, vm0, $0x2000b8;
	[tilespmem:$0x10100] =	vst v63  }
0x44: {  	v3 =	vld [tilespmem:s26+$0x20];
	_ =	sdelay $0x4  }
0x45: {  	v58 =	vshll.u32 v3, $0x1  }
0x46: {  	v3 =	vand.u32 $0x7, v3;
	v4 =	vand.u32 $0xFFFFFFF0, v58  }
0x47: {  	v3 =	vor.u32 v3, v4  }
0x48: {  	v4 =	vperm.xlane v3, v0;
	_ =	sdelay $0x1  }
0x49: {  	v3 =	vperm.xlane v3, v2;
	v4 =	vadd.s32 v1, v4;
	_ =	sdelay $0x1  }
0x4a: {  	v3 =	vadd.s32 v1, v3;
	_ =	sdelay $0x1  }
0x4b: {  	s30 =	sor.u32 $0x2100, s25  }
0x4c: {  	[tilespmem:s30], [sflag:$0x5] =	stream.indirect_vreg.gather [hbm4b:s2+s1], $0x80, v4, vm0, $0x2000b8;
	[tilespmem:$0x10100] =	vst v63  }
0x4d: {  	s31 =	sor.u32 $0x2900, s25  }
0x4e: {  	[tilespmem:s31], [sflag:$0x5] =	stream.indirect_vreg.gather [hbm4b:s2+s1], $0x80, v3, vm0, $0x2000b8;
	[tilespmem:$0x10100] =	vst v63  }
0x4f: {  	v3 =	vld [tilespmem:s26+$0x30];
	_ =	sdelay $0x4  }
0x50: {  	v59 =	vshll.u32 v3, $0x1  }
0x51: {  	v3 =	vand.u32 $0x7, v3;
	v4 =	vand.u32 $0xFFFFFFF0, v59  }
0x52: {  	v3 =	vor.u32 v3, v4  }
0x53: {  	v4 =	vperm.xlane v3, v0;
	_ =	sdelay $0x1  }
0x54: {  	v3 =	vperm.xlane v3, v2;
	v4 =	vadd.s32 v1, v4;
	_ =	sdelay $0x1  }
0x55: {  	v3 =	vadd.s32 v1, v3;
	_ =	sdelay $0x1  }
0x56: {  	s29 =	sor.u32 $0x3100, s25  }
0x57: {  	[tilespmem:s29], [sflag:$0x5] =	stream.indirect_vreg.gather [hbm4b:s2+s1], $0x80, v4, vm0, $0x2000b8;
	[tilespmem:$0x10100] =	vst v63  }
0x58: {  	s30 =	sor.u32 $0x3900, s25  }
0x59: {  	[tilespmem:s30], [sflag:$0x5] =	stream.indirect_vreg.gather [hbm4b:s2+s1], $0x80, v3, vm0, $0x2000b8;
	[tilespmem:$0x10100] =	vst v63  }
0x5a: {  	v3 =	vld [tilespmem:s26+$0x40];
	_ =	sdelay $0x4  }
0x5b: {  	v60 =	vshll.u32 v3, $0x1  }
0x5c: {  	v3 =	vand.u32 $0x7, v3;
	v4 =	vand.u32 $0xFFFFFFF0, v60  }
0x5d: {  	v3 =	vor.u32 v3, v4  }
0x5e: {  	v4 =	vperm.xlane v3, v0;
	_ =	sdelay $0x1  }
0x5f: {  	v3 =	vperm.xlane v3, v2;
	v4 =	vadd.s32 v1, v4;
	_ =	sdelay $0x1  }
0x60: {  	v3 =	vadd.s32 v1, v3;
	_ =	sdelay $0x1  }
0x61: {  	s31 =	sor.u32 $0x4100, s25  }
0x62: {  	[tilespmem:s31], [sflag:$0x5] =	stream.indirect_vreg.gather [hbm4b:s2+s1], $0x80, v4, vm0, $0x2000b8;
	[tilespmem:$0x10100] =	vst v63  }
0x63: {  	s29 =	sor.u32 $0x4900, s25  }
0x64: {  	[tilespmem:s29], [sflag:$0x5] =	stream.indirect_vreg.gather [hbm4b:s2+s1], $0x80, v3, vm0, $0x2000b8;
	[tilespmem:$0x10100] =	vst v63  }
0x65: {  	v3 =	vld [tilespmem:s26+$0x50];
	_ =	sdelay $0x4  }
0x66: {  	v61 =	vshll.u32 v3, $0x1  }
0x67: {  	v3 =	vand.u32 $0x7, v3;
	v4 =	vand.u32 $0xFFFFFFF0, v61  }
0x68: {  	v3 =	vor.u32 v3, v4  }
0x69: {  	v4 =	vperm.xlane v3, v0;
	_ =	sdelay $0x1  }
0x6a: {  	v3 =	vperm.xlane v3, v2;
	v4 =	vadd.s32 v1, v4;
	_ =	sdelay $0x1  }
0x6b: {  	v3 =	vadd.s32 v1, v3;
	_ =	sdelay $0x1  }
0x6c: {  	s30 =	sor.u32 $0x5100, s25  }
0x6d: {  	[tilespmem:s30], [sflag:$0x5] =	stream.indirect_vreg.gather [hbm4b:s2+s1], $0x80, v4, vm0, $0x2000b8;
	[tilespmem:$0x10100] =	vst v63  }
0x6e: {  	s31 =	sor.u32 $0x5900, s25  }
0x6f: {  	[tilespmem:s31], [sflag:$0x5] =	stream.indirect_vreg.gather [hbm4b:s2+s1], $0x80, v3, vm0, $0x2000b8;
	[tilespmem:$0x10100] =	vst v63  }
0x70: {  	v3 =	vld [tilespmem:s26+$0x60];
	_ =	sdelay $0x4  }
0x71: {  	v62 =	vshll.u32 v3, $0x1  }
0x72: {  	v3 =	vand.u32 $0x7, v3;
	v4 =	vand.u32 $0xFFFFFFF0, v62  }
0x73: {  	v3 =	vor.u32 v3, v4  }
0x74: {  	v4 =	vperm.xlane v3, v0;
	_ =	sdelay $0x1  }
0x75: {  	v3 =	vperm.xlane v3, v2;
	v4 =	vadd.s32 v1, v4;
	_ =	sdelay $0x1  }
0x76: {  	v3 =	vadd.s32 v1, v3;
	_ =	sdelay $0x1  }
0x77: {  	s29 =	sor.u32 $0x6100, s25  }
0x78: {  	[tilespmem:s29], [sflag:$0x5] =	stream.indirect_vreg.gather [hbm4b:s2+s1], $0x80, v4, vm0, $0x2000b8;
	[tilespmem:$0x10100] =	vst v63  }
0x79: {  	s30 =	sor.u32 $0x6900, s25  }
0x7a: {  	[tilespmem:s30], [sflag:$0x5] =	stream.indirect_vreg.gather [hbm4b:s2+s1], $0x80, v3, vm0, $0x2000b8;
	[tilespmem:$0x10100] =	vst v63  }
0x7b: {  	v3 =	vld [tilespmem:s26+$0x70];
	_ =	sdelay $0x4  }
0x7c: {  	v63 =	vshll.u32 v3, $0x1  }
0x7d: {  	v3 =	vand.u32 $0x7, v3;
	v4 =	vand.u32 $0xFFFFFFF0, v63  }
0x7e: {  	v3 =	vor.u32 v3, v4  }
0x7f: {  	v4 =	vperm.xlane v3, v0;
	_ =	sdelay $0x1  }
0x80: {  	v3 =	vperm.xlane v3, v2;
	v4 =	vadd.s32 v1, v4;
	_ =	sdelay $0x1  }
0x81: {  	v3 =	vadd.s32 v1, v3;
	_ =	sdelay $0x1  }
0x82: {  	p2 =	por !p2, !p2;
	p3 =	seq.s32 s22, s17;
	s31 =	sor.u32 $0x7100, s25  }
0x83: {  	[tilespmem:s31], [sflag:$0x5] =	stream.indirect_vreg.gather [hbm4b:s2+s1], $0x80, v4, vm0, $0x2000b8;
	[tilespmem:$0x10100] =	vst v63  }
0x84: {  	p2 =	por !p2, !p3;
	s25 =	sor.u32 $0x7900, s25  }
0x85: {  	[tilespmem:s25], [sflag:$0x5] =	stream.indirect_vreg.gather [hbm4b:s2+s1], $0x80, v3, vm0, $0x2000b8;
	[tilespmem:$0x10100] =	vst v63  }
0x86: {  	s22 =	sadd.s32 s9, s22;
	p2 =	por !p2, !p2;
	_ =	swait.ge [sflag:s13], $0x8000  }
0x87: {  	s22 =	sshll.u32 @!p2 s22, $0xC;
	p0 =	por p2, p0;
	[sflag:s13] =	ssyncset.done $0x0  }
.Ltmp2:
0x88: {  	s22 =	sand.u32 @!p2 $0x1FFFF000, s22;
	[sflag:s13] =	ssyncadd.s32 $0xFFFF8000;
	(pc) =	sbr.rel @!p0 .LBB2_4-.Ltmp2, $4  }
0x89: {  	s22 =	sadd.s32 @!p2 s7, s22;
	_ =	strace $0x90000068  }
0x8a: {  	s23 =	sadd.s32 @!p2 $0x3, s23;
	s25 =	simm.s32 @!p2 $0x0;
	_ =	strace @!p2 $0x80000069  }
0x8b: {  	[hbm4b:s22+s25] =	stream.linear.scatter @!p2 [tilespmem:s24], [sflag:s23], $0x8000, $0x200038;
	[tilespmem:$0x10100] =	vst v63  }
0x8c: {  	_ =	strace @!p2 $0x90000069  }
.Ltmp3:
0x8d: {  	s22 =	simm.s32 $0x1;
	(pc) =	sbr.rel .LBB2_2-.Ltmp3, $4  }
0x8e: {  	s23 =	simm.s32 @!p2 $0x1;
	s16 =	sadd.s32 s20, s16;
	s22 =	simm.s32 @!p1 $0x0  }
0x8f: {  	s20 =	simm.s32 $0x1;
	s19 =	sadd.s32 s22, s19;
	s22 =	sadd.s32 @!p2 $0x1, s21  }
0x90: {  	p0 =	por $0x0, $0x0;
	s23 =	simm.s32 @p2 $0x0;
	s22 =	smov.u32 @p2 s21  }
0x91: {  	s18 =	sadd.s32 s18, s23;
	p2 =	por $0x1, $0x1;
	s21 =	smov.u32 s22  }
.LBB2_4:
0x92: {  	s16 =	sand.u32 $0x1, s16  }
0x93: {  	_ =	strace $0x8000006A;
	s16 =	sadd.s32 $0x3, s16  }
0x94: {  	_ =	swait.ge [sflag:s16], $0x8000  }
0x95: {  	[sflag:s16] =	ssyncset.done $0x0  }
0x96: {  	[sflag:s16] =	ssyncadd.s32 $0xFFFF8000  }
0x97: {  	_ =	strace $0x9000006A  }
0x98: {  	_ =	strace $0x8000006B  }
0x99: {  	_ =	swait.ge [sflag:s14], $0x8000  }
0x9a: {  	[sflag:s14] =	ssyncset.done $0x0  }
0x9b: {  	p0 =	por $0x1, $0x1;
	p2 =	por $0x0, $0x0;
	[sflag:s14] =	ssyncadd.s32 $0xFFFF8000  }
0x9c: {  	s18 =	simm.s32 $0x1;
	s17 =	simm.s32 $0x0;
	_ =	strace $0x9000006B  }
0x9d: {  	s21 =	simm.s32 $0x0;
	s16 =	simm.s32 $0x0;
	_ =	strace $0x8000006C  }
0x9e: {  	[tilespmem:s16], [sflag:$0x1] =	stream.linear.gather [hbm4b:s11+s16], $0x80, $0x200038;
	[tilespmem:$0x10100] =	vst v63  }
0x9f: {  	s19 =	simm.s32 $0x0;
	s20 =	simm.s32 $0x0;
	_ =	strace $0x9000006C  }
.LBB2_5:
0xa0: {  	s22 =	smov.u32 s16;
	s16 =	sadd.s32 $0x1, s16  }
0xa1: {  	p1 =	seq.s32 s16, $0x2  }
0xa2: {  	s16 =	simm.s32 @p1 $0x0  }
0xa3: {  	p1 =	sne.s32 s22, s16  }
0xa4: {  	p1 =	por !p0, !p1  }
0xa5: {  	p1 =	por !p1, !p1  }
0xa6: {  	s23 =	sadd.s32 @p1 s9, s16  }
0xa7: {  	s24 =	sand.u32 @p1 $0x1, s18;
	s23 =	sshll.u32 @p1 s23, $0x4  }
0xa8: {  	_ =	strace @p1 $0x8000006D;
	s26 =	simm.s32 @p1 $0x0;
	s23 =	sand.u32 @p1 $0x1FFFFFF0, s23  }
0xa9: {  	s25 =	sshll.u32 @p1 s24, $0x7;
	s24 =	sadd.s32 @p1 $0x1, s24;
	s23 =	sadd.s32 @p1 s6, s23  }
0xaa: {  	[tilespmem:s25], [sflag:s24] =	stream.linear.gather @p1 [hbm4b:s23+s26], $0x80, $0x200038;
	[tilespmem:$0x10100] =	vst v63  }
0xab: {  	s29 =	sand.u32 $0x1, s19;
	_ =	strace @p1 $0x9000006D  }
0xac: {  	s23 =	sadd.s32 $0x1, s29;
	_ =	strace $0x8000006E  }
0xad: {  	_ =	swait.ge [sflag:s23], $0x80  }
0xae: {  	[sflag:s23] =	ssyncset.done $0x0  }
0xaf: {  	[sflag:s23] =	ssyncadd.s32 $0xFFFFFF80  }
0xb0: {  	s30 =	sshll.u32 s19, $0x7;
	_ =	strace $0x9000006E  }
0xb1: {  	s26 =	sand.u32 $0x80, s30;
	_ =	strace $0x8000006F  }
0xb2: {  	v3 =	vld [tilespmem:s26+$0x0];
	_ =	sdelay $0x4  }
0xb3: {  	v4 =	vshll.u32 v3, $0x1  }
0xb4: {  	v3 =	vand.u32 $0x7, v3;
	v4 =	vand.u32 $0xFFFFFFF0, v4  }
0xb5: {  	v3 =	vor.u32 v3, v4  }
0xb6: {  	v4 =	vperm.xlane v3, v0;
	_ =	sdelay $0x1  }
0xb7: {  	v3 =	vperm.xlane v3, v2;
	v4 =	vadd.s32 v1, v4;
	_ =	sdelay $0x1  }
0xb8: {  	s23 =	sand.u32 $0x1, s21;
	v3 =	vadd.s32 v1, v3  }
0xb9: {  	s25 =	sshll.u32 s23, $0xF  }
0xba: {  	s24 =	sor.u32 $0x100, s25  }
0xbb: {  	[tilespmem:s24], [sflag:$0x5] =	stream.indirect_vreg.gather [hbm4b:s3+s1], $0x80, v4, vm0, $0x2000b8;
	[tilespmem:$0x10100] =	vst v63  }
0xbc: {  	s28 =	sor.u32 $0x900, s25  }
0xbd: {  	[tilespmem:s28], [sflag:$0x5] =	stream.indirect_vreg.gather [hbm4b:s3+s1], $0x80, v3, vm0, $0x2000b8;
	[tilespmem:$0x10100] =	vst v63  }
0xbe: {  	v3 =	vld [tilespmem:s26+$0x10];
	_ =	sdelay $0x4  }
0xbf: {  	v57 =	vshll.u32 v3, $0x1  }
0xc0: {  	v3 =	vand.u32 $0x7, v3;
	v4 =	vand.u32 $0xFFFFFFF0, v57  }
0xc1: {  	v3 =	vor.u32 v3, v4  }
0xc2: {  	v4 =	vperm.xlane v3, v0;
	_ =	sdelay $0x1  }
0xc3: {  	v3 =	vperm.xlane v3, v2;
	v4 =	vadd.s32 v1, v4;
	_ =	sdelay $0x1  }
0xc4: {  	v3 =	vadd.s32 v1, v3;
	_ =	sdelay $0x1  }
0xc5: {  	s31 =	sor.u32 $0x1100, s25  }
0xc6: {  	[tilespmem:s31], [sflag:$0x5] =	stream.indirect_vreg.gather [hbm4b:s3+s1], $0x80, v4, vm0, $0x2000b8;
	[tilespmem:$0x10100] =	vst v63  }
0xc7: {  	s29 =	sor.u32 $0x1900, s25  }
0xc8: {  	[tilespmem:s29], [sflag:$0x5] =	stream.indirect_vreg.gather [hbm4b:s3+s1], $0x80, v3, vm0, $0x2000b8;
	[tilespmem:$0x10100] =	vst v63  }
0xc9: {  	v3 =	vld [tilespmem:s26+$0x20];
	_ =	sdelay $0x4  }
0xca: {  	v58 =	vshll.u32 v3, $0x1  }
0xcb: {  	v3 =	vand.u32 $0x7, v3;
	v4 =	vand.u32 $0xFFFFFFF0, v58  }
0xcc: {  	v3 =	vor.u32 v3, v4  }
0xcd: {  	v4 =	vperm.xlane v3, v0;
	_ =	sdelay $0x1  }
0xce: {  	v3 =	vperm.xlane v3, v2;
	v4 =	vadd.s32 v1, v4;
	_ =	sdelay $0x1  }
0xcf: {  	v3 =	vadd.s32 v1, v3;
	_ =	sdelay $0x1  }
0xd0: {  	s30 =	sor.u32 $0x2100, s25  }
0xd1: {  	[tilespmem:s30], [sflag:$0x5] =	stream.indirect_vreg.gather [hbm4b:s3+s1], $0x80, v4, vm0, $0x2000b8;
	[tilespmem:$0x10100] =	vst v63  }
0xd2: {  	s31 =	sor.u32 $0x2900, s25  }
0xd3: {  	[tilespmem:s31], [sflag:$0x5] =	stream.indirect_vreg.gather [hbm4b:s3+s1], $0x80, v3, vm0, $0x2000b8;
	[tilespmem:$0x10100] =	vst v63  }
0xd4: {  	v3 =	vld [tilespmem:s26+$0x30];
	_ =	sdelay $0x4  }
0xd5: {  	v59 =	vshll.u32 v3, $0x1  }
0xd6: {  	v3 =	vand.u32 $0x7, v3;
	v4 =	vand.u32 $0xFFFFFFF0, v59  }
0xd7: {  	v3 =	vor.u32 v3, v4  }
0xd8: {  	v4 =	vperm.xlane v3, v0;
	_ =	sdelay $0x1  }
0xd9: {  	v3 =	vperm.xlane v3, v2;
	v4 =	vadd.s32 v1, v4;
	_ =	sdelay $0x1  }
0xda: {  	v3 =	vadd.s32 v1, v3;
	_ =	sdelay $0x1  }
0xdb: {  	s29 =	sor.u32 $0x3100, s25  }
0xdc: {  	[tilespmem:s29], [sflag:$0x5] =	stream.indirect_vreg.gather [hbm4b:s3+s1], $0x80, v4, vm0, $0x2000b8;
	[tilespmem:$0x10100] =	vst v63  }
0xdd: {  	s30 =	sor.u32 $0x3900, s25  }
0xde: {  	[tilespmem:s30], [sflag:$0x5] =	stream.indirect_vreg.gather [hbm4b:s3+s1], $0x80, v3, vm0, $0x2000b8;
	[tilespmem:$0x10100] =	vst v63  }
0xdf: {  	v3 =	vld [tilespmem:s26+$0x40];
	_ =	sdelay $0x4  }
0xe0: {  	v60 =	vshll.u32 v3, $0x1  }
0xe1: {  	v3 =	vand.u32 $0x7, v3;
	v4 =	vand.u32 $0xFFFFFFF0, v60  }
0xe2: {  	v3 =	vor.u32 v3, v4  }
0xe3: {  	v4 =	vperm.xlane v3, v0;
	_ =	sdelay $0x1  }
0xe4: {  	v3 =	vperm.xlane v3, v2;
	v4 =	vadd.s32 v1, v4;
	_ =	sdelay $0x1  }
0xe5: {  	v3 =	vadd.s32 v1, v3;
	_ =	sdelay $0x1  }
0xe6: {  	s31 =	sor.u32 $0x4100, s25  }
0xe7: {  	[tilespmem:s31], [sflag:$0x5] =	stream.indirect_vreg.gather [hbm4b:s3+s1], $0x80, v4, vm0, $0x2000b8;
	[tilespmem:$0x10100] =	vst v63  }
0xe8: {  	s29 =	sor.u32 $0x4900, s25  }
0xe9: {  	[tilespmem:s29], [sflag:$0x5] =	stream.indirect_vreg.gather [hbm4b:s3+s1], $0x80, v3, vm0, $0x2000b8;
	[tilespmem:$0x10100] =	vst v63  }
0xea: {  	v3 =	vld [tilespmem:s26+$0x50];
	_ =	sdelay $0x4  }
0xeb: {  	v61 =	vshll.u32 v3, $0x1  }
0xec: {  	v3 =	vand.u32 $0x7, v3;
	v4 =	vand.u32 $0xFFFFFFF0, v61  }
0xed: {  	v3 =	vor.u32 v3, v4  }
0xee: {  	v4 =	vperm.xlane v3, v0;
	_ =	sdelay $0x1  }
0xef: {  	v3 =	vperm.xlane v3, v2;
	v4 =	vadd.s32 v1, v4;
	_ =	sdelay $0x1  }
0xf0: {  	v3 =	vadd.s32 v1, v3;
	_ =	sdelay $0x1  }
0xf1: {  	s30 =	sor.u32 $0x5100, s25  }
0xf2: {  	[tilespmem:s30], [sflag:$0x5] =	stream.indirect_vreg.gather [hbm4b:s3+s1], $0x80, v4, vm0, $0x2000b8;
	[tilespmem:$0x10100] =	vst v63  }
0xf3: {  	s31 =	sor.u32 $0x5900, s25  }
0xf4: {  	[tilespmem:s31], [sflag:$0x5] =	stream.indirect_vreg.gather [hbm4b:s3+s1], $0x80, v3, vm0, $0x2000b8;
	[tilespmem:$0x10100] =	vst v63  }
0xf5: {  	v3 =	vld [tilespmem:s26+$0x60];
	_ =	sdelay $0x4  }
0xf6: {  	v62 =	vshll.u32 v3, $0x1  }
0xf7: {  	v3 =	vand.u32 $0x7, v3;
	v4 =	vand.u32 $0xFFFFFFF0, v62  }
0xf8: {  	v3 =	vor.u32 v3, v4  }
0xf9: {  	v4 =	vperm.xlane v3, v0;
	_ =	sdelay $0x1  }
0xfa: {  	v3 =	vperm.xlane v3, v2;
	v4 =	vadd.s32 v1, v4;
	_ =	sdelay $0x1  }
0xfb: {  	v3 =	vadd.s32 v1, v3;
	_ =	sdelay $0x1  }
0xfc: {  	s29 =	sor.u32 $0x6100, s25  }
0xfd: {  	[tilespmem:s29], [sflag:$0x5] =	stream.indirect_vreg.gather [hbm4b:s3+s1], $0x80, v4, vm0, $0x2000b8;
	[tilespmem:$0x10100] =	vst v63  }
0xfe: {  	s30 =	sor.u32 $0x6900, s25  }
0xff: {  	[tilespmem:s30], [sflag:$0x5] =	stream.indirect_vreg.gather [hbm4b:s3+s1], $0x80, v3, vm0, $0x2000b8;
	[tilespmem:$0x10100] =	vst v63  }
0x100: {  	v3 =	vld [tilespmem:s26+$0x70];
	_ =	sdelay $0x4  }
0x101: {  	v63 =	vshll.u32 v3, $0x1  }
0x102: {  	v3 =	vand.u32 $0x7, v3;
	v4 =	vand.u32 $0xFFFFFFF0, v63  }
0x103: {  	v3 =	vor.u32 v3, v4  }
0x104: {  	v4 =	vperm.xlane v3, v0;
	_ =	sdelay $0x1  }
0x105: {  	v3 =	vperm.xlane v3, v2;
	v4 =	vadd.s32 v1, v4;
	_ =	sdelay $0x1  }
0x106: {  	v3 =	vadd.s32 v1, v3;
	_ =	sdelay $0x1  }
0x107: {  	p2 =	por !p2, !p2;
	p3 =	seq.s32 s22, s16;
	s31 =	sor.u32 $0x7100, s25  }
0x108: {  	[tilespmem:s31], [sflag:$0x5] =	stream.indirect_vreg.gather [hbm4b:s3+s1], $0x80, v4, vm0, $0x2000b8;
	[tilespmem:$0x10100] =	vst v63  }
0x109: {  	p2 =	por !p2, !p3;
	s25 =	sor.u32 $0x7900, s25  }
0x10a: {  	[tilespmem:s25], [sflag:$0x5] =	stream.indirect_vreg.gather [hbm4b:s3+s1], $0x80, v3, vm0, $0x2000b8;
	[tilespmem:$0x10100] =	vst v63  }
0x10b: {  	s22 =	sadd.s32 s9, s22;
	p2 =	por !p2, !p2;
	_ =	swait.ge [sflag:s13], $0x8000  }
0x10c: {  	s22 =	sshll.u32 @!p2 s22, $0xC;
	p0 =	por p2, p0;
	[sflag:s13] =	ssyncset.done $0x0  }
.Ltmp4:
0x10d: {  	s22 =	sand.u32 @!p2 $0x1FFFF000, s22;
	[sflag:s13] =	ssyncadd.s32 $0xFFFF8000;
	(pc) =	sbr.rel @!p0 .LBB2_7-.Ltmp4, $4  }
0x10e: {  	s22 =	sadd.s32 @!p2 s8, s22;
	_ =	strace $0x9000006F  }
0x10f: {  	s23 =	sadd.s32 @!p2 $0x3, s23;
	s25 =	simm.s32 @!p2 $0x0;
	_ =	strace @!p2 $0x80000070  }
0x110: {  	[hbm4b:s22+s25] =	stream.linear.scatter @!p2 [tilespmem:s24], [sflag:s23], $0x8000, $0x200038;
	[tilespmem:$0x10100] =	vst v63  }
0x111: {  	_ =	strace @!p2 $0x90000070  }
.Ltmp5:
0x112: {  	s22 =	simm.s32 $0x1;
	(pc) =	sbr.rel .LBB2_5-.Ltmp5, $4  }
0x113: {  	s23 =	simm.s32 @!p2 $0x1;
	s17 =	sadd.s32 s20, s17;
	s22 =	simm.s32 @!p1 $0x0  }
0x114: {  	s20 =	simm.s32 $0x1;
	s18 =	sadd.s32 s22, s18;
	s22 =	sadd.s32 @!p2 $0x1, s21  }
0x115: {  	p0 =	por $0x0, $0x0;
	s23 =	simm.s32 @p2 $0x0;
	s22 =	smov.u32 @p2 s21  }
0x116: {  	s19 =	sadd.s32 s19, s23;
	p2 =	por $0x1, $0x1;
	s21 =	smov.u32 s22  }
.LBB2_8:
0x117: {  	_ =	sfence.sel $0x180000  }
0x118: {  	[bflag:$0x0] =	sbarrier.arrive $0xFFFF  }
0x119: {  	p0 =	sne.s32 s5, $0x0;
	_ =	strace $0x90000064  }
0x11a: {  	s0 =	sadd.s32 @!p0 $0x100000, s0;
	[bflag:$0x2] =	sbarrier.arrive $0xFFFF  }
0x11b: {  	[sflag:s0] =	ssyncadd.tile.s32 @!p0 $0x1;
	_ =	shalt  }
.Lfunc_end2:
_tile_overlayer_lowered:
.L_overlay_start_2:
0x11c: {  	(tag) =	ssettag $0x2  }
0x11d: {  	s0 =	rddreg [dreg:$0x0];
	s2 =	stileid.u32  }
0x11e: {  	s1 =	rddreg [dreg:$0x1];
	p0 =	sne.s32 s2, $0x0  }
0x11f: {  	s3 =	rddreg [dreg:$0x2];
	[bflag:$0x3] =	sbarrier.arrive $0xFFFF;
	s2 =	simm.s32 @!p0 $0x1C01  }
0x120: {  	[timem:s3], [sflag:s2] =	dma.local @!p0 [hbm:s0], s1  }
0x121: {  	s0 =	simm.s32 @!p0 $0x1  }
0x122: {  	_ =	swait.ge @!p0 [sflag:s0], s1  }
0x123: {  	s1 =	ssub.s32 @!p0 $0x0, s1;
	[sflag:s0] =	ssyncset.done @!p0 $0x0  }
0x124: {  	[sflag:s0] =	ssyncadd.s32 @!p0 s1  }
0x125: {  	[bflag:$0x3] =	sbarrier.arrive $0xFFFF  }
0x126: {  	_ =	shalt  }

// kernel: kernel.9.cloned.1.call-start
scs
__scs_entry_jumppad:
0x0: {  	(pc) =	sbr.rel $0x88, $3  }
0x1: {  	(tag) =	ssettag $0x0;
	lr =	simm.s32 $0x1  }
0x2: {  	[smem:$0x3F96] =	sst lr;
	_ =	strace $0xD0000000  }
0x3: {  	_ = 	snop  }
0x4: {  	_ = 	snop  }
0x5: {  	_ = 	snop  }
0x6: {  	_ = 	snop  }
0x7: {  	_ = 	snop  }
__scs_overlays_trampoline_lowered:
0x8: {  	[smem:$0x3FA5] =	sst s0  }
0x9: {  	[smem:$0x3FA6] =	sst s1  }
0xa: {  	[smem:$0x3FA7] =	sst s2  }
0xb: {  	[smem:$0x3FA8] =	sst s3  }
0xc: {  	[smem:$0x3FA9] =	sst s4  }
0xd: {  	[smem:$0x3FAA] =	sst s5  }
0xe: {  	[smem:$0x3FAB] =	sst s6  }
0xf: {  	[smem:$0x3FAC] =	sst s7  }
0x10: {  	[smem:$0x3FAD] =	sst s8  }
0x11: {  	[smem:$0x3FAE] =	sst s9;
	s0 =	simm.s32 @!p0 $0x0  }
0x12: {  	s1 =	sld [smem:$0x3F94];
	s0 =	simm.s32 @p0 $0x1  }
0x13: {  	[smem:$0x3FAF] =	sst s0;
	s0 =	simm.s32 @!p1 $0x0  }
0x14: {  	s2 =	sld [smem:$0x3F93];
	s0 =	simm.s32 @p1 $0x1  }
0x15: {  	[smem:$0x3FB0] =	sst s0;
	s0 =	simm.s32 @!p2 $0x0  }
0x16: {  	s3 =	sld [smem:$0x3FDB];
	s0 =	simm.s32 @p2 $0x1  }
0x17: {  	s4 =	simm.s32 $0x1BF5;
	[smem:$0x3FB2] =	sst s0  }
0x18: {  	s0 =	sld [smem:$0x3F95];
	_ =	swait.ge [sflag:s4], $0x0  }
0x19: {  	s7 =	sld [smem:$0x3F96]  }
0x1a: {  	s8 =	sadd.s32 $0xFFFFE003, lr  }
0x1b: {  	s9 =	sadd.s32 $0xFFFFFEF7, lr;
	s5 =	simm.s32 $0xFFFFFFFF;
	p2 =	slt.u32 s8, $0xFFFFF086  }
0x1c: {  	p1 =	slt.u32 s9, $0xF7A;
	s5 =	simm.s32 @!p2 $0x0  }
0x1d: {  	s5 =	simm.s32 @p1 $0x1;
	p0 =	seq.s32 s7, s2  }
0x1e: {  	s7 =	smul.u32 @!p0 $0xF7A, s2;
	p2 =	seq.s32 @!p0 s5, $0x0  }
0x1f: {  	s9 =	smul.u32 $0xF7A, s1;
	s8 =	simm.s32 @!p0 $0x1BF5;
	p2 =	por !p2, p0  }
0x20: {  	[sflag:s8] =	ssyncset.s32 @!p0 $0xFFFFF086;
	s6 =	sadd.s32 @!p0 s3, s7;
	s7 =	simm.s32 @!p0 $0x108  }
0x21: {  	s3 =	sadd.s32 s3, s9;
	s6 =	sadd.s32 @!p0 $0x88, s6;
	s7 =	simm.s32 @p2 $0x1082  }
0x22: {  	[simem:s7], [sflag:s8] =	dma.local @!p0 [hbm:s6], $0xF7A  }
0x23: {  	s9 =	sor.u32 $0xD0000000, s2;
	s6 =	simm.s32 $0x108;
	_ =	swait.ge @!p0 [sflag:s8], $0x0  }
0x24: {  	s3 =	sadd.s32 $0x88, s3;
	s6 =	simm.s32 @!p1 $0x1082;
	[sflag:s4] =	ssyncset.s32 $0xFFFFF086  }
0x25: {  	[simem:s6], [sflag:s4] =	dma.local [hbm:s3], $0xF7A  }
0x26: {  	[smem:$0x3F96] =	sst s1;
	(tag) =	ssettag s2;
	_ =	strace s9  }
0x27: {  	s1 =	sld [smem:$0x3FA6]  }
0x28: {  	s2 =	sld [smem:$0x3FA7]  }
0x29: {  	s4 =	sld [smem:$0x3FA9]  }
0x2a: {  	p0 =	seq.s32 s5, $0x0;
	s5 =	sld [smem:$0x3FAA]  }
0x2b: {  	s6 =	sld [smem:$0x3FAB]  }
0x2c: {  	s7 =	sld [smem:$0x3FAC]  }
0x2d: {  	s3 =	simm.s32 $0x108;
	s8 =	sld [smem:$0x3FAD]  }
0x2e: {  	s3 =	simm.s32 @!p0 $0x1082;
	s9 =	sld [smem:$0x3FAE]  }
0x2f: {  	lr =	sadd.s32 s0, s3;
	s0 =	sld [smem:$0x3FA5]  }
0x30: {  	s3 =	sld [smem:$0x3FA8]  }
0x31: {  	[smem:$0x3FB1] =	sst s10  }
0x32: {  	s10 =	sld [smem:$0x3FAF];
	_ =	sdelay $0x3  }
0x33: {  	p0 =	seq.s32 s10, $0x1;
	s10 =	sld [smem:$0x3FB1];
	_ =	sdelay $0x3  }
0x34: {  	[smem:$0x3FB1] =	sst s10  }
0x35: {  	s10 =	sld [smem:$0x3FB0];
	_ =	sdelay $0x3  }
0x36: {  	p1 =	seq.s32 s10, $0x1;
	s10 =	sld [smem:$0x3FB1];
	_ =	sdelay $0x3  }
0x37: {  	[smem:$0x3FB1] =	sst s10  }
0x38: {  	s10 =	sld [smem:$0x3FB2]  }
0x39: {  	_ = 	snop;
	(pc) =	sbr.ind lr, $3  }
0x3a: {  	_ = 	snop  }
0x3b: {  	_ = 	snop  }
0x3c: {  	p2 =	seq.s32 s10, $0x1;
	s10 =	sld [smem:$0x3FB1]  }
0x3d: {  	_ =	shalt  }
0x3e: {  	_ =	shalt  }
0x3f: {  	_ =	shalt  }
0x40: {  	_ =	shalt  }
0x41: {  	_ =	shalt  }
0x42: {  	_ =	shalt  }
0x43: {  	_ =	shalt  }
0x44: {  	_ =	shalt  }
0x45: {  	_ =	shalt  }
0x46: {  	_ =	shalt  }
0x47: {  	_ =	shalt  }
0x48: {  	_ =	shalt  }
0x49: {  	_ =	shalt  }
0x4a: {  	_ =	shalt  }
0x4b: {  	_ =	shalt  }
0x4c: {  	_ =	shalt  }
0x4d: {  	_ =	shalt  }
0x4e: {  	_ =	shalt  }
0x4f: {  	_ =	shalt  }
0x50: {  	_ =	shalt  }
0x51: {  	_ =	shalt  }
0x52: {  	_ =	shalt  }
0x53: {  	_ =	shalt  }
0x54: {  	_ =	shalt  }
0x55: {  	_ =	shalt  }
0x56: {  	_ =	shalt  }
0x57: {  	_ =	shalt  }
0x58: {  	_ =	shalt  }
0x59: {  	_ =	shalt  }
0x5a: {  	_ =	shalt  }
0x5b: {  	_ =	shalt  }
0x5c: {  	_ =	shalt  }
0x5d: {  	_ =	shalt  }
0x5e: {  	_ =	shalt  }
0x5f: {  	_ =	shalt  }
0x60: {  	_ =	shalt  }
0x61: {  	_ =	shalt  }
0x62: {  	_ =	shalt  }
0x63: {  	_ =	shalt  }
0x64: {  	_ =	shalt  }
0x65: {  	_ =	shalt  }
0x66: {  	_ =	shalt  }
0x67: {  	_ =	shalt  }
0x68: {  	_ =	shalt  }
0x69: {  	_ =	shalt  }
0x6a: {  	_ =	shalt  }
0x6b: {  	_ =	shalt  }
0x6c: {  	_ =	shalt  }
0x6d: {  	_ =	shalt  }
0x6e: {  	_ =	shalt  }
0x6f: {  	_ =	shalt  }
0x70: {  	_ =	shalt  }
0x71: {  	_ =	shalt  }
0x72: {  	_ =	shalt  }
0x73: {  	_ =	shalt  }
0x74: {  	_ =	shalt  }
0x75: {  	_ =	shalt  }
0x76: {  	_ =	shalt  }
0x77: {  	_ =	shalt  }
0x78: {  	_ =	shalt  }
0x79: {  	_ =	shalt  }
0x7a: {  	_ =	shalt  }
0x7b: {  	_ =	shalt  }
0x7c: {  	_ =	shalt  }
0x7d: {  	_ =	shalt  }
0x7e: {  	_ =	shalt  }
0x7f: {  	_ =	shalt  }
0x80: {  	_ =	shalt  }
0x81: {  	_ =	shalt  }
0x82: {  	_ =	shalt  }
0x83: {  	_ =	shalt  }
0x84: {  	_ =	shalt  }
0x85: {  	_ =	shalt  }
0x86: {  	_ =	shalt  }
0x87: {  	_ =	shalt  }
.Lfunc_end0:
.L_simem_size_0:
called_computation_lowered:
.L_overlay_start_0:
0x88: {  	s2 =	sld [smem:$0x3FD9]  }
0x89: {  	s3 =	sld [smem:$0x3FFE];
	_ =	sdelay $0x1  }
0x8a: {  	s1 =	srdreg.scid  }
0x8b: {  	s0 =	sand.u32 $0x1, s1  }
0x8c: {  	s16 =	sshll.u32 s0, $0xA;
	s2 =	sadd.s32 s3, s2  }
0x8d: {  	s2 =	sadd.s32 s2, s16  }
0x8e: {  	[smem:$0x3FBD] =	sst s2  }
0x8f: {  	_ = 	snop  }
0x90: {  	(tm) =	ssettm $0x1  }
0x91: {  	s17 =	sld [smem:$0x3FFB];
	_ =	sdelay $0x3  }
0x92: {  	_ =	strace s17  }
0x93: {  	s2 =	sld [smem:$0x3FFC];
	_ =	sdelay $0x3  }
0x94: {  	_ =	strace s2  }
0x95: {  	s2 =	sld [smem:$0x3FFD];
	_ =	sdelay $0x3  }
0x96: {  	_ =	strace s2  }
0x97: {  	_ =	strace $0x8FFFFFFF  }
0x98: {  	s18 =	sld [smem:$0x3FDB];
	_ =	sdelay $0x1  }
0x99: {  	s19 =	simm.s32 $_scs_section_size  }
0x9a: {  	s4 =	simm.s32 $_size__tile_overlayer_lowered;
	s5 =	simm.s32 $_tile_overlayer_lowered  }
0x9b: {  	s22 =	simm.s32 $0x1BFF;
	s21 =	sshll.u32 s5, $0x1;
	s2 =	sadd.s32 s19, s18  }
0x9c: {  	s6 =	simm.s32 $0x0;
	s20 =	sshll.u32 s4, $0x1;
	s4 =	sadd.s32 s21, s2  }
0x9d: {  	[timem:s6], [sflag:s22] =	dma.local [hbm:s4], s20  }
0x9e: {  	_ =	swait.ge [sflag:s22], s20  }
0x9f: {  	s3 =	ssub.s32 $0x0, s20;
	[sflag:s22] =	ssyncset.done $0x0  }
0xa0: {  	[sflag:s22] =	ssyncadd.s32 s3;
	_ =	sdelay $0x1  }
0xa1: {  	s23 =	simm.s32 $0x1B8B  }
0xa2: {  	_ =	swait.ge [sflag:s23], $0x1  }
0xa3: {  	[sflag:s23] =	ssyncset.done $0x0  }
0xa4: {  	s25 =	simm.s32 $0x1B8E;
	s24 =	sld [smem:$0x3FFE];
	[sflag:s23] =	ssyncadd.s32 $0xFFFFFFFF  }
0xa5: {  	s26 =	simm.s32 $execute0_lowered;
	[smem:$0x3FD2] =	sst s25  }
0xa6: {  	s4 =	sshll.u32 s26, $0x1;
	_ =	strace $0x80000046;
	[dreg:$0x1] =	wrdreg $0xFFFFFFFF  }
0xa7: {  	s28 =	simm.s32 $_size_execute0_lowered;
	s2 =	sadd.s32 s2, s4;
	[dreg:$0x0] =	wrdreg $0x0  }
0xa8: {  	s4 =	sshll.u32 s28, $0x1;
	[dreg:$0x2] =	wrdreg s2  }
0xa9: {  	[dreg:$0x3] =	wrdreg s4  }
0xaa: {  	[dreg:$0x4] =	wrdreg $0xC0  }
0xab: {  	_ =	task [dreg:s6], $0x5FFFF  }
0xac: {  	[dreg:$0x1] =	wrdreg $0xFFFFFFFF  }
0xad: {  	[dreg:$0x0] =	wrdreg $0x60  }
0xae: {  	[dreg:$0x2] =	wrdreg s24  }
0xaf: {  	[dreg:$0x3] =	wrdreg $0x9  }
0xb0: {  	_ =	task.clear_ibuf [dreg:s6], $0x4FFFF;
	_ =	strace $0x90000046  }
0xb1: {  	s29 =	simm.s32 $0x9;
	_ =	strace $0x80000056  }
0xb2: {  	_ =	swait.ge [sflag:s29], $0x1  }
0xb3: {  	[sflag:s29] =	ssyncadd.s32 $0xFFFFFFFF  }
0xb4: {  	_ =	strace $0x90000056  }
0xb5: {  	_ =	sfence  }
0xb6: {  	s30 =	sld [smem:$0x0];
	_ =	sdelay $0x2  }
0xb7: {  	s31 =	sshll.u32 s1, $0xD;
	s1 =	sshrl.u32 s1, $0x2  }
0xb8: {  	s3 =	sand.u32 $0x4000, s31;
	s1 =	sadd.s32 s1, s30  }
0xb9: {  	s0 =	sor.u32 s3, s0;
	s1 =	sshll.u32 s1, $0x11  }
0xba: {  	s0 =	sor.u32 s1, s0  }
0xbb: {  	s0 =	sadd.s32 $0x8F2B, s0  }
0xbc: {  	[sflag:s0] =	ssyncadd.remote.s32 $0x1  }
0xbd: {  	_ =	sfence.sel $0xFFFF  }
0xbe: {  	[dreg:$0x0] =	wrdreg $0xFFFFFFFF;
	(pc) =	sbr.abs _section_cstart, $3  }
0xbf: {  	[dreg:$0x1] =	wrdreg $0xFFFFFFFF  }
0xc0: {  	_ =	task.clear_ibuf [dreg:s6], $0x2FFFF;
	_ =	strace $0x9FFFFFFF  }
0xc1: {  	(tm) =	ssettm $0x7FFFFFFF  }
tec
execute0_lowered:
.L_overlay_start_1:
0x0: {  	(tag) =	ssettag $0x1  }
0x1: {  	s0 =	rddreg [dreg:$0x0];
	s1 =	simm.s32 $0x0  }
0x2: {  	s2 =	srdreg.scid;
	s5 =	stileid.u32;
	s12 =	simm.s32 $0x1  }
0x3: {  	s13 =	simm.s32 $0x80;
	s14 =	simm.s32 $0x5;
	s15 =	simm.s32 $0x4  }
0x4: {  	s17 =	simm.s32 $0x2;
	[smem:$0x7FF] =	sst s1;
	s2 =	sand.u32 $0x1, s2  }
0x5: {  	s3 =	sadd.s32 $0x9A00, s0;
	s7 =	sadd.s32 $0x34C00, s0;
	_ =	strace $0x80000047  }
0x6: {  	s4 =	sshll.u32 s2, $0x4;
	[dreg:$0x2] =	wrdreg s3;
	s2 =	ssub.s32 $0x2, s2  }
0x7: {  	s3 =	sadd.s32 $0x2600, s0;
	s5 =	sor.u32 s5, s4;
	s8 =	sshrl.u32 s2, $0x1  }
0x8: {  	[dreg:$0x3] =	wrdreg s7;
	s9 =	smul.u32 $0x120, s5;
	s2 =	ssub.s32 s2, s8  }
0x9: {  	s4 =	sadd.s32 $0x7600, s0;
	s6 =	sshll.u32 s5, $0x5;
	s2 =	smax.u32 s2, $0x1  }
0xa: {  	s6 =	sadd.s32 s6, s0;
	s28 =	sadd.s32 s4, s9;
	[dreg:$0x6] =	wrdreg s2  }
0xb: {  	s26 =	sshll.u32 s5, $0x9;
	s29 =	sadd.s32 $0x2200, s6;
	[dreg:$0x4] =	wrdreg s28  }
0xc: {  	s0 =	sadd.s32 s26, s0;
	s30 =	sadd.s32 $0x2210, s6;
	[dreg:$0x5] =	wrdreg s29  }
0xd: {  	s18 =	simm.s32 $0x900;
	s31 =	sadd.s32 $0x30C00, s0;
	[dreg:$0x7] =	wrdreg s30  }
0xe: {  	s19 =	simm.s32 $0x3;
	s0 =	sadd.s32 $0x30D00, s0;
	[dreg:$0x8] =	wrdreg s31  }
0xf: {  	s20 =	simm.s32 $0x0;
	s5 =	smul.u32 $0x12, s5;
	[dreg:$0x9] =	wrdreg s0  }
.LBB2_1:
0x10: {  	_ =	strace $0x80000048  }
0x11: {  	s21 =	simm.s32 $0x1;
	p0 =	por $0x0, $0x0;
	p5 =	por $0x1, $0x1  }
0x12: {  	s22 =	simm.s32 $0x11;
	s0 =	rddreg [dreg:$0x4];
	s21 =	simm.s32 @p0 $0x0  }
0x13: {  	[tilespmem:s1], [sflag:$0x1] =	stream.linear.gather [hbm4b:s0+s1], $0x80, $0x200038;
	[tilespmem:$0x8100] =	vst v63  }
0x14: {  	s26 =	simm.s32 $0x0;
	s24 =	simm.s32 $0x10;
	p1 =	sne.s32 s21, $0x0  }
0x15: {  	p4 =	por $0x0, $0x0;
	p6 =	por $0x0, $0x0;
	p0 =	por !p5, !p1  }
0x16: {  	s29 =	simm.s32 $0x0;
	s23 =	simm.s32 $0x0;
	p3 =	por !p0, !p0  }
0x17: {  	s28 =	sadd.s32 $0x1, s21;
	_ =	strace $0x90000048;
	s0 =	sadd.s32 @p3 s5, s21  }
0x18: {  	p5 =	seq.s32 s28, $0x12;
	s2 =	sand.u32 @p3 $0x1, s12;
	s0 =	sshll.u32 @p3 s0, $0x4  }
0x19: {  	s6 =	simm.s32 @p3 $0x0;
	_ =	strace @p3 $0x80000049;
	s0 =	sand.u32 @p3 $0x1FFFFFF0, s0  }
0x1a: {  	s7 =	sshll.u32 @p3 s2, $0x7;
	s2 =	sadd.s32 @p3 $0x1, s2;
	s0 =	sadd.s32 @p3 s4, s0  }
0x1b: {  	[tilespmem:s7], [sflag:s2] =	stream.linear.gather @p3 [hbm4b:s0+s6], $0x80, $0x200038;
	[tilespmem:$0x8100] =	vst v63  }
0x1c: {  	p0 =	por $0x1, $0x1;
	s0 =	sand.u32 $0x1, s1;
	_ =	strace @p3 $0x90000049  }
0x1d: {  	s28 =	simm.s32 @p5 $0x0;
	s25 =	sadd.s32 $0x1, s0;
	_ =	strace $0x8000004A  }
0x1e: {  	p5 =	por p6, p1;
	p6 =	por $0x1, $0x1;
	_ =	swait.ge [sflag:s25], $0x80  }
0x1f: {  	p2 =	por p0, p0;
	p1 =	sne.s32 s21, s28;
	[sflag:s25] =	ssyncset.done $0x0  }
0x20: {  	s2 =	sand.u32 @!p0 $0x1, s1;
	s7 =	sadd.s32 $0x0, s5;
	[sflag:s25] =	ssyncadd.s32 $0xFFFFFF80  }
0x21: {  	p0 =	por $0x0, $0x0;
	s6 =	sand.u32 $0x80, s26;
	_ =	strace $0x9000004A  }
0x22: {  	s9 =	sshll.u32 s0, $0xE;
	s30 =	sadd.s32 @!p2 $0x3, s2;
	_ =	strace $0x8000004B  }
0x23: {  	s2 =	sor.u32 $0x100, s9;
	s25 =	simm.s32 $0x1;
	s8 =	rddreg [dreg:$0x2]  }
0x24: {  	[tilespmem:s2], [sflag:$0x5] =	stream.indirect.gather [hbm4b:s8+s13], $0x80, s6, s13, $0x2000b8;
	[tilespmem:$0x8100] =	vst v63  }
0x25: {  	s26 =	simm.s32 $0x0;
	s25 =	simm.s32 @!p4 $0x0;
	_ =	swait.ge [sflag:s14], $0x4000  }
0x26: {  	s8 =	simm.s32 $0x1;
	s6 =	sshll.u32 @p5 s7, $0xB;
	[sflag:s14] =	ssyncset.done $0x0  }
0x27: {  	s7 =	simm.s32 $0x1;
	s8 =	simm.s32 @!p3 $0x0;
	[sflag:s14] =	ssyncadd.s32 $0xFFFFC000  }
0x28: {  	p3 =	por !p6, !p1;
	s7 =	simm.s32 @!p5 $0x0;
	_ =	strace $0x9000004B  }
0x29: {  	p3 =	por !p3, !p3;
	s31 =	sadd.s32 $0x1, s8;
	_ =	strace @p5 $0x8000004C  }
0x2a: {  	s8 =	sand.u32 @p3 $0x1, s31;
	s10 =	sadd.s32 @p3 s5, s28;
	s9 =	rddreg [dreg:$0x3]  }
.LBB2_2:
0x2b: {  	s10 =	sshll.u32 @p3 s10, $0x4;
	s16 =	sand.u32 @p5 $0x1FFFF800, s6;
	s26 =	sadd.s32 s7, s26  }
0x2c: {  	s6 =	smov.u32 s22;
	s22 =	smov.u32 s24;
	s0 =	sadd.s32 @p5 $0x3, s0  }
0x2d: {  	s11 =	simm.s32 @p5 $0x0;
	s29 =	sadd.s32 s7, s29;
	s9 =	sadd.s32 @p5 s9, s16  }
0x2e: {  	[hbm4b:s9+s11] =	stream.linear.scatter @p5 [tilespmem:s2], [sflag:s0], $0x4000, $0x200038;
	[tilespmem:$0x8100] =	vst v63  }
0x2f: {  	s24 =	sadd.s32 $0xFFFFFFFF, s24;
	s23 =	sadd.s32 s25, s23;
	_ =	strace @p5 $0x9000004C  }
0x30: {  	s10 =	sand.u32 @p3 $0x1FFFFFF0, s10;
	s16 =	sand.u32 $0x1, s29;
	_ =	strace @!p2 $0x8000004D  }
0x31: {  	s7 =	sshll.u32 s29, $0x7;
	p4 =	sne.s32 s24, $0x0;
	_ =	swait.ge @!p2 [sflag:s30], $0x4000  }
0x32: {  	s10 =	sadd.s32 @p3 s4, s10;
	s2 =	sand.u32 @!p0 $0x1, s23;
	[sflag:s30] =	ssyncset.done @!p2 $0x0  }
0x33: {  	s9 =	simm.s32 @p3 $0x0;
	s11 =	sshll.u32 @p3 s8, $0x7;
	[sflag:s30] =	ssyncadd.s32 @!p2 $0xFFFFC000  }
0x34: {  	s8 =	sadd.s32 @p3 $0x1, s8;
	s0 =	sadd.s32 $0x1, s16;
	_ =	strace @!p2 $0x9000004D  }
0x35: {  	s7 =	sand.u32 $0x80, s7;
	p5 =	sne.s32 s6, $0x12;
	_ =	strace @p3 $0x80000049  }
0x36: {  	[tilespmem:s11], [sflag:s8] =	stream.linear.gather @p3 [hbm4b:s10+s9], $0x80, $0x200038;
	[tilespmem:$0x8100] =	vst v63  }
0x37: {  	p2 =	por p0, p0;
	p0 =	seq.s32 s22, $0x12;
	_ =	strace @p3 $0x90000049  }
0x38: {  	s30 =	sadd.s32 @!p2 $0x3, s2;
	s8 =	sadd.s32 s5, s21;
	_ =	strace $0x8000004A  }
0x39: {  	s21 =	smov.u32 s28;
	s28 =	sadd.s32 $0x1, s28;
	_ =	swait.ge [sflag:s0], $0x80  }
0x3a: {  	s9 =	simm.s32 $0x1;
	p6 =	seq.s32 s28, $0x12;
	[sflag:s0] =	ssyncset.done $0x0  }
0x3b: {  	s9 =	simm.s32 @!p3 $0x0;
	s28 =	simm.s32 @p6 $0x0;
	[sflag:s0] =	ssyncadd.s32 $0xFFFFFF80  }
0x3c: {  	p6 =	sne.s32 s22, $0x1;
	s0 =	sand.u32 $0x1, s26;
	_ =	strace $0x9000004A  }
0x3d: {  	s31 =	sadd.s32 s9, s31;
	s25 =	sshll.u32 s0, $0xE;
	_ =	strace $0x8000004B  }
0x3e: {  	s2 =	sor.u32 $0x100, s25;
	s25 =	simm.s32 $0x1;
	s16 =	rddreg [dreg:$0x2]  }
0x3f: {  	[tilespmem:s2], [sflag:$0x5] =	stream.indirect.gather [hbm4b:s16+s13], $0x80, s7, s13, $0x2000b8;
	[tilespmem:$0x8100] =	vst v63  }
0x40: {  	s25 =	simm.s32 @!p5 $0x0;
	p5 =	seq.s32 s6, $0x1;
	_ =	swait.ge [sflag:s14], $0x4000  }
.Ltmp0:
0x41: {  	p5 =	por p5, p1;
	[sflag:s14] =	ssyncset.done $0x0;
	(pc) =	sbr.rel @p4 .LBB2_2-.Ltmp0, $4  }
0x42: {  	p1 =	sne.s32 s21, s28;
	s7 =	simm.s32 $0x1;
	[sflag:s14] =	ssyncadd.s32 $0xFFFFC000  }
0x43: {  	s6 =	sshll.u32 @p5 s8, $0xB;
	p3 =	por !p6, !p1;
	_ =	strace $0x9000004B  }
0x44: {  	s7 =	simm.s32 @!p5 $0x0;
	p3 =	por !p3, !p3;
	_ =	strace @p5 $0x8000004C  }
0x45: {  	s8 =	sand.u32 @p3 $0x1, s31;
	s10 =	sadd.s32 @p3 s5, s28;
	s9 =	rddreg [dreg:$0x3]  }
0x46: {  	s6 =	sand.u32 @p5 $0x1FFFF800, s6  }
0x47: {  	s0 =	sadd.s32 @p5 $0x3, s0;
	s6 =	sadd.s32 @p5 s9, s6;
	s9 =	simm.s32 @p5 $0x0  }
0x48: {  	[hbm4b:s6+s9] =	stream.linear.scatter @p5 [tilespmem:s2], [sflag:s0], $0x4000, $0x200038;
	[tilespmem:$0x8100] =	vst v63  }
0x49: {  	_ =	strace @p5 $0x9000004C  }
0x4a: {  	_ =	strace @!p2 $0x8000004D  }
0x4b: {  	_ =	swait.ge @!p2 [sflag:s30], $0x4000  }
0x4c: {  	s0 =	sshll.u32 @p3 s10, $0x4;
	[sflag:s30] =	ssyncset.done @!p2 $0x0  }
0x4d: {  	s2 =	simm.s32 @p3 $0x0;
	s6 =	sshll.u32 @p3 s8, $0x7;
	[sflag:s30] =	ssyncadd.s32 @!p2 $0xFFFFC000  }
0x4e: {  	s8 =	sadd.s32 @p3 $0x1, s8;
	s0 =	sand.u32 @p3 $0x1FFFFFF0, s0;
	_ =	strace @!p2 $0x9000004D  }
0x4f: {  	s9 =	sadd.s32 s7, s29;
	s0 =	sadd.s32 @p3 s4, s0;
	_ =	strace @p3 $0x80000049  }
0x50: {  	[tilespmem:s6], [sflag:s8] =	stream.linear.gather @p3 [hbm4b:s0+s2], $0x80, $0x200038;
	[tilespmem:$0x8100] =	vst v63  }
0x51: {  	s10 =	sand.u32 $0x1, s9;
	_ =	strace @p3 $0x90000049  }
0x52: {  	s2 =	sadd.s32 $0x1, s10;
	_ =	strace $0x8000004A  }
0x53: {  	_ =	swait.ge [sflag:s2], $0x80  }
0x54: {  	[sflag:s2] =	ssyncset.done $0x0  }
0x55: {  	s11 =	sadd.s32 s7, s26;
	[sflag:s2] =	ssyncadd.s32 $0xFFFFFF80  }
0x56: {  	s2 =	sand.u32 $0x1, s11;
	_ =	strace $0x9000004A  }
0x57: {  	s0 =	sshll.u32 s9, $0x7;
	s24 =	sshll.u32 s2, $0xE;
	_ =	strace $0x8000004B  }
0x58: {  	s0 =	sand.u32 $0x80, s0;
	s7 =	sor.u32 $0x100, s24;
	s16 =	rddreg [dreg:$0x2]  }
0x59: {  	[tilespmem:s7], [sflag:$0x5] =	stream.indirect.gather [hbm4b:s16+s13], $0x80, s0, s13, $0x2000b8;
	[tilespmem:$0x8100] =	vst v63  }
0x5a: {  	_ =	swait.ge [sflag:s14], $0x4000  }
0x5b: {  	[sflag:s14] =	ssyncset.done $0x0  }
0x5c: {  	p6 =	seq.s32 s22, $0x1;
	[sflag:s14] =	ssyncadd.s32 $0xFFFFC000  }
0x5d: {  	p1 =	por p6, p1;
	s0 =	sadd.s32 s5, s21;
	_ =	strace $0x9000004B  }
0x5e: {  	s0 =	sshll.u32 @p1 s0, $0xB;
	_ =	strace @p1 $0x8000004C  }
0x5f: {  	s0 =	sand.u32 @p1 $0x1FFFF800, s0;
	s6 =	rddreg [dreg:$0x3]  }
0x60: {  	s2 =	sadd.s32 @p1 $0x3, s2;
	s0 =	sadd.s32 @p1 s6, s0;
	s6 =	simm.s32 @p1 $0x0  }
0x61: {  	[hbm4b:s0+s6] =	stream.linear.scatter @p1 [tilespmem:s7], [sflag:s2], $0x4000, $0x200038;
	[tilespmem:$0x8100] =	vst v63  }
0x62: {  	s0 =	sadd.s32 s25, s23  }
0x63: {  	s0 =	sand.u32 @!p0 $0x1, s0;
	p0 =	por p0, p0;
	_ =	strace @p1 $0x9000004C  }
0x64: {  	s0 =	sadd.s32 @!p0 $0x3, s0;
	_ =	strace @!p0 $0x8000004D  }
0x65: {  	_ =	swait.ge @!p0 [sflag:s0], $0x4000  }
0x66: {  	[sflag:s0] =	ssyncset.done @!p0 $0x0  }
0x67: {  	[sflag:s0] =	ssyncadd.s32 @!p0 $0xFFFFC000  }
0x68: {  	_ =	strace @!p0 $0x9000004D  }
0x69: {  	_ =	strace $0x8000004E  }
0x6a: {  	_ =	swait.ge [sflag:s15], $0x4000  }
0x6b: {  	[sflag:s15] =	ssyncset.done $0x0  }
0x6c: {  	[sflag:s15] =	ssyncadd.s32 $0xFFFFC000  }
0x6d: {  	_ =	strace $0x9000004E  }
0x6e: {  	_ =	strace $0x8000004F  }
0x6f: {  	s25 =	rddreg [dreg:$0x5]  }
0x70: {  	[tilespmem:s1], [sflag:$0x1] =	stream.linear.gather [hbm4b:s25+s1], $0x80, $0x200038;
	[tilespmem:$0x8100] =	vst v63  }
0x71: {  	_ =	strace $0x9000004F  }
0x72: {  	_ =	strace $0x80000050  }
0x73: {  	s26 =	rddreg [dreg:$0x7]  }
0x74: {  	[tilespmem:s13], [sflag:$0x2] =	stream.linear.gather [hbm4b:s26+s1], $0x80, $0x200038;
	[tilespmem:$0x8100] =	vst v63  }
0x75: {  	_ =	strace $0x90000050  }
0x76: {  	_ =	strace $0x80000051  }
0x77: {  	_ =	swait.ge [sflag:s12], $0x80  }
0x78: {  	[sflag:s12] =	ssyncset.done $0x0  }
0x79: {  	[sflag:s12] =	ssyncadd.s32 $0xFFFFFF80  }
0x7a: {  	_ =	strace $0x90000051  }
0x7b: {  	s28 =	simm.s32 $0x100;
	_ =	strace $0x80000052  }
0x7c: {  	[tilespmem:s28], [sflag:$0x5] =	stream.indirect.gather [hbm4b:s3+s13], $0x10, s1, s13, $0x2000b8;
	[tilespmem:$0x8100] =	vst v63  }
0x7d: {  	_ =	swait.ge [sflag:s14], $0x800  }
0x7e: {  	[sflag:s14] =	ssyncset.done $0x0  }
0x7f: {  	[sflag:s14] =	ssyncadd.s32 $0xFFFFF800  }
0x80: {  	_ =	strace $0x90000052  }
0x81: {  	_ =	strace $0x80000053  }
0x82: {  	s29 =	rddreg [dreg:$0x8]  }
0x83: {  	[hbm4b:s29+s1] =	stream.linear.scatter [tilespmem:s28], [sflag:$0x3], $0x800, $0x200038;
	[tilespmem:$0x8100] =	vst v63  }
0x84: {  	_ =	strace $0x90000053  }
0x85: {  	_ =	strace $0x80000051  }
0x86: {  	_ =	swait.ge [sflag:s17], $0x80  }
0x87: {  	[sflag:s17] =	ssyncset.done $0x0  }
0x88: {  	[sflag:s17] =	ssyncadd.s32 $0xFFFFFF80  }
0x89: {  	_ =	strace $0x90000051  }
0x8a: {  	_ =	strace $0x80000052  }
0x8b: {  	[tilespmem:s18], [sflag:$0x5] =	stream.indirect.gather [hbm4b:s3+s13], $0x10, s13, s13, $0x2000b8;
	[tilespmem:$0x8100] =	vst v63  }
0x8c: {  	_ =	swait.ge [sflag:s14], $0x800  }
0x8d: {  	[sflag:s14] =	ssyncset.done $0x0  }
0x8e: {  	[sflag:s14] =	ssyncadd.s32 $0xFFFFF800  }
0x8f: {  	_ =	strace $0x90000052  }
0x90: {  	_ =	strace $0x80000053  }
0x91: {  	s30 =	rddreg [dreg:$0x9]  }
0x92: {  	[hbm4b:s30+s1] =	stream.linear.scatter [tilespmem:s18], [sflag:$0x4], $0x800, $0x200038;
	[tilespmem:$0x8100] =	vst v63  }
0x93: {  	_ =	strace $0x90000053  }
0x94: {  	_ =	strace $0x80000054  }
0x95: {  	_ =	swait.ge [sflag:s19], $0x800  }
0x96: {  	[sflag:s19] =	ssyncset.done $0x0  }
0x97: {  	[sflag:s19] =	ssyncadd.s32 $0xFFFFF800  }
0x98: {  	_ =	strace $0x90000054  }
0x99: {  	_ =	strace $0x80000055  }
0x9a: {  	_ =	swait.ge [sflag:s15], $0x800  }
0x9b: {  	s20 =	sadd.s32 $0x1, s20;
	s31 =	rddreg [dreg:$0x6]  }
0x9c: {  	p0 =	sne.s32 s20, s31  }
.Ltmp1:
0x9d: {  	_ = 	snop;
	(pc) =	sbr.rel @p0 .LBB2_1-.Ltmp1, $4  }
0x9e: {  	_ = 	snop  }
0x9f: {  	[sflag:s15] =	ssyncset.done $0x0  }
0xa0: {  	[sflag:s15] =	ssyncadd.s32 $0xFFFFF800  }
0xa1: {  	_ =	strace $0x90000055  }
0xa2: {  	_ =	sfence.sel $0x180000  }
0xa3: {  	[bflag:$0x0] =	sbarrier.arrive $0xFFFF  }
0xa4: {  	_ =	strace $0x90000047  }
0xa5: {  	s0 =	stileid.u32;
	[bflag:$0x2] =	sbarrier.arrive $0xFFFF  }
0xa6: {  	p0 =	sne.s32 s0, $0x0;
	s0 =	rddreg [dreg:$0x1]  }
0xa7: {  	s0 =	sadd.s32 @!p0 $0x100000, s0  }
0xa8: {  	[sflag:s0] =	ssyncadd.tile.s32 @!p0 $0x1;
	_ =	shalt  }
.Lfunc_end2:
_tile_overlayer_lowered:
.L_overlay_start_2:
0xa9: {  	(tag) =	ssettag $0x2  }
0xaa: {  	s0 =	rddreg [dreg:$0x0];
	s2 =	stileid.u32  }
0xab: {  	s1 =	rddreg [dreg:$0x1];
	p0 =	sne.s32 s2, $0x0  }
0xac: {  	s3 =	rddreg [dreg:$0x2];
	[bflag:$0x3] =	sbarrier.arrive $0xFFFF;
	s2 =	simm.s32 @!p0 $0x1C01  }
0xad: {  	[timem:s3], [sflag:s2] =	dma.local @!p0 [hbm:s0], s1  }
0xae: {  	s0 =	simm.s32 @!p0 $0x1  }
0xaf: {  	_ =	swait.ge @!p0 [sflag:s0], s1  }
0xb0: {  	s1 =	ssub.s32 @!p0 $0x0, s1;
	[sflag:s0] =	ssyncset.done @!p0 $0x0  }
0xb1: {  	[sflag:s0] =	ssyncadd.s32 @!p0 s1  }
0xb2: {  	[bflag:$0x3] =	sbarrier.arrive $0xFFFF  }
0xb3: {  	_ =	shalt  }

</sc_bundles>
